<compile_context>
chip_gen: v7x
topology: tpu7x:2x2x1
jax: 0.10.2.dev20260603
libtpu: 0.0.44.dev20260713+nightly
codegen_flags: <defaults>
</compile_context>

<pallas_src>
import functools

import jax
import jax.numpy as jnp
from jax import lax
from jax.experimental import pallas as pl
from jax.experimental.pallas import tpu as pltpu
from jax.experimental.pallas import tpu_sc as plsc

_N = 10000
_NP = 10240
_E = 320000
_D = 128

_NC = 2
_NS = 16
_NW = _NC * _NS
_CH = 128
_NRE = _E // _CH
_NG8 = _NRE // 8
_TL = _NRE - 8 * _NG8
_H0 = 32
_RPB = 48
_NB = _NP // _NS

_mesh = plsc.VectorSubcoreMesh(core_axis_name="c", subcore_axis_name="s")


@functools.partial(
    pl.kernel,
    mesh=_mesh,
    out_type=jax.ShapeDtypeStruct((2 * _NC, _N), jnp.float32),
    scratch_types=[
        pltpu.VMEM((_RPB, _CH), jnp.int32),
        pltpu.VMEM((_RPB, _CH), jnp.int32),
        pltpu.VMEM((_CH,), jnp.float32),
        pltpu.VMEM_SHARED((_N,), jnp.float32),
        pltpu.VMEM_SHARED((_N,), jnp.float32),
    ]
    + [pltpu.SemaphoreType.DMA] * 8,
)
def _deg_kernel(eidx, zeros1d, out, sidx, didx, ones_v, dego_s, degi_s,
                *dsems):
    cid = lax.axis_index("c")
    sid = lax.axis_index("s")
    wid = sid * _NC + cid
    r_lo = 8 * ((wid * _NG8) // _NW)
    r_hi = 8 * (((wid + 1) * _NG8) // _NW)

    @pl.when(sid == 0)
    def _():
        pltpu.sync_copy(zeros1d, dego_s)
        pltpu.sync_copy(zeros1d, degi_s)

    for k in range(_CH // 16):
        ones_v[pl.ds(k * 16, 16)] = jnp.ones((16,), jnp.float32)
    plsc.subcore_barrier()

    def body(g, carry):
        j0 = 4 * g
        cps = []
        for k in range(4):
            cps.append(pltpu.async_copy(ones_v,
                                        dego_s.at[sidx.at[j0 + k]],
                                        dsems[2 * k], add=True))
            cps.append(pltpu.async_copy(ones_v,
                                        degi_s.at[didx.at[j0 + k]],
                                        dsems[2 * k + 1], add=True))
        for cp in cps:
            cp.wait()
        return carry

    for half in range(2):
        r0 = pl.multiple_of(jnp.where(half == 0, r_lo, r_lo + _H0), 8)
        hn = _H0 if half == 0 else r_hi - r_lo - _H0
        pltpu.sync_copy(eidx.at[0, pl.ds(r0, _RPB)], sidx)
        pltpu.sync_copy(eidx.at[1, pl.ds(r0, _RPB)], didx)
        lax.fori_loop(0, hn // 4, body, 0)

    @pl.when(wid == 0)
    def _():
        t0 = pl.multiple_of(jnp.int32(8 * _NG8), 8)
        pltpu.sync_copy(eidx.at[0, pl.ds(t0, _TL)], sidx.at[pl.ds(0, _TL)])
        pltpu.sync_copy(eidx.at[1, pl.ds(t0, _TL)], didx.at[pl.ds(0, _TL)])
        lax.fori_loop(0, _TL // 4, body, 0)

    plsc.subcore_barrier()

    @pl.when(sid == 0)
    def _():
        pltpu.sync_copy(dego_s, out.at[2 * cid])

    @pl.when(sid == 1)
    def _():
        pltpu.sync_copy(degi_s, out.at[2 * cid + 1])


_DB = 2


@functools.partial(
    pl.kernel,
    mesh=_mesh,
    out_type=jax.ShapeDtypeStruct((_NC, _NP, _D), jnp.float32),
    scratch_types=[
        pltpu.VMEM((_RPB, _CH), jnp.int32),
        pltpu.VMEM((_RPB, _CH), jnp.int32),
        pltpu.VMEM((_DB, _CH, _D), jnp.float32),
        pltpu.VMEM_SHARED((_NP, _D), jnp.float32),
    ]
    + [pltpu.SemaphoreType.DMA] * _DB,
)
def _agg_kernel(eidx, h, out, sidx, didx, rows, acc, *gs):
    cid = lax.axis_index("c")
    sid = lax.axis_index("s")
    wid = sid * _NC + cid
    r_lo = 8 * ((wid * _NG8) // _NW)
    r_hi = 8 * (((wid + 1) * _NG8) // _NW)

    zv = jnp.zeros((16,), jnp.float32)

    def zfill(g, carry):
        rows[0, g // 8, pl.ds((g % 8) * 16, 16)] = zv
        return carry

    lax.fori_loop(0, _CH * _D // 16, zfill, 0)
    for q in range(_NB // _CH):
        pltpu.sync_copy(rows.at[0], acc.at[pl.ds(sid * _NB + q * _CH, _CH)])
    plsc.subcore_barrier()

    for half in range(2):
        r0 = pl.multiple_of(jnp.where(half == 0, r_lo, r_lo + _H0), 8)
        hn = _H0 if half == 0 else r_hi - r_lo - _H0
        pltpu.sync_copy(eidx.at[0, pl.ds(r0, _RPB)], sidx)
        pltpu.sync_copy(eidx.at[1, pl.ds(r0, _RPB)], didx)

        for b in range(_DB):
            pltpu.async_copy(h.at[sidx.at[b]], rows.at[b], gs[b])

        def group(g, carry):
            j0 = g * _DB
            for b in range(_DB):
                pltpu.make_async_copy(h.at[sidx.at[j0 + b]], rows.at[b],
                                      gs[b]).wait()
                pltpu.sync_copy(rows.at[b], acc.at[didx.at[j0 + b]],
                                add=True)
                nxt = jnp.minimum(j0 + _DB + b, hn - 1)
                pltpu.async_copy(h.at[sidx.at[nxt]], rows.at[b], gs[b])
            return carry

        lax.fori_loop(0, hn // 2, group, 0)
        for b in range(_DB):
            pltpu.make_async_copy(h.at[sidx.at[hn - 1]], rows.at[b],
                                  gs[b]).wait()

    @pl.when(wid == 0)
    def _():
        t0 = pl.multiple_of(jnp.int32(8 * _NG8), 8)
        pltpu.sync_copy(eidx.at[0, pl.ds(t0, _TL)], sidx.at[pl.ds(0, _TL)])
        pltpu.sync_copy(eidx.at[1, pl.ds(t0, _TL)], didx.at[pl.ds(0, _TL)])

        def tail(j, carry):
            pltpu.async_copy(h.at[sidx.at[j]], rows.at[0], gs[0]).wait()
            pltpu.sync_copy(rows.at[0], acc.at[didx.at[j]], add=True)
            return carry

        lax.fori_loop(0, _TL, tail, 0)

    plsc.subcore_barrier()
    pltpu.sync_copy(acc.at[pl.ds(sid * _NB, _NB)],
                    out.at[cid, pl.ds(sid * _NB, _NB)])


_BN = 2000


def _mm_body(x_ref, w_ref, o_ref):
    o_ref[...] = jnp.dot(x_ref[...], w_ref[...],
                         preferred_element_type=jnp.float32)


def _scale_body(y_ref, dp_ref, o_ref):
    ns = lax.rsqrt(jnp.maximum(dp_ref[:, 0:1] + dp_ref[:, 2:3], 1.0))
    o_ref[...] = y_ref[...] * ns


def _layer_body(p_ref, dp_ref, b_ref, w_ref, o_ref):
    agg = p_ref[0] + p_ref[1]
    nd = lax.rsqrt(jnp.maximum(dp_ref[:, 1:2] + dp_ref[:, 3:4], 1.0))
    z = jnp.maximum(agg * nd + b_ref[...], 0.0)
    z = jnp.dot(z, w_ref[...], preferred_element_type=jnp.float32)
    ns = lax.rsqrt(jnp.maximum(dp_ref[:, 0:1] + dp_ref[:, 2:3], 1.0))
    o_ref[...] = z * ns


def _final_body(p_ref, dp_ref, b_ref, wo_ref, bo_ref, feat_ref, out_ref):
    agg = p_ref[0] + p_ref[1]
    nd = lax.rsqrt(jnp.maximum(dp_ref[:, 1:2] + dp_ref[:, 3:4], 1.0))
    z = jnp.maximum(agg * nd + b_ref[...], 0.0)
    nrm = jnp.sqrt(jnp.sum(z * z, axis=1, keepdims=True))
    feat = z / jnp.maximum(nrm, 1e-12)
    feat_ref[...] = feat
    out_ref[...] = jnp.dot(feat, wo_ref[...],
                           preferred_element_type=jnp.float32) + bo_ref[...]


def _tc_mm(x, W):
    return pl.pallas_call(
        _mm_body,
        grid=(_N // _BN,),
        in_specs=[
            pl.BlockSpec((_BN, _D), lambda i: (i, 0)),
            pl.BlockSpec((_D, _D), lambda i: (0, 0)),
        ],
        out_specs=pl.BlockSpec((_BN, _D), lambda i: (i, 0)),
        out_shape=jax.ShapeDtypeStruct((_N, _D), jnp.float32),
    )(x, W)


def _tc_scale(y, dparts):
    return pl.pallas_call(
        _scale_body,
        grid=(_N // _BN,),
        in_specs=[
            pl.BlockSpec((_BN, _D), lambda i: (i, 0)),
            pl.BlockSpec((_BN, 2 * _NC), lambda i: (i, 0)),
        ],
        out_specs=pl.BlockSpec((_BN, _D), lambda i: (i, 0)),
        out_shape=jax.ShapeDtypeStruct((_N, _D), jnp.float32),
    )(y, dparts)


def _tc_layer(parts, dparts, b2d, W):
    return pl.pallas_call(
        _layer_body,
        grid=(_N // _BN,),
        in_specs=[
            pl.BlockSpec((_NC, _BN, _D), lambda i: (0, i, 0)),
            pl.BlockSpec((_BN, 2 * _NC), lambda i: (i, 0)),
            pl.BlockSpec((1, _D), lambda i: (0, 0)),
            pl.BlockSpec((_D, _D), lambda i: (0, 0)),
        ],
        out_specs=pl.BlockSpec((_BN, _D), lambda i: (i, 0)),
        out_shape=jax.ShapeDtypeStruct((_N, _D), jnp.float32),
    )(parts, dparts, b2d, W)


def _tc_final(parts, dparts, b2d, Wout, bo2d):
    C = Wout.shape[1]
    return pl.pallas_call(
        _final_body,
        grid=(_N // _BN,),
        in_specs=[
            pl.BlockSpec((_NC, _BN, _D), lambda i: (0, i, 0)),
            pl.BlockSpec((_BN, 2 * _NC), lambda i: (i, 0)),
            pl.BlockSpec((1, _D), lambda i: (0, 0)),
            pl.BlockSpec((_D, C), lambda i: (0, 0)),
            pl.BlockSpec((1, C), lambda i: (0, 0)),
        ],
        out_specs=[
            pl.BlockSpec((_BN, _D), lambda i: (i, 0)),
            pl.BlockSpec((_BN, C), lambda i: (i, 0)),
        ],
        out_shape=[
            jax.ShapeDtypeStruct((_N, _D), jnp.float32),
            jax.ShapeDtypeStruct((_N, C), jnp.float32),
        ],
    )(parts, dparts, b2d, Wout, bo2d)


def kernel(x, edge_index, W1, b1, W2, b2, Wout, bout):
    eidx = edge_index.reshape(2, _NRE, _CH)
    zeros1d = jnp.zeros((_N,), jnp.float32)

    y1 = _tc_mm(x, W1)
    dparts = _deg_kernel(eidx, zeros1d).T
    h0 = _tc_scale(y1, dparts)
    p1 = _agg_kernel(eidx, h0)
    h1s = _tc_layer(p1, dparts, b1.reshape(1, _D), W2)
    p2 = _agg_kernel(eidx, h1s)
    feat, out = _tc_final(p2, dparts, b2.reshape(1, _D), Wout,
                          bout.reshape(1, -1))
    return (out, feat)

# --- scband reference (transcript-rebuilt; emitter-appended) ---
"""Pipeline reference for scband-unfeat-graph-conv-net-24154896073101 (READ-ONLY COPY).

The authoritative reference and input builder live on the scoring server;
editing this copy changes nothing except your own understanding.
"""

import jax, jax.numpy as jnp
import numpy as np

N = 10000
E = 320000
D = 128
C = 40


def setup_inputs(seed: int = 0) -> dict:
    key = jax.random.key(seed)
    ks = jax.random.split(key, 10)
    x = jax.random.normal(ks[0], (N, D), dtype=jnp.float32)
    edge_index = jax.random.randint(ks[1], (2, E), 0, N, dtype=jnp.int32)
    s = 1.0 / np.sqrt(D)
    W1 = jax.random.uniform(ks[2], (D, D), dtype=jnp.float32, minval=-s, maxval=s)
    b1 = jnp.zeros((D,), dtype=jnp.float32)
    W2 = jax.random.uniform(ks[3], (D, D), dtype=jnp.float32, minval=-s, maxval=s)
    b2 = jnp.zeros((D,), dtype=jnp.float32)
    Wout = jax.random.uniform(ks[4], (D, C), dtype=jnp.float32, minval=-s, maxval=s)
    bout = jnp.zeros((C,), dtype=jnp.float32)
    return {"x": x, "edge_index": edge_index, "W1": W1, "b1": b1, "W2": W2, "b2": b2, "Wout": Wout, "bout": bout}


def _gcn_layer(x, src, dst, W, b):
    # DGL GraphConv with norm='both':
    # scale src feats by out_deg^{-1/2}, sum-aggregate to dst, scale by in_deg^{-1/2}, then linear.
    deg_out = jnp.maximum(jnp.bincount(src, length=N).astype(jnp.float32), 1.0)
    deg_in = jnp.maximum(jnp.bincount(dst, length=N).astype(jnp.float32), 1.0)
    norm_src = jax.lax.rsqrt(deg_out)
    norm_dst = jax.lax.rsqrt(deg_in)
    h = x * norm_src[:, None]
    m = jnp.take(h, src, axis=0)
    agg = jax.ops.segment_sum(m, dst, num_segments=N)
    agg = agg * norm_dst[:, None]
    return agg @ W + b


def reference(x, edge_index, W1, b1, W2, b2, Wout, bout):
    src = edge_index[0]
    dst = edge_index[1]
    # layer 1: GraphConv + ReLU
    h = _gcn_layer(x, src, dst, W1, b1)
    h = jax.nn.relu(h)
    # layer 2: GraphConv + ReLU (last layer has dropout=False anyway; dropout off in eval)
    h = _gcn_layer(h, src, dst, W2, b2)
    h = jax.nn.relu(h)
    # F.normalize (L2 over dim=1, eps=1e-12)
    nrm = jnp.linalg.norm(h, axis=1, keepdims=True)
    feat = h / jnp.maximum(nrm, 1e-12)
    out = feat @ Wout + bout
    return (out, feat)

if __name__ == "__main__":
    import jax
    _d = setup_inputs()
    print(jax.jit(kernel)(*tuple(_d.values())))

</pallas_src>

<mosaic_0001>
#map = affine_map<(d0, d1) -> (0, 0, 0)>
#map1 = affine_map<(d0, d1) -> (0, 0)>
module attributes {stable_mosaic.version = 14 : i64} {
  func.func @_agg_kernel(%arg0: i32, %arg1: i32, %arg2: memref<2x2500x128xi32, #tpu.memory_space<hbm>>, %arg3: memref<10000x128xf32, #tpu.memory_space<hbm>>, %arg4: memref<2x10240x128xf32, #tpu.memory_space<hbm>>, %arg5: memref<48x128xi32, #tpu.memory_space<vmem>>, %arg6: memref<48x128xi32, #tpu.memory_space<vmem>>, %arg7: memref<2x128x128xf32, #tpu.memory_space<vmem>>, %arg8: memref<10240x128xf32, #tpu.memory_space<vmem_shared>>, %arg9: memref<!tpu.dma_semaphore, #tpu.memory_space<semaphore_mem>>, %arg10: memref<!tpu.dma_semaphore, #tpu.memory_space<semaphore_mem>>) attributes {dimension_semantics = [#tpu.dimension_semantics<core_parallel>, #tpu.dimension_semantics<subcore_parallel>], iteration_bounds = array<i64: 2, 16>, scalar_prefetch = 0 : i64, scratch_operands = 6 : i64, tpu.core_type = #tpu.core_type<sc_vector_subcore>, window_params = [{transform_indices = #map}, {transform_indices = #map1}, {transform_indices = #map}]} {
    %mul3A = arith.constant 2 : i32
    %mul3A_0 = arith.muli %arg1, %mul3A : i32
    %add3A = arith.addi %mul3A_0, %arg0 : i32
    %mul3A_1 = arith.constant 312 : i32
    %mul3A_2 = arith.muli %add3A, %mul3A_1 : i32
    %jit3A = arith.constant 32 : i32
    %div3A = arith.divsi %mul3A_2, %jit3A : i32
    %sign3A = arith.constant 0 : i32
    %sign3A_3 = arith.cmpi sgt, %mul3A_2, %sign3A : i32
    %sign3A_4 = arith.extui %sign3A_3 : i1 to i32
    %sign3A_5 = arith.constant 0 : i32
    %sign3A_6 = arith.cmpi slt, %mul3A_2, %sign3A_5 : i32
    %sign3A_7 = arith.extui %sign3A_6 : i1 to i32
    %sign3A_8 = arith.subi %sign3A_4, %sign3A_7 : i32
    %sign3A_9 = arith.constant 0 : i32
    %sign3A_10 = arith.cmpi sgt, %jit3A, %sign3A_9 : i32
    %sign3A_11 = arith.extui %sign3A_10 : i1 to i32
    %sign3A_12 = arith.constant 0 : i32
    %sign3A_13 = arith.cmpi slt, %jit3A, %sign3A_12 : i32
    %sign3A_14 = arith.extui %sign3A_13 : i1 to i32
    %sign3A_15 = arith.subi %sign3A_11, %sign3A_14 : i32
    %ne3A = arith.cmpi ne, %sign3A_8, %sign3A_15 : i32
    %rem3A = arith.remsi %mul3A_2, %jit3A : i32
    %ne3A_16 = arith.constant 0 : i32
    %ne3A_17 = arith.cmpi ne, %rem3A, %ne3A_16 : i32
    %and3A = arith.andi %ne3A, %ne3A_17 : i1
    %sub3A = arith.constant 1 : i32
    %sub3A_18 = arith.subi %div3A, %sub3A : i32
    %select_n3A = arith.select %and3A, %sub3A_18, %div3A : i32
    %mul3A_19 = arith.constant 8 : i32
    %mul3A_20 = arith.muli %mul3A_19, %select_n3A : i32
    %add3A_21 = arith.constant 1 : i32
    %add3A_22 = arith.addi %add3A, %add3A_21 : i32
    %mul3A_23 = arith.constant 312 : i32
    %mul3A_24 = arith.muli %add3A_22, %mul3A_23 : i32
    %jit3A_25 = arith.constant 32 : i32
    %div3A_26 = arith.divsi %mul3A_24, %jit3A_25 : i32
    %sign3A_27 = arith.constant 0 : i32
    %sign3A_28 = arith.cmpi sgt, %mul3A_24, %sign3A_27 : i32
    %sign3A_29 = arith.extui %sign3A_28 : i1 to i32
    %sign3A_30 = arith.constant 0 : i32
    %sign3A_31 = arith.cmpi slt, %mul3A_24, %sign3A_30 : i32
    %sign3A_32 = arith.extui %sign3A_31 : i1 to i32
    %sign3A_33 = arith.subi %sign3A_29, %sign3A_32 : i32
    %sign3A_34 = arith.constant 0 : i32
    %sign3A_35 = arith.cmpi sgt, %jit3A_25, %sign3A_34 : i32
    %sign3A_36 = arith.extui %sign3A_35 : i1 to i32
    %sign3A_37 = arith.constant 0 : i32
    %sign3A_38 = arith.cmpi slt, %jit3A_25, %sign3A_37 : i32
    %sign3A_39 = arith.extui %sign3A_38 : i1 to i32
    %sign3A_40 = arith.subi %sign3A_36, %sign3A_39 : i32
    %ne3A_41 = arith.cmpi ne, %sign3A_33, %sign3A_40 : i32
    %rem3A_42 = arith.remsi %mul3A_24, %jit3A_25 : i32
    %ne3A_43 = arith.constant 0 : i32
    %ne3A_44 = arith.cmpi ne, %rem3A_42, %ne3A_43 : i32
    %and3A_45 = arith.andi %ne3A_41, %ne3A_44 : i1
    %sub3A_46 = arith.constant 1 : i32
    %sub3A_47 = arith.subi %div3A_26, %sub3A_46 : i32
    %select_n3A_48 = arith.select %and3A_45, %sub3A_47, %div3A_26 : i32
    %mul3A_49 = arith.constant 8 : i32
    %mul3A_50 = arith.muli %mul3A_49, %select_n3A_48 : i32
    %broadcast_in_dim3A = arith.constant 0.000000e+00 : f32
    %broadcast_in_dim3A_51 = vector.broadcast %broadcast_in_dim3A : f32 to vector<16xf32>
    %scan3A = arith.constant 0 : i32
    %scan3A_52 = arith.constant 0 : i32
    %scan3A_53 = arith.constant 1024 : i32
    %scan3A_54 = arith.addi %scan3A_52, %scan3A_53 : i32
    %scan3A_55 = arith.constant 1 : i32
    scf.for %scan3A_239 = %scan3A_52 to %scan3A_54 step %scan3A_55  : i32 {
      %jit3A_240 = arith.constant 8 : i32
      %div3A_241 = arith.divsi %scan3A_239, %jit3A_240 : i32
      %sign3A_242 = arith.constant 0 : i32
      %sign3A_243 = arith.cmpi sgt, %scan3A_239, %sign3A_242 : i32
      %sign3A_244 = arith.extui %sign3A_243 : i1 to i32
      %sign3A_245 = arith.constant 0 : i32
      %sign3A_246 = arith.cmpi slt, %scan3A_239, %sign3A_245 : i32
      %sign3A_247 = arith.extui %sign3A_246 : i1 to i32
      %sign3A_248 = arith.subi %sign3A_244, %sign3A_247 : i32
      %sign3A_249 = arith.constant 0 : i32
      %sign3A_250 = arith.cmpi sgt, %jit3A_240, %sign3A_249 : i32
      %sign3A_251 = arith.extui %sign3A_250 : i1 to i32
      %sign3A_252 = arith.constant 0 : i32
      %sign3A_253 = arith.cmpi slt, %jit3A_240, %sign3A_252 : i32
      %sign3A_254 = arith.extui %sign3A_253 : i1 to i32
      %sign3A_255 = arith.subi %sign3A_251, %sign3A_254 : i32
      %ne3A_256 = arith.cmpi ne, %sign3A_248, %sign3A_255 : i32
      %rem3A_257 = arith.remsi %scan3A_239, %jit3A_240 : i32
      %ne3A_258 = arith.constant 0 : i32
      %ne3A_259 = arith.cmpi ne, %rem3A_257, %ne3A_258 : i32
      %and3A_260 = arith.andi %ne3A_256, %ne3A_259 : i1
      %sub3A_261 = arith.constant 1 : i32
      %sub3A_262 = arith.subi %div3A_241, %sub3A_261 : i32
      %select_n3A_263 = arith.select %and3A_260, %sub3A_262, %div3A_241 : i32
      %jit3A_264 = arith.constant 8 : i32
      %eq3A_265 = arith.constant 0 : i32
      %eq3A_266 = arith.cmpi eq, %jit3A_264, %eq3A_265 : i32
      %jit3A_267 = arith.constant 1 : i32
      %select_n3A_268 = arith.select %eq3A_266, %jit3A_267, %jit3A_264 : i32
      %rem3A_269 = arith.remsi %scan3A_239, %select_n3A_268 : i32
      %ne3A_270 = arith.constant 0 : i32
      %ne3A_271 = arith.cmpi ne, %rem3A_269, %ne3A_270 : i32
      %lt3A = arith.constant 0 : i32
      %lt3A_272 = arith.cmpi slt, %rem3A_269, %lt3A : i32
      %lt3A_273 = arith.constant 0 : i32
      %lt3A_274 = arith.cmpi slt, %select_n3A_268, %lt3A_273 : i32
      %ne3A_275 = arith.xori %lt3A_272, %lt3A_274 : i1
      %and3A_276 = arith.andi %ne3A_275, %ne3A_271 : i1
      %add3A_277 = arith.addi %rem3A_269, %select_n3A_268 : i32
      %select_n3A_278 = arith.select %and3A_276, %add3A_277, %rem3A_269 : i32
      %mul3A_279 = arith.constant 16 : i32
      %mul3A_280 = arith.muli %select_n3A_278, %mul3A_279 : i32
      %swap3A = arith.constant 0 : i32
      %swap3A_281 = arith.index_cast %swap3A : i32 to index
      %swap3A_282 = arith.index_cast %select_n3A_263 : i32 to index
      %swap3A_283 = arith.index_cast %mul3A_280 : i32 to index
      %swap3A_284 = tpu.vector_load %arg7[%swap3A_281, %swap3A_282, %swap3A_283] {strides = array<i32>} : memref<2x128x128xf32, #tpu.memory_space<vmem>>, vector<1x1x16xf32>,
      %swap3A_285 = vector.shape_cast %swap3A_284 : vector<1x1x16xf32> to vector<16xf32>
      %swap3A_286 = vector.shape_cast %broadcast_in_dim3A_51 : vector<16xf32> to vector<1x1x16xf32>
      tpu.vector_store %arg7[%swap3A_281, %swap3A_282, %swap3A_283], %swap3A_286 {strides = array<i32>} : memref<2x128x128xf32, #tpu.memory_space<vmem>>, vector<1x1x16xf32>,
    }
    %scan3A_56 = arith.constant 1024 : i32
    %mul3A_57 = arith.constant 640 : i32
    %mul3A_58 = arith.muli %arg1, %mul3A_57 : i32
    %add3A_59 = arith.constant 0 : i32
    %add3A_60 = arith.addi %mul3A_58, %add3A_59 : i32
    %run_scoped3A = arith.constant 0 : i32
    "tpu.region"() ({
      %run_scoped3A_239 = tpu.sem_alloc : memref<!tpu.dma_semaphore, #tpu.memory_space<semaphore_mem>>
      %dma_start3A_240 = arith.constant 0 : i32
      %dma_start3A_241 = arith.constant 0 : i32
      %dma_start3A_242 = tpu.memref_slice %arg7[%run_scoped3A, %dma_start3A_240, %dma_start3A_241] : memref<2x128x128xf32, #tpu.memory_space<vmem>> -> memref<1x128x128xf32, #tpu.memory_space<vmem>>
      %dma_start3A_243 = tpu.memref_squeeze %dma_start3A_242 : memref<1x128x128xf32, #tpu.memory_space<vmem>> -> memref<128x128xf32, #tpu.memory_space<vmem>>
      %dma_start3A_244 = arith.constant 0 : i32
      %dma_start3A_245 = tpu.memref_slice %arg8[%add3A_60, %dma_start3A_244] : memref<10240x128xf32, #tpu.memory_space<vmem_shared>> -> memref<128x128xf32, #tpu.memory_space<vmem_shared>>
      %dma_start3A_246 = arith.constant 0 : i32
      %dma_start3A_247 = tpu.memref_slice %arg8[%add3A_60, %dma_start3A_246] : memref<10240x128xf32, #tpu.memory_space<vmem_shared>> -> memref<128x128xf32, #tpu.memory_space<vmem_shared>>
      %dma_start3A_248 = arith.constant 0 : i32
      %dma_start3A_249 = arith.constant 0 : i32
      %dma_start3A_250 = tpu.memref_slice %arg7[%run_scoped3A, %dma_start3A_248, %dma_start3A_249] : memref<2x128x128xf32, #tpu.memory_space<vmem>> -> memref<1x128x128xf32, #tpu.memory_space<vmem>>
      %dma_start3A_251 = tpu.memref_squeeze %dma_start3A_250 : memref<1x128x128xf32, #tpu.memory_space<vmem>> -> memref<128x128xf32, #tpu.memory_space<vmem>>
      tpu.enqueue_dma source(%dma_start3A_251 : memref<128x128xf32, #tpu.memory_space<vmem>>) target(%dma_start3A_247 : memref<128x128xf32, #tpu.memory_space<vmem_shared>>) target_semaphore(%run_scoped3A_239 : memref<!tpu.dma_semaphore, #tpu.memory_space<semaphore_mem>>)
      %dma_wait3A_252 = arith.constant 0 : i32
      %dma_wait3A_253 = arith.constant 0 : i32
      %dma_wait3A_254 = tpu.memref_slice %arg7[%run_scoped3A, %dma_wait3A_252, %dma_wait3A_253] : memref<2x128x128xf32, #tpu.memory_space<vmem>> -> memref<1x128x128xf32, #tpu.memory_space<vmem>>
      %dma_wait3A_255 = tpu.memref_squeeze %dma_wait3A_254 : memref<1x128x128xf32, #tpu.memory_space<vmem>> -> memref<128x128xf32, #tpu.memory_space<vmem>>
      %dma_wait3A_256 = arith.constant 0 : i32
      %dma_wait3A_257 = tpu.memref_slice %arg8[%add3A_60, %dma_wait3A_256] : memref<10240x128xf32, #tpu.memory_space<vmem_shared>> -> memref<128x128xf32, #tpu.memory_space<vmem_shared>>
      %dma_wait3A_258 = arith.constant 0 : i32
      %dma_wait3A_259 = tpu.memref_slice %arg8[%add3A_60, %dma_wait3A_258] : memref<10240x128xf32, #tpu.memory_space<vmem_shared>> -> memref<128x128xf32, #tpu.memory_space<vmem_shared>>
      %dma_wait3A_260 = arith.constant 0 : i32
      %dma_wait3A_261 = arith.constant 0 : i32
      %dma_wait3A_262 = tpu.memref_slice %arg7[%run_scoped3A, %dma_wait3A_260, %dma_wait3A_261] : memref<2x128x128xf32, #tpu.memory_space<vmem>> -> memref<1x128x128xf32, #tpu.memory_space<vmem>>
      %dma_wait3A_263 = tpu.memref_squeeze %dma_wait3A_262 : memref<1x128x128xf32, #tpu.memory_space<vmem>> -> memref<128x128xf32, #tpu.memory_space<vmem>>
      tpu.wait_dma2 semaphore(%run_scoped3A_239 : memref<!tpu.dma_semaphore, #tpu.memory_space<semaphore_mem>>) src(%dma_wait3A_263 : memref<128x128xf32, #tpu.memory_space<vmem>>) dst(%dma_wait3A_259 : memref<128x128xf32, #tpu.memory_space<vmem_shared>>)
      tpu.yield
    }) : () -> ()
    %mul3A_61 = arith.constant 640 : i32
    %mul3A_62 = arith.muli %arg1, %mul3A_61 : i32
    %add3A_63 = arith.constant 128 : i32
    %add3A_64 = arith.addi %mul3A_62, %add3A_63 : i32
    %run_scoped3A_65 = arith.constant 0 : i32
    "tpu.region"() ({
      %run_scoped3A_239 = tpu.sem_alloc : memref<!tpu.dma_semaphore, #tpu.memory_space<semaphore_mem>>
      %dma_start3A_240 = arith.constant 0 : i32
      %dma_start3A_241 = arith.constant 0 : i32
      %dma_start3A_242 = tpu.memref_slice %arg7[%run_scoped3A_65, %dma_start3A_240, %dma_start3A_241] : memref<2x128x128xf32, #tpu.memory_space<vmem>> -> memref<1x128x128xf32, #tpu.memory_space<vmem>>
      %dma_start3A_243 = tpu.memref_squeeze %dma_start3A_242 : memref<1x128x128xf32, #tpu.memory_space<vmem>> -> memref<128x128xf32, #tpu.memory_space<vmem>>
      %dma_start3A_244 = arith.constant 0 : i32
      %dma_start3A_245 = tpu.memref_slice %arg8[%add3A_64, %dma_start3A_244] : memref<10240x128xf32, #tpu.memory_space<vmem_shared>> -> memref<128x128xf32, #tpu.memory_space<vmem_shared>>
      %dma_start3A_246 = arith.constant 0 : i32
      %dma_start3A_247 = tpu.memref_slice %arg8[%add3A_64, %dma_start3A_246] : memref<10240x128xf32, #tpu.memory_space<vmem_shared>> -> memref<128x128xf32, #tpu.memory_space<vmem_shared>>
      %dma_start3A_248 = arith.constant 0 : i32
      %dma_start3A_249 = arith.constant 0 : i32
      %dma_start3A_250 = tpu.memref_slice %arg7[%run_scoped3A_65, %dma_start3A_248, %dma_start3A_249] : memref<2x128x128xf32, #tpu.memory_space<vmem>> -> memref<1x128x128xf32, #tpu.memory_space<vmem>>
      %dma_start3A_251 = tpu.memref_squeeze %dma_start3A_250 : memref<1x128x128xf32, #tpu.memory_space<vmem>> -> memref<128x128xf32, #tpu.memory_space<vmem>>
      tpu.enqueue_dma source(%dma_start3A_251 : memref<128x128xf32, #tpu.memory_space<vmem>>) target(%dma_start3A_247 : memref<128x128xf32, #tpu.memory_space<vmem_shared>>) target_semaphore(%run_scoped3A_239 : memref<!tpu.dma_semaphore, #tpu.memory_space<semaphore_mem>>)
      %dma_wait3A_252 = arith.constant 0 : i32
      %dma_wait3A_253 = arith.constant 0 : i32
      %dma_wait3A_254 = tpu.memref_slice %arg7[%run_scoped3A_65, %dma_wait3A_252, %dma_wait3A_253] : memref<2x128x128xf32, #tpu.memory_space<vmem>> -> memref<1x128x128xf32, #tpu.memory_space<vmem>>
      %dma_wait3A_255 = tpu.memref_squeeze %dma_wait3A_254 : memref<1x128x128xf32, #tpu.memory_space<vmem>> -> memref<128x128xf32, #tpu.memory_space<vmem>>
      %dma_wait3A_256 = arith.constant 0 : i32
      %dma_wait3A_257 = tpu.memref_slice %arg8[%add3A_64, %dma_wait3A_256] : memref<10240x128xf32, #tpu.memory_space<vmem_shared>> -> memref<128x128xf32, #tpu.memory_space<vmem_shared>>
      %dma_wait3A_258 = arith.constant 0 : i32
      %dma_wait3A_259 = tpu.memref_slice %arg8[%add3A_64, %dma_wait3A_258] : memref<10240x128xf32, #tpu.memory_space<vmem_shared>> -> memref<128x128xf32, #tpu.memory_space<vmem_shared>>
      %dma_wait3A_260 = arith.constant 0 : i32
      %dma_wait3A_261 = arith.constant 0 : i32
      %dma_wait3A_262 = tpu.memref_slice %arg7[%run_scoped3A_65, %dma_wait3A_260, %dma_wait3A_261] : memref<2x128x128xf32, #tpu.memory_space<vmem>> -> memref<1x128x128xf32, #tpu.memory_space<vmem>>
      %dma_wait3A_263 = tpu.memref_squeeze %dma_wait3A_262 : memref<1x128x128xf32, #tpu.memory_space<vmem>> -> memref<128x128xf32, #tpu.memory_space<vmem>>
      tpu.wait_dma2 semaphore(%run_scoped3A_239 : memref<!tpu.dma_semaphore, #tpu.memory_space<semaphore_mem>>) src(%dma_wait3A_263 : memref<128x128xf32, #tpu.memory_space<vmem>>) dst(%dma_wait3A_259 : memref<128x128xf32, #tpu.memory_space<vmem_shared>>)
      tpu.yield
    }) : () -> ()
    %mul3A_66 = arith.constant 640 : i32
    %mul3A_67 = arith.muli %arg1, %mul3A_66 : i32
    %add3A_68 = arith.constant 256 : i32
    %add3A_69 = arith.addi %mul3A_67, %add3A_68 : i32
    %run_scoped3A_70 = arith.constant 0 : i32
    "tpu.region"() ({
      %run_scoped3A_239 = tpu.sem_alloc : memref<!tpu.dma_semaphore, #tpu.memory_space<semaphore_mem>>
      %dma_start3A_240 = arith.constant 0 : i32
      %dma_start3A_241 = arith.constant 0 : i32
      %dma_start3A_242 = tpu.memref_slice %arg7[%run_scoped3A_70, %dma_start3A_240, %dma_start3A_241] : memref<2x128x128xf32, #tpu.memory_space<vmem>> -> memref<1x128x128xf32, #tpu.memory_space<vmem>>
      %dma_start3A_243 = tpu.memref_squeeze %dma_start3A_242 : memref<1x128x128xf32, #tpu.memory_space<vmem>> -> memref<128x128xf32, #tpu.memory_space<vmem>>
      %dma_start3A_244 = arith.constant 0 : i32
      %dma_start3A_245 = tpu.memref_slice %arg8[%add3A_69, %dma_start3A_244] : memref<10240x128xf32, #tpu.memory_space<vmem_shared>> -> memref<128x128xf32, #tpu.memory_space<vmem_shared>>
      %dma_start3A_246 = arith.constant 0 : i32
      %dma_start3A_247 = tpu.memref_slice %arg8[%add3A_69, %dma_start3A_246] : memref<10240x128xf32, #tpu.memory_space<vmem_shared>> -> memref<128x128xf32, #tpu.memory_space<vmem_shared>>
      %dma_start3A_248 = arith.constant 0 : i32
      %dma_start3A_249 = arith.constant 0 : i32
      %dma_start3A_250 = tpu.memref_slice %arg7[%run_scoped3A_70, %dma_start3A_248, %dma_start3A_249] : memref<2x128x128xf32, #tpu.memory_space<vmem>> -> memref<1x128x128xf32, #tpu.memory_space<vmem>>
      %dma_start3A_251 = tpu.memref_squeeze %dma_start3A_250 : memref<1x128x128xf32, #tpu.memory_space<vmem>> -> memref<128x128xf32, #tpu.memory_space<vmem>>
      tpu.enqueue_dma source(%dma_start3A_251 : memref<128x128xf32, #tpu.memory_space<vmem>>) target(%dma_start3A_247 : memref<128x128xf32, #tpu.memory_space<vmem_shared>>) target_semaphore(%run_scoped3A_239 : memref<!tpu.dma_semaphore, #tpu.memory_space<semaphore_mem>>)
      %dma_wait3A_252 = arith.constant 0 : i32
      %dma_wait3A_253 = arith.constant 0 : i32
      %dma_wait3A_254 = tpu.memref_slice %arg7[%run_scoped3A_70, %dma_wait3A_252, %dma_wait3A_253] : memref<2x128x128xf32, #tpu.memory_space<vmem>> -> memref<1x128x128xf32, #tpu.memory_space<vmem>>
      %dma_wait3A_255 = tpu.memref_squeeze %dma_wait3A_254 : memref<1x128x128xf32, #tpu.memory_space<vmem>> -> memref<128x128xf32, #tpu.memory_space<vmem>>
      %dma_wait3A_256 = arith.constant 0 : i32
      %dma_wait3A_257 = tpu.memref_slice %arg8[%add3A_69, %dma_wait3A_256] : memref<10240x128xf32, #tpu.memory_space<vmem_shared>> -> memref<128x128xf32, #tpu.memory_space<vmem_shared>>
      %dma_wait3A_258 = arith.constant 0 : i32
      %dma_wait3A_259 = tpu.memref_slice %arg8[%add3A_69, %dma_wait3A_258] : memref<10240x128xf32, #tpu.memory_space<vmem_shared>> -> memref<128x128xf32, #tpu.memory_space<vmem_shared>>
      %dma_wait3A_260 = arith.constant 0 : i32
      %dma_wait3A_261 = arith.constant 0 : i32
      %dma_wait3A_262 = tpu.memref_slice %arg7[%run_scoped3A_70, %dma_wait3A_260, %dma_wait3A_261] : memref<2x128x128xf32, #tpu.memory_space<vmem>> -> memref<1x128x128xf32, #tpu.memory_space<vmem>>
      %dma_wait3A_263 = tpu.memref_squeeze %dma_wait3A_262 : memref<1x128x128xf32, #tpu.memory_space<vmem>> -> memref<128x128xf32, #tpu.memory_space<vmem>>
      tpu.wait_dma2 semaphore(%run_scoped3A_239 : memref<!tpu.dma_semaphore, #tpu.memory_space<semaphore_mem>>) src(%dma_wait3A_263 : memref<128x128xf32, #tpu.memory_space<vmem>>) dst(%dma_wait3A_259 : memref<128x128xf32, #tpu.memory_space<vmem_shared>>)
      tpu.yield
    }) : () -> ()
    %mul3A_71 = arith.constant 640 : i32
    %mul3A_72 = arith.muli %arg1, %mul3A_71 : i32
    %add3A_73 = arith.constant 384 : i32
    %add3A_74 = arith.addi %mul3A_72, %add3A_73 : i32
    %run_scoped3A_75 = arith.constant 0 : i32
    "tpu.region"() ({
      %run_scoped3A_239 = tpu.sem_alloc : memref<!tpu.dma_semaphore, #tpu.memory_space<semaphore_mem>>
      %dma_start3A_240 = arith.constant 0 : i32
      %dma_start3A_241 = arith.constant 0 : i32
      %dma_start3A_242 = tpu.memref_slice %arg7[%run_scoped3A_75, %dma_start3A_240, %dma_start3A_241] : memref<2x128x128xf32, #tpu.memory_space<vmem>> -> memref<1x128x128xf32, #tpu.memory_space<vmem>>
      %dma_start3A_243 = tpu.memref_squeeze %dma_start3A_242 : memref<1x128x128xf32, #tpu.memory_space<vmem>> -> memref<128x128xf32, #tpu.memory_space<vmem>>
      %dma_start3A_244 = arith.constant 0 : i32
      %dma_start3A_245 = tpu.memref_slice %arg8[%add3A_74, %dma_start3A_244] : memref<10240x128xf32, #tpu.memory_space<vmem_shared>> -> memref<128x128xf32, #tpu.memory_space<vmem_shared>>
      %dma_start3A_246 = arith.constant 0 : i32
      %dma_start3A_247 = tpu.memref_slice %arg8[%add3A_74, %dma_start3A_246] : memref<10240x128xf32, #tpu.memory_space<vmem_shared>> -> memref<128x128xf32, #tpu.memory_space<vmem_shared>>
      %dma_start3A_248 = arith.constant 0 : i32
      %dma_start3A_249 = arith.constant 0 : i32
      %dma_start3A_250 = tpu.memref_slice %arg7[%run_scoped3A_75, %dma_start3A_248, %dma_start3A_249] : memref<2x128x128xf32, #tpu.memory_space<vmem>> -> memref<1x128x128xf32, #tpu.memory_space<vmem>>
      %dma_start3A_251 = tpu.memref_squeeze %dma_start3A_250 : memref<1x128x128xf32, #tpu.memory_space<vmem>> -> memref<128x128xf32, #tpu.memory_space<vmem>>
      tpu.enqueue_dma source(%dma_start3A_251 : memref<128x128xf32, #tpu.memory_space<vmem>>) target(%dma_start3A_247 : memref<128x128xf32, #tpu.memory_space<vmem_shared>>) target_semaphore(%run_scoped3A_239 : memref<!tpu.dma_semaphore, #tpu.memory_space<semaphore_mem>>)
      %dma_wait3A_252 = arith.constant 0 : i32
      %dma_wait3A_253 = arith.constant 0 : i32
      %dma_wait3A_254 = tpu.memref_slice %arg7[%run_scoped3A_75, %dma_wait3A_252, %dma_wait3A_253] : memref<2x128x128xf32, #tpu.memory_space<vmem>> -> memref<1x128x128xf32, #tpu.memory_space<vmem>>
      %dma_wait3A_255 = tpu.memref_squeeze %dma_wait3A_254 : memref<1x128x128xf32, #tpu.memory_space<vmem>> -> memref<128x128xf32, #tpu.memory_space<vmem>>
      %dma_wait3A_256 = arith.constant 0 : i32
      %dma_wait3A_257 = tpu.memref_slice %arg8[%add3A_74, %dma_wait3A_256] : memref<10240x128xf32, #tpu.memory_space<vmem_shared>> -> memref<128x128xf32, #tpu.memory_space<vmem_shared>>
      %dma_wait3A_258 = arith.constant 0 : i32
      %dma_wait3A_259 = tpu.memref_slice %arg8[%add3A_74, %dma_wait3A_258] : memref<10240x128xf32, #tpu.memory_space<vmem_shared>> -> memref<128x128xf32, #tpu.memory_space<vmem_shared>>
      %dma_wait3A_260 = arith.constant 0 : i32
      %dma_wait3A_261 = arith.constant 0 : i32
      %dma_wait3A_262 = tpu.memref_slice %arg7[%run_scoped3A_75, %dma_wait3A_260, %dma_wait3A_261] : memref<2x128x128xf32, #tpu.memory_space<vmem>> -> memref<1x128x128xf32, #tpu.memory_space<vmem>>
      %dma_wait3A_263 = tpu.memref_squeeze %dma_wait3A_262 : memref<1x128x128xf32, #tpu.memory_space<vmem>> -> memref<128x128xf32, #tpu.memory_space<vmem>>
      tpu.wait_dma2 semaphore(%run_scoped3A_239 : memref<!tpu.dma_semaphore, #tpu.memory_space<semaphore_mem>>) src(%dma_wait3A_263 : memref<128x128xf32, #tpu.memory_space<vmem>>) dst(%dma_wait3A_259 : memref<128x128xf32, #tpu.memory_space<vmem_shared>>)
      tpu.yield
    }) : () -> ()
    %mul3A_76 = arith.constant 640 : i32
    %mul3A_77 = arith.muli %arg1, %mul3A_76 : i32
    %add3A_78 = arith.constant 512 : i32
    %add3A_79 = arith.addi %mul3A_77, %add3A_78 : i32
    %run_scoped3A_80 = arith.constant 0 : i32
    "tpu.region"() ({
      %run_scoped3A_239 = tpu.sem_alloc : memref<!tpu.dma_semaphore, #tpu.memory_space<semaphore_mem>>
      %dma_start3A_240 = arith.constant 0 : i32
      %dma_start3A_241 = arith.constant 0 : i32
      %dma_start3A_242 = tpu.memref_slice %arg7[%run_scoped3A_80, %dma_start3A_240, %dma_start3A_241] : memref<2x128x128xf32, #tpu.memory_space<vmem>> -> memref<1x128x128xf32, #tpu.memory_space<vmem>>
      %dma_start3A_243 = tpu.memref_squeeze %dma_start3A_242 : memref<1x128x128xf32, #tpu.memory_space<vmem>> -> memref<128x128xf32, #tpu.memory_space<vmem>>
      %dma_start3A_244 = arith.constant 0 : i32
      %dma_start3A_245 = tpu.memref_slice %arg8[%add3A_79, %dma_start3A_244] : memref<10240x128xf32, #tpu.memory_space<vmem_shared>> -> memref<128x128xf32, #tpu.memory_space<vmem_shared>>
      %dma_start3A_246 = arith.constant 0 : i32
      %dma_start3A_247 = tpu.memref_slice %arg8[%add3A_79, %dma_start3A_246] : memref<10240x128xf32, #tpu.memory_space<vmem_shared>> -> memref<128x128xf32, #tpu.memory_space<vmem_shared>>
      %dma_start3A_248 = arith.constant 0 : i32
      %dma_start3A_249 = arith.constant 0 : i32
      %dma_start3A_250 = tpu.memref_slice %arg7[%run_scoped3A_80, %dma_start3A_248, %dma_start3A_249] : memref<2x128x128xf32, #tpu.memory_space<vmem>> -> memref<1x128x128xf32, #tpu.memory_space<vmem>>
      %dma_start3A_251 = tpu.memref_squeeze %dma_start3A_250 : memref<1x128x128xf32, #tpu.memory_space<vmem>> -> memref<128x128xf32, #tpu.memory_space<vmem>>
      tpu.enqueue_dma source(%dma_start3A_251 : memref<128x128xf32, #tpu.memory_space<vmem>>) target(%dma_start3A_247 : memref<128x128xf32, #tpu.memory_space<vmem_shared>>) target_semaphore(%run_scoped3A_239 : memref<!tpu.dma_semaphore, #tpu.memory_space<semaphore_mem>>)
      %dma_wait3A_252 = arith.constant 0 : i32
      %dma_wait3A_253 = arith.constant 0 : i32
      %dma_wait3A_254 = tpu.memref_slice %arg7[%run_scoped3A_80, %dma_wait3A_252, %dma_wait3A_253] : memref<2x128x128xf32, #tpu.memory_space<vmem>> -> memref<1x128x128xf32, #tpu.memory_space<vmem>>
      %dma_wait3A_255 = tpu.memref_squeeze %dma_wait3A_254 : memref<1x128x128xf32, #tpu.memory_space<vmem>> -> memref<128x128xf32, #tpu.memory_space<vmem>>
      %dma_wait3A_256 = arith.constant 0 : i32
      %dma_wait3A_257 = tpu.memref_slice %arg8[%add3A_79, %dma_wait3A_256] : memref<10240x128xf32, #tpu.memory_space<vmem_shared>> -> memref<128x128xf32, #tpu.memory_space<vmem_shared>>
      %dma_wait3A_258 = arith.constant 0 : i32
      %dma_wait3A_259 = tpu.memref_slice %arg8[%add3A_79, %dma_wait3A_258] : memref<10240x128xf32, #tpu.memory_space<vmem_shared>> -> memref<128x128xf32, #tpu.memory_space<vmem_shared>>
      %dma_wait3A_260 = arith.constant 0 : i32
      %dma_wait3A_261 = arith.constant 0 : i32
      %dma_wait3A_262 = tpu.memref_slice %arg7[%run_scoped3A_80, %dma_wait3A_260, %dma_wait3A_261] : memref<2x128x128xf32, #tpu.memory_space<vmem>> -> memref<1x128x128xf32, #tpu.memory_space<vmem>>
      %dma_wait3A_263 = tpu.memref_squeeze %dma_wait3A_262 : memref<1x128x128xf32, #tpu.memory_space<vmem>> -> memref<128x128xf32, #tpu.memory_space<vmem>>
      tpu.wait_dma2 semaphore(%run_scoped3A_239 : memref<!tpu.dma_semaphore, #tpu.memory_space<semaphore_mem>>) src(%dma_wait3A_263 : memref<128x128xf32, #tpu.memory_space<vmem>>) dst(%dma_wait3A_259 : memref<128x128xf32, #tpu.memory_space<vmem_shared>>)
      tpu.yield
    }) : () -> ()
    %barrier3A = arith.constant 0 : index
    tpu.barrier barrier_id(%barrier3A)
    %add3A_81 = arith.constant 32 : i32
    %add3A_82 = arith.addi %mul3A_20, %add3A_81 : i32
    %jit3A_83 = arith.constant true
    %select_n3A_84 = arith.select %jit3A_83, %mul3A_20, %add3A_82 : i32
    %multiple_of3A = tpu.assume_multiple %select_n3A_84, 8 : i32
    %run_scoped3A_85 = arith.constant 0 : i32
    "tpu.region"() ({
      %run_scoped3A_239 = tpu.sem_alloc : memref<!tpu.dma_semaphore, #tpu.memory_space<semaphore_mem>>
      %dma_start3A_240 = arith.constant 0 : i32
      %dma_start3A_241 = tpu.memref_slice %arg2[%run_scoped3A_85, %multiple_of3A, %dma_start3A_240] : memref<2x2500x128xi32, #tpu.memory_space<hbm>> -> memref<1x48x128xi32, #tpu.memory_space<hbm>>
      %dma_start3A_242 = tpu.memref_squeeze %dma_start3A_241 : memref<1x48x128xi32, #tpu.memory_space<hbm>> -> memref<48x128xi32, #tpu.memory_space<hbm>>
      %dma_start3A_243 = arith.constant 0 : i32
      %dma_start3A_244 = tpu.memref_slice %arg2[%run_scoped3A_85, %multiple_of3A, %dma_start3A_243] : memref<2x2500x128xi32, #tpu.memory_space<hbm>> -> memref<1x48x128xi32, #tpu.memory_space<hbm>>
      %dma_start3A_245 = tpu.memref_squeeze %dma_start3A_244 : memref<1x48x128xi32, #tpu.memory_space<hbm>> -> memref<48x128xi32, #tpu.memory_space<hbm>>
      tpu.enqueue_dma source(%dma_start3A_245 : memref<48x128xi32, #tpu.memory_space<hbm>>) target(%arg5 : memref<48x128xi32, #tpu.memory_space<vmem>>) target_semaphore(%run_scoped3A_239 : memref<!tpu.dma_semaphore, #tpu.memory_space<semaphore_mem>>)
      %dma_wait3A_246 = arith.constant 0 : i32
      %dma_wait3A_247 = tpu.memref_slice %arg2[%run_scoped3A_85, %multiple_of3A, %dma_wait3A_246] : memref<2x2500x128xi32, #tpu.memory_space<hbm>> -> memref<1x48x128xi32, #tpu.memory_space<hbm>>
      %dma_wait3A_248 = tpu.memref_squeeze %dma_wait3A_247 : memref<1x48x128xi32, #tpu.memory_space<hbm>> -> memref<48x128xi32, #tpu.memory_space<hbm>>
      %dma_wait3A_249 = arith.constant 0 : i32
      %dma_wait3A_250 = tpu.memref_slice %arg2[%run_scoped3A_85, %multiple_of3A, %dma_wait3A_249] : memref<2x2500x128xi32, #tpu.memory_space<hbm>> -> memref<1x48x128xi32, #tpu.memory_space<hbm>>
      %dma_wait3A_251 = tpu.memref_squeeze %dma_wait3A_250 : memref<1x48x128xi32, #tpu.memory_space<hbm>> -> memref<48x128xi32, #tpu.memory_space<hbm>>
      tpu.wait_dma2 semaphore(%run_scoped3A_239 : memref<!tpu.dma_semaphore, #tpu.memory_space<semaphore_mem>>) src(%dma_wait3A_251 : memref<48x128xi32, #tpu.memory_space<hbm>>) dst(%arg5 : memref<48x128xi32, #tpu.memory_space<vmem>>)
      tpu.yield
    }) : () -> ()
    %run_scoped3A_86 = arith.constant 1 : i32
    "tpu.region"() ({
      %run_scoped3A_239 = tpu.sem_alloc : memref<!tpu.dma_semaphore, #tpu.memory_space<semaphore_mem>>
      %dma_start3A_240 = arith.constant 0 : i32
      %dma_start3A_241 = tpu.memref_slice %arg2[%run_scoped3A_86, %multiple_of3A, %dma_start3A_240] : memref<2x2500x128xi32, #tpu.memory_space<hbm>> -> memref<1x48x128xi32, #tpu.memory_space<hbm>>
      %dma_start3A_242 = tpu.memref_squeeze %dma_start3A_241 : memref<1x48x128xi32, #tpu.memory_space<hbm>> -> memref<48x128xi32, #tpu.memory_space<hbm>>
      %dma_start3A_243 = arith.constant 0 : i32
      %dma_start3A_244 = tpu.memref_slice %arg2[%run_scoped3A_86, %multiple_of3A, %dma_start3A_243] : memref<2x2500x128xi32, #tpu.memory_space<hbm>> -> memref<1x48x128xi32, #tpu.memory_space<hbm>>
      %dma_start3A_245 = tpu.memref_squeeze %dma_start3A_244 : memref<1x48x128xi32, #tpu.memory_space<hbm>> -> memref<48x128xi32, #tpu.memory_space<hbm>>
      tpu.enqueue_dma source(%dma_start3A_245 : memref<48x128xi32, #tpu.memory_space<hbm>>) target(%arg6 : memref<48x128xi32, #tpu.memory_space<vmem>>) target_semaphore(%run_scoped3A_239 : memref<!tpu.dma_semaphore, #tpu.memory_space<semaphore_mem>>)
      %dma_wait3A_246 = arith.constant 0 : i32
      %dma_wait3A_247 = tpu.memref_slice %arg2[%run_scoped3A_86, %multiple_of3A, %dma_wait3A_246] : memref<2x2500x128xi32, #tpu.memory_space<hbm>> -> memref<1x48x128xi32, #tpu.memory_space<hbm>>
      %dma_wait3A_248 = tpu.memref_squeeze %dma_wait3A_247 : memref<1x48x128xi32, #tpu.memory_space<hbm>> -> memref<48x128xi32, #tpu.memory_space<hbm>>
      %dma_wait3A_249 = arith.constant 0 : i32
      %dma_wait3A_250 = tpu.memref_slice %arg2[%run_scoped3A_86, %multiple_of3A, %dma_wait3A_249] : memref<2x2500x128xi32, #tpu.memory_space<hbm>> -> memref<1x48x128xi32, #tpu.memory_space<hbm>>
      %dma_wait3A_251 = tpu.memref_squeeze %dma_wait3A_250 : memref<1x48x128xi32, #tpu.memory_space<hbm>> -> memref<48x128xi32, #tpu.memory_space<hbm>>
      tpu.wait_dma2 semaphore(%run_scoped3A_239 : memref<!tpu.dma_semaphore, #tpu.memory_space<semaphore_mem>>) src(%dma_wait3A_251 : memref<48x128xi32, #tpu.memory_space<hbm>>) dst(%arg6 : memref<48x128xi32, #tpu.memory_space<vmem>>)
      tpu.yield
    }) : () -> ()
    %dma_start3A = arith.constant 0 : i32
    %dma_start3A_87 = arith.constant 0 : i32
    %dma_start3A_88 = arith.constant 0 : i32
    %dma_start3A_89 = arith.constant 0 : i32
    %dma_start3A_90 = tpu.memref_slice %arg7[%dma_start3A_87, %dma_start3A_88, %dma_start3A_89] : memref<2x128x128xf32, #tpu.memory_space<vmem>> -> memref<1x128x128xf32, #tpu.memory_space<vmem>>
    %dma_start3A_91 = tpu.memref_squeeze %dma_start3A_90 : memref<1x128x128xf32, #tpu.memory_space<vmem>> -> memref<128x128xf32, #tpu.memory_space<vmem>>
    %dma_start3A_92 = arith.constant 0 : i32
    %dma_start3A_93 = tpu.memref_slice %arg5[%dma_start3A, %dma_start3A_92] : memref<48x128xi32, #tpu.memory_space<vmem>> -> memref<1x128xi32, #tpu.memory_space<vmem>>
    %dma_start3A_94 = tpu.memref_squeeze %dma_start3A_93 : memref<1x128xi32, #tpu.memory_space<vmem>> -> memref<128xi32, #tpu.memory_space<vmem>>
    %dma_start3A_95 = arith.constant 0 : i32
    %dma_start3A_96 = arith.constant 0 : i32
    %dma_start3A_97 = tpu.memref_slice %arg3[%dma_start3A_95, %dma_start3A_96] : memref<10000x128xf32, #tpu.memory_space<hbm>> -> memref<10000x128xf32, #tpu.memory_space<hbm>>
    tpu.enqueue_indirect_dma source(%dma_start3A_97 : memref<10000x128xf32, #tpu.memory_space<hbm>>) target(%dma_start3A_91 : memref<128x128xf32, #tpu.memory_space<vmem>>) offsets(%dma_start3A_94 : memref<128xi32, #tpu.memory_space<vmem>>) semaphore(%arg9 : memref<!tpu.dma_semaphore, #tpu.memory_space<semaphore_mem>>)
    %dma_start3A_98 = arith.constant 1 : i32
    %dma_start3A_99 = arith.constant 1 : i32
    %dma_start3A_100 = arith.constant 0 : i32
    %dma_start3A_101 = arith.constant 0 : i32
    %dma_start3A_102 = tpu.memref_slice %arg7[%dma_start3A_99, %dma_start3A_100, %dma_start3A_101] : memref<2x128x128xf32, #tpu.memory_space<vmem>> -> memref<1x128x128xf32, #tpu.memory_space<vmem>>
    %dma_start3A_103 = tpu.memref_squeeze %dma_start3A_102 : memref<1x128x128xf32, #tpu.memory_space<vmem>> -> memref<128x128xf32, #tpu.memory_space<vmem>>
    %dma_start3A_104 = arith.constant 0 : i32
    %dma_start3A_105 = tpu.memref_slice %arg5[%dma_start3A_98, %dma_start3A_104] : memref<48x128xi32, #tpu.memory_space<vmem>> -> memref<1x128xi32, #tpu.memory_space<vmem>>
    %dma_start3A_106 = tpu.memref_squeeze %dma_start3A_105 : memref<1x128xi32, #tpu.memory_space<vmem>> -> memref<128xi32, #tpu.memory_space<vmem>>
    %dma_start3A_107 = arith.constant 0 : i32
    %dma_start3A_108 = arith.constant 0 : i32
    %dma_start3A_109 = tpu.memref_slice %arg3[%dma_start3A_107, %dma_start3A_108] : memref<10000x128xf32, #tpu.memory_space<hbm>> -> memref<10000x128xf32, #tpu.memory_space<hbm>>
    tpu.enqueue_indirect_dma source(%dma_start3A_109 : memref<10000x128xf32, #tpu.memory_space<hbm>>) target(%dma_start3A_103 : memref<128x128xf32, #tpu.memory_space<vmem>>) offsets(%dma_start3A_106 : memref<128xi32, #tpu.memory_space<vmem>>) semaphore(%arg10 : memref<!tpu.dma_semaphore, #tpu.memory_space<semaphore_mem>>)
    %scan3A_110 = arith.constant 0 : i32
    %scan3A_111 = arith.constant 0 : i32
    %scan3A_112 = arith.constant 16 : i32
    %scan3A_113 = arith.addi %scan3A_111, %scan3A_112 : i32
    %scan3A_114 = arith.constant 1 : i32
    scf.for %scan3A_239 = %scan3A_111 to %scan3A_113 step %scan3A_114  : i32 {
      %mul3A_240 = arith.constant 2 : i32
      %mul3A_241 = arith.muli %scan3A_239, %mul3A_240 : i32
      %add3A_242 = arith.constant 0 : i32
      %add3A_243 = arith.addi %mul3A_241, %add3A_242 : i32
      %dma_wait3A_244 = arith.constant 0 : i32
      %dma_wait3A_245 = arith.constant 0 : i32
      %dma_wait3A_246 = arith.constant 0 : i32
      %dma_wait3A_247 = tpu.memref_slice %arg7[%dma_wait3A_244, %dma_wait3A_245, %dma_wait3A_246] : memref<2x128x128xf32, #tpu.memory_space<vmem>> -> memref<1x128x128xf32, #tpu.memory_space<vmem>>
      %dma_wait3A_248 = tpu.memref_squeeze %dma_wait3A_247 : memref<1x128x128xf32, #tpu.memory_space<vmem>> -> memref<128x128xf32, #tpu.memory_space<vmem>>
      %dma_wait3A_249 = arith.constant 0 : i32
      %dma_wait3A_250 = tpu.memref_slice %arg5[%add3A_243, %dma_wait3A_249] : memref<48x128xi32, #tpu.memory_space<vmem>> -> memref<1x128xi32, #tpu.memory_space<vmem>>
      %dma_wait3A_251 = tpu.memref_squeeze %dma_wait3A_250 : memref<1x128xi32, #tpu.memory_space<vmem>> -> memref<128xi32, #tpu.memory_space<vmem>>
      %dma_wait3A_252 = arith.constant 0 : i32
      %dma_wait3A_253 = arith.constant 0 : i32
      %dma_wait3A_254 = tpu.memref_slice %arg3[%dma_wait3A_252, %dma_wait3A_253] : memref<10000x128xf32, #tpu.memory_space<hbm>> -> memref<10000x128xf32, #tpu.memory_space<hbm>>
      tpu.wait_indirect_dma semaphore(%arg9 : memref<!tpu.dma_semaphore, #tpu.memory_space<semaphore_mem>>) src(%dma_wait3A_254 : memref<10000x128xf32, #tpu.memory_space<hbm>>) dst(%dma_wait3A_248 : memref<128x128xf32, #tpu.memory_space<vmem>>)
      %add3A_255 = arith.constant 0 : i32
      %add3A_256 = arith.addi %mul3A_241, %add3A_255 : i32
      %run_scoped3A_257 = arith.constant 0 : i32
      "tpu.region"() ({
        %run_scoped3A_307 = tpu.sem_alloc : memref<!tpu.dma_semaphore, #tpu.memory_space<semaphore_mem>>
        %dma_start3A_308 = arith.constant 0 : i32
        %dma_start3A_309 = arith.constant 0 : i32
        %dma_start3A_310 = tpu.memref_slice %arg7[%run_scoped3A_257, %dma_start3A_308, %dma_start3A_309] : memref<2x128x128xf32, #tpu.memory_space<vmem>> -> memref<1x128x128xf32, #tpu.memory_space<vmem>>
        %dma_start3A_311 = tpu.memref_squeeze %dma_start3A_310 : memref<1x128x128xf32, #tpu.memory_space<vmem>> -> memref<128x128xf32, #tpu.memory_space<vmem>>
        %dma_start3A_312 = arith.constant 0 : i32
        %dma_start3A_313 = tpu.memref_slice %arg6[%add3A_256, %dma_start3A_312] : memref<48x128xi32, #tpu.memory_space<vmem>> -> memref<1x128xi32, #tpu.memory_space<vmem>>
        %dma_start3A_314 = tpu.memref_squeeze %dma_start3A_313 : memref<1x128xi32, #tpu.memory_space<vmem>> -> memref<128xi32, #tpu.memory_space<vmem>>
        %dma_start3A_315 = arith.constant 0 : i32
        %dma_start3A_316 = arith.constant 0 : i32
        %dma_start3A_317 = tpu.memref_slice %arg8[%dma_start3A_315, %dma_start3A_316] : memref<10240x128xf32, #tpu.memory_space<vmem_shared>> -> memref<10240x128xf32, #tpu.memory_space<vmem_shared>>
        tpu.enqueue_indirect_dma source(%dma_start3A_311 : memref<128x128xf32, #tpu.memory_space<vmem>>) target(%dma_start3A_317 : memref<10240x128xf32, #tpu.memory_space<vmem_shared>>) offsets(%dma_start3A_314 : memref<128xi32, #tpu.memory_space<vmem>>) semaphore(%run_scoped3A_307 : memref<!tpu.dma_semaphore, #tpu.memory_space<semaphore_mem>>) {add = true}
        %dma_wait3A_318 = arith.constant 0 : i32
        %dma_wait3A_319 = arith.constant 0 : i32
        %dma_wait3A_320 = tpu.memref_slice %arg7[%run_scoped3A_257, %dma_wait3A_318, %dma_wait3A_319] : memref<2x128x128xf32, #tpu.memory_space<vmem>> -> memref<1x128x128xf32, #tpu.memory_space<vmem>>
        %dma_wait3A_321 = tpu.memref_squeeze %dma_wait3A_320 : memref<1x128x128xf32, #tpu.memory_space<vmem>> -> memref<128x128xf32, #tpu.memory_space<vmem>>
        %dma_wait3A_322 = arith.constant 0 : i32
        %dma_wait3A_323 = tpu.memref_slice %arg6[%add3A_256, %dma_wait3A_322] : memref<48x128xi32, #tpu.memory_space<vmem>> -> memref<1x128xi32, #tpu.memory_space<vmem>>
        %dma_wait3A_324 = tpu.memref_squeeze %dma_wait3A_323 : memref<1x128xi32, #tpu.memory_space<vmem>> -> memref<128xi32, #tpu.memory_space<vmem>>
        %dma_wait3A_325 = arith.constant 0 : i32
        %dma_wait3A_326 = arith.constant 0 : i32
        %dma_wait3A_327 = tpu.memref_slice %arg8[%dma_wait3A_325, %dma_wait3A_326] : memref<10240x128xf32, #tpu.memory_space<vmem_shared>> -> memref<10240x128xf32, #tpu.memory_space<vmem_shared>>
        tpu.wait_indirect_dma semaphore(%run_scoped3A_307 : memref<!tpu.dma_semaphore, #tpu.memory_space<semaphore_mem>>) src(%dma_wait3A_321 : memref<128x128xf32, #tpu.memory_space<vmem>>) dst(%dma_wait3A_327 : memref<10240x128xf32, #tpu.memory_space<vmem_shared>>)
        tpu.yield
      }) : () -> ()
      %add3A_258 = arith.constant 2 : i32
      %add3A_259 = arith.addi %mul3A_241, %add3A_258 : i32
      %add3A_260 = arith.constant 0 : i32
      %add3A_261 = arith.addi %add3A_259, %add3A_260 : i32
      %min3A = arith.constant 31 : i32
      %min3A_262 = arith.minsi %add3A_261, %min3A : i32
      %dma_start3A_263 = arith.constant 0 : i32
      %dma_start3A_264 = arith.constant 0 : i32
      %dma_start3A_265 = arith.constant 0 : i32
      %dma_start3A_266 = tpu.memref_slice %arg7[%dma_start3A_263, %dma_start3A_264, %dma_start3A_265] : memref<2x128x128xf32, #tpu.memory_space<vmem>> -> memref<1x128x128xf32, #tpu.memory_space<vmem>>
      %dma_start3A_267 = tpu.memref_squeeze %dma_start3A_266 : memref<1x128x128xf32, #tpu.memory_space<vmem>> -> memref<128x128xf32, #tpu.memory_space<vmem>>
      %dma_start3A_268 = arith.constant 0 : i32
      %dma_start3A_269 = tpu.memref_slice %arg5[%min3A_262, %dma_start3A_268] : memref<48x128xi32, #tpu.memory_space<vmem>> -> memref<1x128xi32, #tpu.memory_space<vmem>>
      %dma_start3A_270 = tpu.memref_squeeze %dma_start3A_269 : memref<1x128xi32, #tpu.memory_space<vmem>> -> memref<128xi32, #tpu.memory_space<vmem>>
      %dma_start3A_271 = arith.constant 0 : i32
      %dma_start3A_272 = arith.constant 0 : i32
      %dma_start3A_273 = tpu.memref_slice %arg3[%dma_start3A_271, %dma_start3A_272] : memref<10000x128xf32, #tpu.memory_space<hbm>> -> memref<10000x128xf32, #tpu.memory_space<hbm>>
      tpu.enqueue_indirect_dma source(%dma_start3A_273 : memref<10000x128xf32, #tpu.memory_space<hbm>>) target(%dma_start3A_267 : memref<128x128xf32, #tpu.memory_space<vmem>>) offsets(%dma_start3A_270 : memref<128xi32, #tpu.memory_space<vmem>>) semaphore(%arg9 : memref<!tpu.dma_semaphore, #tpu.memory_space<semaphore_mem>>)
      %add3A_274 = arith.constant 1 : i32
      %add3A_275 = arith.addi %mul3A_241, %add3A_274 : i32
      %dma_wait3A_276 = arith.constant 1 : i32
      %dma_wait3A_277 = arith.constant 0 : i32
      %dma_wait3A_278 = arith.constant 0 : i32
      %dma_wait3A_279 = tpu.memref_slice %arg7[%dma_wait3A_276, %dma_wait3A_277, %dma_wait3A_278] : memref<2x128x128xf32, #tpu.memory_space<vmem>> -> memref<1x128x128xf32, #tpu.memory_space<vmem>>
      %dma_wait3A_280 = tpu.memref_squeeze %dma_wait3A_279 : memref<1x128x128xf32, #tpu.memory_space<vmem>> -> memref<128x128xf32, #tpu.memory_space<vmem>>
      %dma_wait3A_281 = arith.constant 0 : i32
      %dma_wait3A_282 = tpu.memref_slice %arg5[%add3A_275, %dma_wait3A_281] : memref<48x128xi32, #tpu.memory_space<vmem>> -> memref<1x128xi32, #tpu.memory_space<vmem>>
      %dma_wait3A_283 = tpu.memref_squeeze %dma_wait3A_282 : memref<1x128xi32, #tpu.memory_space<vmem>> -> memref<128xi32, #tpu.memory_space<vmem>>
      %dma_wait3A_284 = arith.constant 0 : i32
      %dma_wait3A_285 = arith.constant 0 : i32
      %dma_wait3A_286 = tpu.memref_slice %arg3[%dma_wait3A_284, %dma_wait3A_285] : memref<10000x128xf32, #tpu.memory_space<hbm>> -> memref<10000x128xf32, #tpu.memory_space<hbm>>
      tpu.wait_indirect_dma semaphore(%arg10 : memref<!tpu.dma_semaphore, #tpu.memory_space<semaphore_mem>>) src(%dma_wait3A_286 : memref<10000x128xf32, #tpu.memory_space<hbm>>) dst(%dma_wait3A_280 : memref<128x128xf32, #tpu.memory_space<vmem>>)
      %add3A_287 = arith.constant 1 : i32
      %add3A_288 = arith.addi %mul3A_241, %add3A_287 : i32
      %run_scoped3A_289 = arith.constant 1 : i32
      "tpu.region"() ({
        %run_scoped3A_307 = tpu.sem_alloc : memref<!tpu.dma_semaphore, #tpu.memory_space<semaphore_mem>>
        %dma_start3A_308 = arith.constant 0 : i32
        %dma_start3A_309 = arith.constant 0 : i32
        %dma_start3A_310 = tpu.memref_slice %arg7[%run_scoped3A_289, %dma_start3A_308, %dma_start3A_309] : memref<2x128x128xf32, #tpu.memory_space<vmem>> -> memref<1x128x128xf32, #tpu.memory_space<vmem>>
        %dma_start3A_311 = tpu.memref_squeeze %dma_start3A_310 : memref<1x128x128xf32, #tpu.memory_space<vmem>> -> memref<128x128xf32, #tpu.memory_space<vmem>>
        %dma_start3A_312 = arith.constant 0 : i32
        %dma_start3A_313 = tpu.memref_slice %arg6[%add3A_288, %dma_start3A_312] : memref<48x128xi32, #tpu.memory_space<vmem>> -> memref<1x128xi32, #tpu.memory_space<vmem>>
        %dma_start3A_314 = tpu.memref_squeeze %dma_start3A_313 : memref<1x128xi32, #tpu.memory_space<vmem>> -> memref<128xi32, #tpu.memory_space<vmem>>
        %dma_start3A_315 = arith.constant 0 : i32
        %dma_start3A_316 = arith.constant 0 : i32
        %dma_start3A_317 = tpu.memref_slice %arg8[%dma_start3A_315, %dma_start3A_316] : memref<10240x128xf32, #tpu.memory_space<vmem_shared>> -> memref<10240x128xf32, #tpu.memory_space<vmem_shared>>
        tpu.enqueue_indirect_dma source(%dma_start3A_311 : memref<128x128xf32, #tpu.memory_space<vmem>>) target(%dma_start3A_317 : memref<10240x128xf32, #tpu.memory_space<vmem_shared>>) offsets(%dma_start3A_314 : memref<128xi32, #tpu.memory_space<vmem>>) semaphore(%run_scoped3A_307 : memref<!tpu.dma_semaphore, #tpu.memory_space<semaphore_mem>>) {add = true}
        %dma_wait3A_318 = arith.constant 0 : i32
        %dma_wait3A_319 = arith.constant 0 : i32
        %dma_wait3A_320 = tpu.memref_slice %arg7[%run_scoped3A_289, %dma_wait3A_318, %dma_wait3A_319] : memref<2x128x128xf32, #tpu.memory_space<vmem>> -> memref<1x128x128xf32, #tpu.memory_space<vmem>>
        %dma_wait3A_321 = tpu.memref_squeeze %dma_wait3A_320 : memref<1x128x128xf32, #tpu.memory_space<vmem>> -> memref<128x128xf32, #tpu.memory_space<vmem>>
        %dma_wait3A_322 = arith.constant 0 : i32
        %dma_wait3A_323 = tpu.memref_slice %arg6[%add3A_288, %dma_wait3A_322] : memref<48x128xi32, #tpu.memory_space<vmem>> -> memref<1x128xi32, #tpu.memory_space<vmem>>
        %dma_wait3A_324 = tpu.memref_squeeze %dma_wait3A_323 : memref<1x128xi32, #tpu.memory_space<vmem>> -> memref<128xi32, #tpu.memory_space<vmem>>
        %dma_wait3A_325 = arith.constant 0 : i32
        %dma_wait3A_326 = arith.constant 0 : i32
        %dma_wait3A_327 = tpu.memref_slice %arg8[%dma_wait3A_325, %dma_wait3A_326] : memref<10240x128xf32, #tpu.memory_space<vmem_shared>> -> memref<10240x128xf32, #tpu.memory_space<vmem_shared>>
        tpu.wait_indirect_dma semaphore(%run_scoped3A_307 : memref<!tpu.dma_semaphore, #tpu.memory_space<semaphore_mem>>) src(%dma_wait3A_321 : memref<128x128xf32, #tpu.memory_space<vmem>>) dst(%dma_wait3A_327 : memref<10240x128xf32, #tpu.memory_space<vmem_shared>>)
        tpu.yield
      }) : () -> ()
      %add3A_290 = arith.constant 2 : i32
      %add3A_291 = arith.addi %mul3A_241, %add3A_290 : i32
      %add3A_292 = arith.constant 1 : i32
      %add3A_293 = arith.addi %add3A_291, %add3A_292 : i32
      %min3A_294 = arith.constant 31 : i32
      %min3A_295 = arith.minsi %add3A_293, %min3A_294 : i32
      %dma_start3A_296 = arith.constant 1 : i32
      %dma_start3A_297 = arith.constant 0 : i32
      %dma_start3A_298 = arith.constant 0 : i32
      %dma_start3A_299 = tpu.memref_slice %arg7[%dma_start3A_296, %dma_start3A_297, %dma_start3A_298] : memref<2x128x128xf32, #tpu.memory_space<vmem>> -> memref<1x128x128xf32, #tpu.memory_space<vmem>>
      %dma_start3A_300 = tpu.memref_squeeze %dma_start3A_299 : memref<1x128x128xf32, #tpu.memory_space<vmem>> -> memref<128x128xf32, #tpu.memory_space<vmem>>
      %dma_start3A_301 = arith.constant 0 : i32
      %dma_start3A_302 = tpu.memref_slice %arg5[%min3A_295, %dma_start3A_301] : memref<48x128xi32, #tpu.memory_space<vmem>> -> memref<1x128xi32, #tpu.memory_space<vmem>>
      %dma_start3A_303 = tpu.memref_squeeze %dma_start3A_302 : memref<1x128xi32, #tpu.memory_space<vmem>> -> memref<128xi32, #tpu.memory_space<vmem>>
      %dma_start3A_304 = arith.constant 0 : i32
      %dma_start3A_305 = arith.constant 0 : i32
      %dma_start3A_306 = tpu.memref_slice %arg3[%dma_start3A_304, %dma_start3A_305] : memref<10000x128xf32, #tpu.memory_space<hbm>> -> memref<10000x128xf32, #tpu.memory_space<hbm>>
      tpu.enqueue_indirect_dma source(%dma_start3A_306 : memref<10000x128xf32, #tpu.memory_space<hbm>>) target(%dma_start3A_300 : memref<128x128xf32, #tpu.memory_space<vmem>>) offsets(%dma_start3A_303 : memref<128xi32, #tpu.memory_space<vmem>>) semaphore(%arg10 : memref<!tpu.dma_semaphore, #tpu.memory_space<semaphore_mem>>)
    }
    %scan3A_115 = arith.constant 16 : i32
    %dma_wait3A = arith.constant 31 : i32
    %dma_wait3A_116 = arith.constant 0 : i32
    %dma_wait3A_117 = arith.constant 0 : i32
    %dma_wait3A_118 = arith.constant 0 : i32
    %dma_wait3A_119 = tpu.memref_slice %arg7[%dma_wait3A_116, %dma_wait3A_117, %dma_wait3A_118] : memref<2x128x128xf32, #tpu.memory_space<vmem>> -> memref<1x128x128xf32, #tpu.memory_space<vmem>>
    %dma_wait3A_120 = tpu.memref_squeeze %dma_wait3A_119 : memref<1x128x128xf32, #tpu.memory_space<vmem>> -> memref<128x128xf32, #tpu.memory_space<vmem>>
    %dma_wait3A_121 = arith.constant 0 : i32
    %dma_wait3A_122 = tpu.memref_slice %arg5[%dma_wait3A, %dma_wait3A_121] : memref<48x128xi32, #tpu.memory_space<vmem>> -> memref<1x128xi32, #tpu.memory_space<vmem>>
    %dma_wait3A_123 = tpu.memref_squeeze %dma_wait3A_122 : memref<1x128xi32, #tpu.memory_space<vmem>> -> memref<128xi32, #tpu.memory_space<vmem>>
    %dma_wait3A_124 = arith.constant 0 : i32
    %dma_wait3A_125 = arith.constant 0 : i32
    %dma_wait3A_126 = tpu.memref_slice %arg3[%dma_wait3A_124, %dma_wait3A_125] : memref<10000x128xf32, #tpu.memory_space<hbm>> -> memref<10000x128xf32, #tpu.memory_space<hbm>>
    tpu.wait_indirect_dma semaphore(%arg9 : memref<!tpu.dma_semaphore, #tpu.memory_space<semaphore_mem>>) src(%dma_wait3A_126 : memref<10000x128xf32, #tpu.memory_space<hbm>>) dst(%dma_wait3A_120 : memref<128x128xf32, #tpu.memory_space<vmem>>)
    %dma_wait3A_127 = arith.constant 31 : i32
    %dma_wait3A_128 = arith.constant 1 : i32
    %dma_wait3A_129 = arith.constant 0 : i32
    %dma_wait3A_130 = arith.constant 0 : i32
    %dma_wait3A_131 = tpu.memref_slice %arg7[%dma_wait3A_128, %dma_wait3A_129, %dma_wait3A_130] : memref<2x128x128xf32, #tpu.memory_space<vmem>> -> memref<1x128x128xf32, #tpu.memory_space<vmem>>
    %dma_wait3A_132 = tpu.memref_squeeze %dma_wait3A_131 : memref<1x128x128xf32, #tpu.memory_space<vmem>> -> memref<128x128xf32, #tpu.memory_space<vmem>>
    %dma_wait3A_133 = arith.constant 0 : i32
    %dma_wait3A_134 = tpu.memref_slice %arg5[%dma_wait3A_127, %dma_wait3A_133] : memref<48x128xi32, #tpu.memory_space<vmem>> -> memref<1x128xi32, #tpu.memory_space<vmem>>
    %dma_wait3A_135 = tpu.memref_squeeze %dma_wait3A_134 : memref<1x128xi32, #tpu.memory_space<vmem>> -> memref<128xi32, #tpu.memory_space<vmem>>
    %dma_wait3A_136 = arith.constant 0 : i32
    %dma_wait3A_137 = arith.constant 0 : i32
    %dma_wait3A_138 = tpu.memref_slice %arg3[%dma_wait3A_136, %dma_wait3A_137] : memref<10000x128xf32, #tpu.memory_space<hbm>> -> memref<10000x128xf32, #tpu.memory_space<hbm>>
    tpu.wait_indirect_dma semaphore(%arg10 : memref<!tpu.dma_semaphore, #tpu.memory_space<semaphore_mem>>) src(%dma_wait3A_138 : memref<10000x128xf32, #tpu.memory_space<hbm>>) dst(%dma_wait3A_132 : memref<128x128xf32, #tpu.memory_space<vmem>>)
    %add3A_139 = arith.constant 32 : i32
    %add3A_140 = arith.addi %mul3A_20, %add3A_139 : i32
    %jit3A_141 = arith.constant false
    %select_n3A_142 = arith.select %jit3A_141, %mul3A_20, %add3A_140 : i32
    %multiple_of3A_143 = tpu.assume_multiple %select_n3A_142, 8 : i32
    %sub3A_144 = arith.subi %mul3A_50, %mul3A_20 : i32
    %sub3A_145 = arith.constant 32 : i32
    %sub3A_146 = arith.subi %sub3A_144, %sub3A_145 : i32
    %run_scoped3A_147 = arith.constant 0 : i32
    "tpu.region"() ({
      %run_scoped3A_239 = tpu.sem_alloc : memref<!tpu.dma_semaphore, #tpu.memory_space<semaphore_mem>>
      %dma_start3A_240 = arith.constant 0 : i32
      %dma_start3A_241 = tpu.memref_slice %arg2[%run_scoped3A_147, %multiple_of3A_143, %dma_start3A_240] : memref<2x2500x128xi32, #tpu.memory_space<hbm>> -> memref<1x48x128xi32, #tpu.memory_space<hbm>>
      %dma_start3A_242 = tpu.memref_squeeze %dma_start3A_241 : memref<1x48x128xi32, #tpu.memory_space<hbm>> -> memref<48x128xi32, #tpu.memory_space<hbm>>
      %dma_start3A_243 = arith.constant 0 : i32
      %dma_start3A_244 = tpu.memref_slice %arg2[%run_scoped3A_147, %multiple_of3A_143, %dma_start3A_243] : memref<2x2500x128xi32, #tpu.memory_space<hbm>> -> memref<1x48x128xi32, #tpu.memory_space<hbm>>
      %dma_start3A_245 = tpu.memref_squeeze %dma_start3A_244 : memref<1x48x128xi32, #tpu.memory_space<hbm>> -> memref<48x128xi32, #tpu.memory_space<hbm>>
      tpu.enqueue_dma source(%dma_start3A_245 : memref<48x128xi32, #tpu.memory_space<hbm>>) target(%arg5 : memref<48x128xi32, #tpu.memory_space<vmem>>) target_semaphore(%run_scoped3A_239 : memref<!tpu.dma_semaphore, #tpu.memory_space<semaphore_mem>>)
      %dma_wait3A_246 = arith.constant 0 : i32
      %dma_wait3A_247 = tpu.memref_slice %arg2[%run_scoped3A_147, %multiple_of3A_143, %dma_wait3A_246] : memref<2x2500x128xi32, #tpu.memory_space<hbm>> -> memref<1x48x128xi32, #tpu.memory_space<hbm>>
      %dma_wait3A_248 = tpu.memref_squeeze %dma_wait3A_247 : memref<1x48x128xi32, #tpu.memory_space<hbm>> -> memref<48x128xi32, #tpu.memory_space<hbm>>
      %dma_wait3A_249 = arith.constant 0 : i32
      %dma_wait3A_250 = tpu.memref_slice %arg2[%run_scoped3A_147, %multiple_of3A_143, %dma_wait3A_249] : memref<2x2500x128xi32, #tpu.memory_space<hbm>> -> memref<1x48x128xi32, #tpu.memory_space<hbm>>
      %dma_wait3A_251 = tpu.memref_squeeze %dma_wait3A_250 : memref<1x48x128xi32, #tpu.memory_space<hbm>> -> memref<48x128xi32, #tpu.memory_space<hbm>>
      tpu.wait_dma2 semaphore(%run_scoped3A_239 : memref<!tpu.dma_semaphore, #tpu.memory_space<semaphore_mem>>) src(%dma_wait3A_251 : memref<48x128xi32, #tpu.memory_space<hbm>>) dst(%arg5 : memref<48x128xi32, #tpu.memory_space<vmem>>)
      tpu.yield
    }) : () -> ()
    %run_scoped3A_148 = arith.constant 1 : i32
    "tpu.region"() ({
      %run_scoped3A_239 = tpu.sem_alloc : memref<!tpu.dma_semaphore, #tpu.memory_space<semaphore_mem>>
      %dma_start3A_240 = arith.constant 0 : i32
      %dma_start3A_241 = tpu.memref_slice %arg2[%run_scoped3A_148, %multiple_of3A_143, %dma_start3A_240] : memref<2x2500x128xi32, #tpu.memory_space<hbm>> -> memref<1x48x128xi32, #tpu.memory_space<hbm>>
      %dma_start3A_242 = tpu.memref_squeeze %dma_start3A_241 : memref<1x48x128xi32, #tpu.memory_space<hbm>> -> memref<48x128xi32, #tpu.memory_space<hbm>>
      %dma_start3A_243 = arith.constant 0 : i32
      %dma_start3A_244 = tpu.memref_slice %arg2[%run_scoped3A_148, %multiple_of3A_143, %dma_start3A_243] : memref<2x2500x128xi32, #tpu.memory_space<hbm>> -> memref<1x48x128xi32, #tpu.memory_space<hbm>>
      %dma_start3A_245 = tpu.memref_squeeze %dma_start3A_244 : memref<1x48x128xi32, #tpu.memory_space<hbm>> -> memref<48x128xi32, #tpu.memory_space<hbm>>
      tpu.enqueue_dma source(%dma_start3A_245 : memref<48x128xi32, #tpu.memory_space<hbm>>) target(%arg6 : memref<48x128xi32, #tpu.memory_space<vmem>>) target_semaphore(%run_scoped3A_239 : memref<!tpu.dma_semaphore, #tpu.memory_space<semaphore_mem>>)
      %dma_wait3A_246 = arith.constant 0 : i32
      %dma_wait3A_247 = tpu.memref_slice %arg2[%run_scoped3A_148, %multiple_of3A_143, %dma_wait3A_246] : memref<2x2500x128xi32, #tpu.memory_space<hbm>> -> memref<1x48x128xi32, #tpu.memory_space<hbm>>
      %dma_wait3A_248 = tpu.memref_squeeze %dma_wait3A_247 : memref<1x48x128xi32, #tpu.memory_space<hbm>> -> memref<48x128xi32, #tpu.memory_space<hbm>>
      %dma_wait3A_249 = arith.constant 0 : i32
      %dma_wait3A_250 = tpu.memref_slice %arg2[%run_scoped3A_148, %multiple_of3A_143, %dma_wait3A_249] : memref<2x2500x128xi32, #tpu.memory_space<hbm>> -> memref<1x48x128xi32, #tpu.memory_space<hbm>>
      %dma_wait3A_251 = tpu.memref_squeeze %dma_wait3A_250 : memref<1x48x128xi32, #tpu.memory_space<hbm>> -> memref<48x128xi32, #tpu.memory_space<hbm>>
      tpu.wait_dma2 semaphore(%run_scoped3A_239 : memref<!tpu.dma_semaphore, #tpu.memory_space<semaphore_mem>>) src(%dma_wait3A_251 : memref<48x128xi32, #tpu.memory_space<hbm>>) dst(%arg6 : memref<48x128xi32, #tpu.memory_space<vmem>>)
      tpu.yield
    }) : () -> ()
    %dma_start3A_149 = arith.constant 0 : i32
    %dma_start3A_150 = arith.constant 0 : i32
    %dma_start3A_151 = arith.constant 0 : i32
    %dma_start3A_152 = arith.constant 0 : i32
    %dma_start3A_153 = tpu.memref_slice %arg7[%dma_start3A_150, %dma_start3A_151, %dma_start3A_152] : memref<2x128x128xf32, #tpu.memory_space<vmem>> -> memref<1x128x128xf32, #tpu.memory_space<vmem>>
    %dma_start3A_154 = tpu.memref_squeeze %dma_start3A_153 : memref<1x128x128xf32, #tpu.memory_space<vmem>> -> memref<128x128xf32, #tpu.memory_space<vmem>>
    %dma_start3A_155 = arith.constant 0 : i32
    %dma_start3A_156 = tpu.memref_slice %arg5[%dma_start3A_149, %dma_start3A_155] : memref<48x128xi32, #tpu.memory_space<vmem>> -> memref<1x128xi32, #tpu.memory_space<vmem>>
    %dma_start3A_157 = tpu.memref_squeeze %dma_start3A_156 : memref<1x128xi32, #tpu.memory_space<vmem>> -> memref<128xi32, #tpu.memory_space<vmem>>
    %dma_start3A_158 = arith.constant 0 : i32
    %dma_start3A_159 = arith.constant 0 : i32
    %dma_start3A_160 = tpu.memref_slice %arg3[%dma_start3A_158, %dma_start3A_159] : memref<10000x128xf32, #tpu.memory_space<hbm>> -> memref<10000x128xf32, #tpu.memory_space<hbm>>
    tpu.enqueue_indirect_dma source(%dma_start3A_160 : memref<10000x128xf32, #tpu.memory_space<hbm>>) target(%dma_start3A_154 : memref<128x128xf32, #tpu.memory_space<vmem>>) offsets(%dma_start3A_157 : memref<128xi32, #tpu.memory_space<vmem>>) semaphore(%arg9 : memref<!tpu.dma_semaphore, #tpu.memory_space<semaphore_mem>>)
    %dma_start3A_161 = arith.constant 1 : i32
    %dma_start3A_162 = arith.constant 1 : i32
    %dma_start3A_163 = arith.constant 0 : i32
    %dma_start3A_164 = arith.constant 0 : i32
    %dma_start3A_165 = tpu.memref_slice %arg7[%dma_start3A_162, %dma_start3A_163, %dma_start3A_164] : memref<2x128x128xf32, #tpu.memory_space<vmem>> -> memref<1x128x128xf32, #tpu.memory_space<vmem>>
    %dma_start3A_166 = tpu.memref_squeeze %dma_start3A_165 : memref<1x128x128xf32, #tpu.memory_space<vmem>> -> memref<128x128xf32, #tpu.memory_space<vmem>>
    %dma_start3A_167 = arith.constant 0 : i32
    %dma_start3A_168 = tpu.memref_slice %arg5[%dma_start3A_161, %dma_start3A_167] : memref<48x128xi32, #tpu.memory_space<vmem>> -> memref<1x128xi32, #tpu.memory_space<vmem>>
    %dma_start3A_169 = tpu.memref_squeeze %dma_start3A_168 : memref<1x128xi32, #tpu.memory_space<vmem>> -> memref<128xi32, #tpu.memory_space<vmem>>
    %dma_start3A_170 = arith.constant 0 : i32
    %dma_start3A_171 = arith.constant 0 : i32
    %dma_start3A_172 = tpu.memref_slice %arg3[%dma_start3A_170, %dma_start3A_171] : memref<10000x128xf32, #tpu.memory_space<hbm>> -> memref<10000x128xf32, #tpu.memory_space<hbm>>
    tpu.enqueue_indirect_dma source(%dma_start3A_172 : memref<10000x128xf32, #tpu.memory_space<hbm>>) target(%dma_start3A_166 : memref<128x128xf32, #tpu.memory_space<vmem>>) offsets(%dma_start3A_169 : memref<128xi32, #tpu.memory_space<vmem>>) semaphore(%arg10 : memref<!tpu.dma_semaphore, #tpu.memory_space<semaphore_mem>>)
    %jit3A_173 = arith.constant 2 : i32
    %div3A_174 = arith.divsi %sub3A_146, %jit3A_173 : i32
    %sign3A_175 = arith.constant 0 : i32
    %sign3A_176 = arith.cmpi sgt, %sub3A_146, %sign3A_175 : i32
    %sign3A_177 = arith.extui %sign3A_176 : i1 to i32
    %sign3A_178 = arith.constant 0 : i32
    %sign3A_179 = arith.cmpi slt, %sub3A_146, %sign3A_178 : i32
    %sign3A_180 = arith.extui %sign3A_179 : i1 to i32
    %sign3A_181 = arith.subi %sign3A_177, %sign3A_180 : i32
    %sign3A_182 = arith.constant 0 : i32
    %sign3A_183 = arith.cmpi sgt, %jit3A_173, %sign3A_182 : i32
    %sign3A_184 = arith.extui %sign3A_183 : i1 to i32
    %sign3A_185 = arith.constant 0 : i32
    %sign3A_186 = arith.cmpi slt, %jit3A_173, %sign3A_185 : i32
    %sign3A_187 = arith.extui %sign3A_186 : i1 to i32
    %sign3A_188 = arith.subi %sign3A_184, %sign3A_187 : i32
    %ne3A_189 = arith.cmpi ne, %sign3A_181, %sign3A_188 : i32
    %rem3A_190 = arith.remsi %sub3A_146, %jit3A_173 : i32
    %ne3A_191 = arith.constant 0 : i32
    %ne3A_192 = arith.cmpi ne, %rem3A_190, %ne3A_191 : i32
    %and3A_193 = arith.andi %ne3A_189, %ne3A_192 : i1
    %sub3A_194 = arith.constant 1 : i32
    %sub3A_195 = arith.subi %div3A_174, %sub3A_194 : i32
    %select_n3A_196 = arith.select %and3A_193, %sub3A_195, %div3A_174 : i32
    %while3A = arith.constant 0 : i32
    %while3A_197 = arith.constant 0 : i32
    %while3A_198 = arith.subi %select_n3A_196, %while3A_197 : i32
    %while3A_199 = arith.addi %while3A_197, %while3A_198 : i32
    %while3A_200 = arith.constant 1 : i32
    %while3A_201 = arith.divsi %while3A_198, %while3A_200 : i32
    %while3A_202 = arith.muli %while3A_201, %while3A_200 : i32
    %while3A_203 = arith.addi %while3A_197, %while3A_202 : i32
    %while3A_204 = arith.constant 1 : i32
    scf.for %while3A_239 = %while3A_197 to %while3A_203 step %while3A_204  : i32 {
      %mul3A_240 = arith.constant 2 : i32
      %mul3A_241 = arith.muli %while3A_239, %mul3A_240 : i32
      %add3A_242 = arith.constant 0 : i32
      %add3A_243 = arith.addi %mul3A_241, %add3A_242 : i32
      %dma_wait3A_244 = arith.constant 0 : i32
      %dma_wait3A_245 = arith.constant 0 : i32
      %dma_wait3A_246 = arith.constant 0 : i32
      %dma_wait3A_247 = tpu.memref_slice %arg7[%dma_wait3A_244, %dma_wait3A_245, %dma_wait3A_246] : memref<2x128x128xf32, #tpu.memory_space<vmem>> -> memref<1x128x128xf32, #tpu.memory_space<vmem>>
      %dma_wait3A_248 = tpu.memref_squeeze %dma_wait3A_247 : memref<1x128x128xf32, #tpu.memory_space<vmem>> -> memref<128x128xf32, #tpu.memory_space<vmem>>
      %dma_wait3A_249 = arith.constant 0 : i32
      %dma_wait3A_250 = tpu.memref_slice %arg5[%add3A_243, %dma_wait3A_249] : memref<48x128xi32, #tpu.memory_space<vmem>> -> memref<1x128xi32, #tpu.memory_space<vmem>>
      %dma_wait3A_251 = tpu.memref_squeeze %dma_wait3A_250 : memref<1x128xi32, #tpu.memory_space<vmem>> -> memref<128xi32, #tpu.memory_space<vmem>>
      %dma_wait3A_252 = arith.constant 0 : i32
      %dma_wait3A_253 = arith.constant 0 : i32
      %dma_wait3A_254 = tpu.memref_slice %arg3[%dma_wait3A_252, %dma_wait3A_253] : memref<10000x128xf32, #tpu.memory_space<hbm>> -> memref<10000x128xf32, #tpu.memory_space<hbm>>
      tpu.wait_indirect_dma semaphore(%arg9 : memref<!tpu.dma_semaphore, #tpu.memory_space<semaphore_mem>>) src(%dma_wait3A_254 : memref<10000x128xf32, #tpu.memory_space<hbm>>) dst(%dma_wait3A_248 : memref<128x128xf32, #tpu.memory_space<vmem>>)
      %add3A_255 = arith.constant 0 : i32
      %add3A_256 = arith.addi %mul3A_241, %add3A_255 : i32
      %run_scoped3A_257 = arith.constant 0 : i32
      "tpu.region"() ({
        %run_scoped3A_309 = tpu.sem_alloc : memref<!tpu.dma_semaphore, #tpu.memory_space<semaphore_mem>>
        %dma_start3A_310 = arith.constant 0 : i32
        %dma_start3A_311 = arith.constant 0 : i32
        %dma_start3A_312 = tpu.memref_slice %arg7[%run_scoped3A_257, %dma_start3A_310, %dma_start3A_311] : memref<2x128x128xf32, #tpu.memory_space<vmem>> -> memref<1x128x128xf32, #tpu.memory_space<vmem>>
        %dma_start3A_313 = tpu.memref_squeeze %dma_start3A_312 : memref<1x128x128xf32, #tpu.memory_space<vmem>> -> memref<128x128xf32, #tpu.memory_space<vmem>>
        %dma_start3A_314 = arith.constant 0 : i32
        %dma_start3A_315 = tpu.memref_slice %arg6[%add3A_256, %dma_start3A_314] : memref<48x128xi32, #tpu.memory_space<vmem>> -> memref<1x128xi32, #tpu.memory_space<vmem>>
        %dma_start3A_316 = tpu.memref_squeeze %dma_start3A_315 : memref<1x128xi32, #tpu.memory_space<vmem>> -> memref<128xi32, #tpu.memory_space<vmem>>
        %dma_start3A_317 = arith.constant 0 : i32
        %dma_start3A_318 = arith.constant 0 : i32
        %dma_start3A_319 = tpu.memref_slice %arg8[%dma_start3A_317, %dma_start3A_318] : memref<10240x128xf32, #tpu.memory_space<vmem_shared>> -> memref<10240x128xf32, #tpu.memory_space<vmem_shared>>
        tpu.enqueue_indirect_dma source(%dma_start3A_313 : memref<128x128xf32, #tpu.memory_space<vmem>>) target(%dma_start3A_319 : memref<10240x128xf32, #tpu.memory_space<vmem_shared>>) offsets(%dma_start3A_316 : memref<128xi32, #tpu.memory_space<vmem>>) semaphore(%run_scoped3A_309 : memref<!tpu.dma_semaphore, #tpu.memory_space<semaphore_mem>>) {add = true}
        %dma_wait3A_320 = arith.constant 0 : i32
        %dma_wait3A_321 = arith.constant 0 : i32
        %dma_wait3A_322 = tpu.memref_slice %arg7[%run_scoped3A_257, %dma_wait3A_320, %dma_wait3A_321] : memref<2x128x128xf32, #tpu.memory_space<vmem>> -> memref<1x128x128xf32, #tpu.memory_space<vmem>>
        %dma_wait3A_323 = tpu.memref_squeeze %dma_wait3A_322 : memref<1x128x128xf32, #tpu.memory_space<vmem>> -> memref<128x128xf32, #tpu.memory_space<vmem>>
        %dma_wait3A_324 = arith.constant 0 : i32
        %dma_wait3A_325 = tpu.memref_slice %arg6[%add3A_256, %dma_wait3A_324] : memref<48x128xi32, #tpu.memory_space<vmem>> -> memref<1x128xi32, #tpu.memory_space<vmem>>
        %dma_wait3A_326 = tpu.memref_squeeze %dma_wait3A_325 : memref<1x128xi32, #tpu.memory_space<vmem>> -> memref<128xi32, #tpu.memory_space<vmem>>
        %dma_wait3A_327 = arith.constant 0 : i32
        %dma_wait3A_328 = arith.constant 0 : i32
        %dma_wait3A_329 = tpu.memref_slice %arg8[%dma_wait3A_327, %dma_wait3A_328] : memref<10240x128xf32, #tpu.memory_space<vmem_shared>> -> memref<10240x128xf32, #tpu.memory_space<vmem_shared>>
        tpu.wait_indirect_dma semaphore(%run_scoped3A_309 : memref<!tpu.dma_semaphore, #tpu.memory_space<semaphore_mem>>) src(%dma_wait3A_323 : memref<128x128xf32, #tpu.memory_space<vmem>>) dst(%dma_wait3A_329 : memref<10240x128xf32, #tpu.memory_space<vmem_shared>>)
        tpu.yield
      }) : () -> ()
      %add3A_258 = arith.constant 2 : i32
      %add3A_259 = arith.addi %mul3A_241, %add3A_258 : i32
      %add3A_260 = arith.constant 0 : i32
      %add3A_261 = arith.addi %add3A_259, %add3A_260 : i32
      %sub3A_262 = arith.constant 1 : i32
      %sub3A_263 = arith.subi %sub3A_146, %sub3A_262 : i32
      %min3A = arith.minsi %add3A_261, %sub3A_263 : i32
      %dma_start3A_264 = arith.constant 0 : i32
      %dma_start3A_265 = arith.constant 0 : i32
      %dma_start3A_266 = arith.constant 0 : i32
      %dma_start3A_267 = tpu.memref_slice %arg7[%dma_start3A_264, %dma_start3A_265, %dma_start3A_266] : memref<2x128x128xf32, #tpu.memory_space<vmem>> -> memref<1x128x128xf32, #tpu.memory_space<vmem>>
      %dma_start3A_268 = tpu.memref_squeeze %dma_start3A_267 : memref<1x128x128xf32, #tpu.memory_space<vmem>> -> memref<128x128xf32, #tpu.memory_space<vmem>>
      %dma_start3A_269 = arith.constant 0 : i32
      %dma_start3A_270 = tpu.memref_slice %arg5[%min3A, %dma_start3A_269] : memref<48x128xi32, #tpu.memory_space<vmem>> -> memref<1x128xi32, #tpu.memory_space<vmem>>
      %dma_start3A_271 = tpu.memref_squeeze %dma_start3A_270 : memref<1x128xi32, #tpu.memory_space<vmem>> -> memref<128xi32, #tpu.memory_space<vmem>>
      %dma_start3A_272 = arith.constant 0 : i32
      %dma_start3A_273 = arith.constant 0 : i32
      %dma_start3A_274 = tpu.memref_slice %arg3[%dma_start3A_272, %dma_start3A_273] : memref<10000x128xf32, #tpu.memory_space<hbm>> -> memref<10000x128xf32, #tpu.memory_space<hbm>>
      tpu.enqueue_indirect_dma source(%dma_start3A_274 : memref<10000x128xf32, #tpu.memory_space<hbm>>) target(%dma_start3A_268 : memref<128x128xf32, #tpu.memory_space<vmem>>) offsets(%dma_start3A_271 : memref<128xi32, #tpu.memory_space<vmem>>) semaphore(%arg9 : memref<!tpu.dma_semaphore, #tpu.memory_space<semaphore_mem>>)
      %add3A_275 = arith.constant 1 : i32
      %add3A_276 = arith.addi %mul3A_241, %add3A_275 : i32
      %dma_wait3A_277 = arith.constant 1 : i32
      %dma_wait3A_278 = arith.constant 0 : i32
      %dma_wait3A_279 = arith.constant 0 : i32
      %dma_wait3A_280 = tpu.memref_slice %arg7[%dma_wait3A_277, %dma_wait3A_278, %dma_wait3A_279] : memref<2x128x128xf32, #tpu.memory_space<vmem>> -> memref<1x128x128xf32, #tpu.memory_space<vmem>>
      %dma_wait3A_281 = tpu.memref_squeeze %dma_wait3A_280 : memref<1x128x128xf32, #tpu.memory_space<vmem>> -> memref<128x128xf32, #tpu.memory_space<vmem>>
      %dma_wait3A_282 = arith.constant 0 : i32
      %dma_wait3A_283 = tpu.memref_slice %arg5[%add3A_276, %dma_wait3A_282] : memref<48x128xi32, #tpu.memory_space<vmem>> -> memref<1x128xi32, #tpu.memory_space<vmem>>
      %dma_wait3A_284 = tpu.memref_squeeze %dma_wait3A_283 : memref<1x128xi32, #tpu.memory_space<vmem>> -> memref<128xi32, #tpu.memory_space<vmem>>
      %dma_wait3A_285 = arith.constant 0 : i32
      %dma_wait3A_286 = arith.constant 0 : i32
      %dma_wait3A_287 = tpu.memref_slice %arg3[%dma_wait3A_285, %dma_wait3A_286] : memref<10000x128xf32, #tpu.memory_space<hbm>> -> memref<10000x128xf32, #tpu.memory_space<hbm>>
      tpu.wait_indirect_dma semaphore(%arg10 : memref<!tpu.dma_semaphore, #tpu.memory_space<semaphore_mem>>) src(%dma_wait3A_287 : memref<10000x128xf32, #tpu.memory_space<hbm>>) dst(%dma_wait3A_281 : memref<128x128xf32, #tpu.memory_space<vmem>>)
      %add3A_288 = arith.constant 1 : i32
      %add3A_289 = arith.addi %mul3A_241, %add3A_288 : i32
      %run_scoped3A_290 = arith.constant 1 : i32
      "tpu.region"() ({
        %run_scoped3A_309 = tpu.sem_alloc : memref<!tpu.dma_semaphore, #tpu.memory_space<semaphore_mem>>
        %dma_start3A_310 = arith.constant 0 : i32
        %dma_start3A_311 = arith.constant 0 : i32
        %dma_start3A_312 = tpu.memref_slice %arg7[%run_scoped3A_290, %dma_start3A_310, %dma_start3A_311] : memref<2x128x128xf32, #tpu.memory_space<vmem>> -> memref<1x128x128xf32, #tpu.memory_space<vmem>>
        %dma_start3A_313 = tpu.memref_squeeze %dma_start3A_312 : memref<1x128x128xf32, #tpu.memory_space<vmem>> -> memref<128x128xf32, #tpu.memory_space<vmem>>
        %dma_start3A_314 = arith.constant 0 : i32
        %dma_start3A_315 = tpu.memref_slice %arg6[%add3A_289, %dma_start3A_314] : memref<48x128xi32, #tpu.memory_space<vmem>> -> memref<1x128xi32, #tpu.memory_space<vmem>>
        %dma_start3A_316 = tpu.memref_squeeze %dma_start3A_315 : memref<1x128xi32, #tpu.memory_space<vmem>> -> memref<128xi32, #tpu.memory_space<vmem>>
        %dma_start3A_317 = arith.constant 0 : i32
        %dma_start3A_318 = arith.constant 0 : i32
        %dma_start3A_319 = tpu.memref_slice %arg8[%dma_start3A_317, %dma_start3A_318] : memref<10240x128xf32, #tpu.memory_space<vmem_shared>> -> memref<10240x128xf32, #tpu.memory_space<vmem_shared>>
        tpu.enqueue_indirect_dma source(%dma_start3A_313 : memref<128x128xf32, #tpu.memory_space<vmem>>) target(%dma_start3A_319 : memref<10240x128xf32, #tpu.memory_space<vmem_shared>>) offsets(%dma_start3A_316 : memref<128xi32, #tpu.memory_space<vmem>>) semaphore(%run_scoped3A_309 : memref<!tpu.dma_semaphore, #tpu.memory_space<semaphore_mem>>) {add = true}
        %dma_wait3A_320 = arith.constant 0 : i32
        %dma_wait3A_321 = arith.constant 0 : i32
        %dma_wait3A_322 = tpu.memref_slice %arg7[%run_scoped3A_290, %dma_wait3A_320, %dma_wait3A_321] : memref<2x128x128xf32, #tpu.memory_space<vmem>> -> memref<1x128x128xf32, #tpu.memory_space<vmem>>
        %dma_wait3A_323 = tpu.memref_squeeze %dma_wait3A_322 : memref<1x128x128xf32, #tpu.memory_space<vmem>> -> memref<128x128xf32, #tpu.memory_space<vmem>>
        %dma_wait3A_324 = arith.constant 0 : i32
        %dma_wait3A_325 = tpu.memref_slice %arg6[%add3A_289, %dma_wait3A_324] : memref<48x128xi32, #tpu.memory_space<vmem>> -> memref<1x128xi32, #tpu.memory_space<vmem>>
        %dma_wait3A_326 = tpu.memref_squeeze %dma_wait3A_325 : memref<1x128xi32, #tpu.memory_space<vmem>> -> memref<128xi32, #tpu.memory_space<vmem>>
        %dma_wait3A_327 = arith.constant 0 : i32
        %dma_wait3A_328 = arith.constant 0 : i32
        %dma_wait3A_329 = tpu.memref_slice %arg8[%dma_wait3A_327, %dma_wait3A_328] : memref<10240x128xf32, #tpu.memory_space<vmem_shared>> -> memref<10240x128xf32, #tpu.memory_space<vmem_shared>>
        tpu.wait_indirect_dma semaphore(%run_scoped3A_309 : memref<!tpu.dma_semaphore, #tpu.memory_space<semaphore_mem>>) src(%dma_wait3A_323 : memref<128x128xf32, #tpu.memory_space<vmem>>) dst(%dma_wait3A_329 : memref<10240x128xf32, #tpu.memory_space<vmem_shared>>)
        tpu.yield
      }) : () -> ()
      %add3A_291 = arith.constant 2 : i32
      %add3A_292 = arith.addi %mul3A_241, %add3A_291 : i32
      %add3A_293 = arith.constant 1 : i32
      %add3A_294 = arith.addi %add3A_292, %add3A_293 : i32
      %sub3A_295 = arith.constant 1 : i32
      %sub3A_296 = arith.subi %sub3A_146, %sub3A_295 : i32
      %min3A_297 = arith.minsi %add3A_294, %sub3A_296 : i32
      %dma_start3A_298 = arith.constant 1 : i32
      %dma_start3A_299 = arith.constant 0 : i32
      %dma_start3A_300 = arith.constant 0 : i32
      %dma_start3A_301 = tpu.memref_slice %arg7[%dma_start3A_298, %dma_start3A_299, %dma_start3A_300] : memref<2x128x128xf32, #tpu.memory_space<vmem>> -> memref<1x128x128xf32, #tpu.memory_space<vmem>>
      %dma_start3A_302 = tpu.memref_squeeze %dma_start3A_301 : memref<1x128x128xf32, #tpu.memory_space<vmem>> -> memref<128x128xf32, #tpu.memory_space<vmem>>
      %dma_start3A_303 = arith.constant 0 : i32
      %dma_start3A_304 = tpu.memref_slice %arg5[%min3A_297, %dma_start3A_303] : memref<48x128xi32, #tpu.memory_space<vmem>> -> memref<1x128xi32, #tpu.memory_space<vmem>>
      %dma_start3A_305 = tpu.memref_squeeze %dma_start3A_304 : memref<1x128xi32, #tpu.memory_space<vmem>> -> memref<128xi32, #tpu.memory_space<vmem>>
      %dma_start3A_306 = arith.constant 0 : i32
      %dma_start3A_307 = arith.constant 0 : i32
      %dma_start3A_308 = tpu.memref_slice %arg3[%dma_start3A_306, %dma_start3A_307] : memref<10000x128xf32, #tpu.memory_space<hbm>> -> memref<10000x128xf32, #tpu.memory_space<hbm>>
      tpu.enqueue_indirect_dma source(%dma_start3A_308 : memref<10000x128xf32, #tpu.memory_space<hbm>>) target(%dma_start3A_302 : memref<128x128xf32, #tpu.memory_space<vmem>>) offsets(%dma_start3A_305 : memref<128xi32, #tpu.memory_space<vmem>>) semaphore(%arg10 : memref<!tpu.dma_semaphore, #tpu.memory_space<semaphore_mem>>)
    }
    %while3A_205 = arith.constant 1 : i32
    scf.for %while3A_239 = %while3A_203 to %while3A_199 step %while3A_205  : i32 {
      %mul3A_240 = arith.constant 2 : i32
      %mul3A_241 = arith.muli %while3A_239, %mul3A_240 : i32
      %add3A_242 = arith.constant 0 : i32
      %add3A_243 = arith.addi %mul3A_241, %add3A_242 : i32
      %dma_wait3A_244 = arith.constant 0 : i32
      %dma_wait3A_245 = arith.constant 0 : i32
      %dma_wait3A_246 = arith.constant 0 : i32
      %dma_wait3A_247 = tpu.memref_slice %arg7[%dma_wait3A_244, %dma_wait3A_245, %dma_wait3A_246] : memref<2x128x128xf32, #tpu.memory_space<vmem>> -> memref<1x128x128xf32, #tpu.memory_space<vmem>>
      %dma_wait3A_248 = tpu.memref_squeeze %dma_wait3A_247 : memref<1x128x128xf32, #tpu.memory_space<vmem>> -> memref<128x128xf32, #tpu.memory_space<vmem>>
      %dma_wait3A_249 = arith.constant 0 : i32
      %dma_wait3A_250 = tpu.memref_slice %arg5[%add3A_243, %dma_wait3A_249] : memref<48x128xi32, #tpu.memory_space<vmem>> -> memref<1x128xi32, #tpu.memory_space<vmem>>
      %dma_wait3A_251 = tpu.memref_squeeze %dma_wait3A_250 : memref<1x128xi32, #tpu.memory_space<vmem>> -> memref<128xi32, #tpu.memory_space<vmem>>
      %dma_wait3A_252 = arith.constant 0 : i32
      %dma_wait3A_253 = arith.constant 0 : i32
      %dma_wait3A_254 = tpu.memref_slice %arg3[%dma_wait3A_252, %dma_wait3A_253] : memref<10000x128xf32, #tpu.memory_space<hbm>> -> memref<10000x128xf32, #tpu.memory_space<hbm>>
      tpu.wait_indirect_dma semaphore(%arg9 : memref<!tpu.dma_semaphore, #tpu.memory_space<semaphore_mem>>) src(%dma_wait3A_254 : memref<10000x128xf32, #tpu.memory_space<hbm>>) dst(%dma_wait3A_248 : memref<128x128xf32, #tpu.memory_space<vmem>>)
      %add3A_255 = arith.constant 0 : i32
      %add3A_256 = arith.addi %mul3A_241, %add3A_255 : i32
      %run_scoped3A_257 = arith.constant 0 : i32
      "tpu.region"() ({
        %run_scoped3A_309 = tpu.sem_alloc : memref<!tpu.dma_semaphore, #tpu.memory_space<semaphore_mem>>
        %dma_start3A_310 = arith.constant 0 : i32
        %dma_start3A_311 = arith.constant 0 : i32
        %dma_start3A_312 = tpu.memref_slice %arg7[%run_scoped3A_257, %dma_start3A_310, %dma_start3A_311] : memref<2x128x128xf32, #tpu.memory_space<vmem>> -> memref<1x128x128xf32, #tpu.memory_space<vmem>>
        %dma_start3A_313 = tpu.memref_squeeze %dma_start3A_312 : memref<1x128x128xf32, #tpu.memory_space<vmem>> -> memref<128x128xf32, #tpu.memory_space<vmem>>
        %dma_start3A_314 = arith.constant 0 : i32
        %dma_start3A_315 = tpu.memref_slice %arg6[%add3A_256, %dma_start3A_314] : memref<48x128xi32, #tpu.memory_space<vmem>> -> memref<1x128xi32, #tpu.memory_space<vmem>>
        %dma_start3A_316 = tpu.memref_squeeze %dma_start3A_315 : memref<1x128xi32, #tpu.memory_space<vmem>> -> memref<128xi32, #tpu.memory_space<vmem>>
        %dma_start3A_317 = arith.constant 0 : i32
        %dma_start3A_318 = arith.constant 0 : i32
        %dma_start3A_319 = tpu.memref_slice %arg8[%dma_start3A_317, %dma_start3A_318] : memref<10240x128xf32, #tpu.memory_space<vmem_shared>> -> memref<10240x128xf32, #tpu.memory_space<vmem_shared>>
        tpu.enqueue_indirect_dma source(%dma_start3A_313 : memref<128x128xf32, #tpu.memory_space<vmem>>) target(%dma_start3A_319 : memref<10240x128xf32, #tpu.memory_space<vmem_shared>>) offsets(%dma_start3A_316 : memref<128xi32, #tpu.memory_space<vmem>>) semaphore(%run_scoped3A_309 : memref<!tpu.dma_semaphore, #tpu.memory_space<semaphore_mem>>) {add = true}
        %dma_wait3A_320 = arith.constant 0 : i32
        %dma_wait3A_321 = arith.constant 0 : i32
        %dma_wait3A_322 = tpu.memref_slice %arg7[%run_scoped3A_257, %dma_wait3A_320, %dma_wait3A_321] : memref<2x128x128xf32, #tpu.memory_space<vmem>> -> memref<1x128x128xf32, #tpu.memory_space<vmem>>
        %dma_wait3A_323 = tpu.memref_squeeze %dma_wait3A_322 : memref<1x128x128xf32, #tpu.memory_space<vmem>> -> memref<128x128xf32, #tpu.memory_space<vmem>>
        %dma_wait3A_324 = arith.constant 0 : i32
        %dma_wait3A_325 = tpu.memref_slice %arg6[%add3A_256, %dma_wait3A_324] : memref<48x128xi32, #tpu.memory_space<vmem>> -> memref<1x128xi32, #tpu.memory_space<vmem>>
        %dma_wait3A_326 = tpu.memref_squeeze %dma_wait3A_325 : memref<1x128xi32, #tpu.memory_space<vmem>> -> memref<128xi32, #tpu.memory_space<vmem>>
        %dma_wait3A_327 = arith.constant 0 : i32
        %dma_wait3A_328 = arith.constant 0 : i32
        %dma_wait3A_329 = tpu.memref_slice %arg8[%dma_wait3A_327, %dma_wait3A_328] : memref<10240x128xf32, #tpu.memory_space<vmem_shared>> -> memref<10240x128xf32, #tpu.memory_space<vmem_shared>>
        tpu.wait_indirect_dma semaphore(%run_scoped3A_309 : memref<!tpu.dma_semaphore, #tpu.memory_space<semaphore_mem>>) src(%dma_wait3A_323 : memref<128x128xf32, #tpu.memory_space<vmem>>) dst(%dma_wait3A_329 : memref<10240x128xf32, #tpu.memory_space<vmem_shared>>)
        tpu.yield
      }) : () -> ()
      %add3A_258 = arith.constant 2 : i32
      %add3A_259 = arith.addi %mul3A_241, %add3A_258 : i32
      %add3A_260 = arith.constant 0 : i32
      %add3A_261 = arith.addi %add3A_259, %add3A_260 : i32
      %sub3A_262 = arith.constant 1 : i32
      %sub3A_263 = arith.subi %sub3A_146, %sub3A_262 : i32
      %min3A = arith.minsi %add3A_261, %sub3A_263 : i32
      %dma_start3A_264 = arith.constant 0 : i32
      %dma_start3A_265 = arith.constant 0 : i32
      %dma_start3A_266 = arith.constant 0 : i32
      %dma_start3A_267 = tpu.memref_slice %arg7[%dma_start3A_264, %dma_start3A_265, %dma_start3A_266] : memref<2x128x128xf32, #tpu.memory_space<vmem>> -> memref<1x128x128xf32, #tpu.memory_space<vmem>>
      %dma_start3A_268 = tpu.memref_squeeze %dma_start3A_267 : memref<1x128x128xf32, #tpu.memory_space<vmem>> -> memref<128x128xf32, #tpu.memory_space<vmem>>
      %dma_start3A_269 = arith.constant 0 : i32
      %dma_start3A_270 = tpu.memref_slice %arg5[%min3A, %dma_start3A_269] : memref<48x128xi32, #tpu.memory_space<vmem>> -> memref<1x128xi32, #tpu.memory_space<vmem>>
      %dma_start3A_271 = tpu.memref_squeeze %dma_start3A_270 : memref<1x128xi32, #tpu.memory_space<vmem>> -> memref<128xi32, #tpu.memory_space<vmem>>
      %dma_start3A_272 = arith.constant 0 : i32
      %dma_start3A_273 = arith.constant 0 : i32
      %dma_start3A_274 = tpu.memref_slice %arg3[%dma_start3A_272, %dma_start3A_273] : memref<10000x128xf32, #tpu.memory_space<hbm>> -> memref<10000x128xf32, #tpu.memory_space<hbm>>
      tpu.enqueue_indirect_dma source(%dma_start3A_274 : memref<10000x128xf32, #tpu.memory_space<hbm>>) target(%dma_start3A_268 : memref<128x128xf32, #tpu.memory_space<vmem>>) offsets(%dma_start3A_271 : memref<128xi32, #tpu.memory_space<vmem>>) semaphore(%arg9 : memref<!tpu.dma_semaphore, #tpu.memory_space<semaphore_mem>>)
      %add3A_275 = arith.constant 1 : i32
      %add3A_276 = arith.addi %mul3A_241, %add3A_275 : i32
      %dma_wait3A_277 = arith.constant 1 : i32
      %dma_wait3A_278 = arith.constant 0 : i32
      %dma_wait3A_279 = arith.constant 0 : i32
      %dma_wait3A_280 = tpu.memref_slice %arg7[%dma_wait3A_277, %dma_wait3A_278, %dma_wait3A_279] : memref<2x128x128xf32, #tpu.memory_space<vmem>> -> memref<1x128x128xf32, #tpu.memory_space<vmem>>
      %dma_wait3A_281 = tpu.memref_squeeze %dma_wait3A_280 : memref<1x128x128xf32, #tpu.memory_space<vmem>> -> memref<128x128xf32, #tpu.memory_space<vmem>>
      %dma_wait3A_282 = arith.constant 0 : i32
      %dma_wait3A_283 = tpu.memref_slice %arg5[%add3A_276, %dma_wait3A_282] : memref<48x128xi32, #tpu.memory_space<vmem>> -> memref<1x128xi32, #tpu.memory_space<vmem>>
      %dma_wait3A_284 = tpu.memref_squeeze %dma_wait3A_283 : memref<1x128xi32, #tpu.memory_space<vmem>> -> memref<128xi32, #tpu.memory_space<vmem>>
      %dma_wait3A_285 = arith.constant 0 : i32
      %dma_wait3A_286 = arith.constant 0 : i32
      %dma_wait3A_287 = tpu.memref_slice %arg3[%dma_wait3A_285, %dma_wait3A_286] : memref<10000x128xf32, #tpu.memory_space<hbm>> -> memref<10000x128xf32, #tpu.memory_space<hbm>>
      tpu.wait_indirect_dma semaphore(%arg10 : memref<!tpu.dma_semaphore, #tpu.memory_space<semaphore_mem>>) src(%dma_wait3A_287 : memref<10000x128xf32, #tpu.memory_space<hbm>>) dst(%dma_wait3A_281 : memref<128x128xf32, #tpu.memory_space<vmem>>)
      %add3A_288 = arith.constant 1 : i32
      %add3A_289 = arith.addi %mul3A_241, %add3A_288 : i32
      %run_scoped3A_290 = arith.constant 1 : i32
      "tpu.region"() ({
        %run_scoped3A_309 = tpu.sem_alloc : memref<!tpu.dma_semaphore, #tpu.memory_space<semaphore_mem>>
        %dma_start3A_310 = arith.constant 0 : i32
        %dma_start3A_311 = arith.constant 0 : i32
        %dma_start3A_312 = tpu.memref_slice %arg7[%run_scoped3A_290, %dma_start3A_310, %dma_start3A_311] : memref<2x128x128xf32, #tpu.memory_space<vmem>> -> memref<1x128x128xf32, #tpu.memory_space<vmem>>
        %dma_start3A_313 = tpu.memref_squeeze %dma_start3A_312 : memref<1x128x128xf32, #tpu.memory_space<vmem>> -> memref<128x128xf32, #tpu.memory_space<vmem>>
        %dma_start3A_314 = arith.constant 0 : i32
        %dma_start3A_315 = tpu.memref_slice %arg6[%add3A_289, %dma_start3A_314] : memref<48x128xi32, #tpu.memory_space<vmem>> -> memref<1x128xi32, #tpu.memory_space<vmem>>
        %dma_start3A_316 = tpu.memref_squeeze %dma_start3A_315 : memref<1x128xi32, #tpu.memory_space<vmem>> -> memref<128xi32, #tpu.memory_space<vmem>>
        %dma_start3A_317 = arith.constant 0 : i32
        %dma_start3A_318 = arith.constant 0 : i32
        %dma_start3A_319 = tpu.memref_slice %arg8[%dma_start3A_317, %dma_start3A_318] : memref<10240x128xf32, #tpu.memory_space<vmem_shared>> -> memref<10240x128xf32, #tpu.memory_space<vmem_shared>>
        tpu.enqueue_indirect_dma source(%dma_start3A_313 : memref<128x128xf32, #tpu.memory_space<vmem>>) target(%dma_start3A_319 : memref<10240x128xf32, #tpu.memory_space<vmem_shared>>) offsets(%dma_start3A_316 : memref<128xi32, #tpu.memory_space<vmem>>) semaphore(%run_scoped3A_309 : memref<!tpu.dma_semaphore, #tpu.memory_space<semaphore_mem>>) {add = true}
        %dma_wait3A_320 = arith.constant 0 : i32
        %dma_wait3A_321 = arith.constant 0 : i32
        %dma_wait3A_322 = tpu.memref_slice %arg7[%run_scoped3A_290, %dma_wait3A_320, %dma_wait3A_321] : memref<2x128x128xf32, #tpu.memory_space<vmem>> -> memref<1x128x128xf32, #tpu.memory_space<vmem>>
        %dma_wait3A_323 = tpu.memref_squeeze %dma_wait3A_322 : memref<1x128x128xf32, #tpu.memory_space<vmem>> -> memref<128x128xf32, #tpu.memory_space<vmem>>
        %dma_wait3A_324 = arith.constant 0 : i32
        %dma_wait3A_325 = tpu.memref_slice %arg6[%add3A_289, %dma_wait3A_324] : memref<48x128xi32, #tpu.memory_space<vmem>> -> memref<1x128xi32, #tpu.memory_space<vmem>>
        %dma_wait3A_326 = tpu.memref_squeeze %dma_wait3A_325 : memref<1x128xi32, #tpu.memory_space<vmem>> -> memref<128xi32, #tpu.memory_space<vmem>>
        %dma_wait3A_327 = arith.constant 0 : i32
        %dma_wait3A_328 = arith.constant 0 : i32
        %dma_wait3A_329 = tpu.memref_slice %arg8[%dma_wait3A_327, %dma_wait3A_328] : memref<10240x128xf32, #tpu.memory_space<vmem_shared>> -> memref<10240x128xf32, #tpu.memory_space<vmem_shared>>
        tpu.wait_indirect_dma semaphore(%run_scoped3A_309 : memref<!tpu.dma_semaphore, #tpu.memory_space<semaphore_mem>>) src(%dma_wait3A_323 : memref<128x128xf32, #tpu.memory_space<vmem>>) dst(%dma_wait3A_329 : memref<10240x128xf32, #tpu.memory_space<vmem_shared>>)
        tpu.yield
      }) : () -> ()
      %add3A_291 = arith.constant 2 : i32
      %add3A_292 = arith.addi %mul3A_241, %add3A_291 : i32
      %add3A_293 = arith.constant 1 : i32
      %add3A_294 = arith.addi %add3A_292, %add3A_293 : i32
      %sub3A_295 = arith.constant 1 : i32
      %sub3A_296 = arith.subi %sub3A_146, %sub3A_295 : i32
      %min3A_297 = arith.minsi %add3A_294, %sub3A_296 : i32
      %dma_start3A_298 = arith.constant 1 : i32
      %dma_start3A_299 = arith.constant 0 : i32
      %dma_start3A_300 = arith.constant 0 : i32
      %dma_start3A_301 = tpu.memref_slice %arg7[%dma_start3A_298, %dma_start3A_299, %dma_start3A_300] : memref<2x128x128xf32, #tpu.memory_space<vmem>> -> memref<1x128x128xf32, #tpu.memory_space<vmem>>
      %dma_start3A_302 = tpu.memref_squeeze %dma_start3A_301 : memref<1x128x128xf32, #tpu.memory_space<vmem>> -> memref<128x128xf32, #tpu.memory_space<vmem>>
      %dma_start3A_303 = arith.constant 0 : i32
      %dma_start3A_304 = tpu.memref_slice %arg5[%min3A_297, %dma_start3A_303] : memref<48x128xi32, #tpu.memory_space<vmem>> -> memref<1x128xi32, #tpu.memory_space<vmem>>
      %dma_start3A_305 = tpu.memref_squeeze %dma_start3A_304 : memref<1x128xi32, #tpu.memory_space<vmem>> -> memref<128xi32, #tpu.memory_space<vmem>>
      %dma_start3A_306 = arith.constant 0 : i32
      %dma_start3A_307 = arith.constant 0 : i32
      %dma_start3A_308 = tpu.memref_slice %arg3[%dma_start3A_306, %dma_start3A_307] : memref<10000x128xf32, #tpu.memory_space<hbm>> -> memref<10000x128xf32, #tpu.memory_space<hbm>>
      tpu.enqueue_indirect_dma source(%dma_start3A_308 : memref<10000x128xf32, #tpu.memory_space<hbm>>) target(%dma_start3A_302 : memref<128x128xf32, #tpu.memory_space<vmem>>) offsets(%dma_start3A_305 : memref<128xi32, #tpu.memory_space<vmem>>) semaphore(%arg10 : memref<!tpu.dma_semaphore, #tpu.memory_space<semaphore_mem>>)
    }
    %sub3A_206 = arith.constant 1 : i32
    %sub3A_207 = arith.subi %sub3A_146, %sub3A_206 : i32
    %dma_wait3A_208 = arith.constant 0 : i32
    %dma_wait3A_209 = arith.constant 0 : i32
    %dma_wait3A_210 = arith.constant 0 : i32
    %dma_wait3A_211 = tpu.memref_slice %arg7[%dma_wait3A_208, %dma_wait3A_209, %dma_wait3A_210] : memref<2x128x128xf32, #tpu.memory_space<vmem>> -> memref<1x128x128xf32, #tpu.memory_space<vmem>>
    %dma_wait3A_212 = tpu.memref_squeeze %dma_wait3A_211 : memref<1x128x128xf32, #tpu.memory_space<vmem>> -> memref<128x128xf32, #tpu.memory_space<vmem>>
    %dma_wait3A_213 = arith.constant 0 : i32
    %dma_wait3A_214 = tpu.memref_slice %arg5[%sub3A_207, %dma_wait3A_213] : memref<48x128xi32, #tpu.memory_space<vmem>> -> memref<1x128xi32, #tpu.memory_space<vmem>>
    %dma_wait3A_215 = tpu.memref_squeeze %dma_wait3A_214 : memref<1x128xi32, #tpu.memory_space<vmem>> -> memref<128xi32, #tpu.memory_space<vmem>>
    %dma_wait3A_216 = arith.constant 0 : i32
    %dma_wait3A_217 = arith.constant 0 : i32
    %dma_wait3A_218 = tpu.memref_slice %arg3[%dma_wait3A_216, %dma_wait3A_217] : memref<10000x128xf32, #tpu.memory_space<hbm>> -> memref<10000x128xf32, #tpu.memory_space<hbm>>
    tpu.wait_indirect_dma semaphore(%arg9 : memref<!tpu.dma_semaphore, #tpu.memory_space<semaphore_mem>>) src(%dma_wait3A_218 : memref<10000x128xf32, #tpu.memory_space<hbm>>) dst(%dma_wait3A_212 : memref<128x128xf32, #tpu.memory_space<vmem>>)
    %sub3A_219 = arith.constant 1 : i32
    %sub3A_220 = arith.subi %sub3A_146, %sub3A_219 : i32
    %dma_wait3A_221 = arith.constant 1 : i32
    %dma_wait3A_222 = arith.constant 0 : i32
    %dma_wait3A_223 = arith.constant 0 : i32
    %dma_wait3A_224 = tpu.memref_slice %arg7[%dma_wait3A_221, %dma_wait3A_222, %dma_wait3A_223] : memref<2x128x128xf32, #tpu.memory_space<vmem>> -> memref<1x128x128xf32, #tpu.memory_space<vmem>>
    %dma_wait3A_225 = tpu.memref_squeeze %dma_wait3A_224 : memref<1x128x128xf32, #tpu.memory_space<vmem>> -> memref<128x128xf32, #tpu.memory_space<vmem>>
    %dma_wait3A_226 = arith.constant 0 : i32
    %dma_wait3A_227 = tpu.memref_slice %arg5[%sub3A_220, %dma_wait3A_226] : memref<48x128xi32, #tpu.memory_space<vmem>> -> memref<1x128xi32, #tpu.memory_space<vmem>>
    %dma_wait3A_228 = tpu.memref_squeeze %dma_wait3A_227 : memref<1x128xi32, #tpu.memory_space<vmem>> -> memref<128xi32, #tpu.memory_space<vmem>>
    %dma_wait3A_229 = arith.constant 0 : i32
    %dma_wait3A_230 = arith.constant 0 : i32
    %dma_wait3A_231 = tpu.memref_slice %arg3[%dma_wait3A_229, %dma_wait3A_230] : memref<10000x128xf32, #tpu.memory_space<hbm>> -> memref<10000x128xf32, #tpu.memory_space<hbm>>
    tpu.wait_indirect_dma semaphore(%arg10 : memref<!tpu.dma_semaphore, #tpu.memory_space<semaphore_mem>>) src(%dma_wait3A_231 : memref<10000x128xf32, #tpu.memory_space<hbm>>) dst(%dma_wait3A_225 : memref<128x128xf32, #tpu.memory_space<vmem>>)
    %eq3A = arith.constant 0 : i32
    %eq3A_232 = arith.cmpi eq, %add3A, %eq3A : i32
    %convert_element_type3A = arith.extui %eq3A_232 : i1 to i32
    %cond3A = arith.constant 0 : i32
    %cond3A_233 = arith.cmpi ne, %convert_element_type3A, %cond3A : i32
    scf.if %cond3A_233 {
      %multiple_of3A_239 = arith.constant 2496 : i32
      %multiple_of3A_240 = tpu.assume_multiple %multiple_of3A_239, 8 : i32
      %run_scoped3A_241 = arith.constant 0 : i32
      "tpu.region"() ({
        %run_scoped3A_249 = tpu.sem_alloc : memref<!tpu.dma_semaphore, #tpu.memory_space<semaphore_mem>>
        %dma_start3A_250 = arith.constant 0 : i32
        %dma_start3A_251 = arith.constant 0 : i32
        %dma_start3A_252 = tpu.memref_slice %arg5[%dma_start3A_250, %dma_start3A_251] : memref<48x128xi32, #tpu.memory_space<vmem>> -> memref<4x128xi32, #tpu.memory_space<vmem>>
        %dma_start3A_253 = arith.constant 0 : i32
        %dma_start3A_254 = tpu.memref_slice %arg2[%run_scoped3A_241, %multiple_of3A_240, %dma_start3A_253] : memref<2x2500x128xi32, #tpu.memory_space<hbm>> -> memref<1x4x128xi32, #tpu.memory_space<hbm>>
        %dma_start3A_255 = tpu.memref_squeeze %dma_start3A_254 : memref<1x4x128xi32, #tpu.memory_space<hbm>> -> memref<4x128xi32, #tpu.memory_space<hbm>>
        %dma_start3A_256 = arith.constant 0 : i32
        %dma_start3A_257 = arith.constant 0 : i32
        %dma_start3A_258 = tpu.memref_slice %arg5[%dma_start3A_256, %dma_start3A_257] : memref<48x128xi32, #tpu.memory_space<vmem>> -> memref<4x128xi32, #tpu.memory_space<vmem>>
        %dma_start3A_259 = arith.constant 0 : i32
        %dma_start3A_260 = tpu.memref_slice %arg2[%run_scoped3A_241, %multiple_of3A_240, %dma_start3A_259] : memref<2x2500x128xi32, #tpu.memory_space<hbm>> -> memref<1x4x128xi32, #tpu.memory_space<hbm>>
        %dma_start3A_261 = tpu.memref_squeeze %dma_start3A_260 : memref<1x4x128xi32, #tpu.memory_space<hbm>> -> memref<4x128xi32, #tpu.memory_space<hbm>>
        tpu.enqueue_dma source(%dma_start3A_261 : memref<4x128xi32, #tpu.memory_space<hbm>>) target(%dma_start3A_258 : memref<4x128xi32, #tpu.memory_space<vmem>>) target_semaphore(%run_scoped3A_249 : memref<!tpu.dma_semaphore, #tpu.memory_space<semaphore_mem>>)
        %dma_wait3A_262 = arith.constant 0 : i32
        %dma_wait3A_263 = arith.constant 0 : i32
        %dma_wait3A_264 = tpu.memref_slice %arg5[%dma_wait3A_262, %dma_wait3A_263] : memref<48x128xi32, #tpu.memory_space<vmem>> -> memref<4x128xi32, #tpu.memory_space<vmem>>
        %dma_wait3A_265 = arith.constant 0 : i32
        %dma_wait3A_266 = tpu.memref_slice %arg2[%run_scoped3A_241, %multiple_of3A_240, %dma_wait3A_265] : memref<2x2500x128xi32, #tpu.memory_space<hbm>> -> memref<1x4x128xi32, #tpu.memory_space<hbm>>
        %dma_wait3A_267 = tpu.memref_squeeze %dma_wait3A_266 : memref<1x4x128xi32, #tpu.memory_space<hbm>> -> memref<4x128xi32, #tpu.memory_space<hbm>>
        %dma_wait3A_268 = arith.constant 0 : i32
        %dma_wait3A_269 = arith.constant 0 : i32
        %dma_wait3A_270 = tpu.memref_slice %arg5[%dma_wait3A_268, %dma_wait3A_269] : memref<48x128xi32, #tpu.memory_space<vmem>> -> memref<4x128xi32, #tpu.memory_space<vmem>>
        %dma_wait3A_271 = arith.constant 0 : i32
        %dma_wait3A_272 = tpu.memref_slice %arg2[%run_scoped3A_241, %multiple_of3A_240, %dma_wait3A_271] : memref<2x2500x128xi32, #tpu.memory_space<hbm>> -> memref<1x4x128xi32, #tpu.memory_space<hbm>>
        %dma_wait3A_273 = tpu.memref_squeeze %dma_wait3A_272 : memref<1x4x128xi32, #tpu.memory_space<hbm>> -> memref<4x128xi32, #tpu.memory_space<hbm>>
        tpu.wait_dma2 semaphore(%run_scoped3A_249 : memref<!tpu.dma_semaphore, #tpu.memory_space<semaphore_mem>>) src(%dma_wait3A_273 : memref<4x128xi32, #tpu.memory_space<hbm>>) dst(%dma_wait3A_270 : memref<4x128xi32, #tpu.memory_space<vmem>>)
        tpu.yield
      }) : () -> ()
      %run_scoped3A_242 = arith.constant 1 : i32
      "tpu.region"() ({
        %run_scoped3A_249 = tpu.sem_alloc : memref<!tpu.dma_semaphore, #tpu.memory_space<semaphore_mem>>
        %dma_start3A_250 = arith.constant 0 : i32
        %dma_start3A_251 = arith.constant 0 : i32
        %dma_start3A_252 = tpu.memref_slice %arg6[%dma_start3A_250, %dma_start3A_251] : memref<48x128xi32, #tpu.memory_space<vmem>> -> memref<4x128xi32, #tpu.memory_space<vmem>>
        %dma_start3A_253 = arith.constant 0 : i32
        %dma_start3A_254 = tpu.memref_slice %arg2[%run_scoped3A_242, %multiple_of3A_240, %dma_start3A_253] : memref<2x2500x128xi32, #tpu.memory_space<hbm>> -> memref<1x4x128xi32, #tpu.memory_space<hbm>>
        %dma_start3A_255 = tpu.memref_squeeze %dma_start3A_254 : memref<1x4x128xi32, #tpu.memory_space<hbm>> -> memref<4x128xi32, #tpu.memory_space<hbm>>
        %dma_start3A_256 = arith.constant 0 : i32
        %dma_start3A_257 = arith.constant 0 : i32
        %dma_start3A_258 = tpu.memref_slice %arg6[%dma_start3A_256, %dma_start3A_257] : memref<48x128xi32, #tpu.memory_space<vmem>> -> memref<4x128xi32, #tpu.memory_space<vmem>>
        %dma_start3A_259 = arith.constant 0 : i32
        %dma_start3A_260 = tpu.memref_slice %arg2[%run_scoped3A_242, %multiple_of3A_240, %dma_start3A_259] : memref<2x2500x128xi32, #tpu.memory_space<hbm>> -> memref<1x4x128xi32, #tpu.memory_space<hbm>>
        %dma_start3A_261 = tpu.memref_squeeze %dma_start3A_260 : memref<1x4x128xi32, #tpu.memory_space<hbm>> -> memref<4x128xi32, #tpu.memory_space<hbm>>
        tpu.enqueue_dma source(%dma_start3A_261 : memref<4x128xi32, #tpu.memory_space<hbm>>) target(%dma_start3A_258 : memref<4x128xi32, #tpu.memory_space<vmem>>) target_semaphore(%run_scoped3A_249 : memref<!tpu.dma_semaphore, #tpu.memory_space<semaphore_mem>>)
        %dma_wait3A_262 = arith.constant 0 : i32
        %dma_wait3A_263 = arith.constant 0 : i32
        %dma_wait3A_264 = tpu.memref_slice %arg6[%dma_wait3A_262, %dma_wait3A_263] : memref<48x128xi32, #tpu.memory_space<vmem>> -> memref<4x128xi32, #tpu.memory_space<vmem>>
        %dma_wait3A_265 = arith.constant 0 : i32
        %dma_wait3A_266 = tpu.memref_slice %arg2[%run_scoped3A_242, %multiple_of3A_240, %dma_wait3A_265] : memref<2x2500x128xi32, #tpu.memory_space<hbm>> -> memref<1x4x128xi32, #tpu.memory_space<hbm>>
        %dma_wait3A_267 = tpu.memref_squeeze %dma_wait3A_266 : memref<1x4x128xi32, #tpu.memory_space<hbm>> -> memref<4x128xi32, #tpu.memory_space<hbm>>
        %dma_wait3A_268 = arith.constant 0 : i32
        %dma_wait3A_269 = arith.constant 0 : i32
        %dma_wait3A_270 = tpu.memref_slice %arg6[%dma_wait3A_268, %dma_wait3A_269] : memref<48x128xi32, #tpu.memory_space<vmem>> -> memref<4x128xi32, #tpu.memory_space<vmem>>
        %dma_wait3A_271 = arith.constant 0 : i32
        %dma_wait3A_272 = tpu.memref_slice %arg2[%run_scoped3A_242, %multiple_of3A_240, %dma_wait3A_271] : memref<2x2500x128xi32, #tpu.memory_space<hbm>> -> memref<1x4x128xi32, #tpu.memory_space<hbm>>
        %dma_wait3A_273 = tpu.memref_squeeze %dma_wait3A_272 : memref<1x4x128xi32, #tpu.memory_space<hbm>> -> memref<4x128xi32, #tpu.memory_space<hbm>>
        tpu.wait_dma2 semaphore(%run_scoped3A_249 : memref<!tpu.dma_semaphore, #tpu.memory_space<semaphore_mem>>) src(%dma_wait3A_273 : memref<4x128xi32, #tpu.memory_space<hbm>>) dst(%dma_wait3A_270 : memref<4x128xi32, #tpu.memory_space<vmem>>)
        tpu.yield
      }) : () -> ()
      %scan3A_243 = arith.constant 0 : i32
      %scan3A_244 = arith.constant 0 : i32
      %scan3A_245 = arith.constant 4 : i32
      %scan3A_246 = arith.addi %scan3A_244, %scan3A_245 : i32
      %scan3A_247 = arith.constant 1 : i32
      scf.for %scan3A_249 = %scan3A_244 to %scan3A_246 step %scan3A_247  : i32 {
        %dma_start3A_250 = arith.constant 0 : i32
        %dma_start3A_251 = arith.constant 0 : i32
        %dma_start3A_252 = arith.constant 0 : i32
        %dma_start3A_253 = tpu.memref_slice %arg7[%dma_start3A_250, %dma_start3A_251, %dma_start3A_252] : memref<2x128x128xf32, #tpu.memory_space<vmem>> -> memref<1x128x128xf32, #tpu.memory_space<vmem>>
        %dma_start3A_254 = tpu.memref_squeeze %dma_start3A_253 : memref<1x128x128xf32, #tpu.memory_space<vmem>> -> memref<128x128xf32, #tpu.memory_space<vmem>>
        %dma_start3A_255 = arith.constant 0 : i32
        %dma_start3A_256 = tpu.memref_slice %arg5[%scan3A_249, %dma_start3A_255] : memref<48x128xi32, #tpu.memory_space<vmem>> -> memref<1x128xi32, #tpu.memory_space<vmem>>
        %dma_start3A_257 = tpu.memref_squeeze %dma_start3A_256 : memref<1x128xi32, #tpu.memory_space<vmem>> -> memref<128xi32, #tpu.memory_space<vmem>>
        %dma_start3A_258 = arith.constant 0 : i32
        %dma_start3A_259 = arith.constant 0 : i32
        %dma_start3A_260 = tpu.memref_slice %arg3[%dma_start3A_258, %dma_start3A_259] : memref<10000x128xf32, #tpu.memory_space<hbm>> -> memref<10000x128xf32, #tpu.memory_space<hbm>>
        tpu.enqueue_indirect_dma source(%dma_start3A_260 : memref<10000x128xf32, #tpu.memory_space<hbm>>) target(%dma_start3A_254 : memref<128x128xf32, #tpu.memory_space<vmem>>) offsets(%dma_start3A_257 : memref<128xi32, #tpu.memory_space<vmem>>) semaphore(%arg9 : memref<!tpu.dma_semaphore, #tpu.memory_space<semaphore_mem>>)
        %dma_wait3A_261 = arith.constant 0 : i32
        %dma_wait3A_262 = arith.constant 0 : i32
        %dma_wait3A_263 = arith.constant 0 : i32
        %dma_wait3A_264 = tpu.memref_slice %arg7[%dma_wait3A_261, %dma_wait3A_262, %dma_wait3A_263] : memref<2x128x128xf32, #tpu.memory_space<vmem>> -> memref<1x128x128xf32, #tpu.memory_space<vmem>>
        %dma_wait3A_265 = tpu.memref_squeeze %dma_wait3A_264 : memref<1x128x128xf32, #tpu.memory_space<vmem>> -> memref<128x128xf32, #tpu.memory_space<vmem>>
        %dma_wait3A_266 = arith.constant 0 : i32
        %dma_wait3A_267 = tpu.memref_slice %arg5[%scan3A_249, %dma_wait3A_266] : memref<48x128xi32, #tpu.memory_space<vmem>> -> memref<1x128xi32, #tpu.memory_space<vmem>>
        %dma_wait3A_268 = tpu.memref_squeeze %dma_wait3A_267 : memref<1x128xi32, #tpu.memory_space<vmem>> -> memref<128xi32, #tpu.memory_space<vmem>>
        %dma_wait3A_269 = arith.constant 0 : i32
        %dma_wait3A_270 = arith.constant 0 : i32
        %dma_wait3A_271 = tpu.memref_slice %arg3[%dma_wait3A_269, %dma_wait3A_270] : memref<10000x128xf32, #tpu.memory_space<hbm>> -> memref<10000x128xf32, #tpu.memory_space<hbm>>
        tpu.wait_indirect_dma semaphore(%arg9 : memref<!tpu.dma_semaphore, #tpu.memory_space<semaphore_mem>>) src(%dma_wait3A_271 : memref<10000x128xf32, #tpu.memory_space<hbm>>) dst(%dma_wait3A_265 : memref<128x128xf32, #tpu.memory_space<vmem>>)
        %run_scoped3A_272 = arith.constant 0 : i32
        "tpu.region"() ({
          %run_scoped3A_273 = tpu.sem_alloc : memref<!tpu.dma_semaphore, #tpu.memory_space<semaphore_mem>>
          %dma_start3A_274 = arith.constant 0 : i32
          %dma_start3A_275 = arith.constant 0 : i32
          %dma_start3A_276 = tpu.memref_slice %arg7[%run_scoped3A_272, %dma_start3A_274, %dma_start3A_275] : memref<2x128x128xf32, #tpu.memory_space<vmem>> -> memref<1x128x128xf32, #tpu.memory_space<vmem>>
          %dma_start3A_277 = tpu.memref_squeeze %dma_start3A_276 : memref<1x128x128xf32, #tpu.memory_space<vmem>> -> memref<128x128xf32, #tpu.memory_space<vmem>>
          %dma_start3A_278 = arith.constant 0 : i32
          %dma_start3A_279 = tpu.memref_slice %arg6[%scan3A_249, %dma_start3A_278] : memref<48x128xi32, #tpu.memory_space<vmem>> -> memref<1x128xi32, #tpu.memory_space<vmem>>
          %dma_start3A_280 = tpu.memref_squeeze %dma_start3A_279 : memref<1x128xi32, #tpu.memory_space<vmem>> -> memref<128xi32, #tpu.memory_space<vmem>>
          %dma_start3A_281 = arith.constant 0 : i32
          %dma_start3A_282 = arith.constant 0 : i32
          %dma_start3A_283 = tpu.memref_slice %arg8[%dma_start3A_281, %dma_start3A_282] : memref<10240x128xf32, #tpu.memory_space<vmem_shared>> -> memref<10240x128xf32, #tpu.memory_space<vmem_shared>>
          tpu.enqueue_indirect_dma source(%dma_start3A_277 : memref<128x128xf32, #tpu.memory_space<vmem>>) target(%dma_start3A_283 : memref<10240x128xf32, #tpu.memory_space<vmem_shared>>) offsets(%dma_start3A_280 : memref<128xi32, #tpu.memory_space<vmem>>) semaphore(%run_scoped3A_273 : memref<!tpu.dma_semaphore, #tpu.memory_space<semaphore_mem>>) {add = true}
          %dma_wait3A_284 = arith.constant 0 : i32
          %dma_wait3A_285 = arith.constant 0 : i32
          %dma_wait3A_286 = tpu.memref_slice %arg7[%run_scoped3A_272, %dma_wait3A_284, %dma_wait3A_285] : memref<2x128x128xf32, #tpu.memory_space<vmem>> -> memref<1x128x128xf32, #tpu.memory_space<vmem>>
          %dma_wait3A_287 = tpu.memref_squeeze %dma_wait3A_286 : memref<1x128x128xf32, #tpu.memory_space<vmem>> -> memref<128x128xf32, #tpu.memory_space<vmem>>
          %dma_wait3A_288 = arith.constant 0 : i32
          %dma_wait3A_289 = tpu.memref_slice %arg6[%scan3A_249, %dma_wait3A_288] : memref<48x128xi32, #tpu.memory_space<vmem>> -> memref<1x128xi32, #tpu.memory_space<vmem>>
          %dma_wait3A_290 = tpu.memref_squeeze %dma_wait3A_289 : memref<1x128xi32, #tpu.memory_space<vmem>> -> memref<128xi32, #tpu.memory_space<vmem>>
          %dma_wait3A_291 = arith.constant 0 : i32
          %dma_wait3A_292 = arith.constant 0 : i32
          %dma_wait3A_293 = tpu.memref_slice %arg8[%dma_wait3A_291, %dma_wait3A_292] : memref<10240x128xf32, #tpu.memory_space<vmem_shared>> -> memref<10240x128xf32, #tpu.memory_space<vmem_shared>>
          tpu.wait_indirect_dma semaphore(%run_scoped3A_273 : memref<!tpu.dma_semaphore, #tpu.memory_space<semaphore_mem>>) src(%dma_wait3A_287 : memref<128x128xf32, #tpu.memory_space<vmem>>) dst(%dma_wait3A_293 : memref<10240x128xf32, #tpu.memory_space<vmem_shared>>)
          tpu.yield
        }) : () -> ()
      }
      %scan3A_248 = arith.constant 4 : i32
    } else {
    }
    %barrier3A_234 = arith.constant 0 : index
    tpu.barrier barrier_id(%barrier3A_234)
    %mul3A_235 = arith.constant 640 : i32
    %mul3A_236 = arith.muli %arg1, %mul3A_235 : i32
    %mul3A_237 = arith.constant 640 : i32
    %mul3A_238 = arith.muli %arg1, %mul3A_237 : i32
    "tpu.region"() ({
      %run_scoped3A_239 = tpu.sem_alloc : memref<!tpu.dma_semaphore, #tpu.memory_space<semaphore_mem>>
      %dma_start3A_240 = arith.constant 0 : i32
      %dma_start3A_241 = tpu.memref_slice %arg4[%arg0, %mul3A_238, %dma_start3A_240] : memref<2x10240x128xf32, #tpu.memory_space<hbm>> -> memref<1x640x128xf32, #tpu.memory_space<hbm>>
      %dma_start3A_242 = tpu.memref_squeeze %dma_start3A_241 : memref<1x640x128xf32, #tpu.memory_space<hbm>> -> memref<640x128xf32, #tpu.memory_space<hbm>>
      %dma_start3A_243 = arith.constant 0 : i32
      %dma_start3A_244 = tpu.memref_slice %arg8[%mul3A_236, %dma_start3A_243] : memref<10240x128xf32, #tpu.memory_space<vmem_shared>> -> memref<640x128xf32, #tpu.memory_space<vmem_shared>>
      tpu.enqueue_dma source(%dma_start3A_244 : memref<640x128xf32, #tpu.memory_space<vmem_shared>>) target(%dma_start3A_242 : memref<640x128xf32, #tpu.memory_space<hbm>>) target_semaphore(%run_scoped3A_239 : memref<!tpu.dma_semaphore, #tpu.memory_space<semaphore_mem>>)
      %dma_wait3A_245 = arith.constant 0 : i32
      %dma_wait3A_246 = tpu.memref_slice %arg4[%arg0, %mul3A_238, %dma_wait3A_245] : memref<2x10240x128xf32, #tpu.memory_space<hbm>> -> memref<1x640x128xf32, #tpu.memory_space<hbm>>
      %dma_wait3A_247 = tpu.memref_squeeze %dma_wait3A_246 : memref<1x640x128xf32, #tpu.memory_space<hbm>> -> memref<640x128xf32, #tpu.memory_space<hbm>>
      %dma_wait3A_248 = arith.constant 0 : i32
      %dma_wait3A_249 = tpu.memref_slice %arg8[%mul3A_236, %dma_wait3A_248] : memref<10240x128xf32, #tpu.memory_space<vmem_shared>> -> memref<640x128xf32, #tpu.memory_space<vmem_shared>>
      tpu.wait_dma2 semaphore(%run_scoped3A_239 : memref<!tpu.dma_semaphore, #tpu.memory_space<semaphore_mem>>) src(%dma_wait3A_249 : memref<640x128xf32, #tpu.memory_space<vmem_shared>>) dst(%dma_wait3A_247 : memref<640x128xf32, #tpu.memory_space<hbm>>)
      tpu.yield
    }) : () -> ()
    return
  }
}

#map = affine_map<(d0, d1) -> (0, 0, 0)>
#map1 = affine_map<(d0, d1) -> (0)>
#map2 = affine_map<(d0, d1) -> (0, 0)>
module attributes {stable_mosaic.version = 14 : i64} {
  func.func @_deg_kernel(%arg0: i32, %arg1: i32, %arg2: memref<2x2500x128xi32, #tpu.memory_space<hbm>>, %arg3: memref<10000xf32, #tpu.memory_space<hbm>>, %arg4: memref<4x10000xf32, #tpu.memory_space<hbm>>, %arg5: memref<48x128xi32, #tpu.memory_space<vmem>>, %arg6: memref<48x128xi32, #tpu.memory_space<vmem>>, %arg7: memref<128xf32, #tpu.memory_space<vmem>>, %arg8: memref<10000xf32, #tpu.memory_space<vmem_shared>>, %arg9: memref<10000xf32, #tpu.memory_space<vmem_shared>>, %arg10: memref<!tpu.dma_semaphore, #tpu.memory_space<semaphore_mem>>, %arg11: memref<!tpu.dma_semaphore, #tpu.memory_space<semaphore_mem>>, %arg12: memref<!tpu.dma_semaphore, #tpu.memory_space<semaphore_mem>>, %arg13: memref<!tpu.dma_semaphore, #tpu.memory_space<semaphore_mem>>, %arg14: memref<!tpu.dma_semaphore, #tpu.memory_space<semaphore_mem>>, %arg15: memref<!tpu.dma_semaphore, #tpu.memory_space<semaphore_mem>>, %arg16: memref<!tpu.dma_semaphore, #tpu.memory_space<semaphore_mem>>, %arg17: memref<!tpu.dma_semaphore, #tpu.memory_space<semaphore_mem>>) attributes {dimension_semantics = [#tpu.dimension_semantics<core_parallel>, #tpu.dimension_semantics<subcore_parallel>], iteration_bounds = array<i64: 2, 16>, scalar_prefetch = 0 : i64, scratch_operands = 13 : i64, tpu.core_type = #tpu.core_type<sc_vector_subcore>, window_params = [{transform_indices = #map}, {transform_indices = #map1}, {transform_indices = #map2}]} {
    %mul3A = arith.constant 2 : i32
    %mul3A_0 = arith.muli %arg1, %mul3A : i32
    %add3A = arith.addi %mul3A_0, %arg0 : i32
    %mul3A_1 = arith.constant 312 : i32
    %mul3A_2 = arith.muli %add3A, %mul3A_1 : i32
    %jit3A = arith.constant 32 : i32
    %div3A = arith.divsi %mul3A_2, %jit3A : i32
    %sign3A = arith.constant 0 : i32
    %sign3A_3 = arith.cmpi sgt, %mul3A_2, %sign3A : i32
    %sign3A_4 = arith.extui %sign3A_3 : i1 to i32
    %sign3A_5 = arith.constant 0 : i32
    %sign3A_6 = arith.cmpi slt, %mul3A_2, %sign3A_5 : i32
    %sign3A_7 = arith.extui %sign3A_6 : i1 to i32
    %sign3A_8 = arith.subi %sign3A_4, %sign3A_7 : i32
    %sign3A_9 = arith.constant 0 : i32
    %sign3A_10 = arith.cmpi sgt, %jit3A, %sign3A_9 : i32
    %sign3A_11 = arith.extui %sign3A_10 : i1 to i32
    %sign3A_12 = arith.constant 0 : i32
    %sign3A_13 = arith.cmpi slt, %jit3A, %sign3A_12 : i32
    %sign3A_14 = arith.extui %sign3A_13 : i1 to i32
    %sign3A_15 = arith.subi %sign3A_11, %sign3A_14 : i32
    %ne3A = arith.cmpi ne, %sign3A_8, %sign3A_15 : i32
    %rem3A = arith.remsi %mul3A_2, %jit3A : i32
    %ne3A_16 = arith.constant 0 : i32
    %ne3A_17 = arith.cmpi ne, %rem3A, %ne3A_16 : i32
    %and3A = arith.andi %ne3A, %ne3A_17 : i1
    %sub3A = arith.constant 1 : i32
    %sub3A_18 = arith.subi %div3A, %sub3A : i32
    %select_n3A = arith.select %and3A, %sub3A_18, %div3A : i32
    %mul3A_19 = arith.constant 8 : i32
    %mul3A_20 = arith.muli %mul3A_19, %select_n3A : i32
    %add3A_21 = arith.constant 1 : i32
    %add3A_22 = arith.addi %add3A, %add3A_21 : i32
    %mul3A_23 = arith.constant 312 : i32
    %mul3A_24 = arith.muli %add3A_22, %mul3A_23 : i32
    %jit3A_25 = arith.constant 32 : i32
    %div3A_26 = arith.divsi %mul3A_24, %jit3A_25 : i32
    %sign3A_27 = arith.constant 0 : i32
    %sign3A_28 = arith.cmpi sgt, %mul3A_24, %sign3A_27 : i32
    %sign3A_29 = arith.extui %sign3A_28 : i1 to i32
    %sign3A_30 = arith.constant 0 : i32
    %sign3A_31 = arith.cmpi slt, %mul3A_24, %sign3A_30 : i32
    %sign3A_32 = arith.extui %sign3A_31 : i1 to i32
    %sign3A_33 = arith.subi %sign3A_29, %sign3A_32 : i32
    %sign3A_34 = arith.constant 0 : i32
    %sign3A_35 = arith.cmpi sgt, %jit3A_25, %sign3A_34 : i32
    %sign3A_36 = arith.extui %sign3A_35 : i1 to i32
    %sign3A_37 = arith.constant 0 : i32
    %sign3A_38 = arith.cmpi slt, %jit3A_25, %sign3A_37 : i32
    %sign3A_39 = arith.extui %sign3A_38 : i1 to i32
    %sign3A_40 = arith.subi %sign3A_36, %sign3A_39 : i32
    %ne3A_41 = arith.cmpi ne, %sign3A_33, %sign3A_40 : i32
    %rem3A_42 = arith.remsi %mul3A_24, %jit3A_25 : i32
    %ne3A_43 = arith.constant 0 : i32
    %ne3A_44 = arith.cmpi ne, %rem3A_42, %ne3A_43 : i32
    %and3A_45 = arith.andi %ne3A_41, %ne3A_44 : i1
    %sub3A_46 = arith.constant 1 : i32
    %sub3A_47 = arith.subi %div3A_26, %sub3A_46 : i32
    %select_n3A_48 = arith.select %and3A_45, %sub3A_47, %div3A_26 : i32
    %mul3A_49 = arith.constant 8 : i32
    %mul3A_50 = arith.muli %mul3A_49, %select_n3A_48 : i32
    %eq3A = arith.constant 0 : i32
    %eq3A_51 = arith.cmpi eq, %arg1, %eq3A : i32
    %convert_element_type3A = arith.extui %eq3A_51 : i1 to i32
    %cond3A = arith.constant 0 : i32
    %cond3A_52 = arith.cmpi ne, %convert_element_type3A, %cond3A : i32
    scf.if %cond3A_52 {
      "tpu.region"() ({
        %run_scoped3A_168 = tpu.sem_alloc : memref<!tpu.dma_semaphore, #tpu.memory_space<semaphore_mem>>
        tpu.enqueue_dma source(%arg3 : memref<10000xf32, #tpu.memory_space<hbm>>) target(%arg8 : memref<10000xf32, #tpu.memory_space<vmem_shared>>) target_semaphore(%run_scoped3A_168 : memref<!tpu.dma_semaphore, #tpu.memory_space<semaphore_mem>>)
        tpu.wait_dma2 semaphore(%run_scoped3A_168 : memref<!tpu.dma_semaphore, #tpu.memory_space<semaphore_mem>>) src(%arg3 : memref<10000xf32, #tpu.memory_space<hbm>>) dst(%arg8 : memref<10000xf32, #tpu.memory_space<vmem_shared>>)
        tpu.yield
      }) : () -> ()
      "tpu.region"() ({
        %run_scoped3A_168 = tpu.sem_alloc : memref<!tpu.dma_semaphore, #tpu.memory_space<semaphore_mem>>
        tpu.enqueue_dma source(%arg3 : memref<10000xf32, #tpu.memory_space<hbm>>) target(%arg9 : memref<10000xf32, #tpu.memory_space<vmem_shared>>) target_semaphore(%run_scoped3A_168 : memref<!tpu.dma_semaphore, #tpu.memory_space<semaphore_mem>>)
        tpu.wait_dma2 semaphore(%run_scoped3A_168 : memref<!tpu.dma_semaphore, #tpu.memory_space<semaphore_mem>>) src(%arg3 : memref<10000xf32, #tpu.memory_space<hbm>>) dst(%arg9 : memref<10000xf32, #tpu.memory_space<vmem_shared>>)
        tpu.yield
      }) : () -> ()
    } else {
    }
    %broadcast_in_dim3A = arith.constant 1.000000e+00 : f32
    %broadcast_in_dim3A_53 = vector.broadcast %broadcast_in_dim3A : f32 to vector<16xf32>
    %swap3A = arith.constant 0 : index
    %swap3A_54 = tpu.vector_load %arg7[%swap3A] {strides = array<i32>} : memref<128xf32, #tpu.memory_space<vmem>>, vector<16xf32>,
    %swap3A_55 = vector.shape_cast %swap3A_54 : vector<16xf32> to vector<16xf32>
    %swap3A_56 = vector.shape_cast %broadcast_in_dim3A_53 : vector<16xf32> to vector<16xf32>
    tpu.vector_store %arg7[%swap3A], %swap3A_56 {strides = array<i32>} : memref<128xf32, #tpu.memory_space<vmem>>, vector<16xf32>,
    %broadcast_in_dim3A_57 = arith.constant 1.000000e+00 : f32
    %broadcast_in_dim3A_58 = vector.broadcast %broadcast_in_dim3A_57 : f32 to vector<16xf32>
    %swap3A_59 = arith.constant 16 : index
    %swap3A_60 = tpu.vector_load %arg7[%swap3A_59] {strides = array<i32>} : memref<128xf32, #tpu.memory_space<vmem>>, vector<16xf32>,
    %swap3A_61 = vector.shape_cast %swap3A_60 : vector<16xf32> to vector<16xf32>
    %swap3A_62 = vector.shape_cast %broadcast_in_dim3A_58 : vector<16xf32> to vector<16xf32>
    tpu.vector_store %arg7[%swap3A_59], %swap3A_62 {strides = array<i32>} : memref<128xf32, #tpu.memory_space<vmem>>, vector<16xf32>,
    %broadcast_in_dim3A_63 = arith.constant 1.000000e+00 : f32
    %broadcast_in_dim3A_64 = vector.broadcast %broadcast_in_dim3A_63 : f32 to vector<16xf32>
    %swap3A_65 = arith.constant 32 : index
    %swap3A_66 = tpu.vector_load %arg7[%swap3A_65] {strides = array<i32>} : memref<128xf32, #tpu.memory_space<vmem>>, vector<16xf32>,
    %swap3A_67 = vector.shape_cast %swap3A_66 : vector<16xf32> to vector<16xf32>
    %swap3A_68 = vector.shape_cast %broadcast_in_dim3A_64 : vector<16xf32> to vector<16xf32>
    tpu.vector_store %arg7[%swap3A_65], %swap3A_68 {strides = array<i32>} : memref<128xf32, #tpu.memory_space<vmem>>, vector<16xf32>,
    %broadcast_in_dim3A_69 = arith.constant 1.000000e+00 : f32
    %broadcast_in_dim3A_70 = vector.broadcast %broadcast_in_dim3A_69 : f32 to vector<16xf32>
    %swap3A_71 = arith.constant 48 : index
    %swap3A_72 = tpu.vector_load %arg7[%swap3A_71] {strides = array<i32>} : memref<128xf32, #tpu.memory_space<vmem>>, vector<16xf32>,
    %swap3A_73 = vector.shape_cast %swap3A_72 : vector<16xf32> to vector<16xf32>
    %swap3A_74 = vector.shape_cast %broadcast_in_dim3A_70 : vector<16xf32> to vector<16xf32>
    tpu.vector_store %arg7[%swap3A_71], %swap3A_74 {strides = array<i32>} : memref<128xf32, #tpu.memory_space<vmem>>, vector<16xf32>,
    %broadcast_in_dim3A_75 = arith.constant 1.000000e+00 : f32
    %broadcast_in_dim3A_76 = vector.broadcast %broadcast_in_dim3A_75 : f32 to vector<16xf32>
    %swap3A_77 = arith.constant 64 : index
    %swap3A_78 = tpu.vector_load %arg7[%swap3A_77] {strides = array<i32>} : memref<128xf32, #tpu.memory_space<vmem>>, vector<16xf32>,
    %swap3A_79 = vector.shape_cast %swap3A_78 : vector<16xf32> to vector<16xf32>
    %swap3A_80 = vector.shape_cast %broadcast_in_dim3A_76 : vector<16xf32> to vector<16xf32>
    tpu.vector_store %arg7[%swap3A_77], %swap3A_80 {strides = array<i32>} : memref<128xf32, #tpu.memory_space<vmem>>, vector<16xf32>,
    %broadcast_in_dim3A_81 = arith.constant 1.000000e+00 : f32
    %broadcast_in_dim3A_82 = vector.broadcast %broadcast_in_dim3A_81 : f32 to vector<16xf32>
    %swap3A_83 = arith.constant 80 : index
    %swap3A_84 = tpu.vector_load %arg7[%swap3A_83] {strides = array<i32>} : memref<128xf32, #tpu.memory_space<vmem>>, vector<16xf32>,
    %swap3A_85 = vector.shape_cast %swap3A_84 : vector<16xf32> to vector<16xf32>
    %swap3A_86 = vector.shape_cast %broadcast_in_dim3A_82 : vector<16xf32> to vector<16xf32>
    tpu.vector_store %arg7[%swap3A_83], %swap3A_86 {strides = array<i32>} : memref<128xf32, #tpu.memory_space<vmem>>, vector<16xf32>,
    %broadcast_in_dim3A_87 = arith.constant 1.000000e+00 : f32
    %broadcast_in_dim3A_88 = vector.broadcast %broadcast_in_dim3A_87 : f32 to vector<16xf32>
    %swap3A_89 = arith.constant 96 : index
    %swap3A_90 = tpu.vector_load %arg7[%swap3A_89] {strides = array<i32>} : memref<128xf32, #tpu.memory_space<vmem>>, vector<16xf32>,
    %swap3A_91 = vector.shape_cast %swap3A_90 : vector<16xf32> to vector<16xf32>
    %swap3A_92 = vector.shape_cast %broadcast_in_dim3A_88 : vector<16xf32> to vector<16xf32>
    tpu.vector_store %arg7[%swap3A_89], %swap3A_92 {strides = array<i32>} : memref<128xf32, #tpu.memory_space<vmem>>, vector<16xf32>,
    %broadcast_in_dim3A_93 = arith.constant 1.000000e+00 : f32
    %broadcast_in_dim3A_94 = vector.broadcast %broadcast_in_dim3A_93 : f32 to vector<16xf32>
    %swap3A_95 = arith.constant 112 : index
    %swap3A_96 = tpu.vector_load %arg7[%swap3A_95] {strides = array<i32>} : memref<128xf32, #tpu.memory_space<vmem>>, vector<16xf32>,
    %swap3A_97 = vector.shape_cast %swap3A_96 : vector<16xf32> to vector<16xf32>
    %swap3A_98 = vector.shape_cast %broadcast_in_dim3A_94 : vector<16xf32> to vector<16xf32>
    tpu.vector_store %arg7[%swap3A_95], %swap3A_98 {strides = array<i32>} : memref<128xf32, #tpu.memory_space<vmem>>, vector<16xf32>,
    %barrier3A = arith.constant 0 : index
    tpu.barrier barrier_id(%barrier3A)
    %add3A_99 = arith.constant 32 : i32
    %add3A_100 = arith.addi %mul3A_20, %add3A_99 : i32
    %jit3A_101 = arith.constant true
    %select_n3A_102 = arith.select %jit3A_101, %mul3A_20, %add3A_100 : i32
    %multiple_of3A = tpu.assume_multiple %select_n3A_102, 8 : i32
    %run_scoped3A = arith.constant 0 : i32
    "tpu.region"() ({
      %run_scoped3A_168 = tpu.sem_alloc : memref<!tpu.dma_semaphore, #tpu.memory_space<semaphore_mem>>
      %dma_start3A = arith.constant 0 : i32
      %dma_start3A_169 = tpu.memref_slice %arg2[%run_scoped3A, %multiple_of3A, %dma_start3A] : memref<2x2500x128xi32, #tpu.memory_space<hbm>> -> memref<1x48x128xi32, #tpu.memory_space<hbm>>
      %dma_start3A_170 = tpu.memref_squeeze %dma_start3A_169 : memref<1x48x128xi32, #tpu.memory_space<hbm>> -> memref<48x128xi32, #tpu.memory_space<hbm>>
      %dma_start3A_171 = arith.constant 0 : i32
      %dma_start3A_172 = tpu.memref_slice %arg2[%run_scoped3A, %multiple_of3A, %dma_start3A_171] : memref<2x2500x128xi32, #tpu.memory_space<hbm>> -> memref<1x48x128xi32, #tpu.memory_space<hbm>>
      %dma_start3A_173 = tpu.memref_squeeze %dma_start3A_172 : memref<1x48x128xi32, #tpu.memory_space<hbm>> -> memref<48x128xi32, #tpu.memory_space<hbm>>
      tpu.enqueue_dma source(%dma_start3A_173 : memref<48x128xi32, #tpu.memory_space<hbm>>) target(%arg5 : memref<48x128xi32, #tpu.memory_space<vmem>>) target_semaphore(%run_scoped3A_168 : memref<!tpu.dma_semaphore, #tpu.memory_space<semaphore_mem>>)
      %dma_wait3A = arith.constant 0 : i32
      %dma_wait3A_174 = tpu.memref_slice %arg2[%run_scoped3A, %multiple_of3A, %dma_wait3A] : memref<2x2500x128xi32, #tpu.memory_space<hbm>> -> memref<1x48x128xi32, #tpu.memory_space<hbm>>
      %dma_wait3A_175 = tpu.memref_squeeze %dma_wait3A_174 : memref<1x48x128xi32, #tpu.memory_space<hbm>> -> memref<48x128xi32, #tpu.memory_space<hbm>>
      %dma_wait3A_176 = arith.constant 0 : i32
      %dma_wait3A_177 = tpu.memref_slice %arg2[%run_scoped3A, %multiple_of3A, %dma_wait3A_176] : memref<2x2500x128xi32, #tpu.memory_space<hbm>> -> memref<1x48x128xi32, #tpu.memory_space<hbm>>
      %dma_wait3A_178 = tpu.memref_squeeze %dma_wait3A_177 : memref<1x48x128xi32, #tpu.memory_space<hbm>> -> memref<48x128xi32, #tpu.memory_space<hbm>>
      tpu.wait_dma2 semaphore(%run_scoped3A_168 : memref<!tpu.dma_semaphore, #tpu.memory_space<semaphore_mem>>) src(%dma_wait3A_178 : memref<48x128xi32, #tpu.memory_space<hbm>>) dst(%arg5 : memref<48x128xi32, #tpu.memory_space<vmem>>)
      tpu.yield
    }) : () -> ()
    %run_scoped3A_103 = arith.constant 1 : i32
    "tpu.region"() ({
      %run_scoped3A_168 = tpu.sem_alloc : memref<!tpu.dma_semaphore, #tpu.memory_space<semaphore_mem>>
      %dma_start3A = arith.constant 0 : i32
      %dma_start3A_169 = tpu.memref_slice %arg2[%run_scoped3A_103, %multiple_of3A, %dma_start3A] : memref<2x2500x128xi32, #tpu.memory_space<hbm>> -> memref<1x48x128xi32, #tpu.memory_space<hbm>>
      %dma_start3A_170 = tpu.memref_squeeze %dma_start3A_169 : memref<1x48x128xi32, #tpu.memory_space<hbm>> -> memref<48x128xi32, #tpu.memory_space<hbm>>
      %dma_start3A_171 = arith.constant 0 : i32
      %dma_start3A_172 = tpu.memref_slice %arg2[%run_scoped3A_103, %multiple_of3A, %dma_start3A_171] : memref<2x2500x128xi32, #tpu.memory_space<hbm>> -> memref<1x48x128xi32, #tpu.memory_space<hbm>>
      %dma_start3A_173 = tpu.memref_squeeze %dma_start3A_172 : memref<1x48x128xi32, #tpu.memory_space<hbm>> -> memref<48x128xi32, #tpu.memory_space<hbm>>
      tpu.enqueue_dma source(%dma_start3A_173 : memref<48x128xi32, #tpu.memory_space<hbm>>) target(%arg6 : memref<48x128xi32, #tpu.memory_space<vmem>>) target_semaphore(%run_scoped3A_168 : memref<!tpu.dma_semaphore, #tpu.memory_space<semaphore_mem>>)
      %dma_wait3A = arith.constant 0 : i32
      %dma_wait3A_174 = tpu.memref_slice %arg2[%run_scoped3A_103, %multiple_of3A, %dma_wait3A] : memref<2x2500x128xi32, #tpu.memory_space<hbm>> -> memref<1x48x128xi32, #tpu.memory_space<hbm>>
      %dma_wait3A_175 = tpu.memref_squeeze %dma_wait3A_174 : memref<1x48x128xi32, #tpu.memory_space<hbm>> -> memref<48x128xi32, #tpu.memory_space<hbm>>
      %dma_wait3A_176 = arith.constant 0 : i32
      %dma_wait3A_177 = tpu.memref_slice %arg2[%run_scoped3A_103, %multiple_of3A, %dma_wait3A_176] : memref<2x2500x128xi32, #tpu.memory_space<hbm>> -> memref<1x48x128xi32, #tpu.memory_space<hbm>>
      %dma_wait3A_178 = tpu.memref_squeeze %dma_wait3A_177 : memref<1x48x128xi32, #tpu.memory_space<hbm>> -> memref<48x128xi32, #tpu.memory_space<hbm>>
      tpu.wait_dma2 semaphore(%run_scoped3A_168 : memref<!tpu.dma_semaphore, #tpu.memory_space<semaphore_mem>>) src(%dma_wait3A_178 : memref<48x128xi32, #tpu.memory_space<hbm>>) dst(%arg6 : memref<48x128xi32, #tpu.memory_space<vmem>>)
      tpu.yield
    }) : () -> ()
    %scan3A = arith.constant 0 : i32
    %scan3A_104 = arith.constant 0 : i32
    %scan3A_105 = arith.constant 8 : i32
    %scan3A_106 = arith.addi %scan3A_104, %scan3A_105 : i32
    %scan3A_107 = arith.constant 1 : i32
    scf.for %scan3A_168 = %scan3A_104 to %scan3A_106 step %scan3A_107  : i32 {
      %mul3A_169 = arith.constant 4 : i32
      %mul3A_170 = arith.muli %mul3A_169, %scan3A_168 : i32
      %add3A_171 = arith.constant 0 : i32
      %add3A_172 = arith.addi %mul3A_170, %add3A_171 : i32
      %dma_start3A = arith.constant 0 : i32
      %dma_start3A_173 = tpu.memref_slice %arg5[%add3A_172, %dma_start3A] : memref<48x128xi32, #tpu.memory_space<vmem>> -> memref<1x128xi32, #tpu.memory_space<vmem>>
      %dma_start3A_174 = tpu.memref_squeeze %dma_start3A_173 : memref<1x128xi32, #tpu.memory_space<vmem>> -> memref<128xi32, #tpu.memory_space<vmem>>
      %dma_start3A_175 = arith.constant 0 : i32
      %dma_start3A_176 = tpu.memref_slice %arg8[%dma_start3A_175] : memref<10000xf32, #tpu.memory_space<vmem_shared>> -> memref<10000xf32, #tpu.memory_space<vmem_shared>>
      tpu.enqueue_indirect_dma source(%arg7 : memref<128xf32, #tpu.memory_space<vmem>>) target(%dma_start3A_176 : memref<10000xf32, #tpu.memory_space<vmem_shared>>) offsets(%dma_start3A_174 : memref<128xi32, #tpu.memory_space<vmem>>) semaphore(%arg10 : memref<!tpu.dma_semaphore, #tpu.memory_space<semaphore_mem>>) {add = true}
      %add3A_177 = arith.constant 0 : i32
      %add3A_178 = arith.addi %mul3A_170, %add3A_177 : i32
      %dma_start3A_179 = arith.constant 0 : i32
      %dma_start3A_180 = tpu.memref_slice %arg6[%add3A_178, %dma_start3A_179] : memref<48x128xi32, #tpu.memory_space<vmem>> -> memref<1x128xi32, #tpu.memory_space<vmem>>
      %dma_start3A_181 = tpu.memref_squeeze %dma_start3A_180 : memref<1x128xi32, #tpu.memory_space<vmem>> -> memref<128xi32, #tpu.memory_space<vmem>>
      %dma_start3A_182 = arith.constant 0 : i32
      %dma_start3A_183 = tpu.memref_slice %arg9[%dma_start3A_182] : memref<10000xf32, #tpu.memory_space<vmem_shared>> -> memref<10000xf32, #tpu.memory_space<vmem_shared>>
      tpu.enqueue_indirect_dma source(%arg7 : memref<128xf32, #tpu.memory_space<vmem>>) target(%dma_start3A_183 : memref<10000xf32, #tpu.memory_space<vmem_shared>>) offsets(%dma_start3A_181 : memref<128xi32, #tpu.memory_space<vmem>>) semaphore(%arg11 : memref<!tpu.dma_semaphore, #tpu.memory_space<semaphore_mem>>) {add = true}
      %add3A_184 = arith.constant 1 : i32
      %add3A_185 = arith.addi %mul3A_170, %add3A_184 : i32
      %dma_start3A_186 = arith.constant 0 : i32
      %dma_start3A_187 = tpu.memref_slice %arg5[%add3A_185, %dma_start3A_186] : memref<48x128xi32, #tpu.memory_space<vmem>> -> memref<1x128xi32, #tpu.memory_space<vmem>>
      %dma_start3A_188 = tpu.memref_squeeze %dma_start3A_187 : memref<1x128xi32, #tpu.memory_space<vmem>> -> memref<128xi32, #tpu.memory_space<vmem>>
      %dma_start3A_189 = arith.constant 0 : i32
      %dma_start3A_190 = tpu.memref_slice %arg8[%dma_start3A_189] : memref<10000xf32, #tpu.memory_space<vmem_shared>> -> memref<10000xf32, #tpu.memory_space<vmem_shared>>
      tpu.enqueue_indirect_dma source(%arg7 : memref<128xf32, #tpu.memory_space<vmem>>) target(%dma_start3A_190 : memref<10000xf32, #tpu.memory_space<vmem_shared>>) offsets(%dma_start3A_188 : memref<128xi32, #tpu.memory_space<vmem>>) semaphore(%arg12 : memref<!tpu.dma_semaphore, #tpu.memory_space<semaphore_mem>>) {add = true}
      %add3A_191 = arith.constant 1 : i32
      %add3A_192 = arith.addi %mul3A_170, %add3A_191 : i32
      %dma_start3A_193 = arith.constant 0 : i32
      %dma_start3A_194 = tpu.memref_slice %arg6[%add3A_192, %dma_start3A_193] : memref<48x128xi32, #tpu.memory_space<vmem>> -> memref<1x128xi32, #tpu.memory_space<vmem>>
      %dma_start3A_195 = tpu.memref_squeeze %dma_start3A_194 : memref<1x128xi32, #tpu.memory_space<vmem>> -> memref<128xi32, #tpu.memory_space<vmem>>
      %dma_start3A_196 = arith.constant 0 : i32
      %dma_start3A_197 = tpu.memref_slice %arg9[%dma_start3A_196] : memref<10000xf32, #tpu.memory_space<vmem_shared>> -> memref<10000xf32, #tpu.memory_space<vmem_shared>>
      tpu.enqueue_indirect_dma source(%arg7 : memref<128xf32, #tpu.memory_space<vmem>>) target(%dma_start3A_197 : memref<10000xf32, #tpu.memory_space<vmem_shared>>) offsets(%dma_start3A_195 : memref<128xi32, #tpu.memory_space<vmem>>) semaphore(%arg13 : memref<!tpu.dma_semaphore, #tpu.memory_space<semaphore_mem>>) {add = true}
      %add3A_198 = arith.constant 2 : i32
      %add3A_199 = arith.addi %mul3A_170, %add3A_198 : i32
      %dma_start3A_200 = arith.constant 0 : i32
      %dma_start3A_201 = tpu.memref_slice %arg5[%add3A_199, %dma_start3A_200] : memref<48x128xi32, #tpu.memory_space<vmem>> -> memref<1x128xi32, #tpu.memory_space<vmem>>
      %dma_start3A_202 = tpu.memref_squeeze %dma_start3A_201 : memref<1x128xi32, #tpu.memory_space<vmem>> -> memref<128xi32, #tpu.memory_space<vmem>>
      %dma_start3A_203 = arith.constant 0 : i32
      %dma_start3A_204 = tpu.memref_slice %arg8[%dma_start3A_203] : memref<10000xf32, #tpu.memory_space<vmem_shared>> -> memref<10000xf32, #tpu.memory_space<vmem_shared>>
      tpu.enqueue_indirect_dma source(%arg7 : memref<128xf32, #tpu.memory_space<vmem>>) target(%dma_start3A_204 : memref<10000xf32, #tpu.memory_space<vmem_shared>>) offsets(%dma_start3A_202 : memref<128xi32, #tpu.memory_space<vmem>>) semaphore(%arg14 : memref<!tpu.dma_semaphore, #tpu.memory_space<semaphore_mem>>) {add = true}
      %add3A_205 = arith.constant 2 : i32
      %add3A_206 = arith.addi %mul3A_170, %add3A_205 : i32
      %dma_start3A_207 = arith.constant 0 : i32
      %dma_start3A_208 = tpu.memref_slice %arg6[%add3A_206, %dma_start3A_207] : memref<48x128xi32, #tpu.memory_space<vmem>> -> memref<1x128xi32, #tpu.memory_space<vmem>>
      %dma_start3A_209 = tpu.memref_squeeze %dma_start3A_208 : memref<1x128xi32, #tpu.memory_space<vmem>> -> memref<128xi32, #tpu.memory_space<vmem>>
      %dma_start3A_210 = arith.constant 0 : i32
      %dma_start3A_211 = tpu.memref_slice %arg9[%dma_start3A_210] : memref<10000xf32, #tpu.memory_space<vmem_shared>> -> memref<10000xf32, #tpu.memory_space<vmem_shared>>
      tpu.enqueue_indirect_dma source(%arg7 : memref<128xf32, #tpu.memory_space<vmem>>) target(%dma_start3A_211 : memref<10000xf32, #tpu.memory_space<vmem_shared>>) offsets(%dma_start3A_209 : memref<128xi32, #tpu.memory_space<vmem>>) semaphore(%arg15 : memref<!tpu.dma_semaphore, #tpu.memory_space<semaphore_mem>>) {add = true}
      %add3A_212 = arith.constant 3 : i32
      %add3A_213 = arith.addi %mul3A_170, %add3A_212 : i32
      %dma_start3A_214 = arith.constant 0 : i32
      %dma_start3A_215 = tpu.memref_slice %arg5[%add3A_213, %dma_start3A_214] : memref<48x128xi32, #tpu.memory_space<vmem>> -> memref<1x128xi32, #tpu.memory_space<vmem>>
      %dma_start3A_216 = tpu.memref_squeeze %dma_start3A_215 : memref<1x128xi32, #tpu.memory_space<vmem>> -> memref<128xi32, #tpu.memory_space<vmem>>
      %dma_start3A_217 = arith.constant 0 : i32
      %dma_start3A_218 = tpu.memref_slice %arg8[%dma_start3A_217] : memref<10000xf32, #tpu.memory_space<vmem_shared>> -> memref<10000xf32, #tpu.memory_space<vmem_shared>>
      tpu.enqueue_indirect_dma source(%arg7 : memref<128xf32, #tpu.memory_space<vmem>>) target(%dma_start3A_218 : memref<10000xf32, #tpu.memory_space<vmem_shared>>) offsets(%dma_start3A_216 : memref<128xi32, #tpu.memory_space<vmem>>) semaphore(%arg16 : memref<!tpu.dma_semaphore, #tpu.memory_space<semaphore_mem>>) {add = true}
      %add3A_219 = arith.constant 3 : i32
      %add3A_220 = arith.addi %mul3A_170, %add3A_219 : i32
      %dma_start3A_221 = arith.constant 0 : i32
      %dma_start3A_222 = tpu.memref_slice %arg6[%add3A_220, %dma_start3A_221] : memref<48x128xi32, #tpu.memory_space<vmem>> -> memref<1x128xi32, #tpu.memory_space<vmem>>
      %dma_start3A_223 = tpu.memref_squeeze %dma_start3A_222 : memref<1x128xi32, #tpu.memory_space<vmem>> -> memref<128xi32, #tpu.memory_space<vmem>>
      %dma_start3A_224 = arith.constant 0 : i32
      %dma_start3A_225 = tpu.memref_slice %arg9[%dma_start3A_224] : memref<10000xf32, #tpu.memory_space<vmem_shared>> -> memref<10000xf32, #tpu.memory_space<vmem_shared>>
      tpu.enqueue_indirect_dma source(%arg7 : memref<128xf32, #tpu.memory_space<vmem>>) target(%dma_start3A_225 : memref<10000xf32, #tpu.memory_space<vmem_shared>>) offsets(%dma_start3A_223 : memref<128xi32, #tpu.memory_space<vmem>>) semaphore(%arg17 : memref<!tpu.dma_semaphore, #tpu.memory_space<semaphore_mem>>) {add = true}
      %dma_wait3A = arith.constant 0 : i32
      %dma_wait3A_226 = tpu.memref_slice %arg5[%add3A_172, %dma_wait3A] : memref<48x128xi32, #tpu.memory_space<vmem>> -> memref<1x128xi32, #tpu.memory_space<vmem>>
      %dma_wait3A_227 = tpu.memref_squeeze %dma_wait3A_226 : memref<1x128xi32, #tpu.memory_space<vmem>> -> memref<128xi32, #tpu.memory_space<vmem>>
      %dma_wait3A_228 = arith.constant 0 : i32
      %dma_wait3A_229 = tpu.memref_slice %arg8[%dma_wait3A_228] : memref<10000xf32, #tpu.memory_space<vmem_shared>> -> memref<10000xf32, #tpu.memory_space<vmem_shared>>
      tpu.wait_indirect_dma semaphore(%arg10 : memref<!tpu.dma_semaphore, #tpu.memory_space<semaphore_mem>>) src(%arg7 : memref<128xf32, #tpu.memory_space<vmem>>) dst(%dma_wait3A_229 : memref<10000xf32, #tpu.memory_space<vmem_shared>>)
      %dma_wait3A_230 = arith.constant 0 : i32
      %dma_wait3A_231 = tpu.memref_slice %arg6[%add3A_178, %dma_wait3A_230] : memref<48x128xi32, #tpu.memory_space<vmem>> -> memref<1x128xi32, #tpu.memory_space<vmem>>
      %dma_wait3A_232 = tpu.memref_squeeze %dma_wait3A_231 : memref<1x128xi32, #tpu.memory_space<vmem>> -> memref<128xi32, #tpu.memory_space<vmem>>
      %dma_wait3A_233 = arith.constant 0 : i32
      %dma_wait3A_234 = tpu.memref_slice %arg9[%dma_wait3A_233] : memref<10000xf32, #tpu.memory_space<vmem_shared>> -> memref<10000xf32, #tpu.memory_space<vmem_shared>>
      tpu.wait_indirect_dma semaphore(%arg11 : memref<!tpu.dma_semaphore, #tpu.memory_space<semaphore_mem>>) src(%arg7 : memref<128xf32, #tpu.memory_space<vmem>>) dst(%dma_wait3A_234 : memref<10000xf32, #tpu.memory_space<vmem_shared>>)
      %dma_wait3A_235 = arith.constant 0 : i32
      %dma_wait3A_236 = tpu.memref_slice %arg5[%add3A_185, %dma_wait3A_235] : memref<48x128xi32, #tpu.memory_space<vmem>> -> memref<1x128xi32, #tpu.memory_space<vmem>>
      %dma_wait3A_237 = tpu.memref_squeeze %dma_wait3A_236 : memref<1x128xi32, #tpu.memory_space<vmem>> -> memref<128xi32, #tpu.memory_space<vmem>>
      %dma_wait3A_238 = arith.constant 0 : i32
      %dma_wait3A_239 = tpu.memref_slice %arg8[%dma_wait3A_238] : memref<10000xf32, #tpu.memory_space<vmem_shared>> -> memref<10000xf32, #tpu.memory_space<vmem_shared>>
      tpu.wait_indirect_dma semaphore(%arg12 : memref<!tpu.dma_semaphore, #tpu.memory_space<semaphore_mem>>) src(%arg7 : memref<128xf32, #tpu.memory_space<vmem>>) dst(%dma_wait3A_239 : memref<10000xf32, #tpu.memory_space<vmem_shared>>)
      %dma_wait3A_240 = arith.constant 0 : i32
      %dma_wait3A_241 = tpu.memref_slice %arg6[%add3A_192, %dma_wait3A_240] : memref<48x128xi32, #tpu.memory_space<vmem>> -> memref<1x128xi32, #tpu.memory_space<vmem>>
      %dma_wait3A_242 = tpu.memref_squeeze %dma_wait3A_241 : memref<1x128xi32, #tpu.memory_space<vmem>> -> memref<128xi32, #tpu.memory_space<vmem>>
      %dma_wait3A_243 = arith.constant 0 : i32
      %dma_wait3A_244 = tpu.memref_slice %arg9[%dma_wait3A_243] : memref<10000xf32, #tpu.memory_space<vmem_shared>> -> memref<10000xf32, #tpu.memory_space<vmem_shared>>
      tpu.wait_indirect_dma semaphore(%arg13 : memref<!tpu.dma_semaphore, #tpu.memory_space<semaphore_mem>>) src(%arg7 : memref<128xf32, #tpu.memory_space<vmem>>) dst(%dma_wait3A_244 : memref<10000xf32, #tpu.memory_space<vmem_shared>>)
      %dma_wait3A_245 = arith.constant 0 : i32
      %dma_wait3A_246 = tpu.memref_slice %arg5[%add3A_199, %dma_wait3A_245] : memref<48x128xi32, #tpu.memory_space<vmem>> -> memref<1x128xi32, #tpu.memory_space<vmem>>
      %dma_wait3A_247 = tpu.memref_squeeze %dma_wait3A_246 : memref<1x128xi32, #tpu.memory_space<vmem>> -> memref<128xi32, #tpu.memory_space<vmem>>
      %dma_wait3A_248 = arith.constant 0 : i32
      %dma_wait3A_249 = tpu.memref_slice %arg8[%dma_wait3A_248] : memref<10000xf32, #tpu.memory_space<vmem_shared>> -> memref<10000xf32, #tpu.memory_space<vmem_shared>>
      tpu.wait_indirect_dma semaphore(%arg14 : memref<!tpu.dma_semaphore, #tpu.memory_space<semaphore_mem>>) src(%arg7 : memref<128xf32, #tpu.memory_space<vmem>>) dst(%dma_wait3A_249 : memref<10000xf32, #tpu.memory_space<vmem_shared>>)
      %dma_wait3A_250 = arith.constant 0 : i32
      %dma_wait3A_251 = tpu.memref_slice %arg6[%add3A_206, %dma_wait3A_250] : memref<48x128xi32, #tpu.memory_space<vmem>> -> memref<1x128xi32, #tpu.memory_space<vmem>>
      %dma_wait3A_252 = tpu.memref_squeeze %dma_wait3A_251 : memref<1x128xi32, #tpu.memory_space<vmem>> -> memref<128xi32, #tpu.memory_space<vmem>>
      %dma_wait3A_253 = arith.constant 0 : i32
      %dma_wait3A_254 = tpu.memref_slice %arg9[%dma_wait3A_253] : memref<10000xf32, #tpu.memory_space<vmem_shared>> -> memref<10000xf32, #tpu.memory_space<vmem_shared>>
      tpu.wait_indirect_dma semaphore(%arg15 : memref<!tpu.dma_semaphore, #tpu.memory_space<semaphore_mem>>) src(%arg7 : memref<128xf32, #tpu.memory_space<vmem>>) dst(%dma_wait3A_254 : memref<10000xf32, #tpu.memory_space<vmem_shared>>)
      %dma_wait3A_255 = arith.constant 0 : i32
      %dma_wait3A_256 = tpu.memref_slice %arg5[%add3A_213, %dma_wait3A_255] : memref<48x128xi32, #tpu.memory_space<vmem>> -> memref<1x128xi32, #tpu.memory_space<vmem>>
      %dma_wait3A_257 = tpu.memref_squeeze %dma_wait3A_256 : memref<1x128xi32, #tpu.memory_space<vmem>> -> memref<128xi32, #tpu.memory_space<vmem>>
      %dma_wait3A_258 = arith.constant 0 : i32
      %dma_wait3A_259 = tpu.memref_slice %arg8[%dma_wait3A_258] : memref<10000xf32, #tpu.memory_space<vmem_shared>> -> memref<10000xf32, #tpu.memory_space<vmem_shared>>
      tpu.wait_indirect_dma semaphore(%arg16 : memref<!tpu.dma_semaphore, #tpu.memory_space<semaphore_mem>>) src(%arg7 : memref<128xf32, #tpu.memory_space<vmem>>) dst(%dma_wait3A_259 : memref<10000xf32, #tpu.memory_space<vmem_shared>>)
      %dma_wait3A_260 = arith.constant 0 : i32
      %dma_wait3A_261 = tpu.memref_slice %arg6[%add3A_220, %dma_wait3A_260] : memref<48x128xi32, #tpu.memory_space<vmem>> -> memref<1x128xi32, #tpu.memory_space<vmem>>
      %dma_wait3A_262 = tpu.memref_squeeze %dma_wait3A_261 : memref<1x128xi32, #tpu.memory_space<vmem>> -> memref<128xi32, #tpu.memory_space<vmem>>
      %dma_wait3A_263 = arith.constant 0 : i32
      %dma_wait3A_264 = tpu.memref_slice %arg9[%dma_wait3A_263] : memref<10000xf32, #tpu.memory_space<vmem_shared>> -> memref<10000xf32, #tpu.memory_space<vmem_shared>>
      tpu.wait_indirect_dma semaphore(%arg17 : memref<!tpu.dma_semaphore, #tpu.memory_space<semaphore_mem>>) src(%arg7 : memref<128xf32, #tpu.memory_space<vmem>>) dst(%dma_wait3A_264 : memref<10000xf32, #tpu.memory_space<vmem_shared>>)
    }
    %scan3A_108 = arith.constant 8 : i32
    %add3A_109 = arith.constant 32 : i32
    %add3A_110 = arith.addi %mul3A_20, %add3A_109 : i32
    %jit3A_111 = arith.constant false
    %select_n3A_112 = arith.select %jit3A_111, %mul3A_20, %add3A_110 : i32
    %multiple_of3A_113 = tpu.assume_multiple %select_n3A_112, 8 : i32
    %sub3A_114 = arith.subi %mul3A_50, %mul3A_20 : i32
    %sub3A_115 = arith.constant 32 : i32
    %sub3A_116 = arith.subi %sub3A_114, %sub3A_115 : i32
    %run_scoped3A_117 = arith.constant 0 : i32
    "tpu.region"() ({
      %run_scoped3A_168 = tpu.sem_alloc : memref<!tpu.dma_semaphore, #tpu.memory_space<semaphore_mem>>
      %dma_start3A = arith.constant 0 : i32
      %dma_start3A_169 = tpu.memref_slice %arg2[%run_scoped3A_117, %multiple_of3A_113, %dma_start3A] : memref<2x2500x128xi32, #tpu.memory_space<hbm>> -> memref<1x48x128xi32, #tpu.memory_space<hbm>>
      %dma_start3A_170 = tpu.memref_squeeze %dma_start3A_169 : memref<1x48x128xi32, #tpu.memory_space<hbm>> -> memref<48x128xi32, #tpu.memory_space<hbm>>
      %dma_start3A_171 = arith.constant 0 : i32
      %dma_start3A_172 = tpu.memref_slice %arg2[%run_scoped3A_117, %multiple_of3A_113, %dma_start3A_171] : memref<2x2500x128xi32, #tpu.memory_space<hbm>> -> memref<1x48x128xi32, #tpu.memory_space<hbm>>
      %dma_start3A_173 = tpu.memref_squeeze %dma_start3A_172 : memref<1x48x128xi32, #tpu.memory_space<hbm>> -> memref<48x128xi32, #tpu.memory_space<hbm>>
      tpu.enqueue_dma source(%dma_start3A_173 : memref<48x128xi32, #tpu.memory_space<hbm>>) target(%arg5 : memref<48x128xi32, #tpu.memory_space<vmem>>) target_semaphore(%run_scoped3A_168 : memref<!tpu.dma_semaphore, #tpu.memory_space<semaphore_mem>>)
      %dma_wait3A = arith.constant 0 : i32
      %dma_wait3A_174 = tpu.memref_slice %arg2[%run_scoped3A_117, %multiple_of3A_113, %dma_wait3A] : memref<2x2500x128xi32, #tpu.memory_space<hbm>> -> memref<1x48x128xi32, #tpu.memory_space<hbm>>
      %dma_wait3A_175 = tpu.memref_squeeze %dma_wait3A_174 : memref<1x48x128xi32, #tpu.memory_space<hbm>> -> memref<48x128xi32, #tpu.memory_space<hbm>>
      %dma_wait3A_176 = arith.constant 0 : i32
      %dma_wait3A_177 = tpu.memref_slice %arg2[%run_scoped3A_117, %multiple_of3A_113, %dma_wait3A_176] : memref<2x2500x128xi32, #tpu.memory_space<hbm>> -> memref<1x48x128xi32, #tpu.memory_space<hbm>>
      %dma_wait3A_178 = tpu.memref_squeeze %dma_wait3A_177 : memref<1x48x128xi32, #tpu.memory_space<hbm>> -> memref<48x128xi32, #tpu.memory_space<hbm>>
      tpu.wait_dma2 semaphore(%run_scoped3A_168 : memref<!tpu.dma_semaphore, #tpu.memory_space<semaphore_mem>>) src(%dma_wait3A_178 : memref<48x128xi32, #tpu.memory_space<hbm>>) dst(%arg5 : memref<48x128xi32, #tpu.memory_space<vmem>>)
      tpu.yield
    }) : () -> ()
    %run_scoped3A_118 = arith.constant 1 : i32
    "tpu.region"() ({
      %run_scoped3A_168 = tpu.sem_alloc : memref<!tpu.dma_semaphore, #tpu.memory_space<semaphore_mem>>
      %dma_start3A = arith.constant 0 : i32
      %dma_start3A_169 = tpu.memref_slice %arg2[%run_scoped3A_118, %multiple_of3A_113, %dma_start3A] : memref<2x2500x128xi32, #tpu.memory_space<hbm>> -> memref<1x48x128xi32, #tpu.memory_space<hbm>>
      %dma_start3A_170 = tpu.memref_squeeze %dma_start3A_169 : memref<1x48x128xi32, #tpu.memory_space<hbm>> -> memref<48x128xi32, #tpu.memory_space<hbm>>
      %dma_start3A_171 = arith.constant 0 : i32
      %dma_start3A_172 = tpu.memref_slice %arg2[%run_scoped3A_118, %multiple_of3A_113, %dma_start3A_171] : memref<2x2500x128xi32, #tpu.memory_space<hbm>> -> memref<1x48x128xi32, #tpu.memory_space<hbm>>
      %dma_start3A_173 = tpu.memref_squeeze %dma_start3A_172 : memref<1x48x128xi32, #tpu.memory_space<hbm>> -> memref<48x128xi32, #tpu.memory_space<hbm>>
      tpu.enqueue_dma source(%dma_start3A_173 : memref<48x128xi32, #tpu.memory_space<hbm>>) target(%arg6 : memref<48x128xi32, #tpu.memory_space<vmem>>) target_semaphore(%run_scoped3A_168 : memref<!tpu.dma_semaphore, #tpu.memory_space<semaphore_mem>>)
      %dma_wait3A = arith.constant 0 : i32
      %dma_wait3A_174 = tpu.memref_slice %arg2[%run_scoped3A_118, %multiple_of3A_113, %dma_wait3A] : memref<2x2500x128xi32, #tpu.memory_space<hbm>> -> memref<1x48x128xi32, #tpu.memory_space<hbm>>
      %dma_wait3A_175 = tpu.memref_squeeze %dma_wait3A_174 : memref<1x48x128xi32, #tpu.memory_space<hbm>> -> memref<48x128xi32, #tpu.memory_space<hbm>>
      %dma_wait3A_176 = arith.constant 0 : i32
      %dma_wait3A_177 = tpu.memref_slice %arg2[%run_scoped3A_118, %multiple_of3A_113, %dma_wait3A_176] : memref<2x2500x128xi32, #tpu.memory_space<hbm>> -> memref<1x48x128xi32, #tpu.memory_space<hbm>>
      %dma_wait3A_178 = tpu.memref_squeeze %dma_wait3A_177 : memref<1x48x128xi32, #tpu.memory_space<hbm>> -> memref<48x128xi32, #tpu.memory_space<hbm>>
      tpu.wait_dma2 semaphore(%run_scoped3A_168 : memref<!tpu.dma_semaphore, #tpu.memory_space<semaphore_mem>>) src(%dma_wait3A_178 : memref<48x128xi32, #tpu.memory_space<hbm>>) dst(%arg6 : memref<48x128xi32, #tpu.memory_space<vmem>>)
      tpu.yield
    }) : () -> ()
    %jit3A_119 = arith.constant 4 : i32
    %div3A_120 = arith.divsi %sub3A_116, %jit3A_119 : i32
    %sign3A_121 = arith.constant 0 : i32
    %sign3A_122 = arith.cmpi sgt, %sub3A_116, %sign3A_121 : i32
    %sign3A_123 = arith.extui %sign3A_122 : i1 to i32
    %sign3A_124 = arith.constant 0 : i32
    %sign3A_125 = arith.cmpi slt, %sub3A_116, %sign3A_124 : i32
    %sign3A_126 = arith.extui %sign3A_125 : i1 to i32
    %sign3A_127 = arith.subi %sign3A_123, %sign3A_126 : i32
    %sign3A_128 = arith.constant 0 : i32
    %sign3A_129 = arith.cmpi sgt, %jit3A_119, %sign3A_128 : i32
    %sign3A_130 = arith.extui %sign3A_129 : i1 to i32
    %sign3A_131 = arith.constant 0 : i32
    %sign3A_132 = arith.cmpi slt, %jit3A_119, %sign3A_131 : i32
    %sign3A_133 = arith.extui %sign3A_132 : i1 to i32
    %sign3A_134 = arith.subi %sign3A_130, %sign3A_133 : i32
    %ne3A_135 = arith.cmpi ne, %sign3A_127, %sign3A_134 : i32
    %rem3A_136 = arith.remsi %sub3A_116, %jit3A_119 : i32
    %ne3A_137 = arith.constant 0 : i32
    %ne3A_138 = arith.cmpi ne, %rem3A_136, %ne3A_137 : i32
    %and3A_139 = arith.andi %ne3A_135, %ne3A_138 : i1
    %sub3A_140 = arith.constant 1 : i32
    %sub3A_141 = arith.subi %div3A_120, %sub3A_140 : i32
    %select_n3A_142 = arith.select %and3A_139, %sub3A_141, %div3A_120 : i32
    %while3A = arith.constant 0 : i32
    %while3A_143 = arith.constant 0 : i32
    %while3A_144 = arith.subi %select_n3A_142, %while3A_143 : i32
    %while3A_145 = arith.addi %while3A_143, %while3A_144 : i32
    %while3A_146 = arith.constant 1 : i32
    %while3A_147 = arith.divsi %while3A_144, %while3A_146 : i32
    %while3A_148 = arith.muli %while3A_147, %while3A_146 : i32
    %while3A_149 = arith.addi %while3A_143, %while3A_148 : i32
    %while3A_150 = arith.constant 1 : i32
    scf.for %while3A_168 = %while3A_143 to %while3A_149 step %while3A_150  : i32 {
      %mul3A_169 = arith.constant 4 : i32
      %mul3A_170 = arith.muli %mul3A_169, %while3A_168 : i32
      %add3A_171 = arith.constant 0 : i32
      %add3A_172 = arith.addi %mul3A_170, %add3A_171 : i32
      %dma_start3A = arith.constant 0 : i32
      %dma_start3A_173 = tpu.memref_slice %arg5[%add3A_172, %dma_start3A] : memref<48x128xi32, #tpu.memory_space<vmem>> -> memref<1x128xi32, #tpu.memory_space<vmem>>
      %dma_start3A_174 = tpu.memref_squeeze %dma_start3A_173 : memref<1x128xi32, #tpu.memory_space<vmem>> -> memref<128xi32, #tpu.memory_space<vmem>>
      %dma_start3A_175 = arith.constant 0 : i32
      %dma_start3A_176 = tpu.memref_slice %arg8[%dma_start3A_175] : memref<10000xf32, #tpu.memory_space<vmem_shared>> -> memref<10000xf32, #tpu.memory_space<vmem_shared>>
      tpu.enqueue_indirect_dma source(%arg7 : memref<128xf32, #tpu.memory_space<vmem>>) target(%dma_start3A_176 : memref<10000xf32, #tpu.memory_space<vmem_shared>>) offsets(%dma_start3A_174 : memref<128xi32, #tpu.memory_space<vmem>>) semaphore(%arg10 : memref<!tpu.dma_semaphore, #tpu.memory_space<semaphore_mem>>) {add = true}
      %add3A_177 = arith.constant 0 : i32
      %add3A_178 = arith.addi %mul3A_170, %add3A_177 : i32
      %dma_start3A_179 = arith.constant 0 : i32
      %dma_start3A_180 = tpu.memref_slice %arg6[%add3A_178, %dma_start3A_179] : memref<48x128xi32, #tpu.memory_space<vmem>> -> memref<1x128xi32, #tpu.memory_space<vmem>>
      %dma_start3A_181 = tpu.memref_squeeze %dma_start3A_180 : memref<1x128xi32, #tpu.memory_space<vmem>> -> memref<128xi32, #tpu.memory_space<vmem>>
      %dma_start3A_182 = arith.constant 0 : i32
      %dma_start3A_183 = tpu.memref_slice %arg9[%dma_start3A_182] : memref<10000xf32, #tpu.memory_space<vmem_shared>> -> memref<10000xf32, #tpu.memory_space<vmem_shared>>
      tpu.enqueue_indirect_dma source(%arg7 : memref<128xf32, #tpu.memory_space<vmem>>) target(%dma_start3A_183 : memref<10000xf32, #tpu.memory_space<vmem_shared>>) offsets(%dma_start3A_181 : memref<128xi32, #tpu.memory_space<vmem>>) semaphore(%arg11 : memref<!tpu.dma_semaphore, #tpu.memory_space<semaphore_mem>>) {add = true}
      %add3A_184 = arith.constant 1 : i32
      %add3A_185 = arith.addi %mul3A_170, %add3A_184 : i32
      %dma_start3A_186 = arith.constant 0 : i32
      %dma_start3A_187 = tpu.memref_slice %arg5[%add3A_185, %dma_start3A_186] : memref<48x128xi32, #tpu.memory_space<vmem>> -> memref<1x128xi32, #tpu.memory_space<vmem>>
      %dma_start3A_188 = tpu.memref_squeeze %dma_start3A_187 : memref<1x128xi32, #tpu.memory_space<vmem>> -> memref<128xi32, #tpu.memory_space<vmem>>
      %dma_start3A_189 = arith.constant 0 : i32
      %dma_start3A_190 = tpu.memref_slice %arg8[%dma_start3A_189] : memref<10000xf32, #tpu.memory_space<vmem_shared>> -> memref<10000xf32, #tpu.memory_space<vmem_shared>>
      tpu.enqueue_indirect_dma source(%arg7 : memref<128xf32, #tpu.memory_space<vmem>>) target(%dma_start3A_190 : memref<10000xf32, #tpu.memory_space<vmem_shared>>) offsets(%dma_start3A_188 : memref<128xi32, #tpu.memory_space<vmem>>) semaphore(%arg12 : memref<!tpu.dma_semaphore, #tpu.memory_space<semaphore_mem>>) {add = true}
      %add3A_191 = arith.constant 1 : i32
      %add3A_192 = arith.addi %mul3A_170, %add3A_191 : i32
      %dma_start3A_193 = arith.constant 0 : i32
      %dma_start3A_194 = tpu.memref_slice %arg6[%add3A_192, %dma_start3A_193] : memref<48x128xi32, #tpu.memory_space<vmem>> -> memref<1x128xi32, #tpu.memory_space<vmem>>
      %dma_start3A_195 = tpu.memref_squeeze %dma_start3A_194 : memref<1x128xi32, #tpu.memory_space<vmem>> -> memref<128xi32, #tpu.memory_space<vmem>>
      %dma_start3A_196 = arith.constant 0 : i32
      %dma_start3A_197 = tpu.memref_slice %arg9[%dma_start3A_196] : memref<10000xf32, #tpu.memory_space<vmem_shared>> -> memref<10000xf32, #tpu.memory_space<vmem_shared>>
      tpu.enqueue_indirect_dma source(%arg7 : memref<128xf32, #tpu.memory_space<vmem>>) target(%dma_start3A_197 : memref<10000xf32, #tpu.memory_space<vmem_shared>>) offsets(%dma_start3A_195 : memref<128xi32, #tpu.memory_space<vmem>>) semaphore(%arg13 : memref<!tpu.dma_semaphore, #tpu.memory_space<semaphore_mem>>) {add = true}
      %add3A_198 = arith.constant 2 : i32
      %add3A_199 = arith.addi %mul3A_170, %add3A_198 : i32
      %dma_start3A_200 = arith.constant 0 : i32
      %dma_start3A_201 = tpu.memref_slice %arg5[%add3A_199, %dma_start3A_200] : memref<48x128xi32, #tpu.memory_space<vmem>> -> memref<1x128xi32, #tpu.memory_space<vmem>>
      %dma_start3A_202 = tpu.memref_squeeze %dma_start3A_201 : memref<1x128xi32, #tpu.memory_space<vmem>> -> memref<128xi32, #tpu.memory_space<vmem>>
      %dma_start3A_203 = arith.constant 0 : i32
      %dma_start3A_204 = tpu.memref_slice %arg8[%dma_start3A_203] : memref<10000xf32, #tpu.memory_space<vmem_shared>> -> memref<10000xf32, #tpu.memory_space<vmem_shared>>
      tpu.enqueue_indirect_dma source(%arg7 : memref<128xf32, #tpu.memory_space<vmem>>) target(%dma_start3A_204 : memref<10000xf32, #tpu.memory_space<vmem_shared>>) offsets(%dma_start3A_202 : memref<128xi32, #tpu.memory_space<vmem>>) semaphore(%arg14 : memref<!tpu.dma_semaphore, #tpu.memory_space<semaphore_mem>>) {add = true}
      %add3A_205 = arith.constant 2 : i32
      %add3A_206 = arith.addi %mul3A_170, %add3A_205 : i32
      %dma_start3A_207 = arith.constant 0 : i32
      %dma_start3A_208 = tpu.memref_slice %arg6[%add3A_206, %dma_start3A_207] : memref<48x128xi32, #tpu.memory_space<vmem>> -> memref<1x128xi32, #tpu.memory_space<vmem>>
      %dma_start3A_209 = tpu.memref_squeeze %dma_start3A_208 : memref<1x128xi32, #tpu.memory_space<vmem>> -> memref<128xi32, #tpu.memory_space<vmem>>
      %dma_start3A_210 = arith.constant 0 : i32
      %dma_start3A_211 = tpu.memref_slice %arg9[%dma_start3A_210] : memref<10000xf32, #tpu.memory_space<vmem_shared>> -> memref<10000xf32, #tpu.memory_space<vmem_shared>>
      tpu.enqueue_indirect_dma source(%arg7 : memref<128xf32, #tpu.memory_space<vmem>>) target(%dma_start3A_211 : memref<10000xf32, #tpu.memory_space<vmem_shared>>) offsets(%dma_start3A_209 : memref<128xi32, #tpu.memory_space<vmem>>) semaphore(%arg15 : memref<!tpu.dma_semaphore, #tpu.memory_space<semaphore_mem>>) {add = true}
      %add3A_212 = arith.constant 3 : i32
      %add3A_213 = arith.addi %mul3A_170, %add3A_212 : i32
      %dma_start3A_214 = arith.constant 0 : i32
      %dma_start3A_215 = tpu.memref_slice %arg5[%add3A_213, %dma_start3A_214] : memref<48x128xi32, #tpu.memory_space<vmem>> -> memref<1x128xi32, #tpu.memory_space<vmem>>
      %dma_start3A_216 = tpu.memref_squeeze %dma_start3A_215 : memref<1x128xi32, #tpu.memory_space<vmem>> -> memref<128xi32, #tpu.memory_space<vmem>>
      %dma_start3A_217 = arith.constant 0 : i32
      %dma_start3A_218 = tpu.memref_slice %arg8[%dma_start3A_217] : memref<10000xf32, #tpu.memory_space<vmem_shared>> -> memref<10000xf32, #tpu.memory_space<vmem_shared>>
      tpu.enqueue_indirect_dma source(%arg7 : memref<128xf32, #tpu.memory_space<vmem>>) target(%dma_start3A_218 : memref<10000xf32, #tpu.memory_space<vmem_shared>>) offsets(%dma_start3A_216 : memref<128xi32, #tpu.memory_space<vmem>>) semaphore(%arg16 : memref<!tpu.dma_semaphore, #tpu.memory_space<semaphore_mem>>) {add = true}
      %add3A_219 = arith.constant 3 : i32
      %add3A_220 = arith.addi %mul3A_170, %add3A_219 : i32
      %dma_start3A_221 = arith.constant 0 : i32
      %dma_start3A_222 = tpu.memref_slice %arg6[%add3A_220, %dma_start3A_221] : memref<48x128xi32, #tpu.memory_space<vmem>> -> memref<1x128xi32, #tpu.memory_space<vmem>>
      %dma_start3A_223 = tpu.memref_squeeze %dma_start3A_222 : memref<1x128xi32, #tpu.memory_space<vmem>> -> memref<128xi32, #tpu.memory_space<vmem>>
      %dma_start3A_224 = arith.constant 0 : i32
      %dma_start3A_225 = tpu.memref_slice %arg9[%dma_start3A_224] : memref<10000xf32, #tpu.memory_space<vmem_shared>> -> memref<10000xf32, #tpu.memory_space<vmem_shared>>
      tpu.enqueue_indirect_dma source(%arg7 : memref<128xf32, #tpu.memory_space<vmem>>) target(%dma_start3A_225 : memref<10000xf32, #tpu.memory_space<vmem_shared>>) offsets(%dma_start3A_223 : memref<128xi32, #tpu.memory_space<vmem>>) semaphore(%arg17 : memref<!tpu.dma_semaphore, #tpu.memory_space<semaphore_mem>>) {add = true}
      %dma_wait3A = arith.constant 0 : i32
      %dma_wait3A_226 = tpu.memref_slice %arg5[%add3A_172, %dma_wait3A] : memref<48x128xi32, #tpu.memory_space<vmem>> -> memref<1x128xi32, #tpu.memory_space<vmem>>
      %dma_wait3A_227 = tpu.memref_squeeze %dma_wait3A_226 : memref<1x128xi32, #tpu.memory_space<vmem>> -> memref<128xi32, #tpu.memory_space<vmem>>
      %dma_wait3A_228 = arith.constant 0 : i32
      %dma_wait3A_229 = tpu.memref_slice %arg8[%dma_wait3A_228] : memref<10000xf32, #tpu.memory_space<vmem_shared>> -> memref<10000xf32, #tpu.memory_space<vmem_shared>>
      tpu.wait_indirect_dma semaphore(%arg10 : memref<!tpu.dma_semaphore, #tpu.memory_space<semaphore_mem>>) src(%arg7 : memref<128xf32, #tpu.memory_space<vmem>>) dst(%dma_wait3A_229 : memref<10000xf32, #tpu.memory_space<vmem_shared>>)
      %dma_wait3A_230 = arith.constant 0 : i32
      %dma_wait3A_231 = tpu.memref_slice %arg6[%add3A_178, %dma_wait3A_230] : memref<48x128xi32, #tpu.memory_space<vmem>> -> memref<1x128xi32, #tpu.memory_space<vmem>>
      %dma_wait3A_232 = tpu.memref_squeeze %dma_wait3A_231 : memref<1x128xi32, #tpu.memory_space<vmem>> -> memref<128xi32, #tpu.memory_space<vmem>>
      %dma_wait3A_233 = arith.constant 0 : i32
      %dma_wait3A_234 = tpu.memref_slice %arg9[%dma_wait3A_233] : memref<10000xf32, #tpu.memory_space<vmem_shared>> -> memref<10000xf32, #tpu.memory_space<vmem_shared>>
      tpu.wait_indirect_dma semaphore(%arg11 : memref<!tpu.dma_semaphore, #tpu.memory_space<semaphore_mem>>) src(%arg7 : memref<128xf32, #tpu.memory_space<vmem>>) dst(%dma_wait3A_234 : memref<10000xf32, #tpu.memory_space<vmem_shared>>)
      %dma_wait3A_235 = arith.constant 0 : i32
      %dma_wait3A_236 = tpu.memref_slice %arg5[%add3A_185, %dma_wait3A_235] : memref<48x128xi32, #tpu.memory_space<vmem>> -> memref<1x128xi32, #tpu.memory_space<vmem>>
      %dma_wait3A_237 = tpu.memref_squeeze %dma_wait3A_236 : memref<1x128xi32, #tpu.memory_space<vmem>> -> memref<128xi32, #tpu.memory_space<vmem>>
      %dma_wait3A_238 = arith.constant 0 : i32
      %dma_wait3A_239 = tpu.memref_slice %arg8[%dma_wait3A_238] : memref<10000xf32, #tpu.memory_space<vmem_shared>> -> memref<10000xf32, #tpu.memory_space<vmem_shared>>
      tpu.wait_indirect_dma semaphore(%arg12 : memref<!tpu.dma_semaphore, #tpu.memory_space<semaphore_mem>>) src(%arg7 : memref<128xf32, #tpu.memory_space<vmem>>) dst(%dma_wait3A_239 : memref<10000xf32, #tpu.memory_space<vmem_shared>>)
      %dma_wait3A_240 = arith.constant 0 : i32
      %dma_wait3A_241 = tpu.memref_slice %arg6[%add3A_192, %dma_wait3A_240] : memref<48x128xi32, #tpu.memory_space<vmem>> -> memref<1x128xi32, #tpu.memory_space<vmem>>
      %dma_wait3A_242 = tpu.memref_squeeze %dma_wait3A_241 : memref<1x128xi32, #tpu.memory_space<vmem>> -> memref<128xi32, #tpu.memory_space<vmem>>
      %dma_wait3A_243 = arith.constant 0 : i32
      %dma_wait3A_244 = tpu.memref_slice %arg9[%dma_wait3A_243] : memref<10000xf32, #tpu.memory_space<vmem_shared>> -> memref<10000xf32, #tpu.memory_space<vmem_shared>>
      tpu.wait_indirect_dma semaphore(%arg13 : memref<!tpu.dma_semaphore, #tpu.memory_space<semaphore_mem>>) src(%arg7 : memref<128xf32, #tpu.memory_space<vmem>>) dst(%dma_wait3A_244 : memref<10000xf32, #tpu.memory_space<vmem_shared>>)
      %dma_wait3A_245 = arith.constant 0 : i32
      %dma_wait3A_246 = tpu.memref_slice %arg5[%add3A_199, %dma_wait3A_245] : memref<48x128xi32, #tpu.memory_space<vmem>> -> memref<1x128xi32, #tpu.memory_space<vmem>>
      %dma_wait3A_247 = tpu.memref_squeeze %dma_wait3A_246 : memref<1x128xi32, #tpu.memory_space<vmem>> -> memref<128xi32, #tpu.memory_space<vmem>>
      %dma_wait3A_248 = arith.constant 0 : i32
      %dma_wait3A_249 = tpu.memref_slice %arg8[%dma_wait3A_248] : memref<10000xf32, #tpu.memory_space<vmem_shared>> -> memref<10000xf32, #tpu.memory_space<vmem_shared>>
      tpu.wait_indirect_dma semaphore(%arg14 : memref<!tpu.dma_semaphore, #tpu.memory_space<semaphore_mem>>) src(%arg7 : memref<128xf32, #tpu.memory_space<vmem>>) dst(%dma_wait3A_249 : memref<10000xf32, #tpu.memory_space<vmem_shared>>)
      %dma_wait3A_250 = arith.constant 0 : i32
      %dma_wait3A_251 = tpu.memref_slice %arg6[%add3A_206, %dma_wait3A_250] : memref<48x128xi32, #tpu.memory_space<vmem>> -> memref<1x128xi32, #tpu.memory_space<vmem>>
      %dma_wait3A_252 = tpu.memref_squeeze %dma_wait3A_251 : memref<1x128xi32, #tpu.memory_space<vmem>> -> memref<128xi32, #tpu.memory_space<vmem>>
      %dma_wait3A_253 = arith.constant 0 : i32
      %dma_wait3A_254 = tpu.memref_slice %arg9[%dma_wait3A_253] : memref<10000xf32, #tpu.memory_space<vmem_shared>> -> memref<10000xf32, #tpu.memory_space<vmem_shared>>
      tpu.wait_indirect_dma semaphore(%arg15 : memref<!tpu.dma_semaphore, #tpu.memory_space<semaphore_mem>>) src(%arg7 : memref<128xf32, #tpu.memory_space<vmem>>) dst(%dma_wait3A_254 : memref<10000xf32, #tpu.memory_space<vmem_shared>>)
      %dma_wait3A_255 = arith.constant 0 : i32
      %dma_wait3A_256 = tpu.memref_slice %arg5[%add3A_213, %dma_wait3A_255] : memref<48x128xi32, #tpu.memory_space<vmem>> -> memref<1x128xi32, #tpu.memory_space<vmem>>
      %dma_wait3A_257 = tpu.memref_squeeze %dma_wait3A_256 : memref<1x128xi32, #tpu.memory_space<vmem>> -> memref<128xi32, #tpu.memory_space<vmem>>
      %dma_wait3A_258 = arith.constant 0 : i32
      %dma_wait3A_259 = tpu.memref_slice %arg8[%dma_wait3A_258] : memref<10000xf32, #tpu.memory_space<vmem_shared>> -> memref<10000xf32, #tpu.memory_space<vmem_shared>>
      tpu.wait_indirect_dma semaphore(%arg16 : memref<!tpu.dma_semaphore, #tpu.memory_space<semaphore_mem>>) src(%arg7 : memref<128xf32, #tpu.memory_space<vmem>>) dst(%dma_wait3A_259 : memref<10000xf32, #tpu.memory_space<vmem_shared>>)
      %dma_wait3A_260 = arith.constant 0 : i32
      %dma_wait3A_261 = tpu.memref_slice %arg6[%add3A_220, %dma_wait3A_260] : memref<48x128xi32, #tpu.memory_space<vmem>> -> memref<1x128xi32, #tpu.memory_space<vmem>>
      %dma_wait3A_262 = tpu.memref_squeeze %dma_wait3A_261 : memref<1x128xi32, #tpu.memory_space<vmem>> -> memref<128xi32, #tpu.memory_space<vmem>>
      %dma_wait3A_263 = arith.constant 0 : i32
      %dma_wait3A_264 = tpu.memref_slice %arg9[%dma_wait3A_263] : memref<10000xf32, #tpu.memory_space<vmem_shared>> -> memref<10000xf32, #tpu.memory_space<vmem_shared>>
      tpu.wait_indirect_dma semaphore(%arg17 : memref<!tpu.dma_semaphore, #tpu.memory_space<semaphore_mem>>) src(%arg7 : memref<128xf32, #tpu.memory_space<vmem>>) dst(%dma_wait3A_264 : memref<10000xf32, #tpu.memory_space<vmem_shared>>)
    }
    %while3A_151 = arith.constant 1 : i32
    scf.for %while3A_168 = %while3A_149 to %while3A_145 step %while3A_151  : i32 {
      %mul3A_169 = arith.constant 4 : i32
      %mul3A_170 = arith.muli %mul3A_169, %while3A_168 : i32
      %add3A_171 = arith.constant 0 : i32
      %add3A_172 = arith.addi %mul3A_170, %add3A_171 : i32
      %dma_start3A = arith.constant 0 : i32
      %dma_start3A_173 = tpu.memref_slice %arg5[%add3A_172, %dma_start3A] : memref<48x128xi32, #tpu.memory_space<vmem>> -> memref<1x128xi32, #tpu.memory_space<vmem>>
      %dma_start3A_174 = tpu.memref_squeeze %dma_start3A_173 : memref<1x128xi32, #tpu.memory_space<vmem>> -> memref<128xi32, #tpu.memory_space<vmem>>
      %dma_start3A_175 = arith.constant 0 : i32
      %dma_start3A_176 = tpu.memref_slice %arg8[%dma_start3A_175] : memref<10000xf32, #tpu.memory_space<vmem_shared>> -> memref<10000xf32, #tpu.memory_space<vmem_shared>>
      tpu.enqueue_indirect_dma source(%arg7 : memref<128xf32, #tpu.memory_space<vmem>>) target(%dma_start3A_176 : memref<10000xf32, #tpu.memory_space<vmem_shared>>) offsets(%dma_start3A_174 : memref<128xi32, #tpu.memory_space<vmem>>) semaphore(%arg10 : memref<!tpu.dma_semaphore, #tpu.memory_space<semaphore_mem>>) {add = true}
      %add3A_177 = arith.constant 0 : i32
      %add3A_178 = arith.addi %mul3A_170, %add3A_177 : i32
      %dma_start3A_179 = arith.constant 0 : i32
      %dma_start3A_180 = tpu.memref_slice %arg6[%add3A_178, %dma_start3A_179] : memref<48x128xi32, #tpu.memory_space<vmem>> -> memref<1x128xi32, #tpu.memory_space<vmem>>
      %dma_start3A_181 = tpu.memref_squeeze %dma_start3A_180 : memref<1x128xi32, #tpu.memory_space<vmem>> -> memref<128xi32, #tpu.memory_space<vmem>>
      %dma_start3A_182 = arith.constant 0 : i32
      %dma_start3A_183 = tpu.memref_slice %arg9[%dma_start3A_182] : memref<10000xf32, #tpu.memory_space<vmem_shared>> -> memref<10000xf32, #tpu.memory_space<vmem_shared>>
      tpu.enqueue_indirect_dma source(%arg7 : memref<128xf32, #tpu.memory_space<vmem>>) target(%dma_start3A_183 : memref<10000xf32, #tpu.memory_space<vmem_shared>>) offsets(%dma_start3A_181 : memref<128xi32, #tpu.memory_space<vmem>>) semaphore(%arg11 : memref<!tpu.dma_semaphore, #tpu.memory_space<semaphore_mem>>) {add = true}
      %add3A_184 = arith.constant 1 : i32
      %add3A_185 = arith.addi %mul3A_170, %add3A_184 : i32
      %dma_start3A_186 = arith.constant 0 : i32
      %dma_start3A_187 = tpu.memref_slice %arg5[%add3A_185, %dma_start3A_186] : memref<48x128xi32, #tpu.memory_space<vmem>> -> memref<1x128xi32, #tpu.memory_space<vmem>>
      %dma_start3A_188 = tpu.memref_squeeze %dma_start3A_187 : memref<1x128xi32, #tpu.memory_space<vmem>> -> memref<128xi32, #tpu.memory_space<vmem>>
      %dma_start3A_189 = arith.constant 0 : i32
      %dma_start3A_190 = tpu.memref_slice %arg8[%dma_start3A_189] : memref<10000xf32, #tpu.memory_space<vmem_shared>> -> memref<10000xf32, #tpu.memory_space<vmem_shared>>
      tpu.enqueue_indirect_dma source(%arg7 : memref<128xf32, #tpu.memory_space<vmem>>) target(%dma_start3A_190 : memref<10000xf32, #tpu.memory_space<vmem_shared>>) offsets(%dma_start3A_188 : memref<128xi32, #tpu.memory_space<vmem>>) semaphore(%arg12 : memref<!tpu.dma_semaphore, #tpu.memory_space<semaphore_mem>>) {add = true}
      %add3A_191 = arith.constant 1 : i32
      %add3A_192 = arith.addi %mul3A_170, %add3A_191 : i32
      %dma_start3A_193 = arith.constant 0 : i32
      %dma_start3A_194 = tpu.memref_slice %arg6[%add3A_192, %dma_start3A_193] : memref<48x128xi32, #tpu.memory_space<vmem>> -> memref<1x128xi32, #tpu.memory_space<vmem>>
      %dma_start3A_195 = tpu.memref_squeeze %dma_start3A_194 : memref<1x128xi32, #tpu.memory_space<vmem>> -> memref<128xi32, #tpu.memory_space<vmem>>
      %dma_start3A_196 = arith.constant 0 : i32
      %dma_start3A_197 = tpu.memref_slice %arg9[%dma_start3A_196] : memref<10000xf32, #tpu.memory_space<vmem_shared>> -> memref<10000xf32, #tpu.memory_space<vmem_shared>>
      tpu.enqueue_indirect_dma source(%arg7 : memref<128xf32, #tpu.memory_space<vmem>>) target(%dma_start3A_197 : memref<10000xf32, #tpu.memory_space<vmem_shared>>) offsets(%dma_start3A_195 : memref<128xi32, #tpu.memory_space<vmem>>) semaphore(%arg13 : memref<!tpu.dma_semaphore, #tpu.memory_space<semaphore_mem>>) {add = true}
      %add3A_198 = arith.constant 2 : i32
      %add3A_199 = arith.addi %mul3A_170, %add3A_198 : i32
      %dma_start3A_200 = arith.constant 0 : i32
      %dma_start3A_201 = tpu.memref_slice %arg5[%add3A_199, %dma_start3A_200] : memref<48x128xi32, #tpu.memory_space<vmem>> -> memref<1x128xi32, #tpu.memory_space<vmem>>
      %dma_start3A_202 = tpu.memref_squeeze %dma_start3A_201 : memref<1x128xi32, #tpu.memory_space<vmem>> -> memref<128xi32, #tpu.memory_space<vmem>>
      %dma_start3A_203 = arith.constant 0 : i32
      %dma_start3A_204 = tpu.memref_slice %arg8[%dma_start3A_203] : memref<10000xf32, #tpu.memory_space<vmem_shared>> -> memref<10000xf32, #tpu.memory_space<vmem_shared>>
      tpu.enqueue_indirect_dma source(%arg7 : memref<128xf32, #tpu.memory_space<vmem>>) target(%dma_start3A_204 : memref<10000xf32, #tpu.memory_space<vmem_shared>>) offsets(%dma_start3A_202 : memref<128xi32, #tpu.memory_space<vmem>>) semaphore(%arg14 : memref<!tpu.dma_semaphore, #tpu.memory_space<semaphore_mem>>) {add = true}
      %add3A_205 = arith.constant 2 : i32
      %add3A_206 = arith.addi %mul3A_170, %add3A_205 : i32
      %dma_start3A_207 = arith.constant 0 : i32
      %dma_start3A_208 = tpu.memref_slice %arg6[%add3A_206, %dma_start3A_207] : memref<48x128xi32, #tpu.memory_space<vmem>> -> memref<1x128xi32, #tpu.memory_space<vmem>>
      %dma_start3A_209 = tpu.memref_squeeze %dma_start3A_208 : memref<1x128xi32, #tpu.memory_space<vmem>> -> memref<128xi32, #tpu.memory_space<vmem>>
      %dma_start3A_210 = arith.constant 0 : i32
      %dma_start3A_211 = tpu.memref_slice %arg9[%dma_start3A_210] : memref<10000xf32, #tpu.memory_space<vmem_shared>> -> memref<10000xf32, #tpu.memory_space<vmem_shared>>
      tpu.enqueue_indirect_dma source(%arg7 : memref<128xf32, #tpu.memory_space<vmem>>) target(%dma_start3A_211 : memref<10000xf32, #tpu.memory_space<vmem_shared>>) offsets(%dma_start3A_209 : memref<128xi32, #tpu.memory_space<vmem>>) semaphore(%arg15 : memref<!tpu.dma_semaphore, #tpu.memory_space<semaphore_mem>>) {add = true}
      %add3A_212 = arith.constant 3 : i32
      %add3A_213 = arith.addi %mul3A_170, %add3A_212 : i32
      %dma_start3A_214 = arith.constant 0 : i32
      %dma_start3A_215 = tpu.memref_slice %arg5[%add3A_213, %dma_start3A_214] : memref<48x128xi32, #tpu.memory_space<vmem>> -> memref<1x128xi32, #tpu.memory_space<vmem>>
      %dma_start3A_216 = tpu.memref_squeeze %dma_start3A_215 : memref<1x128xi32, #tpu.memory_space<vmem>> -> memref<128xi32, #tpu.memory_space<vmem>>
      %dma_start3A_217 = arith.constant 0 : i32
      %dma_start3A_218 = tpu.memref_slice %arg8[%dma_start3A_217] : memref<10000xf32, #tpu.memory_space<vmem_shared>> -> memref<10000xf32, #tpu.memory_space<vmem_shared>>
      tpu.enqueue_indirect_dma source(%arg7 : memref<128xf32, #tpu.memory_space<vmem>>) target(%dma_start3A_218 : memref<10000xf32, #tpu.memory_space<vmem_shared>>) offsets(%dma_start3A_216 : memref<128xi32, #tpu.memory_space<vmem>>) semaphore(%arg16 : memref<!tpu.dma_semaphore, #tpu.memory_space<semaphore_mem>>) {add = true}
      %add3A_219 = arith.constant 3 : i32
      %add3A_220 = arith.addi %mul3A_170, %add3A_219 : i32
      %dma_start3A_221 = arith.constant 0 : i32
      %dma_start3A_222 = tpu.memref_slice %arg6[%add3A_220, %dma_start3A_221] : memref<48x128xi32, #tpu.memory_space<vmem>> -> memref<1x128xi32, #tpu.memory_space<vmem>>
      %dma_start3A_223 = tpu.memref_squeeze %dma_start3A_222 : memref<1x128xi32, #tpu.memory_space<vmem>> -> memref<128xi32, #tpu.memory_space<vmem>>
      %dma_start3A_224 = arith.constant 0 : i32
      %dma_start3A_225 = tpu.memref_slice %arg9[%dma_start3A_224] : memref<10000xf32, #tpu.memory_space<vmem_shared>> -> memref<10000xf32, #tpu.memory_space<vmem_shared>>
      tpu.enqueue_indirect_dma source(%arg7 : memref<128xf32, #tpu.memory_space<vmem>>) target(%dma_start3A_225 : memref<10000xf32, #tpu.memory_space<vmem_shared>>) offsets(%dma_start3A_223 : memref<128xi32, #tpu.memory_space<vmem>>) semaphore(%arg17 : memref<!tpu.dma_semaphore, #tpu.memory_space<semaphore_mem>>) {add = true}
      %dma_wait3A = arith.constant 0 : i32
      %dma_wait3A_226 = tpu.memref_slice %arg5[%add3A_172, %dma_wait3A] : memref<48x128xi32, #tpu.memory_space<vmem>> -> memref<1x128xi32, #tpu.memory_space<vmem>>
      %dma_wait3A_227 = tpu.memref_squeeze %dma_wait3A_226 : memref<1x128xi32, #tpu.memory_space<vmem>> -> memref<128xi32, #tpu.memory_space<vmem>>
      %dma_wait3A_228 = arith.constant 0 : i32
      %dma_wait3A_229 = tpu.memref_slice %arg8[%dma_wait3A_228] : memref<10000xf32, #tpu.memory_space<vmem_shared>> -> memref<10000xf32, #tpu.memory_space<vmem_shared>>
      tpu.wait_indirect_dma semaphore(%arg10 : memref<!tpu.dma_semaphore, #tpu.memory_space<semaphore_mem>>) src(%arg7 : memref<128xf32, #tpu.memory_space<vmem>>) dst(%dma_wait3A_229 : memref<10000xf32, #tpu.memory_space<vmem_shared>>)
      %dma_wait3A_230 = arith.constant 0 : i32
      %dma_wait3A_231 = tpu.memref_slice %arg6[%add3A_178, %dma_wait3A_230] : memref<48x128xi32, #tpu.memory_space<vmem>> -> memref<1x128xi32, #tpu.memory_space<vmem>>
      %dma_wait3A_232 = tpu.memref_squeeze %dma_wait3A_231 : memref<1x128xi32, #tpu.memory_space<vmem>> -> memref<128xi32, #tpu.memory_space<vmem>>
      %dma_wait3A_233 = arith.constant 0 : i32
      %dma_wait3A_234 = tpu.memref_slice %arg9[%dma_wait3A_233] : memref<10000xf32, #tpu.memory_space<vmem_shared>> -> memref<10000xf32, #tpu.memory_space<vmem_shared>>
      tpu.wait_indirect_dma semaphore(%arg11 : memref<!tpu.dma_semaphore, #tpu.memory_space<semaphore_mem>>) src(%arg7 : memref<128xf32, #tpu.memory_space<vmem>>) dst(%dma_wait3A_234 : memref<10000xf32, #tpu.memory_space<vmem_shared>>)
      %dma_wait3A_235 = arith.constant 0 : i32
      %dma_wait3A_236 = tpu.memref_slice %arg5[%add3A_185, %dma_wait3A_235] : memref<48x128xi32, #tpu.memory_space<vmem>> -> memref<1x128xi32, #tpu.memory_space<vmem>>
      %dma_wait3A_237 = tpu.memref_squeeze %dma_wait3A_236 : memref<1x128xi32, #tpu.memory_space<vmem>> -> memref<128xi32, #tpu.memory_space<vmem>>
      %dma_wait3A_238 = arith.constant 0 : i32
      %dma_wait3A_239 = tpu.memref_slice %arg8[%dma_wait3A_238] : memref<10000xf32, #tpu.memory_space<vmem_shared>> -> memref<10000xf32, #tpu.memory_space<vmem_shared>>
      tpu.wait_indirect_dma semaphore(%arg12 : memref<!tpu.dma_semaphore, #tpu.memory_space<semaphore_mem>>) src(%arg7 : memref<128xf32, #tpu.memory_space<vmem>>) dst(%dma_wait3A_239 : memref<10000xf32, #tpu.memory_space<vmem_shared>>)
      %dma_wait3A_240 = arith.constant 0 : i32
      %dma_wait3A_241 = tpu.memref_slice %arg6[%add3A_192, %dma_wait3A_240] : memref<48x128xi32, #tpu.memory_space<vmem>> -> memref<1x128xi32, #tpu.memory_space<vmem>>
      %dma_wait3A_242 = tpu.memref_squeeze %dma_wait3A_241 : memref<1x128xi32, #tpu.memory_space<vmem>> -> memref<128xi32, #tpu.memory_space<vmem>>
      %dma_wait3A_243 = arith.constant 0 : i32
      %dma_wait3A_244 = tpu.memref_slice %arg9[%dma_wait3A_243] : memref<10000xf32, #tpu.memory_space<vmem_shared>> -> memref<10000xf32, #tpu.memory_space<vmem_shared>>
      tpu.wait_indirect_dma semaphore(%arg13 : memref<!tpu.dma_semaphore, #tpu.memory_space<semaphore_mem>>) src(%arg7 : memref<128xf32, #tpu.memory_space<vmem>>) dst(%dma_wait3A_244 : memref<10000xf32, #tpu.memory_space<vmem_shared>>)
      %dma_wait3A_245 = arith.constant 0 : i32
      %dma_wait3A_246 = tpu.memref_slice %arg5[%add3A_199, %dma_wait3A_245] : memref<48x128xi32, #tpu.memory_space<vmem>> -> memref<1x128xi32, #tpu.memory_space<vmem>>
      %dma_wait3A_247 = tpu.memref_squeeze %dma_wait3A_246 : memref<1x128xi32, #tpu.memory_space<vmem>> -> memref<128xi32, #tpu.memory_space<vmem>>
      %dma_wait3A_248 = arith.constant 0 : i32
      %dma_wait3A_249 = tpu.memref_slice %arg8[%dma_wait3A_248] : memref<10000xf32, #tpu.memory_space<vmem_shared>> -> memref<10000xf32, #tpu.memory_space<vmem_shared>>
      tpu.wait_indirect_dma semaphore(%arg14 : memref<!tpu.dma_semaphore, #tpu.memory_space<semaphore_mem>>) src(%arg7 : memref<128xf32, #tpu.memory_space<vmem>>) dst(%dma_wait3A_249 : memref<10000xf32, #tpu.memory_space<vmem_shared>>)
      %dma_wait3A_250 = arith.constant 0 : i32
      %dma_wait3A_251 = tpu.memref_slice %arg6[%add3A_206, %dma_wait3A_250] : memref<48x128xi32, #tpu.memory_space<vmem>> -> memref<1x128xi32, #tpu.memory_space<vmem>>
      %dma_wait3A_252 = tpu.memref_squeeze %dma_wait3A_251 : memref<1x128xi32, #tpu.memory_space<vmem>> -> memref<128xi32, #tpu.memory_space<vmem>>
      %dma_wait3A_253 = arith.constant 0 : i32
      %dma_wait3A_254 = tpu.memref_slice %arg9[%dma_wait3A_253] : memref<10000xf32, #tpu.memory_space<vmem_shared>> -> memref<10000xf32, #tpu.memory_space<vmem_shared>>
      tpu.wait_indirect_dma semaphore(%arg15 : memref<!tpu.dma_semaphore, #tpu.memory_space<semaphore_mem>>) src(%arg7 : memref<128xf32, #tpu.memory_space<vmem>>) dst(%dma_wait3A_254 : memref<10000xf32, #tpu.memory_space<vmem_shared>>)
      %dma_wait3A_255 = arith.constant 0 : i32
      %dma_wait3A_256 = tpu.memref_slice %arg5[%add3A_213, %dma_wait3A_255] : memref<48x128xi32, #tpu.memory_space<vmem>> -> memref<1x128xi32, #tpu.memory_space<vmem>>
      %dma_wait3A_257 = tpu.memref_squeeze %dma_wait3A_256 : memref<1x128xi32, #tpu.memory_space<vmem>> -> memref<128xi32, #tpu.memory_space<vmem>>
      %dma_wait3A_258 = arith.constant 0 : i32
      %dma_wait3A_259 = tpu.memref_slice %arg8[%dma_wait3A_258] : memref<10000xf32, #tpu.memory_space<vmem_shared>> -> memref<10000xf32, #tpu.memory_space<vmem_shared>>
      tpu.wait_indirect_dma semaphore(%arg16 : memref<!tpu.dma_semaphore, #tpu.memory_space<semaphore_mem>>) src(%arg7 : memref<128xf32, #tpu.memory_space<vmem>>) dst(%dma_wait3A_259 : memref<10000xf32, #tpu.memory_space<vmem_shared>>)
      %dma_wait3A_260 = arith.constant 0 : i32
      %dma_wait3A_261 = tpu.memref_slice %arg6[%add3A_220, %dma_wait3A_260] : memref<48x128xi32, #tpu.memory_space<vmem>> -> memref<1x128xi32, #tpu.memory_space<vmem>>
      %dma_wait3A_262 = tpu.memref_squeeze %dma_wait3A_261 : memref<1x128xi32, #tpu.memory_space<vmem>> -> memref<128xi32, #tpu.memory_space<vmem>>
      %dma_wait3A_263 = arith.constant 0 : i32
      %dma_wait3A_264 = tpu.memref_slice %arg9[%dma_wait3A_263] : memref<10000xf32, #tpu.memory_space<vmem_shared>> -> memref<10000xf32, #tpu.memory_space<vmem_shared>>
      tpu.wait_indirect_dma semaphore(%arg17 : memref<!tpu.dma_semaphore, #tpu.memory_space<semaphore_mem>>) src(%arg7 : memref<128xf32, #tpu.memory_space<vmem>>) dst(%dma_wait3A_264 : memref<10000xf32, #tpu.memory_space<vmem_shared>>)
    }
    %eq3A_152 = arith.constant 0 : i32
    %eq3A_153 = arith.cmpi eq, %add3A, %eq3A_152 : i32
    %convert_element_type3A_154 = arith.extui %eq3A_153 : i1 to i32
    %cond3A_155 = arith.constant 0 : i32
    %cond3A_156 = arith.cmpi ne, %convert_element_type3A_154, %cond3A_155 : i32
    scf.if %cond3A_156 {
      %multiple_of3A_168 = arith.constant 2496 : i32
      %multiple_of3A_169 = tpu.assume_multiple %multiple_of3A_168, 8 : i32
      %run_scoped3A_170 = arith.constant 0 : i32
      "tpu.region"() ({
        %run_scoped3A_271 = tpu.sem_alloc : memref<!tpu.dma_semaphore, #tpu.memory_space<semaphore_mem>>
        %dma_start3A_272 = arith.constant 0 : i32
        %dma_start3A_273 = arith.constant 0 : i32
        %dma_start3A_274 = tpu.memref_slice %arg5[%dma_start3A_272, %dma_start3A_273] : memref<48x128xi32, #tpu.memory_space<vmem>> -> memref<4x128xi32, #tpu.memory_space<vmem>>
        %dma_start3A_275 = arith.constant 0 : i32
        %dma_start3A_276 = tpu.memref_slice %arg2[%run_scoped3A_170, %multiple_of3A_169, %dma_start3A_275] : memref<2x2500x128xi32, #tpu.memory_space<hbm>> -> memref<1x4x128xi32, #tpu.memory_space<hbm>>
        %dma_start3A_277 = tpu.memref_squeeze %dma_start3A_276 : memref<1x4x128xi32, #tpu.memory_space<hbm>> -> memref<4x128xi32, #tpu.memory_space<hbm>>
        %dma_start3A_278 = arith.constant 0 : i32
        %dma_start3A_279 = arith.constant 0 : i32
        %dma_start3A_280 = tpu.memref_slice %arg5[%dma_start3A_278, %dma_start3A_279] : memref<48x128xi32, #tpu.memory_space<vmem>> -> memref<4x128xi32, #tpu.memory_space<vmem>>
        %dma_start3A_281 = arith.constant 0 : i32
        %dma_start3A_282 = tpu.memref_slice %arg2[%run_scoped3A_170, %multiple_of3A_169, %dma_start3A_281] : memref<2x2500x128xi32, #tpu.memory_space<hbm>> -> memref<1x4x128xi32, #tpu.memory_space<hbm>>
        %dma_start3A_283 = tpu.memref_squeeze %dma_start3A_282 : memref<1x4x128xi32, #tpu.memory_space<hbm>> -> memref<4x128xi32, #tpu.memory_space<hbm>>
        tpu.enqueue_dma source(%dma_start3A_283 : memref<4x128xi32, #tpu.memory_space<hbm>>) target(%dma_start3A_280 : memref<4x128xi32, #tpu.memory_space<vmem>>) target_semaphore(%run_scoped3A_271 : memref<!tpu.dma_semaphore, #tpu.memory_space<semaphore_mem>>)
        %dma_wait3A_284 = arith.constant 0 : i32
        %dma_wait3A_285 = arith.constant 0 : i32
        %dma_wait3A_286 = tpu.memref_slice %arg5[%dma_wait3A_284, %dma_wait3A_285] : memref<48x128xi32, #tpu.memory_space<vmem>> -> memref<4x128xi32, #tpu.memory_space<vmem>>
        %dma_wait3A_287 = arith.constant 0 : i32
        %dma_wait3A_288 = tpu.memref_slice %arg2[%run_scoped3A_170, %multiple_of3A_169, %dma_wait3A_287] : memref<2x2500x128xi32, #tpu.memory_space<hbm>> -> memref<1x4x128xi32, #tpu.memory_space<hbm>>
        %dma_wait3A_289 = tpu.memref_squeeze %dma_wait3A_288 : memref<1x4x128xi32, #tpu.memory_space<hbm>> -> memref<4x128xi32, #tpu.memory_space<hbm>>
        %dma_wait3A_290 = arith.constant 0 : i32
        %dma_wait3A_291 = arith.constant 0 : i32
        %dma_wait3A_292 = tpu.memref_slice %arg5[%dma_wait3A_290, %dma_wait3A_291] : memref<48x128xi32, #tpu.memory_space<vmem>> -> memref<4x128xi32, #tpu.memory_space<vmem>>
        %dma_wait3A_293 = arith.constant 0 : i32
        %dma_wait3A_294 = tpu.memref_slice %arg2[%run_scoped3A_170, %multiple_of3A_169, %dma_wait3A_293] : memref<2x2500x128xi32, #tpu.memory_space<hbm>> -> memref<1x4x128xi32, #tpu.memory_space<hbm>>
        %dma_wait3A_295 = tpu.memref_squeeze %dma_wait3A_294 : memref<1x4x128xi32, #tpu.memory_space<hbm>> -> memref<4x128xi32, #tpu.memory_space<hbm>>
        tpu.wait_dma2 semaphore(%run_scoped3A_271 : memref<!tpu.dma_semaphore, #tpu.memory_space<semaphore_mem>>) src(%dma_wait3A_295 : memref<4x128xi32, #tpu.memory_space<hbm>>) dst(%dma_wait3A_292 : memref<4x128xi32, #tpu.memory_space<vmem>>)
        tpu.yield
      }) : () -> ()
      %run_scoped3A_171 = arith.constant 1 : i32
      "tpu.region"() ({
        %run_scoped3A_271 = tpu.sem_alloc : memref<!tpu.dma_semaphore, #tpu.memory_space<semaphore_mem>>
        %dma_start3A_272 = arith.constant 0 : i32
        %dma_start3A_273 = arith.constant 0 : i32
        %dma_start3A_274 = tpu.memref_slice %arg6[%dma_start3A_272, %dma_start3A_273] : memref<48x128xi32, #tpu.memory_space<vmem>> -> memref<4x128xi32, #tpu.memory_space<vmem>>
        %dma_start3A_275 = arith.constant 0 : i32
        %dma_start3A_276 = tpu.memref_slice %arg2[%run_scoped3A_171, %multiple_of3A_169, %dma_start3A_275] : memref<2x2500x128xi32, #tpu.memory_space<hbm>> -> memref<1x4x128xi32, #tpu.memory_space<hbm>>
        %dma_start3A_277 = tpu.memref_squeeze %dma_start3A_276 : memref<1x4x128xi32, #tpu.memory_space<hbm>> -> memref<4x128xi32, #tpu.memory_space<hbm>>
        %dma_start3A_278 = arith.constant 0 : i32
        %dma_start3A_279 = arith.constant 0 : i32
        %dma_start3A_280 = tpu.memref_slice %arg6[%dma_start3A_278, %dma_start3A_279] : memref<48x128xi32, #tpu.memory_space<vmem>> -> memref<4x128xi32, #tpu.memory_space<vmem>>
        %dma_start3A_281 = arith.constant 0 : i32
        %dma_start3A_282 = tpu.memref_slice %arg2[%run_scoped3A_171, %multiple_of3A_169, %dma_start3A_281] : memref<2x2500x128xi32, #tpu.memory_space<hbm>> -> memref<1x4x128xi32, #tpu.memory_space<hbm>>
        %dma_start3A_283 = tpu.memref_squeeze %dma_start3A_282 : memref<1x4x128xi32, #tpu.memory_space<hbm>> -> memref<4x128xi32, #tpu.memory_space<hbm>>
        tpu.enqueue_dma source(%dma_start3A_283 : memref<4x128xi32, #tpu.memory_space<hbm>>) target(%dma_start3A_280 : memref<4x128xi32, #tpu.memory_space<vmem>>) target_semaphore(%run_scoped3A_271 : memref<!tpu.dma_semaphore, #tpu.memory_space<semaphore_mem>>)
        %dma_wait3A_284 = arith.constant 0 : i32
        %dma_wait3A_285 = arith.constant 0 : i32
        %dma_wait3A_286 = tpu.memref_slice %arg6[%dma_wait3A_284, %dma_wait3A_285] : memref<48x128xi32, #tpu.memory_space<vmem>> -> memref<4x128xi32, #tpu.memory_space<vmem>>
        %dma_wait3A_287 = arith.constant 0 : i32
        %dma_wait3A_288 = tpu.memref_slice %arg2[%run_scoped3A_171, %multiple_of3A_169, %dma_wait3A_287] : memref<2x2500x128xi32, #tpu.memory_space<hbm>> -> memref<1x4x128xi32, #tpu.memory_space<hbm>>
        %dma_wait3A_289 = tpu.memref_squeeze %dma_wait3A_288 : memref<1x4x128xi32, #tpu.memory_space<hbm>> -> memref<4x128xi32, #tpu.memory_space<hbm>>
        %dma_wait3A_290 = arith.constant 0 : i32
        %dma_wait3A_291 = arith.constant 0 : i32
        %dma_wait3A_292 = tpu.memref_slice %arg6[%dma_wait3A_290, %dma_wait3A_291] : memref<48x128xi32, #tpu.memory_space<vmem>> -> memref<4x128xi32, #tpu.memory_space<vmem>>
        %dma_wait3A_293 = arith.constant 0 : i32
        %dma_wait3A_294 = tpu.memref_slice %arg2[%run_scoped3A_171, %multiple_of3A_169, %dma_wait3A_293] : memref<2x2500x128xi32, #tpu.memory_space<hbm>> -> memref<1x4x128xi32, #tpu.memory_space<hbm>>
        %dma_wait3A_295 = tpu.memref_squeeze %dma_wait3A_294 : memref<1x4x128xi32, #tpu.memory_space<hbm>> -> memref<4x128xi32, #tpu.memory_space<hbm>>
        tpu.wait_dma2 semaphore(%run_scoped3A_271 : memref<!tpu.dma_semaphore, #tpu.memory_space<semaphore_mem>>) src(%dma_wait3A_295 : memref<4x128xi32, #tpu.memory_space<hbm>>) dst(%dma_wait3A_292 : memref<4x128xi32, #tpu.memory_space<vmem>>)
        tpu.yield
      }) : () -> ()
      %scan3A_172 = arith.constant 0 : i32
      %scan3A_173 = arith.constant 0 : i32
      %mul3A_174 = arith.constant 4 : i32
      %mul3A_175 = arith.muli %mul3A_174, %scan3A_173 : i32
      %add3A_176 = arith.constant 0 : i32
      %add3A_177 = arith.addi %mul3A_175, %add3A_176 : i32
      %dma_start3A = arith.constant 0 : i32
      %dma_start3A_178 = tpu.memref_slice %arg5[%add3A_177, %dma_start3A] : memref<48x128xi32, #tpu.memory_space<vmem>> -> memref<1x128xi32, #tpu.memory_space<vmem>>
      %dma_start3A_179 = tpu.memref_squeeze %dma_start3A_178 : memref<1x128xi32, #tpu.memory_space<vmem>> -> memref<128xi32, #tpu.memory_space<vmem>>
      %dma_start3A_180 = arith.constant 0 : i32
      %dma_start3A_181 = tpu.memref_slice %arg8[%dma_start3A_180] : memref<10000xf32, #tpu.memory_space<vmem_shared>> -> memref<10000xf32, #tpu.memory_space<vmem_shared>>
      tpu.enqueue_indirect_dma source(%arg7 : memref<128xf32, #tpu.memory_space<vmem>>) target(%dma_start3A_181 : memref<10000xf32, #tpu.memory_space<vmem_shared>>) offsets(%dma_start3A_179 : memref<128xi32, #tpu.memory_space<vmem>>) semaphore(%arg10 : memref<!tpu.dma_semaphore, #tpu.memory_space<semaphore_mem>>) {add = true}
      %add3A_182 = arith.constant 0 : i32
      %add3A_183 = arith.addi %mul3A_175, %add3A_182 : i32
      %dma_start3A_184 = arith.constant 0 : i32
      %dma_start3A_185 = tpu.memref_slice %arg6[%add3A_183, %dma_start3A_184] : memref<48x128xi32, #tpu.memory_space<vmem>> -> memref<1x128xi32, #tpu.memory_space<vmem>>
      %dma_start3A_186 = tpu.memref_squeeze %dma_start3A_185 : memref<1x128xi32, #tpu.memory_space<vmem>> -> memref<128xi32, #tpu.memory_space<vmem>>
      %dma_start3A_187 = arith.constant 0 : i32
      %dma_start3A_188 = tpu.memref_slice %arg9[%dma_start3A_187] : memref<10000xf32, #tpu.memory_space<vmem_shared>> -> memref<10000xf32, #tpu.memory_space<vmem_shared>>
      tpu.enqueue_indirect_dma source(%arg7 : memref<128xf32, #tpu.memory_space<vmem>>) target(%dma_start3A_188 : memref<10000xf32, #tpu.memory_space<vmem_shared>>) offsets(%dma_start3A_186 : memref<128xi32, #tpu.memory_space<vmem>>) semaphore(%arg11 : memref<!tpu.dma_semaphore, #tpu.memory_space<semaphore_mem>>) {add = true}
      %add3A_189 = arith.constant 1 : i32
      %add3A_190 = arith.addi %mul3A_175, %add3A_189 : i32
      %dma_start3A_191 = arith.constant 0 : i32
      %dma_start3A_192 = tpu.memref_slice %arg5[%add3A_190, %dma_start3A_191] : memref<48x128xi32, #tpu.memory_space<vmem>> -> memref<1x128xi32, #tpu.memory_space<vmem>>
      %dma_start3A_193 = tpu.memref_squeeze %dma_start3A_192 : memref<1x128xi32, #tpu.memory_space<vmem>> -> memref<128xi32, #tpu.memory_space<vmem>>
      %dma_start3A_194 = arith.constant 0 : i32
      %dma_start3A_195 = tpu.memref_slice %arg8[%dma_start3A_194] : memref<10000xf32, #tpu.memory_space<vmem_shared>> -> memref<10000xf32, #tpu.memory_space<vmem_shared>>
      tpu.enqueue_indirect_dma source(%arg7 : memref<128xf32, #tpu.memory_space<vmem>>) target(%dma_start3A_195 : memref<10000xf32, #tpu.memory_space<vmem_shared>>) offsets(%dma_start3A_193 : memref<128xi32, #tpu.memory_space<vmem>>) semaphore(%arg12 : memref<!tpu.dma_semaphore, #tpu.memory_space<semaphore_mem>>) {add = true}
      %add3A_196 = arith.constant 1 : i32
      %add3A_197 = arith.addi %mul3A_175, %add3A_196 : i32
      %dma_start3A_198 = arith.constant 0 : i32
      %dma_start3A_199 = tpu.memref_slice %arg6[%add3A_197, %dma_start3A_198] : memref<48x128xi32, #tpu.memory_space<vmem>> -> memref<1x128xi32, #tpu.memory_space<vmem>>
      %dma_start3A_200 = tpu.memref_squeeze %dma_start3A_199 : memref<1x128xi32, #tpu.memory_space<vmem>> -> memref<128xi32, #tpu.memory_space<vmem>>
      %dma_start3A_201 = arith.constant 0 : i32
      %dma_start3A_202 = tpu.memref_slice %arg9[%dma_start3A_201] : memref<10000xf32, #tpu.memory_space<vmem_shared>> -> memref<10000xf32, #tpu.memory_space<vmem_shared>>
      tpu.enqueue_indirect_dma source(%arg7 : memref<128xf32, #tpu.memory_space<vmem>>) target(%dma_start3A_202 : memref<10000xf32, #tpu.memory_space<vmem_shared>>) offsets(%dma_start3A_200 : memref<128xi32, #tpu.memory_space<vmem>>) semaphore(%arg13 : memref<!tpu.dma_semaphore, #tpu.memory_space<semaphore_mem>>) {add = true}
      %add3A_203 = arith.constant 2 : i32
      %add3A_204 = arith.addi %mul3A_175, %add3A_203 : i32
      %dma_start3A_205 = arith.constant 0 : i32
      %dma_start3A_206 = tpu.memref_slice %arg5[%add3A_204, %dma_start3A_205] : memref<48x128xi32, #tpu.memory_space<vmem>> -> memref<1x128xi32, #tpu.memory_space<vmem>>
      %dma_start3A_207 = tpu.memref_squeeze %dma_start3A_206 : memref<1x128xi32, #tpu.memory_space<vmem>> -> memref<128xi32, #tpu.memory_space<vmem>>
      %dma_start3A_208 = arith.constant 0 : i32
      %dma_start3A_209 = tpu.memref_slice %arg8[%dma_start3A_208] : memref<10000xf32, #tpu.memory_space<vmem_shared>> -> memref<10000xf32, #tpu.memory_space<vmem_shared>>
      tpu.enqueue_indirect_dma source(%arg7 : memref<128xf32, #tpu.memory_space<vmem>>) target(%dma_start3A_209 : memref<10000xf32, #tpu.memory_space<vmem_shared>>) offsets(%dma_start3A_207 : memref<128xi32, #tpu.memory_space<vmem>>) semaphore(%arg14 : memref<!tpu.dma_semaphore, #tpu.memory_space<semaphore_mem>>) {add = true}
      %add3A_210 = arith.constant 2 : i32
      %add3A_211 = arith.addi %mul3A_175, %add3A_210 : i32
      %dma_start3A_212 = arith.constant 0 : i32
      %dma_start3A_213 = tpu.memref_slice %arg6[%add3A_211, %dma_start3A_212] : memref<48x128xi32, #tpu.memory_space<vmem>> -> memref<1x128xi32, #tpu.memory_space<vmem>>
      %dma_start3A_214 = tpu.memref_squeeze %dma_start3A_213 : memref<1x128xi32, #tpu.memory_space<vmem>> -> memref<128xi32, #tpu.memory_space<vmem>>
      %dma_start3A_215 = arith.constant 0 : i32
      %dma_start3A_216 = tpu.memref_slice %arg9[%dma_start3A_215] : memref<10000xf32, #tpu.memory_space<vmem_shared>> -> memref<10000xf32, #tpu.memory_space<vmem_shared>>
      tpu.enqueue_indirect_dma source(%arg7 : memref<128xf32, #tpu.memory_space<vmem>>) target(%dma_start3A_216 : memref<10000xf32, #tpu.memory_space<vmem_shared>>) offsets(%dma_start3A_214 : memref<128xi32, #tpu.memory_space<vmem>>) semaphore(%arg15 : memref<!tpu.dma_semaphore, #tpu.memory_space<semaphore_mem>>) {add = true}
      %add3A_217 = arith.constant 3 : i32
      %add3A_218 = arith.addi %mul3A_175, %add3A_217 : i32
      %dma_start3A_219 = arith.constant 0 : i32
      %dma_start3A_220 = tpu.memref_slice %arg5[%add3A_218, %dma_start3A_219] : memref<48x128xi32, #tpu.memory_space<vmem>> -> memref<1x128xi32, #tpu.memory_space<vmem>>
      %dma_start3A_221 = tpu.memref_squeeze %dma_start3A_220 : memref<1x128xi32, #tpu.memory_space<vmem>> -> memref<128xi32, #tpu.memory_space<vmem>>
      %dma_start3A_222 = arith.constant 0 : i32
      %dma_start3A_223 = tpu.memref_slice %arg8[%dma_start3A_222] : memref<10000xf32, #tpu.memory_space<vmem_shared>> -> memref<10000xf32, #tpu.memory_space<vmem_shared>>
      tpu.enqueue_indirect_dma source(%arg7 : memref<128xf32, #tpu.memory_space<vmem>>) target(%dma_start3A_223 : memref<10000xf32, #tpu.memory_space<vmem_shared>>) offsets(%dma_start3A_221 : memref<128xi32, #tpu.memory_space<vmem>>) semaphore(%arg16 : memref<!tpu.dma_semaphore, #tpu.memory_space<semaphore_mem>>) {add = true}
      %add3A_224 = arith.constant 3 : i32
      %add3A_225 = arith.addi %mul3A_175, %add3A_224 : i32
      %dma_start3A_226 = arith.constant 0 : i32
      %dma_start3A_227 = tpu.memref_slice %arg6[%add3A_225, %dma_start3A_226] : memref<48x128xi32, #tpu.memory_space<vmem>> -> memref<1x128xi32, #tpu.memory_space<vmem>>
      %dma_start3A_228 = tpu.memref_squeeze %dma_start3A_227 : memref<1x128xi32, #tpu.memory_space<vmem>> -> memref<128xi32, #tpu.memory_space<vmem>>
      %dma_start3A_229 = arith.constant 0 : i32
      %dma_start3A_230 = tpu.memref_slice %arg9[%dma_start3A_229] : memref<10000xf32, #tpu.memory_space<vmem_shared>> -> memref<10000xf32, #tpu.memory_space<vmem_shared>>
      tpu.enqueue_indirect_dma source(%arg7 : memref<128xf32, #tpu.memory_space<vmem>>) target(%dma_start3A_230 : memref<10000xf32, #tpu.memory_space<vmem_shared>>) offsets(%dma_start3A_228 : memref<128xi32, #tpu.memory_space<vmem>>) semaphore(%arg17 : memref<!tpu.dma_semaphore, #tpu.memory_space<semaphore_mem>>) {add = true}
      %dma_wait3A = arith.constant 0 : i32
      %dma_wait3A_231 = tpu.memref_slice %arg5[%add3A_177, %dma_wait3A] : memref<48x128xi32, #tpu.memory_space<vmem>> -> memref<1x128xi32, #tpu.memory_space<vmem>>
      %dma_wait3A_232 = tpu.memref_squeeze %dma_wait3A_231 : memref<1x128xi32, #tpu.memory_space<vmem>> -> memref<128xi32, #tpu.memory_space<vmem>>
      %dma_wait3A_233 = arith.constant 0 : i32
      %dma_wait3A_234 = tpu.memref_slice %arg8[%dma_wait3A_233] : memref<10000xf32, #tpu.memory_space<vmem_shared>> -> memref<10000xf32, #tpu.memory_space<vmem_shared>>
      tpu.wait_indirect_dma semaphore(%arg10 : memref<!tpu.dma_semaphore, #tpu.memory_space<semaphore_mem>>) src(%arg7 : memref<128xf32, #tpu.memory_space<vmem>>) dst(%dma_wait3A_234 : memref<10000xf32, #tpu.memory_space<vmem_shared>>)
      %dma_wait3A_235 = arith.constant 0 : i32
      %dma_wait3A_236 = tpu.memref_slice %arg6[%add3A_183, %dma_wait3A_235] : memref<48x128xi32, #tpu.memory_space<vmem>> -> memref<1x128xi32, #tpu.memory_space<vmem>>
      %dma_wait3A_237 = tpu.memref_squeeze %dma_wait3A_236 : memref<1x128xi32, #tpu.memory_space<vmem>> -> memref<128xi32, #tpu.memory_space<vmem>>
      %dma_wait3A_238 = arith.constant 0 : i32
      %dma_wait3A_239 = tpu.memref_slice %arg9[%dma_wait3A_238] : memref<10000xf32, #tpu.memory_space<vmem_shared>> -> memref<10000xf32, #tpu.memory_space<vmem_shared>>
      tpu.wait_indirect_dma semaphore(%arg11 : memref<!tpu.dma_semaphore, #tpu.memory_space<semaphore_mem>>) src(%arg7 : memref<128xf32, #tpu.memory_space<vmem>>) dst(%dma_wait3A_239 : memref<10000xf32, #tpu.memory_space<vmem_shared>>)
      %dma_wait3A_240 = arith.constant 0 : i32
      %dma_wait3A_241 = tpu.memref_slice %arg5[%add3A_190, %dma_wait3A_240] : memref<48x128xi32, #tpu.memory_space<vmem>> -> memref<1x128xi32, #tpu.memory_space<vmem>>
      %dma_wait3A_242 = tpu.memref_squeeze %dma_wait3A_241 : memref<1x128xi32, #tpu.memory_space<vmem>> -> memref<128xi32, #tpu.memory_space<vmem>>
      %dma_wait3A_243 = arith.constant 0 : i32
      %dma_wait3A_244 = tpu.memref_slice %arg8[%dma_wait3A_243] : memref<10000xf32, #tpu.memory_space<vmem_shared>> -> memref<10000xf32, #tpu.memory_space<vmem_shared>>
      tpu.wait_indirect_dma semaphore(%arg12 : memref<!tpu.dma_semaphore, #tpu.memory_space<semaphore_mem>>) src(%arg7 : memref<128xf32, #tpu.memory_space<vmem>>) dst(%dma_wait3A_244 : memref<10000xf32, #tpu.memory_space<vmem_shared>>)
      %dma_wait3A_245 = arith.constant 0 : i32
      %dma_wait3A_246 = tpu.memref_slice %arg6[%add3A_197, %dma_wait3A_245] : memref<48x128xi32, #tpu.memory_space<vmem>> -> memref<1x128xi32, #tpu.memory_space<vmem>>
      %dma_wait3A_247 = tpu.memref_squeeze %dma_wait3A_246 : memref<1x128xi32, #tpu.memory_space<vmem>> -> memref<128xi32, #tpu.memory_space<vmem>>
      %dma_wait3A_248 = arith.constant 0 : i32
      %dma_wait3A_249 = tpu.memref_slice %arg9[%dma_wait3A_248] : memref<10000xf32, #tpu.memory_space<vmem_shared>> -> memref<10000xf32, #tpu.memory_space<vmem_shared>>
      tpu.wait_indirect_dma semaphore(%arg13 : memref<!tpu.dma_semaphore, #tpu.memory_space<semaphore_mem>>) src(%arg7 : memref<128xf32, #tpu.memory_space<vmem>>) dst(%dma_wait3A_249 : memref<10000xf32, #tpu.memory_space<vmem_shared>>)
      %dma_wait3A_250 = arith.constant 0 : i32
      %dma_wait3A_251 = tpu.memref_slice %arg5[%add3A_204, %dma_wait3A_250] : memref<48x128xi32, #tpu.memory_space<vmem>> -> memref<1x128xi32, #tpu.memory_space<vmem>>
      %dma_wait3A_252 = tpu.memref_squeeze %dma_wait3A_251 : memref<1x128xi32, #tpu.memory_space<vmem>> -> memref<128xi32, #tpu.memory_space<vmem>>
      %dma_wait3A_253 = arith.constant 0 : i32
      %dma_wait3A_254 = tpu.memref_slice %arg8[%dma_wait3A_253] : memref<10000xf32, #tpu.memory_space<vmem_shared>> -> memref<10000xf32, #tpu.memory_space<vmem_shared>>
      tpu.wait_indirect_dma semaphore(%arg14 : memref<!tpu.dma_semaphore, #tpu.memory_space<semaphore_mem>>) src(%arg7 : memref<128xf32, #tpu.memory_space<vmem>>) dst(%dma_wait3A_254 : memref<10000xf32, #tpu.memory_space<vmem_shared>>)
      %dma_wait3A_255 = arith.constant 0 : i32
      %dma_wait3A_256 = tpu.memref_slice %arg6[%add3A_211, %dma_wait3A_255] : memref<48x128xi32, #tpu.memory_space<vmem>> -> memref<1x128xi32, #tpu.memory_space<vmem>>
      %dma_wait3A_257 = tpu.memref_squeeze %dma_wait3A_256 : memref<1x128xi32, #tpu.memory_space<vmem>> -> memref<128xi32, #tpu.memory_space<vmem>>
      %dma_wait3A_258 = arith.constant 0 : i32
      %dma_wait3A_259 = tpu.memref_slice %arg9[%dma_wait3A_258] : memref<10000xf32, #tpu.memory_space<vmem_shared>> -> memref<10000xf32, #tpu.memory_space<vmem_shared>>
      tpu.wait_indirect_dma semaphore(%arg15 : memref<!tpu.dma_semaphore, #tpu.memory_space<semaphore_mem>>) src(%arg7 : memref<128xf32, #tpu.memory_space<vmem>>) dst(%dma_wait3A_259 : memref<10000xf32, #tpu.memory_space<vmem_shared>>)
      %dma_wait3A_260 = arith.constant 0 : i32
      %dma_wait3A_261 = tpu.memref_slice %arg5[%add3A_218, %dma_wait3A_260] : memref<48x128xi32, #tpu.memory_space<vmem>> -> memref<1x128xi32, #tpu.memory_space<vmem>>
      %dma_wait3A_262 = tpu.memref_squeeze %dma_wait3A_261 : memref<1x128xi32, #tpu.memory_space<vmem>> -> memref<128xi32, #tpu.memory_space<vmem>>
      %dma_wait3A_263 = arith.constant 0 : i32
      %dma_wait3A_264 = tpu.memref_slice %arg8[%dma_wait3A_263] : memref<10000xf32, #tpu.memory_space<vmem_shared>> -> memref<10000xf32, #tpu.memory_space<vmem_shared>>
      tpu.wait_indirect_dma semaphore(%arg16 : memref<!tpu.dma_semaphore, #tpu.memory_space<semaphore_mem>>) src(%arg7 : memref<128xf32, #tpu.memory_space<vmem>>) dst(%dma_wait3A_264 : memref<10000xf32, #tpu.memory_space<vmem_shared>>)
      %dma_wait3A_265 = arith.constant 0 : i32
      %dma_wait3A_266 = tpu.memref_slice %arg6[%add3A_225, %dma_wait3A_265] : memref<48x128xi32, #tpu.memory_space<vmem>> -> memref<1x128xi32, #tpu.memory_space<vmem>>
      %dma_wait3A_267 = tpu.memref_squeeze %dma_wait3A_266 : memref<1x128xi32, #tpu.memory_space<vmem>> -> memref<128xi32, #tpu.memory_space<vmem>>
      %dma_wait3A_268 = arith.constant 0 : i32
      %dma_wait3A_269 = tpu.memref_slice %arg9[%dma_wait3A_268] : memref<10000xf32, #tpu.memory_space<vmem_shared>> -> memref<10000xf32, #tpu.memory_space<vmem_shared>>
      tpu.wait_indirect_dma semaphore(%arg17 : memref<!tpu.dma_semaphore, #tpu.memory_space<semaphore_mem>>) src(%arg7 : memref<128xf32, #tpu.memory_space<vmem>>) dst(%dma_wait3A_269 : memref<10000xf32, #tpu.memory_space<vmem_shared>>)
      %scan3A_270 = arith.constant 1 : i32
    } else {
    }
    %barrier3A_157 = arith.constant 0 : index
    tpu.barrier barrier_id(%barrier3A_157)
    %eq3A_158 = arith.constant 0 : i32
    %eq3A_159 = arith.cmpi eq, %arg1, %eq3A_158 : i32
    %convert_element_type3A_160 = arith.extui %eq3A_159 : i1 to i32
    %cond3A_161 = arith.constant 0 : i32
    %cond3A_162 = arith.cmpi ne, %convert_element_type3A_160, %cond3A_161 : i32
    scf.if %cond3A_162 {
      %mul3A_168 = arith.constant 2 : i32
      %mul3A_169 = arith.muli %mul3A_168, %arg0 : i32
      "tpu.region"() ({
        %run_scoped3A_170 = tpu.sem_alloc : memref<!tpu.dma_semaphore, #tpu.memory_space<semaphore_mem>>
        %dma_start3A = arith.constant 0 : i32
        %dma_start3A_171 = tpu.memref_slice %arg4[%mul3A_169, %dma_start3A] : memref<4x10000xf32, #tpu.memory_space<hbm>> -> memref<1x10000xf32, #tpu.memory_space<hbm>>
        %dma_start3A_172 = tpu.memref_squeeze %dma_start3A_171 : memref<1x10000xf32, #tpu.memory_space<hbm>> -> memref<10000xf32, #tpu.memory_space<hbm>>
        tpu.enqueue_dma source(%arg8 : memref<10000xf32, #tpu.memory_space<vmem_shared>>) target(%dma_start3A_172 : memref<10000xf32, #tpu.memory_space<hbm>>) target_semaphore(%run_scoped3A_170 : memref<!tpu.dma_semaphore, #tpu.memory_space<semaphore_mem>>)
        %dma_wait3A = arith.constant 0 : i32
        %dma_wait3A_173 = tpu.memref_slice %arg4[%mul3A_169, %dma_wait3A] : memref<4x10000xf32, #tpu.memory_space<hbm>> -> memref<1x10000xf32, #tpu.memory_space<hbm>>
        %dma_wait3A_174 = tpu.memref_squeeze %dma_wait3A_173 : memref<1x10000xf32, #tpu.memory_space<hbm>> -> memref<10000xf32, #tpu.memory_space<hbm>>
        tpu.wait_dma2 semaphore(%run_scoped3A_170 : memref<!tpu.dma_semaphore, #tpu.memory_space<semaphore_mem>>) src(%arg8 : memref<10000xf32, #tpu.memory_space<vmem_shared>>) dst(%dma_wait3A_174 : memref<10000xf32, #tpu.memory_space<hbm>>)
        tpu.yield
      }) : () -> ()
    } else {
    }
    %eq3A_163 = arith.constant 1 : i32
    %eq3A_164 = arith.cmpi eq, %arg1, %eq3A_163 : i32
    %convert_element_type3A_165 = arith.extui %eq3A_164 : i1 to i32
    %cond3A_166 = arith.constant 0 : i32
    %cond3A_167 = arith.cmpi ne, %convert_element_type3A_165, %cond3A_166 : i32
    scf.if %cond3A_167 {
      %mul3A_168 = arith.constant 2 : i32
      %mul3A_169 = arith.muli %mul3A_168, %arg0 : i32
      %add3A_170 = arith.constant 1 : i32
      %add3A_171 = arith.addi %mul3A_169, %add3A_170 : i32
      "tpu.region"() ({
        %run_scoped3A_172 = tpu.sem_alloc : memref<!tpu.dma_semaphore, #tpu.memory_space<semaphore_mem>>
        %dma_start3A = arith.constant 0 : i32
        %dma_start3A_173 = tpu.memref_slice %arg4[%add3A_171, %dma_start3A] : memref<4x10000xf32, #tpu.memory_space<hbm>> -> memref<1x10000xf32, #tpu.memory_space<hbm>>
        %dma_start3A_174 = tpu.memref_squeeze %dma_start3A_173 : memref<1x10000xf32, #tpu.memory_space<hbm>> -> memref<10000xf32, #tpu.memory_space<hbm>>
        tpu.enqueue_dma source(%arg9 : memref<10000xf32, #tpu.memory_space<vmem_shared>>) target(%dma_start3A_174 : memref<10000xf32, #tpu.memory_space<hbm>>) target_semaphore(%run_scoped3A_172 : memref<!tpu.dma_semaphore, #tpu.memory_space<semaphore_mem>>)
        %dma_wait3A = arith.constant 0 : i32
        %dma_wait3A_175 = tpu.memref_slice %arg4[%add3A_171, %dma_wait3A] : memref<4x10000xf32, #tpu.memory_space<hbm>> -> memref<1x10000xf32, #tpu.memory_space<hbm>>
        %dma_wait3A_176 = tpu.memref_squeeze %dma_wait3A_175 : memref<1x10000xf32, #tpu.memory_space<hbm>> -> memref<10000xf32, #tpu.memory_space<hbm>>
        tpu.wait_dma2 semaphore(%run_scoped3A_172 : memref<!tpu.dma_semaphore, #tpu.memory_space<semaphore_mem>>) src(%arg9 : memref<10000xf32, #tpu.memory_space<vmem_shared>>) dst(%dma_wait3A_176 : memref<10000xf32, #tpu.memory_space<hbm>>)
        tpu.yield
      }) : () -> ()
    } else {
    }
    return
  }
}

#map = affine_map<(d0, d1) -> (0, 0, 0)>
#map1 = affine_map<(d0, d1) -> (0, 0)>
module attributes {stable_mosaic.version = 14 : i64} {
  func.func @_agg_kernel(%arg0: i32, %arg1: i32, %arg2: memref<2x2500x128xi32, #tpu.memory_space<hbm>>, %arg3: memref<10000x128xf32, #tpu.memory_space<hbm>>, %arg4: memref<2x10240x128xf32, #tpu.memory_space<hbm>>, %arg5: memref<48x128xi32, #tpu.memory_space<vmem>>, %arg6: memref<48x128xi32, #tpu.memory_space<vmem>>, %arg7: memref<2x128x128xf32, #tpu.memory_space<vmem>>, %arg8: memref<10240x128xf32, #tpu.memory_space<vmem_shared>>, %arg9: memref<!tpu.dma_semaphore, #tpu.memory_space<semaphore_mem>>, %arg10: memref<!tpu.dma_semaphore, #tpu.memory_space<semaphore_mem>>) attributes {dimension_semantics = [#tpu.dimension_semantics<core_parallel>, #tpu.dimension_semantics<subcore_parallel>], iteration_bounds = array<i64: 2, 16>, scalar_prefetch = 0 : i64, scratch_operands = 6 : i64, tpu.core_type = #tpu.core_type<sc_vector_subcore>, window_params = [{transform_indices = #map}, {transform_indices = #map1}, {transform_indices = #map}]} {
    %mul3A = arith.constant 2 : i32
    %mul3A_0 = arith.muli %arg1, %mul3A : i32
    %add3A = arith.addi %mul3A_0, %arg0 : i32
    %mul3A_1 = arith.constant 312 : i32
    %mul3A_2 = arith.muli %add3A, %mul3A_1 : i32
    %jit3A = arith.constant 32 : i32
    %div3A = arith.divsi %mul3A_2, %jit3A : i32
    %sign3A = arith.constant 0 : i32
    %sign3A_3 = arith.cmpi sgt, %mul3A_2, %sign3A : i32
    %sign3A_4 = arith.extui %sign3A_3 : i1 to i32
    %sign3A_5 = arith.constant 0 : i32
    %sign3A_6 = arith.cmpi slt, %mul3A_2, %sign3A_5 : i32
    %sign3A_7 = arith.extui %sign3A_6 : i1 to i32
    %sign3A_8 = arith.subi %sign3A_4, %sign3A_7 : i32
    %sign3A_9 = arith.constant 0 : i32
    %sign3A_10 = arith.cmpi sgt, %jit3A, %sign3A_9 : i32
    %sign3A_11 = arith.extui %sign3A_10 : i1 to i32
    %sign3A_12 = arith.constant 0 : i32
    %sign3A_13 = arith.cmpi slt, %jit3A, %sign3A_12 : i32
    %sign3A_14 = arith.extui %sign3A_13 : i1 to i32
    %sign3A_15 = arith.subi %sign3A_11, %sign3A_14 : i32
    %ne3A = arith.cmpi ne, %sign3A_8, %sign3A_15 : i32
    %rem3A = arith.remsi %mul3A_2, %jit3A : i32
    %ne3A_16 = arith.constant 0 : i32
    %ne3A_17 = arith.cmpi ne, %rem3A, %ne3A_16 : i32
    %and3A = arith.andi %ne3A, %ne3A_17 : i1
    %sub3A = arith.constant 1 : i32
    %sub3A_18 = arith.subi %div3A, %sub3A : i32
    %select_n3A = arith.select %and3A, %sub3A_18, %div3A : i32
    %mul3A_19 = arith.constant 8 : i32
    %mul3A_20 = arith.muli %mul3A_19, %select_n3A : i32
    %add3A_21 = arith.constant 1 : i32
    %add3A_22 = arith.addi %add3A, %add3A_21 : i32
    %mul3A_23 = arith.constant 312 : i32
    %mul3A_24 = arith.muli %add3A_22, %mul3A_23 : i32
    %jit3A_25 = arith.constant 32 : i32
    %div3A_26 = arith.divsi %mul3A_24, %jit3A_25 : i32
    %sign3A_27 = arith.constant 0 : i32
    %sign3A_28 = arith.cmpi sgt, %mul3A_24, %sign3A_27 : i32
    %sign3A_29 = arith.extui %sign3A_28 : i1 to i32
    %sign3A_30 = arith.constant 0 : i32
    %sign3A_31 = arith.cmpi slt, %mul3A_24, %sign3A_30 : i32
    %sign3A_32 = arith.extui %sign3A_31 : i1 to i32
    %sign3A_33 = arith.subi %sign3A_29, %sign3A_32 : i32
    %sign3A_34 = arith.constant 0 : i32
    %sign3A_35 = arith.cmpi sgt, %jit3A_25, %sign3A_34 : i32
    %sign3A_36 = arith.extui %sign3A_35 : i1 to i32
    %sign3A_37 = arith.constant 0 : i32
    %sign3A_38 = arith.cmpi slt, %jit3A_25, %sign3A_37 : i32
    %sign3A_39 = arith.extui %sign3A_38 : i1 to i32
    %sign3A_40 = arith.subi %sign3A_36, %sign3A_39 : i32
    %ne3A_41 = arith.cmpi ne, %sign3A_33, %sign3A_40 : i32
    %rem3A_42 = arith.remsi %mul3A_24, %jit3A_25 : i32
    %ne3A_43 = arith.constant 0 : i32
    %ne3A_44 = arith.cmpi ne, %rem3A_42, %ne3A_43 : i32
    %and3A_45 = arith.andi %ne3A_41, %ne3A_44 : i1
    %sub3A_46 = arith.constant 1 : i32
    %sub3A_47 = arith.subi %div3A_26, %sub3A_46 : i32
    %select_n3A_48 = arith.select %and3A_45, %sub3A_47, %div3A_26 : i32
    %mul3A_49 = arith.constant 8 : i32
    %mul3A_50 = arith.muli %mul3A_49, %select_n3A_48 : i32
    %broadcast_in_dim3A = arith.constant 0.000000e+00 : f32
    %broadcast_in_dim3A_51 = vector.broadcast %broadcast_in_dim3A : f32 to vector<16xf32>
    %scan3A = arith.constant 0 : i32
    %scan3A_52 = arith.constant 0 : i32
    %scan3A_53 = arith.constant 1024 : i32
    %scan3A_54 = arith.addi %scan3A_52, %scan3A_53 : i32
    %scan3A_55 = arith.constant 1 : i32
    scf.for %scan3A_239 = %scan3A_52 to %scan3A_54 step %scan3A_55  : i32 {
      %jit3A_240 = arith.constant 8 : i32
      %div3A_241 = arith.divsi %scan3A_239, %jit3A_240 : i32
      %sign3A_242 = arith.constant 0 : i32
      %sign3A_243 = arith.cmpi sgt, %scan3A_239, %sign3A_242 : i32
      %sign3A_244 = arith.extui %sign3A_243 : i1 to i32
      %sign3A_245 = arith.constant 0 : i32
      %sign3A_246 = arith.cmpi slt, %scan3A_239, %sign3A_245 : i32
      %sign3A_247 = arith.extui %sign3A_246 : i1 to i32
      %sign3A_248 = arith.subi %sign3A_244, %sign3A_247 : i32
      %sign3A_249 = arith.constant 0 : i32
      %sign3A_250 = arith.cmpi sgt, %jit3A_240, %sign3A_249 : i32
      %sign3A_251 = arith.extui %sign3A_250 : i1 to i32
      %sign3A_252 = arith.constant 0 : i32
      %sign3A_253 = arith.cmpi slt, %jit3A_240, %sign3A_252 : i32
      %sign3A_254 = arith.extui %sign3A_253 : i1 to i32
      %sign3A_255 = arith.subi %sign3A_251, %sign3A_254 : i32
      %ne3A_256 = arith.cmpi ne, %sign3A_248, %sign3A_255 : i32
      %rem3A_257 = arith.remsi %scan3A_239, %jit3A_240 : i32
      %ne3A_258 = arith.constant 0 : i32
      %ne3A_259 = arith.cmpi ne, %rem3A_257, %ne3A_258 : i32
      %and3A_260 = arith.andi %ne3A_256, %ne3A_259 : i1
      %sub3A_261 = arith.constant 1 : i32
      %sub3A_262 = arith.subi %div3A_241, %sub3A_261 : i32
      %select_n3A_263 = arith.select %and3A_260, %sub3A_262, %div3A_241 : i32
      %jit3A_264 = arith.constant 8 : i32
      %eq3A_265 = arith.constant 0 : i32
      %eq3A_266 = arith.cmpi eq, %jit3A_264, %eq3A_265 : i32
      %jit3A_267 = arith.constant 1 : i32
      %select_n3A_268 = arith.select %eq3A_266, %jit3A_267, %jit3A_264 : i32
      %rem3A_269 = arith.remsi %scan3A_239, %select_n3A_268 : i32
      %ne3A_270 = arith.constant 0 : i32
      %ne3A_271 = arith.cmpi ne, %rem3A_269, %ne3A_270 : i32
      %lt3A = arith.constant 0 : i32
      %lt3A_272 = arith.cmpi slt, %rem3A_269, %lt3A : i32
      %lt3A_273 = arith.constant 0 : i32
      %lt3A_274 = arith.cmpi slt, %select_n3A_268, %lt3A_273 : i32
      %ne3A_275 = arith.xori %lt3A_272, %lt3A_274 : i1
      %and3A_276 = arith.andi %ne3A_275, %ne3A_271 : i1
      %add3A_277 = arith.addi %rem3A_269, %select_n3A_268 : i32
      %select_n3A_278 = arith.select %and3A_276, %add3A_277, %rem3A_269 : i32
      %mul3A_279 = arith.constant 16 : i32
      %mul3A_280 = arith.muli %select_n3A_278, %mul3A_279 : i32
      %swap3A = arith.constant 0 : i32
      %swap3A_281 = arith.index_cast %swap3A : i32 to index
      %swap3A_282 = arith.index_cast %select_n3A_263 : i32 to index
      %swap3A_283 = arith.index_cast %mul3A_280 : i32 to index
      %swap3A_284 = tpu.vector_load %arg7[%swap3A_281, %swap3A_282, %swap3A_283] {strides = array<i32>} : memref<2x128x128xf32, #tpu.memory_space<vmem>>, vector<1x1x16xf32>,
      %swap3A_285 = vector.shape_cast %swap3A_284 : vector<1x1x16xf32> to vector<16xf32>
      %swap3A_286 = vector.shape_cast %broadcast_in_dim3A_51 : vector<16xf32> to vector<1x1x16xf32>
      tpu.vector_store %arg7[%swap3A_281, %swap3A_282, %swap3A_283], %swap3A_286 {strides = array<i32>} : memref<2x128x128xf32, #tpu.memory_space<vmem>>, vector<1x1x16xf32>,
    }
    %scan3A_56 = arith.constant 1024 : i32
    %mul3A_57 = arith.constant 640 : i32
    %mul3A_58 = arith.muli %arg1, %mul3A_57 : i32
    %add3A_59 = arith.constant 0 : i32
    %add3A_60 = arith.addi %mul3A_58, %add3A_59 : i32
    %run_scoped3A = arith.constant 0 : i32
    "tpu.region"() ({
      %run_scoped3A_239 = tpu.sem_alloc : memref<!tpu.dma_semaphore, #tpu.memory_space<semaphore_mem>>
      %dma_start3A_240 = arith.constant 0 : i32
      %dma_start3A_241 = arith.constant 0 : i32
      %dma_start3A_242 = tpu.memref_slice %arg7[%run_scoped3A, %dma_start3A_240, %dma_start3A_241] : memref<2x128x128xf32, #tpu.memory_space<vmem>> -> memref<1x128x128xf32, #tpu.memory_space<vmem>>
      %dma_start3A_243 = tpu.memref_squeeze %dma_start3A_242 : memref<1x128x128xf32, #tpu.memory_space<vmem>> -> memref<128x128xf32, #tpu.memory_space<vmem>>
      %dma_start3A_244 = arith.constant 0 : i32
      %dma_start3A_245 = tpu.memref_slice %arg8[%add3A_60, %dma_start3A_244] : memref<10240x128xf32, #tpu.memory_space<vmem_shared>> -> memref<128x128xf32, #tpu.memory_space<vmem_shared>>
      %dma_start3A_246 = arith.constant 0 : i32
      %dma_start3A_247 = tpu.memref_slice %arg8[%add3A_60, %dma_start3A_246] : memref<10240x128xf32, #tpu.memory_space<vmem_shared>> -> memref<128x128xf32, #tpu.memory_space<vmem_shared>>
      %dma_start3A_248 = arith.constant 0 : i32
      %dma_start3A_249 = arith.constant 0 : i32
      %dma_start3A_250 = tpu.memref_slice %arg7[%run_scoped3A, %dma_start3A_248, %dma_start3A_249] : memref<2x128x128xf32, #tpu.memory_space<vmem>> -> memref<1x128x128xf32, #tpu.memory_space<vmem>>
      %dma_start3A_251 = tpu.memref_squeeze %dma_start3A_250 : memref<1x128x128xf32, #tpu.memory_space<vmem>> -> memref<128x128xf32, #tpu.memory_space<vmem>>
      tpu.enqueue_dma source(%dma_start3A_251 : memref<128x128xf32, #tpu.memory_space<vmem>>) target(%dma_start3A_247 : memref<128x128xf32, #tpu.memory_space<vmem_shared>>) target_semaphore(%run_scoped3A_239 : memref<!tpu.dma_semaphore, #tpu.memory_space<semaphore_mem>>)
      %dma_wait3A_252 = arith.constant 0 : i32
      %dma_wait3A_253 = arith.constant 0 : i32
      %dma_wait3A_254 = tpu.memref_slice %arg7[%run_scoped3A, %dma_wait3A_252, %dma_wait3A_253] : memref<2x128x128xf32, #tpu.memory_space<vmem>> -> memref<1x128x128xf32, #tpu.memory_space<vmem>>
      %dma_wait3A_255 = tpu.memref_squeeze %dma_wait3A_254 : memref<1x128x128xf32, #tpu.memory_space<vmem>> -> memref<128x128xf32, #tpu.memory_space<vmem>>
      %dma_wait3A_256 = arith.constant 0 : i32
      %dma_wait3A_257 = tpu.memref_slice %arg8[%add3A_60, %dma_wait3A_256] : memref<10240x128xf32, #tpu.memory_space<vmem_shared>> -> memref<128x128xf32, #tpu.memory_space<vmem_shared>>
      %dma_wait3A_258 = arith.constant 0 : i32
      %dma_wait3A_259 = tpu.memref_slice %arg8[%add3A_60, %dma_wait3A_258] : memref<10240x128xf32, #tpu.memory_space<vmem_shared>> -> memref<128x128xf32, #tpu.memory_space<vmem_shared>>
      %dma_wait3A_260 = arith.constant 0 : i32
      %dma_wait3A_261 = arith.constant 0 : i32
      %dma_wait3A_262 = tpu.memref_slice %arg7[%run_scoped3A, %dma_wait3A_260, %dma_wait3A_261] : memref<2x128x128xf32, #tpu.memory_space<vmem>> -> memref<1x128x128xf32, #tpu.memory_space<vmem>>
      %dma_wait3A_263 = tpu.memref_squeeze %dma_wait3A_262 : memref<1x128x128xf32, #tpu.memory_space<vmem>> -> memref<128x128xf32, #tpu.memory_space<vmem>>
      tpu.wait_dma2 semaphore(%run_scoped3A_239 : memref<!tpu.dma_semaphore, #tpu.memory_space<semaphore_mem>>) src(%dma_wait3A_263 : memref<128x128xf32, #tpu.memory_space<vmem>>) dst(%dma_wait3A_259 : memref<128x128xf32, #tpu.memory_space<vmem_shared>>)
      tpu.yield
    }) : () -> ()
    %mul3A_61 = arith.constant 640 : i32
    %mul3A_62 = arith.muli %arg1, %mul3A_61 : i32
    %add3A_63 = arith.constant 128 : i32
    %add3A_64 = arith.addi %mul3A_62, %add3A_63 : i32
    %run_scoped3A_65 = arith.constant 0 : i32
    "tpu.region"() ({
      %run_scoped3A_239 = tpu.sem_alloc : memref<!tpu.dma_semaphore, #tpu.memory_space<semaphore_mem>>
      %dma_start3A_240 = arith.constant 0 : i32
      %dma_start3A_241 = arith.constant 0 : i32
      %dma_start3A_242 = tpu.memref_slice %arg7[%run_scoped3A_65, %dma_start3A_240, %dma_start3A_241] : memref<2x128x128xf32, #tpu.memory_space<vmem>> -> memref<1x128x128xf32, #tpu.memory_space<vmem>>
      %dma_start3A_243 = tpu.memref_squeeze %dma_start3A_242 : memref<1x128x128xf32, #tpu.memory_space<vmem>> -> memref<128x128xf32, #tpu.memory_space<vmem>>
      %dma_start3A_244 = arith.constant 0 : i32
      %dma_start3A_245 = tpu.memref_slice %arg8[%add3A_64, %dma_start3A_244] : memref<10240x128xf32, #tpu.memory_space<vmem_shared>> -> memref<128x128xf32, #tpu.memory_space<vmem_shared>>
      %dma_start3A_246 = arith.constant 0 : i32
      %dma_start3A_247 = tpu.memref_slice %arg8[%add3A_64, %dma_start3A_246] : memref<10240x128xf32, #tpu.memory_space<vmem_shared>> -> memref<128x128xf32, #tpu.memory_space<vmem_shared>>
      %dma_start3A_248 = arith.constant 0 : i32
      %dma_start3A_249 = arith.constant 0 : i32
      %dma_start3A_250 = tpu.memref_slice %arg7[%run_scoped3A_65, %dma_start3A_248, %dma_start3A_249] : memref<2x128x128xf32, #tpu.memory_space<vmem>> -> memref<1x128x128xf32, #tpu.memory_space<vmem>>
      %dma_start3A_251 = tpu.memref_squeeze %dma_start3A_250 : memref<1x128x128xf32, #tpu.memory_space<vmem>> -> memref<128x128xf32, #tpu.memory_space<vmem>>
      tpu.enqueue_dma source(%dma_start3A_251 : memref<128x128xf32, #tpu.memory_space<vmem>>) target(%dma_start3A_247 : memref<128x128xf32, #tpu.memory_space<vmem_shared>>) target_semaphore(%run_scoped3A_239 : memref<!tpu.dma_semaphore, #tpu.memory_space<semaphore_mem>>)
      %dma_wait3A_252 = arith.constant 0 : i32
      %dma_wait3A_253 = arith.constant 0 : i32
      %dma_wait3A_254 = tpu.memref_slice %arg7[%run_scoped3A_65, %dma_wait3A_252, %dma_wait3A_253] : memref<2x128x128xf32, #tpu.memory_space<vmem>> -> memref<1x128x128xf32, #tpu.memory_space<vmem>>
      %dma_wait3A_255 = tpu.memref_squeeze %dma_wait3A_254 : memref<1x128x128xf32, #tpu.memory_space<vmem>> -> memref<128x128xf32, #tpu.memory_space<vmem>>
      %dma_wait3A_256 = arith.constant 0 : i32
      %dma_wait3A_257 = tpu.memref_slice %arg8[%add3A_64, %dma_wait3A_256] : memref<10240x128xf32, #tpu.memory_space<vmem_shared>> -> memref<128x128xf32, #tpu.memory_space<vmem_shared>>
      %dma_wait3A_258 = arith.constant 0 : i32
      %dma_wait3A_259 = tpu.memref_slice %arg8[%add3A_64, %dma_wait3A_258] : memref<10240x128xf32, #tpu.memory_space<vmem_shared>> -> memref<128x128xf32, #tpu.memory_space<vmem_shared>>
      %dma_wait3A_260 = arith.constant 0 : i32
      %dma_wait3A_261 = arith.constant 0 : i32
      %dma_wait3A_262 = tpu.memref_slice %arg7[%run_scoped3A_65, %dma_wait3A_260, %dma_wait3A_261] : memref<2x128x128xf32, #tpu.memory_space<vmem>> -> memref<1x128x128xf32, #tpu.memory_space<vmem>>
      %dma_wait3A_263 = tpu.memref_squeeze %dma_wait3A_262 : memref<1x128x128xf32, #tpu.memory_space<vmem>> -> memref<128x128xf32, #tpu.memory_space<vmem>>
      tpu.wait_dma2 semaphore(%run_scoped3A_239 : memref<!tpu.dma_semaphore, #tpu.memory_space<semaphore_mem>>) src(%dma_wait3A_263 : memref<128x128xf32, #tpu.memory_space<vmem>>) dst(%dma_wait3A_259 : memref<128x128xf32, #tpu.memory_space<vmem_shared>>)
      tpu.yield
    }) : () -> ()
    %mul3A_66 = arith.constant 640 : i32
    %mul3A_67 = arith.muli %arg1, %mul3A_66 : i32
    %add3A_68 = arith.constant 256 : i32
    %add3A_69 = arith.addi %mul3A_67, %add3A_68 : i32
    %run_scoped3A_70 = arith.constant 0 : i32
    "tpu.region"() ({
      %run_scoped3A_239 = tpu.sem_alloc : memref<!tpu.dma_semaphore, #tpu.memory_space<semaphore_mem>>
      %dma_start3A_240 = arith.constant 0 : i32
      %dma_start3A_241 = arith.constant 0 : i32
      %dma_start3A_242 = tpu.memref_slice %arg7[%run_scoped3A_70, %dma_start3A_240, %dma_start3A_241] : memref<2x128x128xf32, #tpu.memory_space<vmem>> -> memref<1x128x128xf32, #tpu.memory_space<vmem>>
      %dma_start3A_243 = tpu.memref_squeeze %dma_start3A_242 : memref<1x128x128xf32, #tpu.memory_space<vmem>> -> memref<128x128xf32, #tpu.memory_space<vmem>>
      %dma_start3A_244 = arith.constant 0 : i32
      %dma_start3A_245 = tpu.memref_slice %arg8[%add3A_69, %dma_start3A_244] : memref<10240x128xf32, #tpu.memory_space<vmem_shared>> -> memref<128x128xf32, #tpu.memory_space<vmem_shared>>
      %dma_start3A_246 = arith.constant 0 : i32
      %dma_start3A_247 = tpu.memref_slice %arg8[%add3A_69, %dma_start3A_246] : memref<10240x128xf32, #tpu.memory_space<vmem_shared>> -> memref<128x128xf32, #tpu.memory_space<vmem_shared>>
      %dma_start3A_248 = arith.constant 0 : i32
      %dma_start3A_249 = arith.constant 0 : i32
      %dma_start3A_250 = tpu.memref_slice %arg7[%run_scoped3A_70, %dma_start3A_248, %dma_start3A_249] : memref<2x128x128xf32, #tpu.memory_space<vmem>> -> memref<1x128x128xf32, #tpu.memory_space<vmem>>
      %dma_start3A_251 = tpu.memref_squeeze %dma_start3A_250 : memref<1x128x128xf32, #tpu.memory_space<vmem>> -> memref<128x128xf32, #tpu.memory_space<vmem>>
      tpu.enqueue_dma source(%dma_start3A_251 : memref<128x128xf32, #tpu.memory_space<vmem>>) target(%dma_start3A_247 : memref<128x128xf32, #tpu.memory_space<vmem_shared>>) target_semaphore(%run_scoped3A_239 : memref<!tpu.dma_semaphore, #tpu.memory_space<semaphore_mem>>)
      %dma_wait3A_252 = arith.constant 0 : i32
      %dma_wait3A_253 = arith.constant 0 : i32
      %dma_wait3A_254 = tpu.memref_slice %arg7[%run_scoped3A_70, %dma_wait3A_252, %dma_wait3A_253] : memref<2x128x128xf32, #tpu.memory_space<vmem>> -> memref<1x128x128xf32, #tpu.memory_space<vmem>>
      %dma_wait3A_255 = tpu.memref_squeeze %dma_wait3A_254 : memref<1x128x128xf32, #tpu.memory_space<vmem>> -> memref<128x128xf32, #tpu.memory_space<vmem>>
      %dma_wait3A_256 = arith.constant 0 : i32
      %dma_wait3A_257 = tpu.memref_slice %arg8[%add3A_69, %dma_wait3A_256] : memref<10240x128xf32, #tpu.memory_space<vmem_shared>> -> memref<128x128xf32, #tpu.memory_space<vmem_shared>>
      %dma_wait3A_258 = arith.constant 0 : i32
      %dma_wait3A_259 = tpu.memref_slice %arg8[%add3A_69, %dma_wait3A_258] : memref<10240x128xf32, #tpu.memory_space<vmem_shared>> -> memref<128x128xf32, #tpu.memory_space<vmem_shared>>
      %dma_wait3A_260 = arith.constant 0 : i32
      %dma_wait3A_261 = arith.constant 0 : i32
      %dma_wait3A_262 = tpu.memref_slice %arg7[%run_scoped3A_70, %dma_wait3A_260, %dma_wait3A_261] : memref<2x128x128xf32, #tpu.memory_space<vmem>> -> memref<1x128x128xf32, #tpu.memory_space<vmem>>
      %dma_wait3A_263 = tpu.memref_squeeze %dma_wait3A_262 : memref<1x128x128xf32, #tpu.memory_space<vmem>> -> memref<128x128xf32, #tpu.memory_space<vmem>>
      tpu.wait_dma2 semaphore(%run_scoped3A_239 : memref<!tpu.dma_semaphore, #tpu.memory_space<semaphore_mem>>) src(%dma_wait3A_263 : memref<128x128xf32, #tpu.memory_space<vmem>>) dst(%dma_wait3A_259 : memref<128x128xf32, #tpu.memory_space<vmem_shared>>)
      tpu.yield
    }) : () -> ()
    %mul3A_71 = arith.constant 640 : i32
    %mul3A_72 = arith.muli %arg1, %mul3A_71 : i32
    %add3A_73 = arith.constant 384 : i32
    %add3A_74 = arith.addi %mul3A_72, %add3A_73 : i32
    %run_scoped3A_75 = arith.constant 0 : i32
    "tpu.region"() ({
      %run_scoped3A_239 = tpu.sem_alloc : memref<!tpu.dma_semaphore, #tpu.memory_space<semaphore_mem>>
      %dma_start3A_240 = arith.constant 0 : i32
      %dma_start3A_241 = arith.constant 0 : i32
      %dma_start3A_242 = tpu.memref_slice %arg7[%run_scoped3A_75, %dma_start3A_240, %dma_start3A_241] : memref<2x128x128xf32, #tpu.memory_space<vmem>> -> memref<1x128x128xf32, #tpu.memory_space<vmem>>
      %dma_start3A_243 = tpu.memref_squeeze %dma_start3A_242 : memref<1x128x128xf32, #tpu.memory_space<vmem>> -> memref<128x128xf32, #tpu.memory_space<vmem>>
      %dma_start3A_244 = arith.constant 0 : i32
      %dma_start3A_245 = tpu.memref_slice %arg8[%add3A_74, %dma_start3A_244] : memref<10240x128xf32, #tpu.memory_space<vmem_shared>> -> memref<128x128xf32, #tpu.memory_space<vmem_shared>>
      %dma_start3A_246 = arith.constant 0 : i32
      %dma_start3A_247 = tpu.memref_slice %arg8[%add3A_74, %dma_start3A_246] : memref<10240x128xf32, #tpu.memory_space<vmem_shared>> -> memref<128x128xf32, #tpu.memory_space<vmem_shared>>
      %dma_start3A_248 = arith.constant 0 : i32
      %dma_start3A_249 = arith.constant 0 : i32
      %dma_start3A_250 = tpu.memref_slice %arg7[%run_scoped3A_75, %dma_start3A_248, %dma_start3A_249] : memref<2x128x128xf32, #tpu.memory_space<vmem>> -> memref<1x128x128xf32, #tpu.memory_space<vmem>>
      %dma_start3A_251 = tpu.memref_squeeze %dma_start3A_250 : memref<1x128x128xf32, #tpu.memory_space<vmem>> -> memref<128x128xf32, #tpu.memory_space<vmem>>
      tpu.enqueue_dma source(%dma_start3A_251 : memref<128x128xf32, #tpu.memory_space<vmem>>) target(%dma_start3A_247 : memref<128x128xf32, #tpu.memory_space<vmem_shared>>) target_semaphore(%run_scoped3A_239 : memref<!tpu.dma_semaphore, #tpu.memory_space<semaphore_mem>>)
      %dma_wait3A_252 = arith.constant 0 : i32
      %dma_wait3A_253 = arith.constant 0 : i32
      %dma_wait3A_254 = tpu.memref_slice %arg7[%run_scoped3A_75, %dma_wait3A_252, %dma_wait3A_253] : memref<2x128x128xf32, #tpu.memory_space<vmem>> -> memref<1x128x128xf32, #tpu.memory_space<vmem>>
      %dma_wait3A_255 = tpu.memref_squeeze %dma_wait3A_254 : memref<1x128x128xf32, #tpu.memory_space<vmem>> -> memref<128x128xf32, #tpu.memory_space<vmem>>
      %dma_wait3A_256 = arith.constant 0 : i32
      %dma_wait3A_257 = tpu.memref_slice %arg8[%add3A_74, %dma_wait3A_256] : memref<10240x128xf32, #tpu.memory_space<vmem_shared>> -> memref<128x128xf32, #tpu.memory_space<vmem_shared>>
      %dma_wait3A_258 = arith.constant 0 : i32
      %dma_wait3A_259 = tpu.memref_slice %arg8[%add3A_74, %dma_wait3A_258] : memref<10240x128xf32, #tpu.memory_space<vmem_shared>> -> memref<128x128xf32, #tpu.memory_space<vmem_shared>>
      %dma_wait3A_260 = arith.constant 0 : i32
      %dma_wait3A_261 = arith.constant 0 : i32
      %dma_wait3A_262 = tpu.memref_slice %arg7[%run_scoped3A_75, %dma_wait3A_260, %dma_wait3A_261] : memref<2x128x128xf32, #tpu.memory_space<vmem>> -> memref<1x128x128xf32, #tpu.memory_space<vmem>>
      %dma_wait3A_263 = tpu.memref_squeeze %dma_wait3A_262 : memref<1x128x128xf32, #tpu.memory_space<vmem>> -> memref<128x128xf32, #tpu.memory_space<vmem>>
      tpu.wait_dma2 semaphore(%run_scoped3A_239 : memref<!tpu.dma_semaphore, #tpu.memory_space<semaphore_mem>>) src(%dma_wait3A_263 : memref<128x128xf32, #tpu.memory_space<vmem>>) dst(%dma_wait3A_259 : memref<128x128xf32, #tpu.memory_space<vmem_shared>>)
      tpu.yield
    }) : () -> ()
    %mul3A_76 = arith.constant 640 : i32
    %mul3A_77 = arith.muli %arg1, %mul3A_76 : i32
    %add3A_78 = arith.constant 512 : i32
    %add3A_79 = arith.addi %mul3A_77, %add3A_78 : i32
    %run_scoped3A_80 = arith.constant 0 : i32
    "tpu.region"() ({
      %run_scoped3A_239 = tpu.sem_alloc : memref<!tpu.dma_semaphore, #tpu.memory_space<semaphore_mem>>
      %dma_start3A_240 = arith.constant 0 : i32
      %dma_start3A_241 = arith.constant 0 : i32
      %dma_start3A_242 = tpu.memref_slice %arg7[%run_scoped3A_80, %dma_start3A_240, %dma_start3A_241] : memref<2x128x128xf32, #tpu.memory_space<vmem>> -> memref<1x128x128xf32, #tpu.memory_space<vmem>>
      %dma_start3A_243 = tpu.memref_squeeze %dma_start3A_242 : memref<1x128x128xf32, #tpu.memory_space<vmem>> -> memref<128x128xf32, #tpu.memory_space<vmem>>
      %dma_start3A_244 = arith.constant 0 : i32
      %dma_start3A_245 = tpu.memref_slice %arg8[%add3A_79, %dma_start3A_244] : memref<10240x128xf32, #tpu.memory_space<vmem_shared>> -> memref<128x128xf32, #tpu.memory_space<vmem_shared>>
      %dma_start3A_246 = arith.constant 0 : i32
      %dma_start3A_247 = tpu.memref_slice %arg8[%add3A_79, %dma_start3A_246] : memref<10240x128xf32, #tpu.memory_space<vmem_shared>> -> memref<128x128xf32, #tpu.memory_space<vmem_shared>>
      %dma_start3A_248 = arith.constant 0 : i32
      %dma_start3A_249 = arith.constant 0 : i32
      %dma_start3A_250 = tpu.memref_slice %arg7[%run_scoped3A_80, %dma_start3A_248, %dma_start3A_249] : memref<2x128x128xf32, #tpu.memory_space<vmem>> -> memref<1x128x128xf32, #tpu.memory_space<vmem>>
      %dma_start3A_251 = tpu.memref_squeeze %dma_start3A_250 : memref<1x128x128xf32, #tpu.memory_space<vmem>> -> memref<128x128xf32, #tpu.memory_space<vmem>>
      tpu.enqueue_dma source(%dma_start3A_251 : memref<128x128xf32, #tpu.memory_space<vmem>>) target(%dma_start3A_247 : memref<128x128xf32, #tpu.memory_space<vmem_shared>>) target_semaphore(%run_scoped3A_239 : memref<!tpu.dma_semaphore, #tpu.memory_space<semaphore_mem>>)
      %dma_wait3A_252 = arith.constant 0 : i32
      %dma_wait3A_253 = arith.constant 0 : i32
      %dma_wait3A_254 = tpu.memref_slice %arg7[%run_scoped3A_80, %dma_wait3A_252, %dma_wait3A_253] : memref<2x128x128xf32, #tpu.memory_space<vmem>> -> memref<1x128x128xf32, #tpu.memory_space<vmem>>
      %dma_wait3A_255 = tpu.memref_squeeze %dma_wait3A_254 : memref<1x128x128xf32, #tpu.memory_space<vmem>> -> memref<128x128xf32, #tpu.memory_space<vmem>>
      %dma_wait3A_256 = arith.constant 0 : i32
      %dma_wait3A_257 = tpu.memref_slice %arg8[%add3A_79, %dma_wait3A_256] : memref<10240x128xf32, #tpu.memory_space<vmem_shared>> -> memref<128x128xf32, #tpu.memory_space<vmem_shared>>
      %dma_wait3A_258 = arith.constant 0 : i32
      %dma_wait3A_259 = tpu.memref_slice %arg8[%add3A_79, %dma_wait3A_258] : memref<10240x128xf32, #tpu.memory_space<vmem_shared>> -> memref<128x128xf32, #tpu.memory_space<vmem_shared>>
      %dma_wait3A_260 = arith.constant 0 : i32
      %dma_wait3A_261 = arith.constant 0 : i32
      %dma_wait3A_262 = tpu.memref_slice %arg7[%run_scoped3A_80, %dma_wait3A_260, %dma_wait3A_261] : memref<2x128x128xf32, #tpu.memory_space<vmem>> -> memref<1x128x128xf32, #tpu.memory_space<vmem>>
      %dma_wait3A_263 = tpu.memref_squeeze %dma_wait3A_262 : memref<1x128x128xf32, #tpu.memory_space<vmem>> -> memref<128x128xf32, #tpu.memory_space<vmem>>
      tpu.wait_dma2 semaphore(%run_scoped3A_239 : memref<!tpu.dma_semaphore, #tpu.memory_space<semaphore_mem>>) src(%dma_wait3A_263 : memref<128x128xf32, #tpu.memory_space<vmem>>) dst(%dma_wait3A_259 : memref<128x128xf32, #tpu.memory_space<vmem_shared>>)
      tpu.yield
    }) : () -> ()
    %barrier3A = arith.constant 0 : index
    tpu.barrier barrier_id(%barrier3A)
    %add3A_81 = arith.constant 32 : i32
    %add3A_82 = arith.addi %mul3A_20, %add3A_81 : i32
    %jit3A_83 = arith.constant true
    %select_n3A_84 = arith.select %jit3A_83, %mul3A_20, %add3A_82 : i32
    %multiple_of3A = tpu.assume_multiple %select_n3A_84, 8 : i32
    %run_scoped3A_85 = arith.constant 0 : i32
    "tpu.region"() ({
      %run_scoped3A_239 = tpu.sem_alloc : memref<!tpu.dma_semaphore, #tpu.memory_space<semaphore_mem>>
      %dma_start3A_240 = arith.constant 0 : i32
      %dma_start3A_241 = tpu.memref_slice %arg2[%run_scoped3A_85, %multiple_of3A, %dma_start3A_240] : memref<2x2500x128xi32, #tpu.memory_space<hbm>> -> memref<1x48x128xi32, #tpu.memory_space<hbm>>
      %dma_start3A_242 = tpu.memref_squeeze %dma_start3A_241 : memref<1x48x128xi32, #tpu.memory_space<hbm>> -> memref<48x128xi32, #tpu.memory_space<hbm>>
      %dma_start3A_243 = arith.constant 0 : i32
      %dma_start3A_244 = tpu.memref_slice %arg2[%run_scoped3A_85, %multiple_of3A, %dma_start3A_243] : memref<2x2500x128xi32, #tpu.memory_space<hbm>> -> memref<1x48x128xi32, #tpu.memory_space<hbm>>
      %dma_start3A_245 = tpu.memref_squeeze %dma_start3A_244 : memref<1x48x128xi32, #tpu.memory_space<hbm>> -> memref<48x128xi32, #tpu.memory_space<hbm>>
      tpu.enqueue_dma source(%dma_start3A_245 : memref<48x128xi32, #tpu.memory_space<hbm>>) target(%arg5 : memref<48x128xi32, #tpu.memory_space<vmem>>) target_semaphore(%run_scoped3A_239 : memref<!tpu.dma_semaphore, #tpu.memory_space<semaphore_mem>>)
      %dma_wait3A_246 = arith.constant 0 : i32
      %dma_wait3A_247 = tpu.memref_slice %arg2[%run_scoped3A_85, %multiple_of3A, %dma_wait3A_246] : memref<2x2500x128xi32, #tpu.memory_space<hbm>> -> memref<1x48x128xi32, #tpu.memory_space<hbm>>
      %dma_wait3A_248 = tpu.memref_squeeze %dma_wait3A_247 : memref<1x48x128xi32, #tpu.memory_space<hbm>> -> memref<48x128xi32, #tpu.memory_space<hbm>>
      %dma_wait3A_249 = arith.constant 0 : i32
      %dma_wait3A_250 = tpu.memref_slice %arg2[%run_scoped3A_85, %multiple_of3A, %dma_wait3A_249] : memref<2x2500x128xi32, #tpu.memory_space<hbm>> -> memref<1x48x128xi32, #tpu.memory_space<hbm>>
      %dma_wait3A_251 = tpu.memref_squeeze %dma_wait3A_250 : memref<1x48x128xi32, #tpu.memory_space<hbm>> -> memref<48x128xi32, #tpu.memory_space<hbm>>
      tpu.wait_dma2 semaphore(%run_scoped3A_239 : memref<!tpu.dma_semaphore, #tpu.memory_space<semaphore_mem>>) src(%dma_wait3A_251 : memref<48x128xi32, #tpu.memory_space<hbm>>) dst(%arg5 : memref<48x128xi32, #tpu.memory_space<vmem>>)
      tpu.yield
    }) : () -> ()
    %run_scoped3A_86 = arith.constant 1 : i32
    "tpu.region"() ({
      %run_scoped3A_239 = tpu.sem_alloc : memref<!tpu.dma_semaphore, #tpu.memory_space<semaphore_mem>>
      %dma_start3A_240 = arith.constant 0 : i32
      %dma_start3A_241 = tpu.memref_slice %arg2[%run_scoped3A_86, %multiple_of3A, %dma_start3A_240] : memref<2x2500x128xi32, #tpu.memory_space<hbm>> -> memref<1x48x128xi32, #tpu.memory_space<hbm>>
      %dma_start3A_242 = tpu.memref_squeeze %dma_start3A_241 : memref<1x48x128xi32, #tpu.memory_space<hbm>> -> memref<48x128xi32, #tpu.memory_space<hbm>>
      %dma_start3A_243 = arith.constant 0 : i32
      %dma_start3A_244 = tpu.memref_slice %arg2[%run_scoped3A_86, %multiple_of3A, %dma_start3A_243] : memref<2x2500x128xi32, #tpu.memory_space<hbm>> -> memref<1x48x128xi32, #tpu.memory_space<hbm>>
      %dma_start3A_245 = tpu.memref_squeeze %dma_start3A_244 : memref<1x48x128xi32, #tpu.memory_space<hbm>> -> memref<48x128xi32, #tpu.memory_space<hbm>>
      tpu.enqueue_dma source(%dma_start3A_245 : memref<48x128xi32, #tpu.memory_space<hbm>>) target(%arg6 : memref<48x128xi32, #tpu.memory_space<vmem>>) target_semaphore(%run_scoped3A_239 : memref<!tpu.dma_semaphore, #tpu.memory_space<semaphore_mem>>)
      %dma_wait3A_246 = arith.constant 0 : i32
      %dma_wait3A_247 = tpu.memref_slice %arg2[%run_scoped3A_86, %multiple_of3A, %dma_wait3A_246] : memref<2x2500x128xi32, #tpu.memory_space<hbm>> -> memref<1x48x128xi32, #tpu.memory_space<hbm>>
      %dma_wait3A_248 = tpu.memref_squeeze %dma_wait3A_247 : memref<1x48x128xi32, #tpu.memory_space<hbm>> -> memref<48x128xi32, #tpu.memory_space<hbm>>
      %dma_wait3A_249 = arith.constant 0 : i32
      %dma_wait3A_250 = tpu.memref_slice %arg2[%run_scoped3A_86, %multiple_of3A, %dma_wait3A_249] : memref<2x2500x128xi32, #tpu.memory_space<hbm>> -> memref<1x48x128xi32, #tpu.memory_space<hbm>>
      %dma_wait3A_251 = tpu.memref_squeeze %dma_wait3A_250 : memref<1x48x128xi32, #tpu.memory_space<hbm>> -> memref<48x128xi32, #tpu.memory_space<hbm>>
      tpu.wait_dma2 semaphore(%run_scoped3A_239 : memref<!tpu.dma_semaphore, #tpu.memory_space<semaphore_mem>>) src(%dma_wait3A_251 : memref<48x128xi32, #tpu.memory_space<hbm>>) dst(%arg6 : memref<48x128xi32, #tpu.memory_space<vmem>>)
      tpu.yield
    }) : () -> ()
    %dma_start3A = arith.constant 0 : i32
    %dma_start3A_87 = arith.constant 0 : i32
    %dma_start3A_88 = arith.constant 0 : i32
    %dma_start3A_89 = arith.constant 0 : i32
    %dma_start3A_90 = tpu.memref_slice %arg7[%dma_start3A_87, %dma_start3A_88, %dma_start3A_89] : memref<2x128x128xf32, #tpu.memory_space<vmem>> -> memref<1x128x128xf32, #tpu.memory_space<vmem>>
    %dma_start3A_91 = tpu.memref_squeeze %dma_start3A_90 : memref<1x128x128xf32, #tpu.memory_space<vmem>> -> memref<128x128xf32, #tpu.memory_space<vmem>>
    %dma_start3A_92 = arith.constant 0 : i32
    %dma_start3A_93 = tpu.memref_slice %arg5[%dma_start3A, %dma_start3A_92] : memref<48x128xi32, #tpu.memory_space<vmem>> -> memref<1x128xi32, #tpu.memory_space<vmem>>
    %dma_start3A_94 = tpu.memref_squeeze %dma_start3A_93 : memref<1x128xi32, #tpu.memory_space<vmem>> -> memref<128xi32, #tpu.memory_space<vmem>>
    %dma_start3A_95 = arith.constant 0 : i32
    %dma_start3A_96 = arith.constant 0 : i32
    %dma_start3A_97 = tpu.memref_slice %arg3[%dma_start3A_95, %dma_start3A_96] : memref<10000x128xf32, #tpu.memory_space<hbm>> -> memref<10000x128xf32, #tpu.memory_space<hbm>>
    tpu.enqueue_indirect_dma source(%dma_start3A_97 : memref<10000x128xf32, #tpu.memory_space<hbm>>) target(%dma_start3A_91 : memref<128x128xf32, #tpu.memory_space<vmem>>) offsets(%dma_start3A_94 : memref<128xi32, #tpu.memory_space<vmem>>) semaphore(%arg9 : memref<!tpu.dma_semaphore, #tpu.memory_space<semaphore_mem>>)
    %dma_start3A_98 = arith.constant 1 : i32
    %dma_start3A_99 = arith.constant 1 : i32
    %dma_start3A_100 = arith.constant 0 : i32
    %dma_start3A_101 = arith.constant 0 : i32
    %dma_start3A_102 = tpu.memref_slice %arg7[%dma_start3A_99, %dma_start3A_100, %dma_start3A_101] : memref<2x128x128xf32, #tpu.memory_space<vmem>> -> memref<1x128x128xf32, #tpu.memory_space<vmem>>
    %dma_start3A_103 = tpu.memref_squeeze %dma_start3A_102 : memref<1x128x128xf32, #tpu.memory_space<vmem>> -> memref<128x128xf32, #tpu.memory_space<vmem>>
    %dma_start3A_104 = arith.constant 0 : i32
    %dma_start3A_105 = tpu.memref_slice %arg5[%dma_start3A_98, %dma_start3A_104] : memref<48x128xi32, #tpu.memory_space<vmem>> -> memref<1x128xi32, #tpu.memory_space<vmem>>
    %dma_start3A_106 = tpu.memref_squeeze %dma_start3A_105 : memref<1x128xi32, #tpu.memory_space<vmem>> -> memref<128xi32, #tpu.memory_space<vmem>>
    %dma_start3A_107 = arith.constant 0 : i32
    %dma_start3A_108 = arith.constant 0 : i32
    %dma_start3A_109 = tpu.memref_slice %arg3[%dma_start3A_107, %dma_start3A_108] : memref<10000x128xf32, #tpu.memory_space<hbm>> -> memref<10000x128xf32, #tpu.memory_space<hbm>>
    tpu.enqueue_indirect_dma source(%dma_start3A_109 : memref<10000x128xf32, #tpu.memory_space<hbm>>) target(%dma_start3A_103 : memref<128x128xf32, #tpu.memory_space<vmem>>) offsets(%dma_start3A_106 : memref<128xi32, #tpu.memory_space<vmem>>) semaphore(%arg10 : memref<!tpu.dma_semaphore, #tpu.memory_space<semaphore_mem>>)
    %scan3A_110 = arith.constant 0 : i32
    %scan3A_111 = arith.constant 0 : i32
    %scan3A_112 = arith.constant 16 : i32
    %scan3A_113 = arith.addi %scan3A_111, %scan3A_112 : i32
    %scan3A_114 = arith.constant 1 : i32
    scf.for %scan3A_239 = %scan3A_111 to %scan3A_113 step %scan3A_114  : i32 {
      %mul3A_240 = arith.constant 2 : i32
      %mul3A_241 = arith.muli %scan3A_239, %mul3A_240 : i32
      %add3A_242 = arith.constant 0 : i32
      %add3A_243 = arith.addi %mul3A_241, %add3A_242 : i32
      %dma_wait3A_244 = arith.constant 0 : i32
      %dma_wait3A_245 = arith.constant 0 : i32
      %dma_wait3A_246 = arith.constant 0 : i32
      %dma_wait3A_247 = tpu.memref_slice %arg7[%dma_wait3A_244, %dma_wait3A_245, %dma_wait3A_246] : memref<2x128x128xf32, #tpu.memory_space<vmem>> -> memref<1x128x128xf32, #tpu.memory_space<vmem>>
      %dma_wait3A_248 = tpu.memref_squeeze %dma_wait3A_247 : memref<1x128x128xf32, #tpu.memory_space<vmem>> -> memref<128x128xf32, #tpu.memory_space<vmem>>
      %dma_wait3A_249 = arith.constant 0 : i32
      %dma_wait3A_250 = tpu.memref_slice %arg5[%add3A_243, %dma_wait3A_249] : memref<48x128xi32, #tpu.memory_space<vmem>> -> memref<1x128xi32, #tpu.memory_space<vmem>>
      %dma_wait3A_251 = tpu.memref_squeeze %dma_wait3A_250 : memref<1x128xi32, #tpu.memory_space<vmem>> -> memref<128xi32, #tpu.memory_space<vmem>>
      %dma_wait3A_252 = arith.constant 0 : i32
      %dma_wait3A_253 = arith.constant 0 : i32
      %dma_wait3A_254 = tpu.memref_slice %arg3[%dma_wait3A_252, %dma_wait3A_253] : memref<10000x128xf32, #tpu.memory_space<hbm>> -> memref<10000x128xf32, #tpu.memory_space<hbm>>
      tpu.wait_indirect_dma semaphore(%arg9 : memref<!tpu.dma_semaphore, #tpu.memory_space<semaphore_mem>>) src(%dma_wait3A_254 : memref<10000x128xf32, #tpu.memory_space<hbm>>) dst(%dma_wait3A_248 : memref<128x128xf32, #tpu.memory_space<vmem>>)
      %add3A_255 = arith.constant 0 : i32
      %add3A_256 = arith.addi %mul3A_241, %add3A_255 : i32
      %run_scoped3A_257 = arith.constant 0 : i32
      "tpu.region"() ({
        %run_scoped3A_307 = tpu.sem_alloc : memref<!tpu.dma_semaphore, #tpu.memory_space<semaphore_mem>>
        %dma_start3A_308 = arith.constant 0 : i32
        %dma_start3A_309 = arith.constant 0 : i32
        %dma_start3A_310 = tpu.memref_slice %arg7[%run_scoped3A_257, %dma_start3A_308, %dma_start3A_309] : memref<2x128x128xf32, #tpu.memory_space<vmem>> -> memref<1x128x128xf32, #tpu.memory_space<vmem>>
        %dma_start3A_311 = tpu.memref_squeeze %dma_start3A_310 : memref<1x128x128xf32, #tpu.memory_space<vmem>> -> memref<128x128xf32, #tpu.memory_space<vmem>>
        %dma_start3A_312 = arith.constant 0 : i32
        %dma_start3A_313 = tpu.memref_slice %arg6[%add3A_256, %dma_start3A_312] : memref<48x128xi32, #tpu.memory_space<vmem>> -> memref<1x128xi32, #tpu.memory_space<vmem>>
        %dma_start3A_314 = tpu.memref_squeeze %dma_start3A_313 : memref<1x128xi32, #tpu.memory_space<vmem>> -> memref<128xi32, #tpu.memory_space<vmem>>
        %dma_start3A_315 = arith.constant 0 : i32
        %dma_start3A_316 = arith.constant 0 : i32
        %dma_start3A_317 = tpu.memref_slice %arg8[%dma_start3A_315, %dma_start3A_316] : memref<10240x128xf32, #tpu.memory_space<vmem_shared>> -> memref<10240x128xf32, #tpu.memory_space<vmem_shared>>
        tpu.enqueue_indirect_dma source(%dma_start3A_311 : memref<128x128xf32, #tpu.memory_space<vmem>>) target(%dma_start3A_317 : memref<10240x128xf32, #tpu.memory_space<vmem_shared>>) offsets(%dma_start3A_314 : memref<128xi32, #tpu.memory_space<vmem>>) semaphore(%run_scoped3A_307 : memref<!tpu.dma_semaphore, #tpu.memory_space<semaphore_mem>>) {add = true}
        %dma_wait3A_318 = arith.constant 0 : i32
        %dma_wait3A_319 = arith.constant 0 : i32
        %dma_wait3A_320 = tpu.memref_slice %arg7[%run_scoped3A_257, %dma_wait3A_318, %dma_wait3A_319] : memref<2x128x128xf32, #tpu.memory_space<vmem>> -> memref<1x128x128xf32, #tpu.memory_space<vmem>>
        %dma_wait3A_321 = tpu.memref_squeeze %dma_wait3A_320 : memref<1x128x128xf32, #tpu.memory_space<vmem>> -> memref<128x128xf32, #tpu.memory_space<vmem>>
        %dma_wait3A_322 = arith.constant 0 : i32
        %dma_wait3A_323 = tpu.memref_slice %arg6[%add3A_256, %dma_wait3A_322] : memref<48x128xi32, #tpu.memory_space<vmem>> -> memref<1x128xi32, #tpu.memory_space<vmem>>
        %dma_wait3A_324 = tpu.memref_squeeze %dma_wait3A_323 : memref<1x128xi32, #tpu.memory_space<vmem>> -> memref<128xi32, #tpu.memory_space<vmem>>
        %dma_wait3A_325 = arith.constant 0 : i32
        %dma_wait3A_326 = arith.constant 0 : i32
        %dma_wait3A_327 = tpu.memref_slice %arg8[%dma_wait3A_325, %dma_wait3A_326] : memref<10240x128xf32, #tpu.memory_space<vmem_shared>> -> memref<10240x128xf32, #tpu.memory_space<vmem_shared>>
        tpu.wait_indirect_dma semaphore(%run_scoped3A_307 : memref<!tpu.dma_semaphore, #tpu.memory_space<semaphore_mem>>) src(%dma_wait3A_321 : memref<128x128xf32, #tpu.memory_space<vmem>>) dst(%dma_wait3A_327 : memref<10240x128xf32, #tpu.memory_space<vmem_shared>>)
        tpu.yield
      }) : () -> ()
      %add3A_258 = arith.constant 2 : i32
      %add3A_259 = arith.addi %mul3A_241, %add3A_258 : i32
      %add3A_260 = arith.constant 0 : i32
      %add3A_261 = arith.addi %add3A_259, %add3A_260 : i32
      %min3A = arith.constant 31 : i32
      %min3A_262 = arith.minsi %add3A_261, %min3A : i32
      %dma_start3A_263 = arith.constant 0 : i32
      %dma_start3A_264 = arith.constant 0 : i32
      %dma_start3A_265 = arith.constant 0 : i32
      %dma_start3A_266 = tpu.memref_slice %arg7[%dma_start3A_263, %dma_start3A_264, %dma_start3A_265] : memref<2x128x128xf32, #tpu.memory_space<vmem>> -> memref<1x128x128xf32, #tpu.memory_space<vmem>>
      %dma_start3A_267 = tpu.memref_squeeze %dma_start3A_266 : memref<1x128x128xf32, #tpu.memory_space<vmem>> -> memref<128x128xf32, #tpu.memory_space<vmem>>
      %dma_start3A_268 = arith.constant 0 : i32
      %dma_start3A_269 = tpu.memref_slice %arg5[%min3A_262, %dma_start3A_268] : memref<48x128xi32, #tpu.memory_space<vmem>> -> memref<1x128xi32, #tpu.memory_space<vmem>>
      %dma_start3A_270 = tpu.memref_squeeze %dma_start3A_269 : memref<1x128xi32, #tpu.memory_space<vmem>> -> memref<128xi32, #tpu.memory_space<vmem>>
      %dma_start3A_271 = arith.constant 0 : i32
      %dma_start3A_272 = arith.constant 0 : i32
      %dma_start3A_273 = tpu.memref_slice %arg3[%dma_start3A_271, %dma_start3A_272] : memref<10000x128xf32, #tpu.memory_space<hbm>> -> memref<10000x128xf32, #tpu.memory_space<hbm>>
      tpu.enqueue_indirect_dma source(%dma_start3A_273 : memref<10000x128xf32, #tpu.memory_space<hbm>>) target(%dma_start3A_267 : memref<128x128xf32, #tpu.memory_space<vmem>>) offsets(%dma_start3A_270 : memref<128xi32, #tpu.memory_space<vmem>>) semaphore(%arg9 : memref<!tpu.dma_semaphore, #tpu.memory_space<semaphore_mem>>)
      %add3A_274 = arith.constant 1 : i32
      %add3A_275 = arith.addi %mul3A_241, %add3A_274 : i32
      %dma_wait3A_276 = arith.constant 1 : i32
      %dma_wait3A_277 = arith.constant 0 : i32
      %dma_wait3A_278 = arith.constant 0 : i32
      %dma_wait3A_279 = tpu.memref_slice %arg7[%dma_wait3A_276, %dma_wait3A_277, %dma_wait3A_278] : memref<2x128x128xf32, #tpu.memory_space<vmem>> -> memref<1x128x128xf32, #tpu.memory_space<vmem>>
      %dma_wait3A_280 = tpu.memref_squeeze %dma_wait3A_279 : memref<1x128x128xf32, #tpu.memory_space<vmem>> -> memref<128x128xf32, #tpu.memory_space<vmem>>
      %dma_wait3A_281 = arith.constant 0 : i32
      %dma_wait3A_282 = tpu.memref_slice %arg5[%add3A_275, %dma_wait3A_281] : memref<48x128xi32, #tpu.memory_space<vmem>> -> memref<1x128xi32, #tpu.memory_space<vmem>>
      %dma_wait3A_283 = tpu.memref_squeeze %dma_wait3A_282 : memref<1x128xi32, #tpu.memory_space<vmem>> -> memref<128xi32, #tpu.memory_space<vmem>>
      %dma_wait3A_284 = arith.constant 0 : i32
      %dma_wait3A_285 = arith.constant 0 : i32
      %dma_wait3A_286 = tpu.memref_slice %arg3[%dma_wait3A_284, %dma_wait3A_285] : memref<10000x128xf32, #tpu.memory_space<hbm>> -> memref<10000x128xf32, #tpu.memory_space<hbm>>
      tpu.wait_indirect_dma semaphore(%arg10 : memref<!tpu.dma_semaphore, #tpu.memory_space<semaphore_mem>>) src(%dma_wait3A_286 : memref<10000x128xf32, #tpu.memory_space<hbm>>) dst(%dma_wait3A_280 : memref<128x128xf32, #tpu.memory_space<vmem>>)
      %add3A_287 = arith.constant 1 : i32
      %add3A_288 = arith.addi %mul3A_241, %add3A_287 : i32
      %run_scoped3A_289 = arith.constant 1 : i32
      "tpu.region"() ({
        %run_scoped3A_307 = tpu.sem_alloc : memref<!tpu.dma_semaphore, #tpu.memory_space<semaphore_mem>>
        %dma_start3A_308 = arith.constant 0 : i32
        %dma_start3A_309 = arith.constant 0 : i32
        %dma_start3A_310 = tpu.memref_slice %arg7[%run_scoped3A_289, %dma_start3A_308, %dma_start3A_309] : memref<2x128x128xf32, #tpu.memory_space<vmem>> -> memref<1x128x128xf32, #tpu.memory_space<vmem>>
        %dma_start3A_311 = tpu.memref_squeeze %dma_start3A_310 : memref<1x128x128xf32, #tpu.memory_space<vmem>> -> memref<128x128xf32, #tpu.memory_space<vmem>>
        %dma_start3A_312 = arith.constant 0 : i32
        %dma_start3A_313 = tpu.memref_slice %arg6[%add3A_288, %dma_start3A_312] : memref<48x128xi32, #tpu.memory_space<vmem>> -> memref<1x128xi32, #tpu.memory_space<vmem>>
        %dma_start3A_314 = tpu.memref_squeeze %dma_start3A_313 : memref<1x128xi32, #tpu.memory_space<vmem>> -> memref<128xi32, #tpu.memory_space<vmem>>
        %dma_start3A_315 = arith.constant 0 : i32
        %dma_start3A_316 = arith.constant 0 : i32
        %dma_start3A_317 = tpu.memref_slice %arg8[%dma_start3A_315, %dma_start3A_316] : memref<10240x128xf32, #tpu.memory_space<vmem_shared>> -> memref<10240x128xf32, #tpu.memory_space<vmem_shared>>
        tpu.enqueue_indirect_dma source(%dma_start3A_311 : memref<128x128xf32, #tpu.memory_space<vmem>>) target(%dma_start3A_317 : memref<10240x128xf32, #tpu.memory_space<vmem_shared>>) offsets(%dma_start3A_314 : memref<128xi32, #tpu.memory_space<vmem>>) semaphore(%run_scoped3A_307 : memref<!tpu.dma_semaphore, #tpu.memory_space<semaphore_mem>>) {add = true}
        %dma_wait3A_318 = arith.constant 0 : i32
        %dma_wait3A_319 = arith.constant 0 : i32
        %dma_wait3A_320 = tpu.memref_slice %arg7[%run_scoped3A_289, %dma_wait3A_318, %dma_wait3A_319] : memref<2x128x128xf32, #tpu.memory_space<vmem>> -> memref<1x128x128xf32, #tpu.memory_space<vmem>>
        %dma_wait3A_321 = tpu.memref_squeeze %dma_wait3A_320 : memref<1x128x128xf32, #tpu.memory_space<vmem>> -> memref<128x128xf32, #tpu.memory_space<vmem>>
        %dma_wait3A_322 = arith.constant 0 : i32
        %dma_wait3A_323 = tpu.memref_slice %arg6[%add3A_288, %dma_wait3A_322] : memref<48x128xi32, #tpu.memory_space<vmem>> -> memref<1x128xi32, #tpu.memory_space<vmem>>
        %dma_wait3A_324 = tpu.memref_squeeze %dma_wait3A_323 : memref<1x128xi32, #tpu.memory_space<vmem>> -> memref<128xi32, #tpu.memory_space<vmem>>
        %dma_wait3A_325 = arith.constant 0 : i32
        %dma_wait3A_326 = arith.constant 0 : i32
        %dma_wait3A_327 = tpu.memref_slice %arg8[%dma_wait3A_325, %dma_wait3A_326] : memref<10240x128xf32, #tpu.memory_space<vmem_shared>> -> memref<10240x128xf32, #tpu.memory_space<vmem_shared>>
        tpu.wait_indirect_dma semaphore(%run_scoped3A_307 : memref<!tpu.dma_semaphore, #tpu.memory_space<semaphore_mem>>) src(%dma_wait3A_321 : memref<128x128xf32, #tpu.memory_space<vmem>>) dst(%dma_wait3A_327 : memref<10240x128xf32, #tpu.memory_space<vmem_shared>>)
        tpu.yield
      }) : () -> ()
      %add3A_290 = arith.constant 2 : i32
      %add3A_291 = arith.addi %mul3A_241, %add3A_290 : i32
      %add3A_292 = arith.constant 1 : i32
      %add3A_293 = arith.addi %add3A_291, %add3A_292 : i32
      %min3A_294 = arith.constant 31 : i32
      %min3A_295 = arith.minsi %add3A_293, %min3A_294 : i32
      %dma_start3A_296 = arith.constant 1 : i32
      %dma_start3A_297 = arith.constant 0 : i32
      %dma_start3A_298 = arith.constant 0 : i32
      %dma_start3A_299 = tpu.memref_slice %arg7[%dma_start3A_296, %dma_start3A_297, %dma_start3A_298] : memref<2x128x128xf32, #tpu.memory_space<vmem>> -> memref<1x128x128xf32, #tpu.memory_space<vmem>>
      %dma_start3A_300 = tpu.memref_squeeze %dma_start3A_299 : memref<1x128x128xf32, #tpu.memory_space<vmem>> -> memref<128x128xf32, #tpu.memory_space<vmem>>
      %dma_start3A_301 = arith.constant 0 : i32
      %dma_start3A_302 = tpu.memref_slice %arg5[%min3A_295, %dma_start3A_301] : memref<48x128xi32, #tpu.memory_space<vmem>> -> memref<1x128xi32, #tpu.memory_space<vmem>>
      %dma_start3A_303 = tpu.memref_squeeze %dma_start3A_302 : memref<1x128xi32, #tpu.memory_space<vmem>> -> memref<128xi32, #tpu.memory_space<vmem>>
      %dma_start3A_304 = arith.constant 0 : i32
      %dma_start3A_305 = arith.constant 0 : i32
      %dma_start3A_306 = tpu.memref_slice %arg3[%dma_start3A_304, %dma_start3A_305] : memref<10000x128xf32, #tpu.memory_space<hbm>> -> memref<10000x128xf32, #tpu.memory_space<hbm>>
      tpu.enqueue_indirect_dma source(%dma_start3A_306 : memref<10000x128xf32, #tpu.memory_space<hbm>>) target(%dma_start3A_300 : memref<128x128xf32, #tpu.memory_space<vmem>>) offsets(%dma_start3A_303 : memref<128xi32, #tpu.memory_space<vmem>>) semaphore(%arg10 : memref<!tpu.dma_semaphore, #tpu.memory_space<semaphore_mem>>)
    }
    %scan3A_115 = arith.constant 16 : i32
    %dma_wait3A = arith.constant 31 : i32
    %dma_wait3A_116 = arith.constant 0 : i32
    %dma_wait3A_117 = arith.constant 0 : i32
    %dma_wait3A_118 = arith.constant 0 : i32
    %dma_wait3A_119 = tpu.memref_slice %arg7[%dma_wait3A_116, %dma_wait3A_117, %dma_wait3A_118] : memref<2x128x128xf32, #tpu.memory_space<vmem>> -> memref<1x128x128xf32, #tpu.memory_space<vmem>>
    %dma_wait3A_120 = tpu.memref_squeeze %dma_wait3A_119 : memref<1x128x128xf32, #tpu.memory_space<vmem>> -> memref<128x128xf32, #tpu.memory_space<vmem>>
    %dma_wait3A_121 = arith.constant 0 : i32
    %dma_wait3A_122 = tpu.memref_slice %arg5[%dma_wait3A, %dma_wait3A_121] : memref<48x128xi32, #tpu.memory_space<vmem>> -> memref<1x128xi32, #tpu.memory_space<vmem>>
    %dma_wait3A_123 = tpu.memref_squeeze %dma_wait3A_122 : memref<1x128xi32, #tpu.memory_space<vmem>> -> memref<128xi32, #tpu.memory_space<vmem>>
    %dma_wait3A_124 = arith.constant 0 : i32
    %dma_wait3A_125 = arith.constant 0 : i32
    %dma_wait3A_126 = tpu.memref_slice %arg3[%dma_wait3A_124, %dma_wait3A_125] : memref<10000x128xf32, #tpu.memory_space<hbm>> -> memref<10000x128xf32, #tpu.memory_space<hbm>>
    tpu.wait_indirect_dma semaphore(%arg9 : memref<!tpu.dma_semaphore, #tpu.memory_space<semaphore_mem>>) src(%dma_wait3A_126 : memref<10000x128xf32, #tpu.memory_space<hbm>>) dst(%dma_wait3A_120 : memref<128x128xf32, #tpu.memory_space<vmem>>)
    %dma_wait3A_127 = arith.constant 31 : i32
    %dma_wait3A_128 = arith.constant 1 : i32
    %dma_wait3A_129 = arith.constant 0 : i32
    %dma_wait3A_130 = arith.constant 0 : i32
    %dma_wait3A_131 = tpu.memref_slice %arg7[%dma_wait3A_128, %dma_wait3A_129, %dma_wait3A_130] : memref<2x128x128xf32, #tpu.memory_space<vmem>> -> memref<1x128x128xf32, #tpu.memory_space<vmem>>
    %dma_wait3A_132 = tpu.memref_squeeze %dma_wait3A_131 : memref<1x128x128xf32, #tpu.memory_space<vmem>> -> memref<128x128xf32, #tpu.memory_space<vmem>>
    %dma_wait3A_133 = arith.constant 0 : i32
    %dma_wait3A_134 = tpu.memref_slice %arg5[%dma_wait3A_127, %dma_wait3A_133] : memref<48x128xi32, #tpu.memory_space<vmem>> -> memref<1x128xi32, #tpu.memory_space<vmem>>
    %dma_wait3A_135 = tpu.memref_squeeze %dma_wait3A_134 : memref<1x128xi32, #tpu.memory_space<vmem>> -> memref<128xi32, #tpu.memory_space<vmem>>
    %dma_wait3A_136 = arith.constant 0 : i32
    %dma_wait3A_137 = arith.constant 0 : i32
    %dma_wait3A_138 = tpu.memref_slice %arg3[%dma_wait3A_136, %dma_wait3A_137] : memref<10000x128xf32, #tpu.memory_space<hbm>> -> memref<10000x128xf32, #tpu.memory_space<hbm>>
    tpu.wait_indirect_dma semaphore(%arg10 : memref<!tpu.dma_semaphore, #tpu.memory_space<semaphore_mem>>) src(%dma_wait3A_138 : memref<10000x128xf32, #tpu.memory_space<hbm>>) dst(%dma_wait3A_132 : memref<128x128xf32, #tpu.memory_space<vmem>>)
    %add3A_139 = arith.constant 32 : i32
    %add3A_140 = arith.addi %mul3A_20, %add3A_139 : i32
    %jit3A_141 = arith.constant false
    %select_n3A_142 = arith.select %jit3A_141, %mul3A_20, %add3A_140 : i32
    %multiple_of3A_143 = tpu.assume_multiple %select_n3A_142, 8 : i32
    %sub3A_144 = arith.subi %mul3A_50, %mul3A_20 : i32
    %sub3A_145 = arith.constant 32 : i32
    %sub3A_146 = arith.subi %sub3A_144, %sub3A_145 : i32
    %run_scoped3A_147 = arith.constant 0 : i32
    "tpu.region"() ({
      %run_scoped3A_239 = tpu.sem_alloc : memref<!tpu.dma_semaphore, #tpu.memory_space<semaphore_mem>>
      %dma_start3A_240 = arith.constant 0 : i32
      %dma_start3A_241 = tpu.memref_slice %arg2[%run_scoped3A_147, %multiple_of3A_143, %dma_start3A_240] : memref<2x2500x128xi32, #tpu.memory_space<hbm>> -> memref<1x48x128xi32, #tpu.memory_space<hbm>>
      %dma_start3A_242 = tpu.memref_squeeze %dma_start3A_241 : memref<1x48x128xi32, #tpu.memory_space<hbm>> -> memref<48x128xi32, #tpu.memory_space<hbm>>
      %dma_start3A_243 = arith.constant 0 : i32
      %dma_start3A_244 = tpu.memref_slice %arg2[%run_scoped3A_147, %multiple_of3A_143, %dma_start3A_243] : memref<2x2500x128xi32, #tpu.memory_space<hbm>> -> memref<1x48x128xi32, #tpu.memory_space<hbm>>
      %dma_start3A_245 = tpu.memref_squeeze %dma_start3A_244 : memref<1x48x128xi32, #tpu.memory_space<hbm>> -> memref<48x128xi32, #tpu.memory_space<hbm>>
      tpu.enqueue_dma source(%dma_start3A_245 : memref<48x128xi32, #tpu.memory_space<hbm>>) target(%arg5 : memref<48x128xi32, #tpu.memory_space<vmem>>) target_semaphore(%run_scoped3A_239 : memref<!tpu.dma_semaphore, #tpu.memory_space<semaphore_mem>>)
      %dma_wait3A_246 = arith.constant 0 : i32
      %dma_wait3A_247 = tpu.memref_slice %arg2[%run_scoped3A_147, %multiple_of3A_143, %dma_wait3A_246] : memref<2x2500x128xi32, #tpu.memory_space<hbm>> -> memref<1x48x128xi32, #tpu.memory_space<hbm>>
      %dma_wait3A_248 = tpu.memref_squeeze %dma_wait3A_247 : memref<1x48x128xi32, #tpu.memory_space<hbm>> -> memref<48x128xi32, #tpu.memory_space<hbm>>
      %dma_wait3A_249 = arith.constant 0 : i32
      %dma_wait3A_250 = tpu.memref_slice %arg2[%run_scoped3A_147, %multiple_of3A_143, %dma_wait3A_249] : memref<2x2500x128xi32, #tpu.memory_space<hbm>> -> memref<1x48x128xi32, #tpu.memory_space<hbm>>
      %dma_wait3A_251 = tpu.memref_squeeze %dma_wait3A_250 : memref<1x48x128xi32, #tpu.memory_space<hbm>> -> memref<48x128xi32, #tpu.memory_space<hbm>>
      tpu.wait_dma2 semaphore(%run_scoped3A_239 : memref<!tpu.dma_semaphore, #tpu.memory_space<semaphore_mem>>) src(%dma_wait3A_251 : memref<48x128xi32, #tpu.memory_space<hbm>>) dst(%arg5 : memref<48x128xi32, #tpu.memory_space<vmem>>)
      tpu.yield
    }) : () -> ()
    %run_scoped3A_148 = arith.constant 1 : i32
    "tpu.region"() ({
      %run_scoped3A_239 = tpu.sem_alloc : memref<!tpu.dma_semaphore, #tpu.memory_space<semaphore_mem>>
      %dma_start3A_240 = arith.constant 0 : i32
      %dma_start3A_241 = tpu.memref_slice %arg2[%run_scoped3A_148, %multiple_of3A_143, %dma_start3A_240] : memref<2x2500x128xi32, #tpu.memory_space<hbm>> -> memref<1x48x128xi32, #tpu.memory_space<hbm>>
      %dma_start3A_242 = tpu.memref_squeeze %dma_start3A_241 : memref<1x48x128xi32, #tpu.memory_space<hbm>> -> memref<48x128xi32, #tpu.memory_space<hbm>>
      %dma_start3A_243 = arith.constant 0 : i32
      %dma_start3A_244 = tpu.memref_slice %arg2[%run_scoped3A_148, %multiple_of3A_143, %dma_start3A_243] : memref<2x2500x128xi32, #tpu.memory_space<hbm>> -> memref<1x48x128xi32, #tpu.memory_space<hbm>>
      %dma_start3A_245 = tpu.memref_squeeze %dma_start3A_244 : memref<1x48x128xi32, #tpu.memory_space<hbm>> -> memref<48x128xi32, #tpu.memory_space<hbm>>
      tpu.enqueue_dma source(%dma_start3A_245 : memref<48x128xi32, #tpu.memory_space<hbm>>) target(%arg6 : memref<48x128xi32, #tpu.memory_space<vmem>>) target_semaphore(%run_scoped3A_239 : memref<!tpu.dma_semaphore, #tpu.memory_space<semaphore_mem>>)
      %dma_wait3A_246 = arith.constant 0 : i32
      %dma_wait3A_247 = tpu.memref_slice %arg2[%run_scoped3A_148, %multiple_of3A_143, %dma_wait3A_246] : memref<2x2500x128xi32, #tpu.memory_space<hbm>> -> memref<1x48x128xi32, #tpu.memory_space<hbm>>
      %dma_wait3A_248 = tpu.memref_squeeze %dma_wait3A_247 : memref<1x48x128xi32, #tpu.memory_space<hbm>> -> memref<48x128xi32, #tpu.memory_space<hbm>>
      %dma_wait3A_249 = arith.constant 0 : i32
      %dma_wait3A_250 = tpu.memref_slice %arg2[%run_scoped3A_148, %multiple_of3A_143, %dma_wait3A_249] : memref<2x2500x128xi32, #tpu.memory_space<hbm>> -> memref<1x48x128xi32, #tpu.memory_space<hbm>>
      %dma_wait3A_251 = tpu.memref_squeeze %dma_wait3A_250 : memref<1x48x128xi32, #tpu.memory_space<hbm>> -> memref<48x128xi32, #tpu.memory_space<hbm>>
      tpu.wait_dma2 semaphore(%run_scoped3A_239 : memref<!tpu.dma_semaphore, #tpu.memory_space<semaphore_mem>>) src(%dma_wait3A_251 : memref<48x128xi32, #tpu.memory_space<hbm>>) dst(%arg6 : memref<48x128xi32, #tpu.memory_space<vmem>>)
      tpu.yield
    }) : () -> ()
    %dma_start3A_149 = arith.constant 0 : i32
    %dma_start3A_150 = arith.constant 0 : i32
    %dma_start3A_151 = arith.constant 0 : i32
    %dma_start3A_152 = arith.constant 0 : i32
    %dma_start3A_153 = tpu.memref_slice %arg7[%dma_start3A_150, %dma_start3A_151, %dma_start3A_152] : memref<2x128x128xf32, #tpu.memory_space<vmem>> -> memref<1x128x128xf32, #tpu.memory_space<vmem>>
    %dma_start3A_154 = tpu.memref_squeeze %dma_start3A_153 : memref<1x128x128xf32, #tpu.memory_space<vmem>> -> memref<128x128xf32, #tpu.memory_space<vmem>>
    %dma_start3A_155 = arith.constant 0 : i32
    %dma_start3A_156 = tpu.memref_slice %arg5[%dma_start3A_149, %dma_start3A_155] : memref<48x128xi32, #tpu.memory_space<vmem>> -> memref<1x128xi32, #tpu.memory_space<vmem>>
    %dma_start3A_157 = tpu.memref_squeeze %dma_start3A_156 : memref<1x128xi32, #tpu.memory_space<vmem>> -> memref<128xi32, #tpu.memory_space<vmem>>
    %dma_start3A_158 = arith.constant 0 : i32
    %dma_start3A_159 = arith.constant 0 : i32
    %dma_start3A_160 = tpu.memref_slice %arg3[%dma_start3A_158, %dma_start3A_159] : memref<10000x128xf32, #tpu.memory_space<hbm>> -> memref<10000x128xf32, #tpu.memory_space<hbm>>
    tpu.enqueue_indirect_dma source(%dma_start3A_160 : memref<10000x128xf32, #tpu.memory_space<hbm>>) target(%dma_start3A_154 : memref<128x128xf32, #tpu.memory_space<vmem>>) offsets(%dma_start3A_157 : memref<128xi32, #tpu.memory_space<vmem>>) semaphore(%arg9 : memref<!tpu.dma_semaphore, #tpu.memory_space<semaphore_mem>>)
    %dma_start3A_161 = arith.constant 1 : i32
    %dma_start3A_162 = arith.constant 1 : i32
    %dma_start3A_163 = arith.constant 0 : i32
    %dma_start3A_164 = arith.constant 0 : i32
    %dma_start3A_165 = tpu.memref_slice %arg7[%dma_start3A_162, %dma_start3A_163, %dma_start3A_164] : memref<2x128x128xf32, #tpu.memory_space<vmem>> -> memref<1x128x128xf32, #tpu.memory_space<vmem>>
    %dma_start3A_166 = tpu.memref_squeeze %dma_start3A_165 : memref<1x128x128xf32, #tpu.memory_space<vmem>> -> memref<128x128xf32, #tpu.memory_space<vmem>>
    %dma_start3A_167 = arith.constant 0 : i32
    %dma_start3A_168 = tpu.memref_slice %arg5[%dma_start3A_161, %dma_start3A_167] : memref<48x128xi32, #tpu.memory_space<vmem>> -> memref<1x128xi32, #tpu.memory_space<vmem>>
    %dma_start3A_169 = tpu.memref_squeeze %dma_start3A_168 : memref<1x128xi32, #tpu.memory_space<vmem>> -> memref<128xi32, #tpu.memory_space<vmem>>
    %dma_start3A_170 = arith.constant 0 : i32
    %dma_start3A_171 = arith.constant 0 : i32
    %dma_start3A_172 = tpu.memref_slice %arg3[%dma_start3A_170, %dma_start3A_171] : memref<10000x128xf32, #tpu.memory_space<hbm>> -> memref<10000x128xf32, #tpu.memory_space<hbm>>
    tpu.enqueue_indirect_dma source(%dma_start3A_172 : memref<10000x128xf32, #tpu.memory_space<hbm>>) target(%dma_start3A_166 : memref<128x128xf32, #tpu.memory_space<vmem>>) offsets(%dma_start3A_169 : memref<128xi32, #tpu.memory_space<vmem>>) semaphore(%arg10 : memref<!tpu.dma_semaphore, #tpu.memory_space<semaphore_mem>>)
    %jit3A_173 = arith.constant 2 : i32
    %div3A_174 = arith.divsi %sub3A_146, %jit3A_173 : i32
    %sign3A_175 = arith.constant 0 : i32
    %sign3A_176 = arith.cmpi sgt, %sub3A_146, %sign3A_175 : i32
    %sign3A_177 = arith.extui %sign3A_176 : i1 to i32
    %sign3A_178 = arith.constant 0 : i32
    %sign3A_179 = arith.cmpi slt, %sub3A_146, %sign3A_178 : i32
    %sign3A_180 = arith.extui %sign3A_179 : i1 to i32
    %sign3A_181 = arith.subi %sign3A_177, %sign3A_180 : i32
    %sign3A_182 = arith.constant 0 : i32
    %sign3A_183 = arith.cmpi sgt, %jit3A_173, %sign3A_182 : i32
    %sign3A_184 = arith.extui %sign3A_183 : i1 to i32
    %sign3A_185 = arith.constant 0 : i32
    %sign3A_186 = arith.cmpi slt, %jit3A_173, %sign3A_185 : i32
    %sign3A_187 = arith.extui %sign3A_186 : i1 to i32
    %sign3A_188 = arith.subi %sign3A_184, %sign3A_187 : i32
    %ne3A_189 = arith.cmpi ne, %sign3A_181, %sign3A_188 : i32
    %rem3A_190 = arith.remsi %sub3A_146, %jit3A_173 : i32
    %ne3A_191 = arith.constant 0 : i32
    %ne3A_192 = arith.cmpi ne, %rem3A_190, %ne3A_191 : i32
    %and3A_193 = arith.andi %ne3A_189, %ne3A_192 : i1
    %sub3A_194 = arith.constant 1 : i32
    %sub3A_195 = arith.subi %div3A_174, %sub3A_194 : i32
    %select_n3A_196 = arith.select %and3A_193, %sub3A_195, %div3A_174 : i32
    %while3A = arith.constant 0 : i32
    %while3A_197 = arith.constant 0 : i32
    %while3A_198 = arith.subi %select_n3A_196, %while3A_197 : i32
    %while3A_199 = arith.addi %while3A_197, %while3A_198 : i32
    %while3A_200 = arith.constant 1 : i32
    %while3A_201 = arith.divsi %while3A_198, %while3A_200 : i32
    %while3A_202 = arith.muli %while3A_201, %while3A_200 : i32
    %while3A_203 = arith.addi %while3A_197, %while3A_202 : i32
    %while3A_204 = arith.constant 1 : i32
    scf.for %while3A_239 = %while3A_197 to %while3A_203 step %while3A_204  : i32 {
      %mul3A_240 = arith.constant 2 : i32
      %mul3A_241 = arith.muli %while3A_239, %mul3A_240 : i32
      %add3A_242 = arith.constant 0 : i32
      %add3A_243 = arith.addi %mul3A_241, %add3A_242 : i32
      %dma_wait3A_244 = arith.constant 0 : i32
      %dma_wait3A_245 = arith.constant 0 : i32
      %dma_wait3A_246 = arith.constant 0 : i32
      %dma_wait3A_247 = tpu.memref_slice %arg7[%dma_wait3A_244, %dma_wait3A_245, %dma_wait3A_246] : memref<2x128x128xf32, #tpu.memory_space<vmem>> -> memref<1x128x128xf32, #tpu.memory_space<vmem>>
      %dma_wait3A_248 = tpu.memref_squeeze %dma_wait3A_247 : memref<1x128x128xf32, #tpu.memory_space<vmem>> -> memref<128x128xf32, #tpu.memory_space<vmem>>
      %dma_wait3A_249 = arith.constant 0 : i32
      %dma_wait3A_250 = tpu.memref_slice %arg5[%add3A_243, %dma_wait3A_249] : memref<48x128xi32, #tpu.memory_space<vmem>> -> memref<1x128xi32, #tpu.memory_space<vmem>>
      %dma_wait3A_251 = tpu.memref_squeeze %dma_wait3A_250 : memref<1x128xi32, #tpu.memory_space<vmem>> -> memref<128xi32, #tpu.memory_space<vmem>>
      %dma_wait3A_252 = arith.constant 0 : i32
      %dma_wait3A_253 = arith.constant 0 : i32
      %dma_wait3A_254 = tpu.memref_slice %arg3[%dma_wait3A_252, %dma_wait3A_253] : memref<10000x128xf32, #tpu.memory_space<hbm>> -> memref<10000x128xf32, #tpu.memory_space<hbm>>
      tpu.wait_indirect_dma semaphore(%arg9 : memref<!tpu.dma_semaphore, #tpu.memory_space<semaphore_mem>>) src(%dma_wait3A_254 : memref<10000x128xf32, #tpu.memory_space<hbm>>) dst(%dma_wait3A_248 : memref<128x128xf32, #tpu.memory_space<vmem>>)
      %add3A_255 = arith.constant 0 : i32
      %add3A_256 = arith.addi %mul3A_241, %add3A_255 : i32
      %run_scoped3A_257 = arith.constant 0 : i32
      "tpu.region"() ({
        %run_scoped3A_309 = tpu.sem_alloc : memref<!tpu.dma_semaphore, #tpu.memory_space<semaphore_mem>>
        %dma_start3A_310 = arith.constant 0 : i32
        %dma_start3A_311 = arith.constant 0 : i32
        %dma_start3A_312 = tpu.memref_slice %arg7[%run_scoped3A_257, %dma_start3A_310, %dma_start3A_311] : memref<2x128x128xf32, #tpu.memory_space<vmem>> -> memref<1x128x128xf32, #tpu.memory_space<vmem>>
        %dma_start3A_313 = tpu.memref_squeeze %dma_start3A_312 : memref<1x128x128xf32, #tpu.memory_space<vmem>> -> memref<128x128xf32, #tpu.memory_space<vmem>>
        %dma_start3A_314 = arith.constant 0 : i32
        %dma_start3A_315 = tpu.memref_slice %arg6[%add3A_256, %dma_start3A_314] : memref<48x128xi32, #tpu.memory_space<vmem>> -> memref<1x128xi32, #tpu.memory_space<vmem>>
        %dma_start3A_316 = tpu.memref_squeeze %dma_start3A_315 : memref<1x128xi32, #tpu.memory_space<vmem>> -> memref<128xi32, #tpu.memory_space<vmem>>
        %dma_start3A_317 = arith.constant 0 : i32
        %dma_start3A_318 = arith.constant 0 : i32
        %dma_start3A_319 = tpu.memref_slice %arg8[%dma_start3A_317, %dma_start3A_318] : memref<10240x128xf32, #tpu.memory_space<vmem_shared>> -> memref<10240x128xf32, #tpu.memory_space<vmem_shared>>
        tpu.enqueue_indirect_dma source(%dma_start3A_313 : memref<128x128xf32, #tpu.memory_space<vmem>>) target(%dma_start3A_319 : memref<10240x128xf32, #tpu.memory_space<vmem_shared>>) offsets(%dma_start3A_316 : memref<128xi32, #tpu.memory_space<vmem>>) semaphore(%run_scoped3A_309 : memref<!tpu.dma_semaphore, #tpu.memory_space<semaphore_mem>>) {add = true}
        %dma_wait3A_320 = arith.constant 0 : i32
        %dma_wait3A_321 = arith.constant 0 : i32
        %dma_wait3A_322 = tpu.memref_slice %arg7[%run_scoped3A_257, %dma_wait3A_320, %dma_wait3A_321] : memref<2x128x128xf32, #tpu.memory_space<vmem>> -> memref<1x128x128xf32, #tpu.memory_space<vmem>>
        %dma_wait3A_323 = tpu.memref_squeeze %dma_wait3A_322 : memref<1x128x128xf32, #tpu.memory_space<vmem>> -> memref<128x128xf32, #tpu.memory_space<vmem>>
        %dma_wait3A_324 = arith.constant 0 : i32
        %dma_wait3A_325 = tpu.memref_slice %arg6[%add3A_256, %dma_wait3A_324] : memref<48x128xi32, #tpu.memory_space<vmem>> -> memref<1x128xi32, #tpu.memory_space<vmem>>
        %dma_wait3A_326 = tpu.memref_squeeze %dma_wait3A_325 : memref<1x128xi32, #tpu.memory_space<vmem>> -> memref<128xi32, #tpu.memory_space<vmem>>
        %dma_wait3A_327 = arith.constant 0 : i32
        %dma_wait3A_328 = arith.constant 0 : i32
        %dma_wait3A_329 = tpu.memref_slice %arg8[%dma_wait3A_327, %dma_wait3A_328] : memref<10240x128xf32, #tpu.memory_space<vmem_shared>> -> memref<10240x128xf32, #tpu.memory_space<vmem_shared>>
        tpu.wait_indirect_dma semaphore(%run_scoped3A_309 : memref<!tpu.dma_semaphore, #tpu.memory_space<semaphore_mem>>) src(%dma_wait3A_323 : memref<128x128xf32, #tpu.memory_space<vmem>>) dst(%dma_wait3A_329 : memref<10240x128xf32, #tpu.memory_space<vmem_shared>>)
        tpu.yield
      }) : () -> ()
      %add3A_258 = arith.constant 2 : i32
      %add3A_259 = arith.addi %mul3A_241, %add3A_258 : i32
      %add3A_260 = arith.constant 0 : i32
      %add3A_261 = arith.addi %add3A_259, %add3A_260 : i32
      %sub3A_262 = arith.constant 1 : i32
      %sub3A_263 = arith.subi %sub3A_146, %sub3A_262 : i32
      %min3A = arith.minsi %add3A_261, %sub3A_263 : i32
      %dma_start3A_264 = arith.constant 0 : i32
      %dma_start3A_265 = arith.constant 0 : i32
      %dma_start3A_266 = arith.constant 0 : i32
      %dma_start3A_267 = tpu.memref_slice %arg7[%dma_start3A_264, %dma_start3A_265, %dma_start3A_266] : memref<2x128x128xf32, #tpu.memory_space<vmem>> -> memref<1x128x128xf32, #tpu.memory_space<vmem>>
      %dma_start3A_268 = tpu.memref_squeeze %dma_start3A_267 : memref<1x128x128xf32, #tpu.memory_space<vmem>> -> memref<128x128xf32, #tpu.memory_space<vmem>>
      %dma_start3A_269 = arith.constant 0 : i32
      %dma_start3A_270 = tpu.memref_slice %arg5[%min3A, %dma_start3A_269] : memref<48x128xi32, #tpu.memory_space<vmem>> -> memref<1x128xi32, #tpu.memory_space<vmem>>
      %dma_start3A_271 = tpu.memref_squeeze %dma_start3A_270 : memref<1x128xi32, #tpu.memory_space<vmem>> -> memref<128xi32, #tpu.memory_space<vmem>>
      %dma_start3A_272 = arith.constant 0 : i32
      %dma_start3A_273 = arith.constant 0 : i32
      %dma_start3A_274 = tpu.memref_slice %arg3[%dma_start3A_272, %dma_start3A_273] : memref<10000x128xf32, #tpu.memory_space<hbm>> -> memref<10000x128xf32, #tpu.memory_space<hbm>>
      tpu.enqueue_indirect_dma source(%dma_start3A_274 : memref<10000x128xf32, #tpu.memory_space<hbm>>) target(%dma_start3A_268 : memref<128x128xf32, #tpu.memory_space<vmem>>) offsets(%dma_start3A_271 : memref<128xi32, #tpu.memory_space<vmem>>) semaphore(%arg9 : memref<!tpu.dma_semaphore, #tpu.memory_space<semaphore_mem>>)
      %add3A_275 = arith.constant 1 : i32
      %add3A_276 = arith.addi %mul3A_241, %add3A_275 : i32
      %dma_wait3A_277 = arith.constant 1 : i32
      %dma_wait3A_278 = arith.constant 0 : i32
      %dma_wait3A_279 = arith.constant 0 : i32
      %dma_wait3A_280 = tpu.memref_slice %arg7[%dma_wait3A_277, %dma_wait3A_278, %dma_wait3A_279] : memref<2x128x128xf32, #tpu.memory_space<vmem>> -> memref<1x128x128xf32, #tpu.memory_space<vmem>>
      %dma_wait3A_281 = tpu.memref_squeeze %dma_wait3A_280 : memref<1x128x128xf32, #tpu.memory_space<vmem>> -> memref<128x128xf32, #tpu.memory_space<vmem>>
      %dma_wait3A_282 = arith.constant 0 : i32
      %dma_wait3A_283 = tpu.memref_slice %arg5[%add3A_276, %dma_wait3A_282] : memref<48x128xi32, #tpu.memory_space<vmem>> -> memref<1x128xi32, #tpu.memory_space<vmem>>
      %dma_wait3A_284 = tpu.memref_squeeze %dma_wait3A_283 : memref<1x128xi32, #tpu.memory_space<vmem>> -> memref<128xi32, #tpu.memory_space<vmem>>
      %dma_wait3A_285 = arith.constant 0 : i32
      %dma_wait3A_286 = arith.constant 0 : i32
      %dma_wait3A_287 = tpu.memref_slice %arg3[%dma_wait3A_285, %dma_wait3A_286] : memref<10000x128xf32, #tpu.memory_space<hbm>> -> memref<10000x128xf32, #tpu.memory_space<hbm>>
      tpu.wait_indirect_dma semaphore(%arg10 : memref<!tpu.dma_semaphore, #tpu.memory_space<semaphore_mem>>) src(%dma_wait3A_287 : memref<10000x128xf32, #tpu.memory_space<hbm>>) dst(%dma_wait3A_281 : memref<128x128xf32, #tpu.memory_space<vmem>>)
      %add3A_288 = arith.constant 1 : i32
      %add3A_289 = arith.addi %mul3A_241, %add3A_288 : i32
      %run_scoped3A_290 = arith.constant 1 : i32
      "tpu.region"() ({
        %run_scoped3A_309 = tpu.sem_alloc : memref<!tpu.dma_semaphore, #tpu.memory_space<semaphore_mem>>
        %dma_start3A_310 = arith.constant 0 : i32
        %dma_start3A_311 = arith.constant 0 : i32
        %dma_start3A_312 = tpu.memref_slice %arg7[%run_scoped3A_290, %dma_start3A_310, %dma_start3A_311] : memref<2x128x128xf32, #tpu.memory_space<vmem>> -> memref<1x128x128xf32, #tpu.memory_space<vmem>>
        %dma_start3A_313 = tpu.memref_squeeze %dma_start3A_312 : memref<1x128x128xf32, #tpu.memory_space<vmem>> -> memref<128x128xf32, #tpu.memory_space<vmem>>
        %dma_start3A_314 = arith.constant 0 : i32
        %dma_start3A_315 = tpu.memref_slice %arg6[%add3A_289, %dma_start3A_314] : memref<48x128xi32, #tpu.memory_space<vmem>> -> memref<1x128xi32, #tpu.memory_space<vmem>>
        %dma_start3A_316 = tpu.memref_squeeze %dma_start3A_315 : memref<1x128xi32, #tpu.memory_space<vmem>> -> memref<128xi32, #tpu.memory_space<vmem>>
        %dma_start3A_317 = arith.constant 0 : i32
        %dma_start3A_318 = arith.constant 0 : i32
        %dma_start3A_319 = tpu.memref_slice %arg8[%dma_start3A_317, %dma_start3A_318] : memref<10240x128xf32, #tpu.memory_space<vmem_shared>> -> memref<10240x128xf32, #tpu.memory_space<vmem_shared>>
        tpu.enqueue_indirect_dma source(%dma_start3A_313 : memref<128x128xf32, #tpu.memory_space<vmem>>) target(%dma_start3A_319 : memref<10240x128xf32, #tpu.memory_space<vmem_shared>>) offsets(%dma_start3A_316 : memref<128xi32, #tpu.memory_space<vmem>>) semaphore(%run_scoped3A_309 : memref<!tpu.dma_semaphore, #tpu.memory_space<semaphore_mem>>) {add = true}
        %dma_wait3A_320 = arith.constant 0 : i32
        %dma_wait3A_321 = arith.constant 0 : i32
        %dma_wait3A_322 = tpu.memref_slice %arg7[%run_scoped3A_290, %dma_wait3A_320, %dma_wait3A_321] : memref<2x128x128xf32, #tpu.memory_space<vmem>> -> memref<1x128x128xf32, #tpu.memory_space<vmem>>
        %dma_wait3A_323 = tpu.memref_squeeze %dma_wait3A_322 : memref<1x128x128xf32, #tpu.memory_space<vmem>> -> memref<128x128xf32, #tpu.memory_space<vmem>>
        %dma_wait3A_324 = arith.constant 0 : i32
        %dma_wait3A_325 = tpu.memref_slice %arg6[%add3A_289, %dma_wait3A_324] : memref<48x128xi32, #tpu.memory_space<vmem>> -> memref<1x128xi32, #tpu.memory_space<vmem>>
        %dma_wait3A_326 = tpu.memref_squeeze %dma_wait3A_325 : memref<1x128xi32, #tpu.memory_space<vmem>> -> memref<128xi32, #tpu.memory_space<vmem>>
        %dma_wait3A_327 = arith.constant 0 : i32
        %dma_wait3A_328 = arith.constant 0 : i32
        %dma_wait3A_329 = tpu.memref_slice %arg8[%dma_wait3A_327, %dma_wait3A_328] : memref<10240x128xf32, #tpu.memory_space<vmem_shared>> -> memref<10240x128xf32, #tpu.memory_space<vmem_shared>>
        tpu.wait_indirect_dma semaphore(%run_scoped3A_309 : memref<!tpu.dma_semaphore, #tpu.memory_space<semaphore_mem>>) src(%dma_wait3A_323 : memref<128x128xf32, #tpu.memory_space<vmem>>) dst(%dma_wait3A_329 : memref<10240x128xf32, #tpu.memory_space<vmem_shared>>)
        tpu.yield
      }) : () -> ()
      %add3A_291 = arith.constant 2 : i32
      %add3A_292 = arith.addi %mul3A_241, %add3A_291 : i32
      %add3A_293 = arith.constant 1 : i32
      %add3A_294 = arith.addi %add3A_292, %add3A_293 : i32
      %sub3A_295 = arith.constant 1 : i32
      %sub3A_296 = arith.subi %sub3A_146, %sub3A_295 : i32
      %min3A_297 = arith.minsi %add3A_294, %sub3A_296 : i32
      %dma_start3A_298 = arith.constant 1 : i32
      %dma_start3A_299 = arith.constant 0 : i32
      %dma_start3A_300 = arith.constant 0 : i32
      %dma_start3A_301 = tpu.memref_slice %arg7[%dma_start3A_298, %dma_start3A_299, %dma_start3A_300] : memref<2x128x128xf32, #tpu.memory_space<vmem>> -> memref<1x128x128xf32, #tpu.memory_space<vmem>>
      %dma_start3A_302 = tpu.memref_squeeze %dma_start3A_301 : memref<1x128x128xf32, #tpu.memory_space<vmem>> -> memref<128x128xf32, #tpu.memory_space<vmem>>
      %dma_start3A_303 = arith.constant 0 : i32
      %dma_start3A_304 = tpu.memref_slice %arg5[%min3A_297, %dma_start3A_303] : memref<48x128xi32, #tpu.memory_space<vmem>> -> memref<1x128xi32, #tpu.memory_space<vmem>>
      %dma_start3A_305 = tpu.memref_squeeze %dma_start3A_304 : memref<1x128xi32, #tpu.memory_space<vmem>> -> memref<128xi32, #tpu.memory_space<vmem>>
      %dma_start3A_306 = arith.constant 0 : i32
      %dma_start3A_307 = arith.constant 0 : i32
      %dma_start3A_308 = tpu.memref_slice %arg3[%dma_start3A_306, %dma_start3A_307] : memref<10000x128xf32, #tpu.memory_space<hbm>> -> memref<10000x128xf32, #tpu.memory_space<hbm>>
      tpu.enqueue_indirect_dma source(%dma_start3A_308 : memref<10000x128xf32, #tpu.memory_space<hbm>>) target(%dma_start3A_302 : memref<128x128xf32, #tpu.memory_space<vmem>>) offsets(%dma_start3A_305 : memref<128xi32, #tpu.memory_space<vmem>>) semaphore(%arg10 : memref<!tpu.dma_semaphore, #tpu.memory_space<semaphore_mem>>)
    }
    %while3A_205 = arith.constant 1 : i32
    scf.for %while3A_239 = %while3A_203 to %while3A_199 step %while3A_205  : i32 {
      %mul3A_240 = arith.constant 2 : i32
      %mul3A_241 = arith.muli %while3A_239, %mul3A_240 : i32
      %add3A_242 = arith.constant 0 : i32
      %add3A_243 = arith.addi %mul3A_241, %add3A_242 : i32
      %dma_wait3A_244 = arith.constant 0 : i32
      %dma_wait3A_245 = arith.constant 0 : i32
      %dma_wait3A_246 = arith.constant 0 : i32
      %dma_wait3A_247 = tpu.memref_slice %arg7[%dma_wait3A_244, %dma_wait3A_245, %dma_wait3A_246] : memref<2x128x128xf32, #tpu.memory_space<vmem>> -> memref<1x128x128xf32, #tpu.memory_space<vmem>>
      %dma_wait3A_248 = tpu.memref_squeeze %dma_wait3A_247 : memref<1x128x128xf32, #tpu.memory_space<vmem>> -> memref<128x128xf32, #tpu.memory_space<vmem>>
      %dma_wait3A_249 = arith.constant 0 : i32
      %dma_wait3A_250 = tpu.memref_slice %arg5[%add3A_243, %dma_wait3A_249] : memref<48x128xi32, #tpu.memory_space<vmem>> -> memref<1x128xi32, #tpu.memory_space<vmem>>
      %dma_wait3A_251 = tpu.memref_squeeze %dma_wait3A_250 : memref<1x128xi32, #tpu.memory_space<vmem>> -> memref<128xi32, #tpu.memory_space<vmem>>
      %dma_wait3A_252 = arith.constant 0 : i32
      %dma_wait3A_253 = arith.constant 0 : i32
      %dma_wait3A_254 = tpu.memref_slice %arg3[%dma_wait3A_252, %dma_wait3A_253] : memref<10000x128xf32, #tpu.memory_space<hbm>> -> memref<10000x128xf32, #tpu.memory_space<hbm>>
      tpu.wait_indirect_dma semaphore(%arg9 : memref<!tpu.dma_semaphore, #tpu.memory_space<semaphore_mem>>) src(%dma_wait3A_254 : memref<10000x128xf32, #tpu.memory_space<hbm>>) dst(%dma_wait3A_248 : memref<128x128xf32, #tpu.memory_space<vmem>>)
      %add3A_255 = arith.constant 0 : i32
      %add3A_256 = arith.addi %mul3A_241, %add3A_255 : i32
      %run_scoped3A_257 = arith.constant 0 : i32
      "tpu.region"() ({
        %run_scoped3A_309 = tpu.sem_alloc : memref<!tpu.dma_semaphore, #tpu.memory_space<semaphore_mem>>
        %dma_start3A_310 = arith.constant 0 : i32
        %dma_start3A_311 = arith.constant 0 : i32
        %dma_start3A_312 = tpu.memref_slice %arg7[%run_scoped3A_257, %dma_start3A_310, %dma_start3A_311] : memref<2x128x128xf32, #tpu.memory_space<vmem>> -> memref<1x128x128xf32, #tpu.memory_space<vmem>>
        %dma_start3A_313 = tpu.memref_squeeze %dma_start3A_312 : memref<1x128x128xf32, #tpu.memory_space<vmem>> -> memref<128x128xf32, #tpu.memory_space<vmem>>
        %dma_start3A_314 = arith.constant 0 : i32
        %dma_start3A_315 = tpu.memref_slice %arg6[%add3A_256, %dma_start3A_314] : memref<48x128xi32, #tpu.memory_space<vmem>> -> memref<1x128xi32, #tpu.memory_space<vmem>>
        %dma_start3A_316 = tpu.memref_squeeze %dma_start3A_315 : memref<1x128xi32, #tpu.memory_space<vmem>> -> memref<128xi32, #tpu.memory_space<vmem>>
        %dma_start3A_317 = arith.constant 0 : i32
        %dma_start3A_318 = arith.constant 0 : i32
        %dma_start3A_319 = tpu.memref_slice %arg8[%dma_start3A_317, %dma_start3A_318] : memref<10240x128xf32, #tpu.memory_space<vmem_shared>> -> memref<10240x128xf32, #tpu.memory_space<vmem_shared>>
        tpu.enqueue_indirect_dma source(%dma_start3A_313 : memref<128x128xf32, #tpu.memory_space<vmem>>) target(%dma_start3A_319 : memref<10240x128xf32, #tpu.memory_space<vmem_shared>>) offsets(%dma_start3A_316 : memref<128xi32, #tpu.memory_space<vmem>>) semaphore(%run_scoped3A_309 : memref<!tpu.dma_semaphore, #tpu.memory_space<semaphore_mem>>) {add = true}
        %dma_wait3A_320 = arith.constant 0 : i32
        %dma_wait3A_321 = arith.constant 0 : i32
        %dma_wait3A_322 = tpu.memref_slice %arg7[%run_scoped3A_257, %dma_wait3A_320, %dma_wait3A_321] : memref<2x128x128xf32, #tpu.memory_space<vmem>> -> memref<1x128x128xf32, #tpu.memory_space<vmem>>
        %dma_wait3A_323 = tpu.memref_squeeze %dma_wait3A_322 : memref<1x128x128xf32, #tpu.memory_space<vmem>> -> memref<128x128xf32, #tpu.memory_space<vmem>>
        %dma_wait3A_324 = arith.constant 0 : i32
        %dma_wait3A_325 = tpu.memref_slice %arg6[%add3A_256, %dma_wait3A_324] : memref<48x128xi32, #tpu.memory_space<vmem>> -> memref<1x128xi32, #tpu.memory_space<vmem>>
        %dma_wait3A_326 = tpu.memref_squeeze %dma_wait3A_325 : memref<1x128xi32, #tpu.memory_space<vmem>> -> memref<128xi32, #tpu.memory_space<vmem>>
        %dma_wait3A_327 = arith.constant 0 : i32
        %dma_wait3A_328 = arith.constant 0 : i32
        %dma_wait3A_329 = tpu.memref_slice %arg8[%dma_wait3A_327, %dma_wait3A_328] : memref<10240x128xf32, #tpu.memory_space<vmem_shared>> -> memref<10240x128xf32, #tpu.memory_space<vmem_shared>>
        tpu.wait_indirect_dma semaphore(%run_scoped3A_309 : memref<!tpu.dma_semaphore, #tpu.memory_space<semaphore_mem>>) src(%dma_wait3A_323 : memref<128x128xf32, #tpu.memory_space<vmem>>) dst(%dma_wait3A_329 : memref<10240x128xf32, #tpu.memory_space<vmem_shared>>)
        tpu.yield
      }) : () -> ()
      %add3A_258 = arith.constant 2 : i32
      %add3A_259 = arith.addi %mul3A_241, %add3A_258 : i32
      %add3A_260 = arith.constant 0 : i32
      %add3A_261 = arith.addi %add3A_259, %add3A_260 : i32
      %sub3A_262 = arith.constant 1 : i32
      %sub3A_263 = arith.subi %sub3A_146, %sub3A_262 : i32
      %min3A = arith.minsi %add3A_261, %sub3A_263 : i32
      %dma_start3A_264 = arith.constant 0 : i32
      %dma_start3A_265 = arith.constant 0 : i32
      %dma_start3A_266 = arith.constant 0 : i32
      %dma_start3A_267 = tpu.memref_slice %arg7[%dma_start3A_264, %dma_start3A_265, %dma_start3A_266] : memref<2x128x128xf32, #tpu.memory_space<vmem>> -> memref<1x128x128xf32, #tpu.memory_space<vmem>>
      %dma_start3A_268 = tpu.memref_squeeze %dma_start3A_267 : memref<1x128x128xf32, #tpu.memory_space<vmem>> -> memref<128x128xf32, #tpu.memory_space<vmem>>
      %dma_start3A_269 = arith.constant 0 : i32
      %dma_start3A_270 = tpu.memref_slice %arg5[%min3A, %dma_start3A_269] : memref<48x128xi32, #tpu.memory_space<vmem>> -> memref<1x128xi32, #tpu.memory_space<vmem>>
      %dma_start3A_271 = tpu.memref_squeeze %dma_start3A_270 : memref<1x128xi32, #tpu.memory_space<vmem>> -> memref<128xi32, #tpu.memory_space<vmem>>
      %dma_start3A_272 = arith.constant 0 : i32
      %dma_start3A_273 = arith.constant 0 : i32
      %dma_start3A_274 = tpu.memref_slice %arg3[%dma_start3A_272, %dma_start3A_273] : memref<10000x128xf32, #tpu.memory_space<hbm>> -> memref<10000x128xf32, #tpu.memory_space<hbm>>
      tpu.enqueue_indirect_dma source(%dma_start3A_274 : memref<10000x128xf32, #tpu.memory_space<hbm>>) target(%dma_start3A_268 : memref<128x128xf32, #tpu.memory_space<vmem>>) offsets(%dma_start3A_271 : memref<128xi32, #tpu.memory_space<vmem>>) semaphore(%arg9 : memref<!tpu.dma_semaphore, #tpu.memory_space<semaphore_mem>>)
      %add3A_275 = arith.constant 1 : i32
      %add3A_276 = arith.addi %mul3A_241, %add3A_275 : i32
      %dma_wait3A_277 = arith.constant 1 : i32
      %dma_wait3A_278 = arith.constant 0 : i32
      %dma_wait3A_279 = arith.constant 0 : i32
      %dma_wait3A_280 = tpu.memref_slice %arg7[%dma_wait3A_277, %dma_wait3A_278, %dma_wait3A_279] : memref<2x128x128xf32, #tpu.memory_space<vmem>> -> memref<1x128x128xf32, #tpu.memory_space<vmem>>
      %dma_wait3A_281 = tpu.memref_squeeze %dma_wait3A_280 : memref<1x128x128xf32, #tpu.memory_space<vmem>> -> memref<128x128xf32, #tpu.memory_space<vmem>>
      %dma_wait3A_282 = arith.constant 0 : i32
      %dma_wait3A_283 = tpu.memref_slice %arg5[%add3A_276, %dma_wait3A_282] : memref<48x128xi32, #tpu.memory_space<vmem>> -> memref<1x128xi32, #tpu.memory_space<vmem>>
      %dma_wait3A_284 = tpu.memref_squeeze %dma_wait3A_283 : memref<1x128xi32, #tpu.memory_space<vmem>> -> memref<128xi32, #tpu.memory_space<vmem>>
      %dma_wait3A_285 = arith.constant 0 : i32
      %dma_wait3A_286 = arith.constant 0 : i32
      %dma_wait3A_287 = tpu.memref_slice %arg3[%dma_wait3A_285, %dma_wait3A_286] : memref<10000x128xf32, #tpu.memory_space<hbm>> -> memref<10000x128xf32, #tpu.memory_space<hbm>>
      tpu.wait_indirect_dma semaphore(%arg10 : memref<!tpu.dma_semaphore, #tpu.memory_space<semaphore_mem>>) src(%dma_wait3A_287 : memref<10000x128xf32, #tpu.memory_space<hbm>>) dst(%dma_wait3A_281 : memref<128x128xf32, #tpu.memory_space<vmem>>)
      %add3A_288 = arith.constant 1 : i32
      %add3A_289 = arith.addi %mul3A_241, %add3A_288 : i32
      %run_scoped3A_290 = arith.constant 1 : i32
      "tpu.region"() ({
        %run_scoped3A_309 = tpu.sem_alloc : memref<!tpu.dma_semaphore, #tpu.memory_space<semaphore_mem>>
        %dma_start3A_310 = arith.constant 0 : i32
        %dma_start3A_311 = arith.constant 0 : i32
        %dma_start3A_312 = tpu.memref_slice %arg7[%run_scoped3A_290, %dma_start3A_310, %dma_start3A_311] : memref<2x128x128xf32, #tpu.memory_space<vmem>> -> memref<1x128x128xf32, #tpu.memory_space<vmem>>
        %dma_start3A_313 = tpu.memref_squeeze %dma_start3A_312 : memref<1x128x128xf32, #tpu.memory_space<vmem>> -> memref<128x128xf32, #tpu.memory_space<vmem>>
        %dma_start3A_314 = arith.constant 0 : i32
        %dma_start3A_315 = tpu.memref_slice %arg6[%add3A_289, %dma_start3A_314] : memref<48x128xi32, #tpu.memory_space<vmem>> -> memref<1x128xi32, #tpu.memory_space<vmem>>
        %dma_start3A_316 = tpu.memref_squeeze %dma_start3A_315 : memref<1x128xi32, #tpu.memory_space<vmem>> -> memref<128xi32, #tpu.memory_space<vmem>>
        %dma_start3A_317 = arith.constant 0 : i32
        %dma_start3A_318 = arith.constant 0 : i32
        %dma_start3A_319 = tpu.memref_slice %arg8[%dma_start3A_317, %dma_start3A_318] : memref<10240x128xf32, #tpu.memory_space<vmem_shared>> -> memref<10240x128xf32, #tpu.memory_space<vmem_shared>>
        tpu.enqueue_indirect_dma source(%dma_start3A_313 : memref<128x128xf32, #tpu.memory_space<vmem>>) target(%dma_start3A_319 : memref<10240x128xf32, #tpu.memory_space<vmem_shared>>) offsets(%dma_start3A_316 : memref<128xi32, #tpu.memory_space<vmem>>) semaphore(%run_scoped3A_309 : memref<!tpu.dma_semaphore, #tpu.memory_space<semaphore_mem>>) {add = true}
        %dma_wait3A_320 = arith.constant 0 : i32
        %dma_wait3A_321 = arith.constant 0 : i32
        %dma_wait3A_322 = tpu.memref_slice %arg7[%run_scoped3A_290, %dma_wait3A_320, %dma_wait3A_321] : memref<2x128x128xf32, #tpu.memory_space<vmem>> -> memref<1x128x128xf32, #tpu.memory_space<vmem>>
        %dma_wait3A_323 = tpu.memref_squeeze %dma_wait3A_322 : memref<1x128x128xf32, #tpu.memory_space<vmem>> -> memref<128x128xf32, #tpu.memory_space<vmem>>
        %dma_wait3A_324 = arith.constant 0 : i32
        %dma_wait3A_325 = tpu.memref_slice %arg6[%add3A_289, %dma_wait3A_324] : memref<48x128xi32, #tpu.memory_space<vmem>> -> memref<1x128xi32, #tpu.memory_space<vmem>>
        %dma_wait3A_326 = tpu.memref_squeeze %dma_wait3A_325 : memref<1x128xi32, #tpu.memory_space<vmem>> -> memref<128xi32, #tpu.memory_space<vmem>>
        %dma_wait3A_327 = arith.constant 0 : i32
        %dma_wait3A_328 = arith.constant 0 : i32
        %dma_wait3A_329 = tpu.memref_slice %arg8[%dma_wait3A_327, %dma_wait3A_328] : memref<10240x128xf32, #tpu.memory_space<vmem_shared>> -> memref<10240x128xf32, #tpu.memory_space<vmem_shared>>
        tpu.wait_indirect_dma semaphore(%run_scoped3A_309 : memref<!tpu.dma_semaphore, #tpu.memory_space<semaphore_mem>>) src(%dma_wait3A_323 : memref<128x128xf32, #tpu.memory_space<vmem>>) dst(%dma_wait3A_329 : memref<10240x128xf32, #tpu.memory_space<vmem_shared>>)
        tpu.yield
      }) : () -> ()
      %add3A_291 = arith.constant 2 : i32
      %add3A_292 = arith.addi %mul3A_241, %add3A_291 : i32
      %add3A_293 = arith.constant 1 : i32
      %add3A_294 = arith.addi %add3A_292, %add3A_293 : i32
      %sub3A_295 = arith.constant 1 : i32
      %sub3A_296 = arith.subi %sub3A_146, %sub3A_295 : i32
      %min3A_297 = arith.minsi %add3A_294, %sub3A_296 : i32
      %dma_start3A_298 = arith.constant 1 : i32
      %dma_start3A_299 = arith.constant 0 : i32
      %dma_start3A_300 = arith.constant 0 : i32
      %dma_start3A_301 = tpu.memref_slice %arg7[%dma_start3A_298, %dma_start3A_299, %dma_start3A_300] : memref<2x128x128xf32, #tpu.memory_space<vmem>> -> memref<1x128x128xf32, #tpu.memory_space<vmem>>
      %dma_start3A_302 = tpu.memref_squeeze %dma_start3A_301 : memref<1x128x128xf32, #tpu.memory_space<vmem>> -> memref<128x128xf32, #tpu.memory_space<vmem>>
      %dma_start3A_303 = arith.constant 0 : i32
      %dma_start3A_304 = tpu.memref_slice %arg5[%min3A_297, %dma_start3A_303] : memref<48x128xi32, #tpu.memory_space<vmem>> -> memref<1x128xi32, #tpu.memory_space<vmem>>
      %dma_start3A_305 = tpu.memref_squeeze %dma_start3A_304 : memref<1x128xi32, #tpu.memory_space<vmem>> -> memref<128xi32, #tpu.memory_space<vmem>>
      %dma_start3A_306 = arith.constant 0 : i32
      %dma_start3A_307 = arith.constant 0 : i32
      %dma_start3A_308 = tpu.memref_slice %arg3[%dma_start3A_306, %dma_start3A_307] : memref<10000x128xf32, #tpu.memory_space<hbm>> -> memref<10000x128xf32, #tpu.memory_space<hbm>>
      tpu.enqueue_indirect_dma source(%dma_start3A_308 : memref<10000x128xf32, #tpu.memory_space<hbm>>) target(%dma_start3A_302 : memref<128x128xf32, #tpu.memory_space<vmem>>) offsets(%dma_start3A_305 : memref<128xi32, #tpu.memory_space<vmem>>) semaphore(%arg10 : memref<!tpu.dma_semaphore, #tpu.memory_space<semaphore_mem>>)
    }
    %sub3A_206 = arith.constant 1 : i32
    %sub3A_207 = arith.subi %sub3A_146, %sub3A_206 : i32
    %dma_wait3A_208 = arith.constant 0 : i32
    %dma_wait3A_209 = arith.constant 0 : i32
    %dma_wait3A_210 = arith.constant 0 : i32
    %dma_wait3A_211 = tpu.memref_slice %arg7[%dma_wait3A_208, %dma_wait3A_209, %dma_wait3A_210] : memref<2x128x128xf32, #tpu.memory_space<vmem>> -> memref<1x128x128xf32, #tpu.memory_space<vmem>>
    %dma_wait3A_212 = tpu.memref_squeeze %dma_wait3A_211 : memref<1x128x128xf32, #tpu.memory_space<vmem>> -> memref<128x128xf32, #tpu.memory_space<vmem>>
    %dma_wait3A_213 = arith.constant 0 : i32
    %dma_wait3A_214 = tpu.memref_slice %arg5[%sub3A_207, %dma_wait3A_213] : memref<48x128xi32, #tpu.memory_space<vmem>> -> memref<1x128xi32, #tpu.memory_space<vmem>>
    %dma_wait3A_215 = tpu.memref_squeeze %dma_wait3A_214 : memref<1x128xi32, #tpu.memory_space<vmem>> -> memref<128xi32, #tpu.memory_space<vmem>>
    %dma_wait3A_216 = arith.constant 0 : i32
    %dma_wait3A_217 = arith.constant 0 : i32
    %dma_wait3A_218 = tpu.memref_slice %arg3[%dma_wait3A_216, %dma_wait3A_217] : memref<10000x128xf32, #tpu.memory_space<hbm>> -> memref<10000x128xf32, #tpu.memory_space<hbm>>
    tpu.wait_indirect_dma semaphore(%arg9 : memref<!tpu.dma_semaphore, #tpu.memory_space<semaphore_mem>>) src(%dma_wait3A_218 : memref<10000x128xf32, #tpu.memory_space<hbm>>) dst(%dma_wait3A_212 : memref<128x128xf32, #tpu.memory_space<vmem>>)
    %sub3A_219 = arith.constant 1 : i32
    %sub3A_220 = arith.subi %sub3A_146, %sub3A_219 : i32
    %dma_wait3A_221 = arith.constant 1 : i32
    %dma_wait3A_222 = arith.constant 0 : i32
    %dma_wait3A_223 = arith.constant 0 : i32
    %dma_wait3A_224 = tpu.memref_slice %arg7[%dma_wait3A_221, %dma_wait3A_222, %dma_wait3A_223] : memref<2x128x128xf32, #tpu.memory_space<vmem>> -> memref<1x128x128xf32, #tpu.memory_space<vmem>>
    %dma_wait3A_225 = tpu.memref_squeeze %dma_wait3A_224 : memref<1x128x128xf32, #tpu.memory_space<vmem>> -> memref<128x128xf32, #tpu.memory_space<vmem>>
    %dma_wait3A_226 = arith.constant 0 : i32
    %dma_wait3A_227 = tpu.memref_slice %arg5[%sub3A_220, %dma_wait3A_226] : memref<48x128xi32, #tpu.memory_space<vmem>> -> memref<1x128xi32, #tpu.memory_space<vmem>>
    %dma_wait3A_228 = tpu.memref_squeeze %dma_wait3A_227 : memref<1x128xi32, #tpu.memory_space<vmem>> -> memref<128xi32, #tpu.memory_space<vmem>>
    %dma_wait3A_229 = arith.constant 0 : i32
    %dma_wait3A_230 = arith.constant 0 : i32
    %dma_wait3A_231 = tpu.memref_slice %arg3[%dma_wait3A_229, %dma_wait3A_230] : memref<10000x128xf32, #tpu.memory_space<hbm>> -> memref<10000x128xf32, #tpu.memory_space<hbm>>
    tpu.wait_indirect_dma semaphore(%arg10 : memref<!tpu.dma_semaphore, #tpu.memory_space<semaphore_mem>>) src(%dma_wait3A_231 : memref<10000x128xf32, #tpu.memory_space<hbm>>) dst(%dma_wait3A_225 : memref<128x128xf32, #tpu.memory_space<vmem>>)
    %eq3A = arith.constant 0 : i32
    %eq3A_232 = arith.cmpi eq, %add3A, %eq3A : i32
    %convert_element_type3A = arith.extui %eq3A_232 : i1 to i32
    %cond3A = arith.constant 0 : i32
    %cond3A_233 = arith.cmpi ne, %convert_element_type3A, %cond3A : i32
    scf.if %cond3A_233 {
      %multiple_of3A_239 = arith.constant 2496 : i32
      %multiple_of3A_240 = tpu.assume_multiple %multiple_of3A_239, 8 : i32
      %run_scoped3A_241 = arith.constant 0 : i32
      "tpu.region"() ({
        %run_scoped3A_249 = tpu.sem_alloc : memref<!tpu.dma_semaphore, #tpu.memory_space<semaphore_mem>>
        %dma_start3A_250 = arith.constant 0 : i32
        %dma_start3A_251 = arith.constant 0 : i32
        %dma_start3A_252 = tpu.memref_slice %arg5[%dma_start3A_250, %dma_start3A_251] : memref<48x128xi32, #tpu.memory_space<vmem>> -> memref<4x128xi32, #tpu.memory_space<vmem>>
        %dma_start3A_253 = arith.constant 0 : i32
        %dma_start3A_254 = tpu.memref_slice %arg2[%run_scoped3A_241, %multiple_of3A_240, %dma_start3A_253] : memref<2x2500x128xi32, #tpu.memory_space<hbm>> -> memref<1x4x128xi32, #tpu.memory_space<hbm>>
        %dma_start3A_255 = tpu.memref_squeeze %dma_start3A_254 : memref<1x4x128xi32, #tpu.memory_space<hbm>> -> memref<4x128xi32, #tpu.memory_space<hbm>>
        %dma_start3A_256 = arith.constant 0 : i32
        %dma_start3A_257 = arith.constant 0 : i32
        %dma_start3A_258 = tpu.memref_slice %arg5[%dma_start3A_256, %dma_start3A_257] : memref<48x128xi32, #tpu.memory_space<vmem>> -> memref<4x128xi32, #tpu.memory_space<vmem>>
        %dma_start3A_259 = arith.constant 0 : i32
        %dma_start3A_260 = tpu.memref_slice %arg2[%run_scoped3A_241, %multiple_of3A_240, %dma_start3A_259] : memref<2x2500x128xi32, #tpu.memory_space<hbm>> -> memref<1x4x128xi32, #tpu.memory_space<hbm>>
        %dma_start3A_261 = tpu.memref_squeeze %dma_start3A_260 : memref<1x4x128xi32, #tpu.memory_space<hbm>> -> memref<4x128xi32, #tpu.memory_space<hbm>>
        tpu.enqueue_dma source(%dma_start3A_261 : memref<4x128xi32, #tpu.memory_space<hbm>>) target(%dma_start3A_258 : memref<4x128xi32, #tpu.memory_space<vmem>>) target_semaphore(%run_scoped3A_249 : memref<!tpu.dma_semaphore, #tpu.memory_space<semaphore_mem>>)
        %dma_wait3A_262 = arith.constant 0 : i32
        %dma_wait3A_263 = arith.constant 0 : i32
        %dma_wait3A_264 = tpu.memref_slice %arg5[%dma_wait3A_262, %dma_wait3A_263] : memref<48x128xi32, #tpu.memory_space<vmem>> -> memref<4x128xi32, #tpu.memory_space<vmem>>
        %dma_wait3A_265 = arith.constant 0 : i32
        %dma_wait3A_266 = tpu.memref_slice %arg2[%run_scoped3A_241, %multiple_of3A_240, %dma_wait3A_265] : memref<2x2500x128xi32, #tpu.memory_space<hbm>> -> memref<1x4x128xi32, #tpu.memory_space<hbm>>
        %dma_wait3A_267 = tpu.memref_squeeze %dma_wait3A_266 : memref<1x4x128xi32, #tpu.memory_space<hbm>> -> memref<4x128xi32, #tpu.memory_space<hbm>>
        %dma_wait3A_268 = arith.constant 0 : i32
        %dma_wait3A_269 = arith.constant 0 : i32
        %dma_wait3A_270 = tpu.memref_slice %arg5[%dma_wait3A_268, %dma_wait3A_269] : memref<48x128xi32, #tpu.memory_space<vmem>> -> memref<4x128xi32, #tpu.memory_space<vmem>>
        %dma_wait3A_271 = arith.constant 0 : i32
        %dma_wait3A_272 = tpu.memref_slice %arg2[%run_scoped3A_241, %multiple_of3A_240, %dma_wait3A_271] : memref<2x2500x128xi32, #tpu.memory_space<hbm>> -> memref<1x4x128xi32, #tpu.memory_space<hbm>>
        %dma_wait3A_273 = tpu.memref_squeeze %dma_wait3A_272 : memref<1x4x128xi32, #tpu.memory_space<hbm>> -> memref<4x128xi32, #tpu.memory_space<hbm>>
        tpu.wait_dma2 semaphore(%run_scoped3A_249 : memref<!tpu.dma_semaphore, #tpu.memory_space<semaphore_mem>>) src(%dma_wait3A_273 : memref<4x128xi32, #tpu.memory_space<hbm>>) dst(%dma_wait3A_270 : memref<4x128xi32, #tpu.memory_space<vmem>>)
        tpu.yield
      }) : () -> ()
      %run_scoped3A_242 = arith.constant 1 : i32
      "tpu.region"() ({
        %run_scoped3A_249 = tpu.sem_alloc : memref<!tpu.dma_semaphore, #tpu.memory_space<semaphore_mem>>
        %dma_start3A_250 = arith.constant 0 : i32
        %dma_start3A_251 = arith.constant 0 : i32
        %dma_start3A_252 = tpu.memref_slice %arg6[%dma_start3A_250, %dma_start3A_251] : memref<48x128xi32, #tpu.memory_space<vmem>> -> memref<4x128xi32, #tpu.memory_space<vmem>>
        %dma_start3A_253 = arith.constant 0 : i32
        %dma_start3A_254 = tpu.memref_slice %arg2[%run_scoped3A_242, %multiple_of3A_240, %dma_start3A_253] : memref<2x2500x128xi32, #tpu.memory_space<hbm>> -> memref<1x4x128xi32, #tpu.memory_space<hbm>>
        %dma_start3A_255 = tpu.memref_squeeze %dma_start3A_254 : memref<1x4x128xi32, #tpu.memory_space<hbm>> -> memref<4x128xi32, #tpu.memory_space<hbm>>
        %dma_start3A_256 = arith.constant 0 : i32
        %dma_start3A_257 = arith.constant 0 : i32
        %dma_start3A_258 = tpu.memref_slice %arg6[%dma_start3A_256, %dma_start3A_257] : memref<48x128xi32, #tpu.memory_space<vmem>> -> memref<4x128xi32, #tpu.memory_space<vmem>>
        %dma_start3A_259 = arith.constant 0 : i32
        %dma_start3A_260 = tpu.memref_slice %arg2[%run_scoped3A_242, %multiple_of3A_240, %dma_start3A_259] : memref<2x2500x128xi32, #tpu.memory_space<hbm>> -> memref<1x4x128xi32, #tpu.memory_space<hbm>>
        %dma_start3A_261 = tpu.memref_squeeze %dma_start3A_260 : memref<1x4x128xi32, #tpu.memory_space<hbm>> -> memref<4x128xi32, #tpu.memory_space<hbm>>
        tpu.enqueue_dma source(%dma_start3A_261 : memref<4x128xi32, #tpu.memory_space<hbm>>) target(%dma_start3A_258 : memref<4x128xi32, #tpu.memory_space<vmem>>) target_semaphore(%run_scoped3A_249 : memref<!tpu.dma_semaphore, #tpu.memory_space<semaphore_mem>>)
        %dma_wait3A_262 = arith.constant 0 : i32
        %dma_wait3A_263 = arith.constant 0 : i32
        %dma_wait3A_264 = tpu.memref_slice %arg6[%dma_wait3A_262, %dma_wait3A_263] : memref<48x128xi32, #tpu.memory_space<vmem>> -> memref<4x128xi32, #tpu.memory_space<vmem>>
        %dma_wait3A_265 = arith.constant 0 : i32
        %dma_wait3A_266 = tpu.memref_slice %arg2[%run_scoped3A_242, %multiple_of3A_240, %dma_wait3A_265] : memref<2x2500x128xi32, #tpu.memory_space<hbm>> -> memref<1x4x128xi32, #tpu.memory_space<hbm>>
        %dma_wait3A_267 = tpu.memref_squeeze %dma_wait3A_266 : memref<1x4x128xi32, #tpu.memory_space<hbm>> -> memref<4x128xi32, #tpu.memory_space<hbm>>
        %dma_wait3A_268 = arith.constant 0 : i32
        %dma_wait3A_269 = arith.constant 0 : i32
        %dma_wait3A_270 = tpu.memref_slice %arg6[%dma_wait3A_268, %dma_wait3A_269] : memref<48x128xi32, #tpu.memory_space<vmem>> -> memref<4x128xi32, #tpu.memory_space<vmem>>
        %dma_wait3A_271 = arith.constant 0 : i32
        %dma_wait3A_272 = tpu.memref_slice %arg2[%run_scoped3A_242, %multiple_of3A_240, %dma_wait3A_271] : memref<2x2500x128xi32, #tpu.memory_space<hbm>> -> memref<1x4x128xi32, #tpu.memory_space<hbm>>
        %dma_wait3A_273 = tpu.memref_squeeze %dma_wait3A_272 : memref<1x4x128xi32, #tpu.memory_space<hbm>> -> memref<4x128xi32, #tpu.memory_space<hbm>>
        tpu.wait_dma2 semaphore(%run_scoped3A_249 : memref<!tpu.dma_semaphore, #tpu.memory_space<semaphore_mem>>) src(%dma_wait3A_273 : memref<4x128xi32, #tpu.memory_space<hbm>>) dst(%dma_wait3A_270 : memref<4x128xi32, #tpu.memory_space<vmem>>)
        tpu.yield
      }) : () -> ()
      %scan3A_243 = arith.constant 0 : i32
      %scan3A_244 = arith.constant 0 : i32
      %scan3A_245 = arith.constant 4 : i32
      %scan3A_246 = arith.addi %scan3A_244, %scan3A_245 : i32
      %scan3A_247 = arith.constant 1 : i32
      scf.for %scan3A_249 = %scan3A_244 to %scan3A_246 step %scan3A_247  : i32 {
        %dma_start3A_250 = arith.constant 0 : i32
        %dma_start3A_251 = arith.constant 0 : i32
        %dma_start3A_252 = arith.constant 0 : i32
        %dma_start3A_253 = tpu.memref_slice %arg7[%dma_start3A_250, %dma_start3A_251, %dma_start3A_252] : memref<2x128x128xf32, #tpu.memory_space<vmem>> -> memref<1x128x128xf32, #tpu.memory_space<vmem>>
        %dma_start3A_254 = tpu.memref_squeeze %dma_start3A_253 : memref<1x128x128xf32, #tpu.memory_space<vmem>> -> memref<128x128xf32, #tpu.memory_space<vmem>>
        %dma_start3A_255 = arith.constant 0 : i32
        %dma_start3A_256 = tpu.memref_slice %arg5[%scan3A_249, %dma_start3A_255] : memref<48x128xi32, #tpu.memory_space<vmem>> -> memref<1x128xi32, #tpu.memory_space<vmem>>
        %dma_start3A_257 = tpu.memref_squeeze %dma_start3A_256 : memref<1x128xi32, #tpu.memory_space<vmem>> -> memref<128xi32, #tpu.memory_space<vmem>>
        %dma_start3A_258 = arith.constant 0 : i32
        %dma_start3A_259 = arith.constant 0 : i32
        %dma_start3A_260 = tpu.memref_slice %arg3[%dma_start3A_258, %dma_start3A_259] : memref<10000x128xf32, #tpu.memory_space<hbm>> -> memref<10000x128xf32, #tpu.memory_space<hbm>>
        tpu.enqueue_indirect_dma source(%dma_start3A_260 : memref<10000x128xf32, #tpu.memory_space<hbm>>) target(%dma_start3A_254 : memref<128x128xf32, #tpu.memory_space<vmem>>) offsets(%dma_start3A_257 : memref<128xi32, #tpu.memory_space<vmem>>) semaphore(%arg9 : memref<!tpu.dma_semaphore, #tpu.memory_space<semaphore_mem>>)
        %dma_wait3A_261 = arith.constant 0 : i32
        %dma_wait3A_262 = arith.constant 0 : i32
        %dma_wait3A_263 = arith.constant 0 : i32
        %dma_wait3A_264 = tpu.memref_slice %arg7[%dma_wait3A_261, %dma_wait3A_262, %dma_wait3A_263] : memref<2x128x128xf32, #tpu.memory_space<vmem>> -> memref<1x128x128xf32, #tpu.memory_space<vmem>>
        %dma_wait3A_265 = tpu.memref_squeeze %dma_wait3A_264 : memref<1x128x128xf32, #tpu.memory_space<vmem>> -> memref<128x128xf32, #tpu.memory_space<vmem>>
        %dma_wait3A_266 = arith.constant 0 : i32
        %dma_wait3A_267 = tpu.memref_slice %arg5[%scan3A_249, %dma_wait3A_266] : memref<48x128xi32, #tpu.memory_space<vmem>> -> memref<1x128xi32, #tpu.memory_space<vmem>>
        %dma_wait3A_268 = tpu.memref_squeeze %dma_wait3A_267 : memref<1x128xi32, #tpu.memory_space<vmem>> -> memref<128xi32, #tpu.memory_space<vmem>>
        %dma_wait3A_269 = arith.constant 0 : i32
        %dma_wait3A_270 = arith.constant 0 : i32
        %dma_wait3A_271 = tpu.memref_slice %arg3[%dma_wait3A_269, %dma_wait3A_270] : memref<10000x128xf32, #tpu.memory_space<hbm>> -> memref<10000x128xf32, #tpu.memory_space<hbm>>
        tpu.wait_indirect_dma semaphore(%arg9 : memref<!tpu.dma_semaphore, #tpu.memory_space<semaphore_mem>>) src(%dma_wait3A_271 : memref<10000x128xf32, #tpu.memory_space<hbm>>) dst(%dma_wait3A_265 : memref<128x128xf32, #tpu.memory_space<vmem>>)
        %run_scoped3A_272 = arith.constant 0 : i32
        "tpu.region"() ({
          %run_scoped3A_273 = tpu.sem_alloc : memref<!tpu.dma_semaphore, #tpu.memory_space<semaphore_mem>>
          %dma_start3A_274 = arith.constant 0 : i32
          %dma_start3A_275 = arith.constant 0 : i32
          %dma_start3A_276 = tpu.memref_slice %arg7[%run_scoped3A_272, %dma_start3A_274, %dma_start3A_275] : memref<2x128x128xf32, #tpu.memory_space<vmem>> -> memref<1x128x128xf32, #tpu.memory_space<vmem>>
          %dma_start3A_277 = tpu.memref_squeeze %dma_start3A_276 : memref<1x128x128xf32, #tpu.memory_space<vmem>> -> memref<128x128xf32, #tpu.memory_space<vmem>>
          %dma_start3A_278 = arith.constant 0 : i32
          %dma_start3A_279 = tpu.memref_slice %arg6[%scan3A_249, %dma_start3A_278] : memref<48x128xi32, #tpu.memory_space<vmem>> -> memref<1x128xi32, #tpu.memory_space<vmem>>
          %dma_start3A_280 = tpu.memref_squeeze %dma_start3A_279 : memref<1x128xi32, #tpu.memory_space<vmem>> -> memref<128xi32, #tpu.memory_space<vmem>>
          %dma_start3A_281 = arith.constant 0 : i32
          %dma_start3A_282 = arith.constant 0 : i32
          %dma_start3A_283 = tpu.memref_slice %arg8[%dma_start3A_281, %dma_start3A_282] : memref<10240x128xf32, #tpu.memory_space<vmem_shared>> -> memref<10240x128xf32, #tpu.memory_space<vmem_shared>>
          tpu.enqueue_indirect_dma source(%dma_start3A_277 : memref<128x128xf32, #tpu.memory_space<vmem>>) target(%dma_start3A_283 : memref<10240x128xf32, #tpu.memory_space<vmem_shared>>) offsets(%dma_start3A_280 : memref<128xi32, #tpu.memory_space<vmem>>) semaphore(%run_scoped3A_273 : memref<!tpu.dma_semaphore, #tpu.memory_space<semaphore_mem>>) {add = true}
          %dma_wait3A_284 = arith.constant 0 : i32
          %dma_wait3A_285 = arith.constant 0 : i32
          %dma_wait3A_286 = tpu.memref_slice %arg7[%run_scoped3A_272, %dma_wait3A_284, %dma_wait3A_285] : memref<2x128x128xf32, #tpu.memory_space<vmem>> -> memref<1x128x128xf32, #tpu.memory_space<vmem>>
          %dma_wait3A_287 = tpu.memref_squeeze %dma_wait3A_286 : memref<1x128x128xf32, #tpu.memory_space<vmem>> -> memref<128x128xf32, #tpu.memory_space<vmem>>
          %dma_wait3A_288 = arith.constant 0 : i32
          %dma_wait3A_289 = tpu.memref_slice %arg6[%scan3A_249, %dma_wait3A_288] : memref<48x128xi32, #tpu.memory_space<vmem>> -> memref<1x128xi32, #tpu.memory_space<vmem>>
          %dma_wait3A_290 = tpu.memref_squeeze %dma_wait3A_289 : memref<1x128xi32, #tpu.memory_space<vmem>> -> memref<128xi32, #tpu.memory_space<vmem>>
          %dma_wait3A_291 = arith.constant 0 : i32
          %dma_wait3A_292 = arith.constant 0 : i32
          %dma_wait3A_293 = tpu.memref_slice %arg8[%dma_wait3A_291, %dma_wait3A_292] : memref<10240x128xf32, #tpu.memory_space<vmem_shared>> -> memref<10240x128xf32, #tpu.memory_space<vmem_shared>>
          tpu.wait_indirect_dma semaphore(%run_scoped3A_273 : memref<!tpu.dma_semaphore, #tpu.memory_space<semaphore_mem>>) src(%dma_wait3A_287 : memref<128x128xf32, #tpu.memory_space<vmem>>) dst(%dma_wait3A_293 : memref<10240x128xf32, #tpu.memory_space<vmem_shared>>)
          tpu.yield
        }) : () -> ()
      }
      %scan3A_248 = arith.constant 4 : i32
    } else {
    }
    %barrier3A_234 = arith.constant 0 : index
    tpu.barrier barrier_id(%barrier3A_234)
    %mul3A_235 = arith.constant 640 : i32
    %mul3A_236 = arith.muli %arg1, %mul3A_235 : i32
    %mul3A_237 = arith.constant 640 : i32
    %mul3A_238 = arith.muli %arg1, %mul3A_237 : i32
    "tpu.region"() ({
      %run_scoped3A_239 = tpu.sem_alloc : memref<!tpu.dma_semaphore, #tpu.memory_space<semaphore_mem>>
      %dma_start3A_240 = arith.constant 0 : i32
      %dma_start3A_241 = tpu.memref_slice %arg4[%arg0, %mul3A_238, %dma_start3A_240] : memref<2x10240x128xf32, #tpu.memory_space<hbm>> -> memref<1x640x128xf32, #tpu.memory_space<hbm>>
      %dma_start3A_242 = tpu.memref_squeeze %dma_start3A_241 : memref<1x640x128xf32, #tpu.memory_space<hbm>> -> memref<640x128xf32, #tpu.memory_space<hbm>>
      %dma_start3A_243 = arith.constant 0 : i32
      %dma_start3A_244 = tpu.memref_slice %arg8[%mul3A_236, %dma_start3A_243] : memref<10240x128xf32, #tpu.memory_space<vmem_shared>> -> memref<640x128xf32, #tpu.memory_space<vmem_shared>>
      tpu.enqueue_dma source(%dma_start3A_244 : memref<640x128xf32, #tpu.memory_space<vmem_shared>>) target(%dma_start3A_242 : memref<640x128xf32, #tpu.memory_space<hbm>>) target_semaphore(%run_scoped3A_239 : memref<!tpu.dma_semaphore, #tpu.memory_space<semaphore_mem>>)
      %dma_wait3A_245 = arith.constant 0 : i32
      %dma_wait3A_246 = tpu.memref_slice %arg4[%arg0, %mul3A_238, %dma_wait3A_245] : memref<2x10240x128xf32, #tpu.memory_space<hbm>> -> memref<1x640x128xf32, #tpu.memory_space<hbm>>
      %dma_wait3A_247 = tpu.memref_squeeze %dma_wait3A_246 : memref<1x640x128xf32, #tpu.memory_space<hbm>> -> memref<640x128xf32, #tpu.memory_space<hbm>>
      %dma_wait3A_248 = arith.constant 0 : i32
      %dma_wait3A_249 = tpu.memref_slice %arg8[%mul3A_236, %dma_wait3A_248] : memref<10240x128xf32, #tpu.memory_space<vmem_shared>> -> memref<640x128xf32, #tpu.memory_space<vmem_shared>>
      tpu.wait_dma2 semaphore(%run_scoped3A_239 : memref<!tpu.dma_semaphore, #tpu.memory_space<semaphore_mem>>) src(%dma_wait3A_249 : memref<640x128xf32, #tpu.memory_space<vmem_shared>>) dst(%dma_wait3A_247 : memref<640x128xf32, #tpu.memory_space<hbm>>)
      tpu.yield
    }) : () -> ()
    return
  }
}

module attributes {stable_mosaic.version = 14 : i64} {
  func.func @_mm_body(%arg0: i32, %arg1: memref<2000x128xf32, #tpu.memory_space<vmem>>, %arg2: memref<128x128xf32, #tpu.memory_space<vmem>>, %arg3: memref<2000x128xf32, #tpu.memory_space<vmem>>) attributes {dimension_semantics = [#tpu.dimension_semantics<arbitrary>], iteration_bounds = array<i64: 5>, scalar_prefetch = 0 : i64, scratch_operands = 0 : i64, tpu.core_type = #tpu.core_type<tc>, window_params = [{transform_indices = @transform_0, window_bounds = array<i64: 2000, 128>}, {pipeline_mode = #tpu.pipeline_mode<synchronous>, transform_indices = @transform_1, window_bounds = array<i64: 128, 128>}, {transform_indices = @transform_2, window_bounds = array<i64: 2000, 128>}]} {
    %get3A = arith.constant 0 : index
    %get3A_0 = arith.constant 0 : index
    %get3A_1 = vector.load %arg1[%get3A, %get3A_0] : memref<2000x128xf32, #tpu.memory_space<vmem>>, vector<2000x128xf32>
    %get3A_2 = arith.constant 0 : index
    %get3A_3 = arith.constant 0 : index
    %get3A_4 = vector.load %arg2[%get3A_2, %get3A_3] : memref<128x128xf32, #tpu.memory_space<vmem>>, vector<128x128xf32>
    %dot_general3A = arith.constant dense<0.000000e+00> : vector<2000x128xf32>
    %dot_general3A_5 = tpu.matmul %get3A_1, %get3A_4, %dot_general3A {dimension_numbers = #tpu.dot_dimension_numbers<[1], [0], [0], [1], [0, 0, 1, 1], [], []>, transpose_lhs_hint = false} : vector<2000x128xf32>, vector<128x128xf32>, vector<2000x128xf32> -> vector<2000x128xf32>
    %swap3A = arith.constant 0 : index
    %swap3A_6 = arith.constant 0 : index
    %swap3A_7 = vector.load %arg3[%swap3A, %swap3A_6] : memref<2000x128xf32, #tpu.memory_space<vmem>>, vector<2000x128xf32>
    tpu.vector_store %arg3[%swap3A, %swap3A_6], %dot_general3A_5 {strides = array<i32>} : memref<2000x128xf32, #tpu.memory_space<vmem>>, vector<2000x128xf32>,
    return
  }
  func.func @transform_0(%arg0: i32) -> (i32, i32) {
    %c0_i32 = arith.constant 0 : i32
    %c0_i32_0 = arith.constant 0 : i32
    return %arg0, %c0_i32 : i32, i32
  }
  func.func @transform_1(%arg0: i32) -> (i32, i32) {
    %c0_i32 = arith.constant 0 : i32
    %c0_i32_0 = arith.constant 0 : i32
    %c0_i32_1 = arith.constant 0 : i32
    return %c0_i32, %c0_i32_0 : i32, i32
  }
  func.func @transform_2(%arg0: i32) -> (i32, i32) {
    %c0_i32 = arith.constant 0 : i32
    %c0_i32_0 = arith.constant 0 : i32
    return %arg0, %c0_i32 : i32, i32
  }
}

module attributes {stable_mosaic.version = 14 : i64} {
  func.func @_scale_body(%arg0: i32, %arg1: memref<2000x128xf32, #tpu.memory_space<vmem>>, %arg2: memref<2000x4xf32, #tpu.memory_space<vmem>>, %arg3: memref<2000x128xf32, #tpu.memory_space<vmem>>) attributes {dimension_semantics = [#tpu.dimension_semantics<arbitrary>], iteration_bounds = array<i64: 5>, scalar_prefetch = 0 : i64, scratch_operands = 0 : i64, tpu.core_type = #tpu.core_type<tc>, window_params = [{transform_indices = @transform_0, window_bounds = array<i64: 2000, 128>}, {transform_indices = @transform_1, window_bounds = array<i64: 2000, 4>}, {transform_indices = @transform_2, window_bounds = array<i64: 2000, 128>}]} {
    %get3A = arith.constant 0 : index
    %get3A_0 = arith.constant 0 : index
    %get3A_1 = vector.load %arg2[%get3A, %get3A_0] : memref<2000x4xf32, #tpu.memory_space<vmem>>, vector<2000x1xf32>
    %get3A_2 = arith.constant 0 : index
    %get3A_3 = arith.constant 2 : index
    %get3A_4 = vector.load %arg2[%get3A_2, %get3A_3] : memref<2000x4xf32, #tpu.memory_space<vmem>>, vector<2000x1xf32>
    %add3A = arith.addf %get3A_1, %get3A_4 : vector<2000x1xf32>
    %max3A = arith.constant 1.000000e+00 : f32
    %max3A_5 = vector.broadcast %max3A : f32 to vector<2000x1xf32>
    %max3A_6 = arith.maximumf %add3A, %max3A_5 : vector<2000x1xf32>
    %rsqrt3A = math.rsqrt %max3A_6 : vector<2000x1xf32>
    %get3A_7 = arith.constant 0 : index
    %get3A_8 = arith.constant 0 : index
    %get3A_9 = vector.load %arg1[%get3A_7, %get3A_8] : memref<2000x128xf32, #tpu.memory_space<vmem>>, vector<2000x128xf32>
    %mul3A = vector.broadcast %rsqrt3A : vector<2000x1xf32> to vector<2000x128xf32>
    %mul3A_10 = arith.mulf %get3A_9, %mul3A : vector<2000x128xf32>
    %swap3A = arith.constant 0 : index
    %swap3A_11 = arith.constant 0 : index
    %swap3A_12 = vector.load %arg3[%swap3A, %swap3A_11] : memref<2000x128xf32, #tpu.memory_space<vmem>>, vector<2000x128xf32>
    tpu.vector_store %arg3[%swap3A, %swap3A_11], %mul3A_10 {strides = array<i32>} : memref<2000x128xf32, #tpu.memory_space<vmem>>, vector<2000x128xf32>,
    return
  }
  func.func @transform_0(%arg0: i32) -> (i32, i32) {
    %c0_i32 = arith.constant 0 : i32
    %c0_i32_0 = arith.constant 0 : i32
    return %arg0, %c0_i32 : i32, i32
  }
  func.func @transform_1(%arg0: i32) -> (i32, i32) {
    %c0_i32 = arith.constant 0 : i32
    %c0_i32_0 = arith.constant 0 : i32
    return %arg0, %c0_i32 : i32, i32
  }
  func.func @transform_2(%arg0: i32) -> (i32, i32) {
    %c0_i32 = arith.constant 0 : i32
    %c0_i32_0 = arith.constant 0 : i32
    return %arg0, %c0_i32 : i32, i32
  }
}

module attributes {stable_mosaic.version = 14 : i64} {
  func.func @_layer_body(%arg0: i32, %arg1: memref<2x2000x128xf32, #tpu.memory_space<vmem>>, %arg2: memref<2000x4xf32, #tpu.memory_space<vmem>>, %arg3: memref<1x128xf32, #tpu.memory_space<vmem>>, %arg4: memref<128x128xf32, #tpu.memory_space<vmem>>, %arg5: memref<2000x128xf32, #tpu.memory_space<vmem>>) attributes {dimension_semantics = [#tpu.dimension_semantics<arbitrary>], iteration_bounds = array<i64: 5>, scalar_prefetch = 0 : i64, scratch_operands = 0 : i64, tpu.core_type = #tpu.core_type<tc>, window_params = [{transform_indices = @transform_0, window_bounds = array<i64: 2, 2000, 128>}, {transform_indices = @transform_1, window_bounds = array<i64: 2000, 4>}, {pipeline_mode = #tpu.pipeline_mode<synchronous>, transform_indices = @transform_2, window_bounds = array<i64: 1, 128>}, {pipeline_mode = #tpu.pipeline_mode<synchronous>, transform_indices = @transform_3, window_bounds = array<i64: 128, 128>}, {transform_indices = @transform_4, window_bounds = array<i64: 2000, 128>}]} {
    %get3A = arith.constant 0 : index
    %get3A_0 = arith.constant 0 : index
    %get3A_1 = arith.constant 0 : index
    %get3A_2 = vector.load %arg1[%get3A, %get3A_0, %get3A_1] : memref<2x2000x128xf32, #tpu.memory_space<vmem>>, vector<1x2000x128xf32>
    %get3A_3 = vector.shape_cast %get3A_2 : vector<1x2000x128xf32> to vector<2000x128xf32>
    %get3A_4 = arith.constant 1 : index
    %get3A_5 = arith.constant 0 : index
    %get3A_6 = arith.constant 0 : index
    %get3A_7 = vector.load %arg1[%get3A_4, %get3A_5, %get3A_6] : memref<2x2000x128xf32, #tpu.memory_space<vmem>>, vector<1x2000x128xf32>
    %get3A_8 = vector.shape_cast %get3A_7 : vector<1x2000x128xf32> to vector<2000x128xf32>
    %add3A = arith.addf %get3A_3, %get3A_8 : vector<2000x128xf32>
    %get3A_9 = arith.constant 0 : index
    %get3A_10 = arith.constant 1 : index
    %get3A_11 = vector.load %arg2[%get3A_9, %get3A_10] : memref<2000x4xf32, #tpu.memory_space<vmem>>, vector<2000x1xf32>
    %get3A_12 = arith.constant 0 : index
    %get3A_13 = arith.constant 3 : index
    %get3A_14 = vector.load %arg2[%get3A_12, %get3A_13] : memref<2000x4xf32, #tpu.memory_space<vmem>>, vector<2000x1xf32>
    %add3A_15 = arith.addf %get3A_11, %get3A_14 : vector<2000x1xf32>
    %max3A = arith.constant 1.000000e+00 : f32
    %max3A_16 = vector.broadcast %max3A : f32 to vector<2000x1xf32>
    %max3A_17 = arith.maximumf %add3A_15, %max3A_16 : vector<2000x1xf32>
    %rsqrt3A = math.rsqrt %max3A_17 : vector<2000x1xf32>
    %mul3A = vector.broadcast %rsqrt3A : vector<2000x1xf32> to vector<2000x128xf32>
    %mul3A_18 = arith.mulf %add3A, %mul3A : vector<2000x128xf32>
    %get3A_19 = arith.constant 0 : index
    %get3A_20 = arith.constant 0 : index
    %get3A_21 = vector.load %arg3[%get3A_19, %get3A_20] : memref<1x128xf32, #tpu.memory_space<vmem>>, vector<1x128xf32>
    %add3A_22 = vector.broadcast %get3A_21 : vector<1x128xf32> to vector<2000x128xf32>
    %add3A_23 = arith.addf %mul3A_18, %add3A_22 : vector<2000x128xf32>
    %max3A_24 = arith.constant 0.000000e+00 : f32
    %max3A_25 = vector.broadcast %max3A_24 : f32 to vector<2000x128xf32>
    %max3A_26 = arith.maximumf %add3A_23, %max3A_25 : vector<2000x128xf32>
    %get3A_27 = arith.constant 0 : index
    %get3A_28 = arith.constant 0 : index
    %get3A_29 = vector.load %arg4[%get3A_27, %get3A_28] : memref<128x128xf32, #tpu.memory_space<vmem>>, vector<128x128xf32>
    %dot_general3A = arith.constant dense<0.000000e+00> : vector<2000x128xf32>
    %dot_general3A_30 = tpu.matmul %max3A_26, %get3A_29, %dot_general3A {dimension_numbers = #tpu.dot_dimension_numbers<[1], [0], [0], [1], [0, 0, 1, 1], [], []>, transpose_lhs_hint = false} : vector<2000x128xf32>, vector<128x128xf32>, vector<2000x128xf32> -> vector<2000x128xf32>
    %get3A_31 = arith.constant 0 : index
    %get3A_32 = arith.constant 0 : index
    %get3A_33 = vector.load %arg2[%get3A_31, %get3A_32] : memref<2000x4xf32, #tpu.memory_space<vmem>>, vector<2000x1xf32>
    %get3A_34 = arith.constant 0 : index
    %get3A_35 = arith.constant 2 : index
    %get3A_36 = vector.load %arg2[%get3A_34, %get3A_35] : memref<2000x4xf32, #tpu.memory_space<vmem>>, vector<2000x1xf32>
    %add3A_37 = arith.addf %get3A_33, %get3A_36 : vector<2000x1xf32>
    %max3A_38 = arith.constant 1.000000e+00 : f32
    %max3A_39 = vector.broadcast %max3A_38 : f32 to vector<2000x1xf32>
    %max3A_40 = arith.maximumf %add3A_37, %max3A_39 : vector<2000x1xf32>
    %rsqrt3A_41 = math.rsqrt %max3A_40 : vector<2000x1xf32>
    %mul3A_42 = vector.broadcast %rsqrt3A_41 : vector<2000x1xf32> to vector<2000x128xf32>
    %mul3A_43 = arith.mulf %dot_general3A_30, %mul3A_42 : vector<2000x128xf32>
    %swap3A = arith.constant 0 : index
    %swap3A_44 = arith.constant 0 : index
    %swap3A_45 = vector.load %arg5[%swap3A, %swap3A_44] : memref<2000x128xf32, #tpu.memory_space<vmem>>, vector<2000x128xf32>
    tpu.vector_store %arg5[%swap3A, %swap3A_44], %mul3A_43 {strides = array<i32>} : memref<2000x128xf32, #tpu.memory_space<vmem>>, vector<2000x128xf32>,
    return
  }
  func.func @transform_0(%arg0: i32) -> (i32, i32, i32) {
    %c0_i32 = arith.constant 0 : i32
    %c0_i32_0 = arith.constant 0 : i32
    %c0_i32_1 = arith.constant 0 : i32
    return %c0_i32, %arg0, %c0_i32_0 : i32, i32, i32
  }
  func.func @transform_1(%arg0: i32) -> (i32, i32) {
    %c0_i32 = arith.constant 0 : i32
    %c0_i32_0 = arith.constant 0 : i32
    return %arg0, %c0_i32 : i32, i32
  }
  func.func @transform_2(%arg0: i32) -> (i32, i32) {
    %c0_i32 = arith.constant 0 : i32
    %c0_i32_0 = arith.constant 0 : i32
    %c0_i32_1 = arith.constant 0 : i32
    return %c0_i32, %c0_i32_0 : i32, i32
  }
  func.func @transform_3(%arg0: i32) -> (i32, i32) {
    %c0_i32 = arith.constant 0 : i32
    %c0_i32_0 = arith.constant 0 : i32
    %c0_i32_1 = arith.constant 0 : i32
    return %c0_i32, %c0_i32_0 : i32, i32
  }
  func.func @transform_4(%arg0: i32) -> (i32, i32) {
    %c0_i32 = arith.constant 0 : i32
    %c0_i32_0 = arith.constant 0 : i32
    return %arg0, %c0_i32 : i32, i32
  }
}

module attributes {stable_mosaic.version = 14 : i64} {
  func.func @_final_body(%arg0: i32, %arg1: memref<2x2000x128xf32, #tpu.memory_space<vmem>>, %arg2: memref<2000x4xf32, #tpu.memory_space<vmem>>, %arg3: memref<1x128xf32, #tpu.memory_space<vmem>>, %arg4: memref<128x40xf32, #tpu.memory_space<vmem>>, %arg5: memref<1x40xf32, #tpu.memory_space<vmem>>, %arg6: memref<2000x128xf32, #tpu.memory_space<vmem>>, %arg7: memref<2000x40xf32, #tpu.memory_space<vmem>>) attributes {dimension_semantics = [#tpu.dimension_semantics<arbitrary>], iteration_bounds = array<i64: 5>, scalar_prefetch = 0 : i64, scratch_operands = 0 : i64, tpu.core_type = #tpu.core_type<tc>, window_params = [{transform_indices = @transform_0, window_bounds = array<i64: 2, 2000, 128>}, {transform_indices = @transform_1, window_bounds = array<i64: 2000, 4>}, {pipeline_mode = #tpu.pipeline_mode<synchronous>, transform_indices = @transform_2, window_bounds = array<i64: 1, 128>}, {pipeline_mode = #tpu.pipeline_mode<synchronous>, transform_indices = @transform_3, window_bounds = array<i64: 128, 40>}, {pipeline_mode = #tpu.pipeline_mode<synchronous>, transform_indices = @transform_4, window_bounds = array<i64: 1, 40>}, {transform_indices = @transform_5, window_bounds = array<i64: 2000, 128>}, {transform_indices = @transform_6, window_bounds = array<i64: 2000, 40>}]} {
    %get3A = arith.constant 0 : index
    %get3A_0 = arith.constant 0 : index
    %get3A_1 = arith.constant 0 : index
    %get3A_2 = vector.load %arg1[%get3A, %get3A_0, %get3A_1] : memref<2x2000x128xf32, #tpu.memory_space<vmem>>, vector<1x2000x128xf32>
    %get3A_3 = vector.shape_cast %get3A_2 : vector<1x2000x128xf32> to vector<2000x128xf32>
    %get3A_4 = arith.constant 1 : index
    %get3A_5 = arith.constant 0 : index
    %get3A_6 = arith.constant 0 : index
    %get3A_7 = vector.load %arg1[%get3A_4, %get3A_5, %get3A_6] : memref<2x2000x128xf32, #tpu.memory_space<vmem>>, vector<1x2000x128xf32>
    %get3A_8 = vector.shape_cast %get3A_7 : vector<1x2000x128xf32> to vector<2000x128xf32>
    %add3A = arith.addf %get3A_3, %get3A_8 : vector<2000x128xf32>
    %get3A_9 = arith.constant 0 : index
    %get3A_10 = arith.constant 1 : index
    %get3A_11 = vector.load %arg2[%get3A_9, %get3A_10] : memref<2000x4xf32, #tpu.memory_space<vmem>>, vector<2000x1xf32>
    %get3A_12 = arith.constant 0 : index
    %get3A_13 = arith.constant 3 : index
    %get3A_14 = vector.load %arg2[%get3A_12, %get3A_13] : memref<2000x4xf32, #tpu.memory_space<vmem>>, vector<2000x1xf32>
    %add3A_15 = arith.addf %get3A_11, %get3A_14 : vector<2000x1xf32>
    %max3A = arith.constant 1.000000e+00 : f32
    %max3A_16 = vector.broadcast %max3A : f32 to vector<2000x1xf32>
    %max3A_17 = arith.maximumf %add3A_15, %max3A_16 : vector<2000x1xf32>
    %rsqrt3A = math.rsqrt %max3A_17 : vector<2000x1xf32>
    %mul3A = vector.broadcast %rsqrt3A : vector<2000x1xf32> to vector<2000x128xf32>
    %mul3A_18 = arith.mulf %add3A, %mul3A : vector<2000x128xf32>
    %get3A_19 = arith.constant 0 : index
    %get3A_20 = arith.constant 0 : index
    %get3A_21 = vector.load %arg3[%get3A_19, %get3A_20] : memref<1x128xf32, #tpu.memory_space<vmem>>, vector<1x128xf32>
    %add3A_22 = vector.broadcast %get3A_21 : vector<1x128xf32> to vector<2000x128xf32>
    %add3A_23 = arith.addf %mul3A_18, %add3A_22 : vector<2000x128xf32>
    %max3A_24 = arith.constant 0.000000e+00 : f32
    %max3A_25 = vector.broadcast %max3A_24 : f32 to vector<2000x128xf32>
    %max3A_26 = arith.maximumf %add3A_23, %max3A_25 : vector<2000x128xf32>
    %mul3A_27 = arith.mulf %max3A_26, %max3A_26 : vector<2000x128xf32>
    %reduce_sum3A = arith.constant dense<0.000000e+00> : vector<2000xf32>
    %reduce_sum3A_28 = vector.multi_reduction <add>, %mul3A_27, %reduce_sum3A [1] : vector<2000x128xf32> to vector<2000xf32>
    %broadcast_in_dim3A = vector.shape_cast %reduce_sum3A_28 : vector<2000xf32> to vector<2000x1xf32>
    %sqrt3A = math.sqrt %broadcast_in_dim3A : vector<2000x1xf32>
    %max3A_29 = arith.constant 9.99999996E-13 : f32
    %max3A_30 = vector.broadcast %max3A_29 : f32 to vector<2000x1xf32>
    %max3A_31 = arith.maximumf %sqrt3A, %max3A_30 : vector<2000x1xf32>
    %div3A = vector.broadcast %max3A_31 : vector<2000x1xf32> to vector<2000x128xf32>
    %div3A_32 = arith.divf %max3A_26, %div3A : vector<2000x128xf32>
    %swap3A = arith.constant 0 : index
    %swap3A_33 = arith.constant 0 : index
    %swap3A_34 = vector.load %arg6[%swap3A, %swap3A_33] : memref<2000x128xf32, #tpu.memory_space<vmem>>, vector<2000x128xf32>
    tpu.vector_store %arg6[%swap3A, %swap3A_33], %div3A_32 {strides = array<i32>} : memref<2000x128xf32, #tpu.memory_space<vmem>>, vector<2000x128xf32>,
    %get3A_35 = arith.constant 0 : index
    %get3A_36 = arith.constant 0 : index
    %get3A_37 = vector.load %arg4[%get3A_35, %get3A_36] : memref<128x40xf32, #tpu.memory_space<vmem>>, vector<128x40xf32>
    %dot_general3A = arith.constant dense<0.000000e+00> : vector<2000x40xf32>
    %dot_general3A_38 = tpu.matmul %div3A_32, %get3A_37, %dot_general3A {dimension_numbers = #tpu.dot_dimension_numbers<[1], [0], [0], [1], [0, 0, 1, 1], [], []>, transpose_lhs_hint = false} : vector<2000x128xf32>, vector<128x40xf32>, vector<2000x40xf32> -> vector<2000x40xf32>
    %get3A_39 = arith.constant 0 : index
    %get3A_40 = arith.constant 0 : index
    %get3A_41 = vector.load %arg5[%get3A_39, %get3A_40] : memref<1x40xf32, #tpu.memory_space<vmem>>, vector<1x40xf32>
    %add3A_42 = vector.broadcast %get3A_41 : vector<1x40xf32> to vector<2000x40xf32>
    %add3A_43 = arith.addf %dot_general3A_38, %add3A_42 : vector<2000x40xf32>
    %swap3A_44 = arith.constant 0 : index
    %swap3A_45 = arith.constant 0 : index
    %swap3A_46 = vector.load %arg7[%swap3A_44, %swap3A_45] : memref<2000x40xf32, #tpu.memory_space<vmem>>, vector<2000x40xf32>
    tpu.vector_store %arg7[%swap3A_44, %swap3A_45], %add3A_43 {strides = array<i32>} : memref<2000x40xf32, #tpu.memory_space<vmem>>, vector<2000x40xf32>,
    return
  }
  func.func @transform_0(%arg0: i32) -> (i32, i32, i32) {
    %c0_i32 = arith.constant 0 : i32
    %c0_i32_0 = arith.constant 0 : i32
    %c0_i32_1 = arith.constant 0 : i32
    return %c0_i32, %arg0, %c0_i32_0 : i32, i32, i32
  }
  func.func @transform_1(%arg0: i32) -> (i32, i32) {
    %c0_i32 = arith.constant 0 : i32
    %c0_i32_0 = arith.constant 0 : i32
    return %arg0, %c0_i32 : i32, i32
  }
  func.func @transform_2(%arg0: i32) -> (i32, i32) {
    %c0_i32 = arith.constant 0 : i32
    %c0_i32_0 = arith.constant 0 : i32
    %c0_i32_1 = arith.constant 0 : i32
    return %c0_i32, %c0_i32_0 : i32, i32
  }
  func.func @transform_3(%arg0: i32) -> (i32, i32) {
    %c0_i32 = arith.constant 0 : i32
    %c0_i32_0 = arith.constant 0 : i32
    %c0_i32_1 = arith.constant 0 : i32
    return %c0_i32, %c0_i32_0 : i32, i32
  }
  func.func @transform_4(%arg0: i32) -> (i32, i32) {
    %c0_i32 = arith.constant 0 : i32
    %c0_i32_0 = arith.constant 0 : i32
    %c0_i32_1 = arith.constant 0 : i32
    return %c0_i32, %c0_i32_0 : i32, i32
  }
  func.func @transform_5(%arg0: i32) -> (i32, i32) {
    %c0_i32 = arith.constant 0 : i32
    %c0_i32_0 = arith.constant 0 : i32
    return %arg0, %c0_i32 : i32, i32
  }
  func.func @transform_6(%arg0: i32) -> (i32, i32) {
    %c0_i32 = arith.constant 0 : i32
    %c0_i32_0 = arith.constant 0 : i32
    return %arg0, %c0_i32 : i32, i32
  }
}

</mosaic_0001>

<sc_bundles>
// kernel: kernel.12.cloned.1.call-start
scs
__scs_entry_jumppad:
0x0: {  	(pc) =	sbr.rel $0x88, $3  }
0x1: {  	(tag) =	ssettag $0x0;
	lr =	simm.s32 $0x1  }
0x2: {  	[smem:$0x3F99] =	sst lr;
	_ =	strace $0xD0000000  }
0x3: {  	_ = 	snop  }
0x4: {  	_ = 	snop  }
0x5: {  	_ = 	snop  }
0x6: {  	_ = 	snop  }
0x7: {  	_ = 	snop  }
__scs_overlays_trampoline_lowered:
0x8: {  	[smem:$0x3FA8] =	sst s0  }
0x9: {  	[smem:$0x3FA9] =	sst s1  }
0xa: {  	[smem:$0x3FAA] =	sst s2  }
0xb: {  	[smem:$0x3FAB] =	sst s3  }
0xc: {  	[smem:$0x3FAC] =	sst s4  }
0xd: {  	[smem:$0x3FAD] =	sst s5  }
0xe: {  	[smem:$0x3FAE] =	sst s6  }
0xf: {  	[smem:$0x3FAF] =	sst s7  }
0x10: {  	[smem:$0x3FB0] =	sst s8  }
0x11: {  	[smem:$0x3FB1] =	sst s9;
	s0 =	simm.s32 @!p0 $0x0  }
0x12: {  	s1 =	sld [smem:$0x3F97];
	s0 =	simm.s32 @p0 $0x1  }
0x13: {  	[smem:$0x3FB2] =	sst s0;
	s0 =	simm.s32 @!p1 $0x0  }
0x14: {  	s2 =	sld [smem:$0x3F96];
	s0 =	simm.s32 @p1 $0x1  }
0x15: {  	[smem:$0x3FB3] =	sst s0;
	s0 =	simm.s32 @!p2 $0x0  }
0x16: {  	s3 =	sld [smem:$0x3FDB];
	s0 =	simm.s32 @p2 $0x1  }
0x17: {  	s4 =	simm.s32 $0x1BF5;
	[smem:$0x3FB5] =	sst s0  }
0x18: {  	s0 =	sld [smem:$0x3F98];
	_ =	swait.ge [sflag:s4], $0x0  }
0x19: {  	s7 =	sld [smem:$0x3F99]  }
0x1a: {  	s8 =	sadd.s32 $0xFFFFE003, lr  }
0x1b: {  	s9 =	sadd.s32 $0xFFFFFEF7, lr;
	s5 =	simm.s32 $0xFFFFFFFF;
	p2 =	slt.u32 s8, $0xFFFFF086  }
0x1c: {  	p1 =	slt.u32 s9, $0xF7A;
	s5 =	simm.s32 @!p2 $0x0  }
0x1d: {  	s5 =	simm.s32 @p1 $0x1;
	p0 =	seq.s32 s7, s2  }
0x1e: {  	s7 =	smul.u32 @!p0 $0xF7A, s2;
	p2 =	seq.s32 @!p0 s5, $0x0  }
0x1f: {  	s9 =	smul.u32 $0xF7A, s1;
	s8 =	simm.s32 @!p0 $0x1BF5;
	p2 =	por !p2, p0  }
0x20: {  	[sflag:s8] =	ssyncset.s32 @!p0 $0xFFFFF086;
	s6 =	sadd.s32 @!p0 s3, s7;
	s7 =	simm.s32 @!p0 $0x108  }
0x21: {  	s3 =	sadd.s32 s3, s9;
	s6 =	sadd.s32 @!p0 $0x88, s6;
	s7 =	simm.s32 @p2 $0x1082  }
0x22: {  	[simem:s7], [sflag:s8] =	dma.local @!p0 [hbm:s6], $0xF7A  }
0x23: {  	s9 =	sor.u32 $0xD0000000, s2;
	s6 =	simm.s32 $0x108;
	_ =	swait.ge @!p0 [sflag:s8], $0x0  }
0x24: {  	s3 =	sadd.s32 $0x88, s3;
	s6 =	simm.s32 @!p1 $0x1082;
	[sflag:s4] =	ssyncset.s32 $0xFFFFF086  }
0x25: {  	[simem:s6], [sflag:s4] =	dma.local [hbm:s3], $0xF7A  }
0x26: {  	[smem:$0x3F99] =	sst s1;
	(tag) =	ssettag s2;
	_ =	strace s9  }
0x27: {  	s1 =	sld [smem:$0x3FA9]  }
0x28: {  	s2 =	sld [smem:$0x3FAA]  }
0x29: {  	s4 =	sld [smem:$0x3FAC]  }
0x2a: {  	p0 =	seq.s32 s5, $0x0;
	s5 =	sld [smem:$0x3FAD]  }
0x2b: {  	s6 =	sld [smem:$0x3FAE]  }
0x2c: {  	s7 =	sld [smem:$0x3FAF]  }
0x2d: {  	s3 =	simm.s32 $0x108;
	s8 =	sld [smem:$0x3FB0]  }
0x2e: {  	s3 =	simm.s32 @!p0 $0x1082;
	s9 =	sld [smem:$0x3FB1]  }
0x2f: {  	lr =	sadd.s32 s0, s3;
	s0 =	sld [smem:$0x3FA8]  }
0x30: {  	s3 =	sld [smem:$0x3FAB]  }
0x31: {  	[smem:$0x3FB4] =	sst s10  }
0x32: {  	s10 =	sld [smem:$0x3FB2];
	_ =	sdelay $0x3  }
0x33: {  	p0 =	seq.s32 s10, $0x1;
	s10 =	sld [smem:$0x3FB4];
	_ =	sdelay $0x3  }
0x34: {  	[smem:$0x3FB4] =	sst s10  }
0x35: {  	s10 =	sld [smem:$0x3FB3];
	_ =	sdelay $0x3  }
0x36: {  	p1 =	seq.s32 s10, $0x1;
	s10 =	sld [smem:$0x3FB4];
	_ =	sdelay $0x3  }
0x37: {  	[smem:$0x3FB4] =	sst s10  }
0x38: {  	s10 =	sld [smem:$0x3FB5]  }
0x39: {  	_ = 	snop;
	(pc) =	sbr.ind lr, $3  }
0x3a: {  	_ = 	snop  }
0x3b: {  	_ = 	snop  }
0x3c: {  	p2 =	seq.s32 s10, $0x1;
	s10 =	sld [smem:$0x3FB4]  }
0x3d: {  	_ =	shalt  }
0x3e: {  	_ =	shalt  }
0x3f: {  	_ =	shalt  }
0x40: {  	_ =	shalt  }
0x41: {  	_ =	shalt  }
0x42: {  	_ =	shalt  }
0x43: {  	_ =	shalt  }
0x44: {  	_ =	shalt  }
0x45: {  	_ =	shalt  }
0x46: {  	_ =	shalt  }
0x47: {  	_ =	shalt  }
0x48: {  	_ =	shalt  }
0x49: {  	_ =	shalt  }
0x4a: {  	_ =	shalt  }
0x4b: {  	_ =	shalt  }
0x4c: {  	_ =	shalt  }
0x4d: {  	_ =	shalt  }
0x4e: {  	_ =	shalt  }
0x4f: {  	_ =	shalt  }
0x50: {  	_ =	shalt  }
0x51: {  	_ =	shalt  }
0x52: {  	_ =	shalt  }
0x53: {  	_ =	shalt  }
0x54: {  	_ =	shalt  }
0x55: {  	_ =	shalt  }
0x56: {  	_ =	shalt  }
0x57: {  	_ =	shalt  }
0x58: {  	_ =	shalt  }
0x59: {  	_ =	shalt  }
0x5a: {  	_ =	shalt  }
0x5b: {  	_ =	shalt  }
0x5c: {  	_ =	shalt  }
0x5d: {  	_ =	shalt  }
0x5e: {  	_ =	shalt  }
0x5f: {  	_ =	shalt  }
0x60: {  	_ =	shalt  }
0x61: {  	_ =	shalt  }
0x62: {  	_ =	shalt  }
0x63: {  	_ =	shalt  }
0x64: {  	_ =	shalt  }
0x65: {  	_ =	shalt  }
0x66: {  	_ =	shalt  }
0x67: {  	_ =	shalt  }
0x68: {  	_ =	shalt  }
0x69: {  	_ =	shalt  }
0x6a: {  	_ =	shalt  }
0x6b: {  	_ =	shalt  }
0x6c: {  	_ =	shalt  }
0x6d: {  	_ =	shalt  }
0x6e: {  	_ =	shalt  }
0x6f: {  	_ =	shalt  }
0x70: {  	_ =	shalt  }
0x71: {  	_ =	shalt  }
0x72: {  	_ =	shalt  }
0x73: {  	_ =	shalt  }
0x74: {  	_ =	shalt  }
0x75: {  	_ =	shalt  }
0x76: {  	_ =	shalt  }
0x77: {  	_ =	shalt  }
0x78: {  	_ =	shalt  }
0x79: {  	_ =	shalt  }
0x7a: {  	_ =	shalt  }
0x7b: {  	_ =	shalt  }
0x7c: {  	_ =	shalt  }
0x7d: {  	_ =	shalt  }
0x7e: {  	_ =	shalt  }
0x7f: {  	_ =	shalt  }
0x80: {  	_ =	shalt  }
0x81: {  	_ =	shalt  }
0x82: {  	_ =	shalt  }
0x83: {  	_ =	shalt  }
0x84: {  	_ =	shalt  }
0x85: {  	_ =	shalt  }
0x86: {  	_ =	shalt  }
0x87: {  	_ =	shalt  }
.Lfunc_end0:
.L_simem_size_0:
called_computation.1_lowered:
.L_overlay_start_0:
0x88: {  	s2 =	sld [smem:$0x3FD9]  }
0x89: {  	s3 =	sld [smem:$0x3FFE];
	_ =	sdelay $0x1  }
0x8a: {  	s1 =	srdreg.scid  }
0x8b: {  	s0 =	sand.u32 $0x1, s1  }
0x8c: {  	s14 =	sshll.u32 s0, $0xA;
	s2 =	sadd.s32 s3, s2  }
0x8d: {  	s2 =	sadd.s32 s2, s14  }
0x8e: {  	[smem:$0x3FC0] =	sst s2  }
0x8f: {  	_ = 	snop  }
0x90: {  	s2 =	sld [smem:$0x3FD0];
	_ =	sdelay $0x2  }
0x91: {  	s15 =	simm.s32 $0xA;
	s4 =	simm.s32 $0x10  }
0x92: {  	[smem:s4], [sflag:s15] =	dma.local [hbm:s2], $0x1  }
0x93: {  	_ =	swait.eq [sflag:s15], $0x1  }
0x94: {  	[sflag:s15] =	ssyncset.done $0x0  }
0x95: {  	[sflag:s15] =	ssyncadd.s32 $0xFFFFFFFF  }
0x96: {  	s16 =	sld [smem:$0x11];
	(tm) =	ssettm $0x1  }
0x97: {  	s17 =	sld [smem:$0x3FFB];
	_ =	sdelay $0x3  }
0x98: {  	_ =	strace s17  }
0x99: {  	s3 =	sld [smem:$0x3FFC];
	_ =	sdelay $0x3  }
0x9a: {  	_ =	strace s3  }
0x9b: {  	s3 =	sld [smem:$0x3FFD];
	_ =	sdelay $0x3  }
0x9c: {  	_ =	strace s3  }
0x9d: {  	_ =	strace $0x8FFFFFFF  }
0x9e: {  	s18 =	sld [smem:$0x3FDB];
	_ =	sdelay $0x1  }
0x9f: {  	s19 =	simm.s32 $_scs_section_size  }
0xa0: {  	s5 =	simm.s32 $_size__tile_overlayer_lowered;
	s6 =	simm.s32 $_tile_overlayer_lowered  }
0xa1: {  	s22 =	simm.s32 $0x1BFF;
	s21 =	sshll.u32 s6, $0x1;
	s3 =	sadd.s32 s19, s18  }
0xa2: {  	s7 =	simm.s32 $0x0;
	s20 =	sshll.u32 s5, $0x1;
	s5 =	sadd.s32 s21, s3  }
0xa3: {  	[timem:s7], [sflag:s22] =	dma.local [hbm:s5], s20  }
0xa4: {  	_ =	swait.ge [sflag:s22], s20  }
0xa5: {  	s4 =	ssub.s32 $0x0, s20;
	[sflag:s22] =	ssyncset.done $0x0  }
0xa6: {  	[sflag:s22] =	ssyncadd.s32 s4;
	_ =	sdelay $0x1  }
0xa7: {  	s23 =	simm.s32 $0x1B8B  }
0xa8: {  	_ =	swait.ge [sflag:s23], $0x1  }
0xa9: {  	[sflag:s23] =	ssyncset.done $0x0  }
0xaa: {  	s25 =	simm.s32 $0x1B8E;
	s24 =	sld [smem:$0x3FFE];
	[sflag:s23] =	ssyncadd.s32 $0xFFFFFFFF  }
0xab: {  	s26 =	simm.s32 $execute0_lowered;
	[smem:$0x3FD2] =	sst s25  }
0xac: {  	s5 =	sshll.u32 s26, $0x1;
	_ =	strace $0x80000049;
	[dreg:$0x1] =	wrdreg $0xFFFFFFFF  }
0xad: {  	s28 =	simm.s32 $_size_execute0_lowered;
	s3 =	sadd.s32 s3, s5;
	[dreg:$0x0] =	wrdreg $0x0  }
0xae: {  	s5 =	sshll.u32 s28, $0x1;
	[dreg:$0x2] =	wrdreg s3  }
0xaf: {  	[dreg:$0x3] =	wrdreg s5  }
0xb0: {  	[dreg:$0x4] =	wrdreg $0xC0  }
0xb1: {  	_ =	task [dreg:s7], $0x5FFFF  }
0xb2: {  	[dreg:$0x1] =	wrdreg $0xFFFFFFFF  }
0xb3: {  	[dreg:$0x0] =	wrdreg $0x60  }
0xb4: {  	[dreg:$0x2] =	wrdreg s24  }
0xb5: {  	[dreg:$0x3] =	wrdreg s16  }
0xb6: {  	[dreg:$0x4] =	wrdreg $0xB0000  }
0xb7: {  	[dreg:$0x5] =	wrdreg $0x9  }
0xb8: {  	_ =	task.clear_ibuf [dreg:s7], $0x6FFFF;
	_ =	strace $0x90000049  }
0xb9: {  	s29 =	simm.s32 $0x9;
	_ =	strace $0x8000004B  }
0xba: {  	_ =	swait.ge [sflag:s29], $0x1  }
0xbb: {  	[sflag:s29] =	ssyncadd.s32 $0xFFFFFFFF  }
0xbc: {  	_ =	strace $0x9000004B  }
0xbd: {  	_ =	sfence  }
0xbe: {  	s30 =	sld [smem:$0x0];
	_ =	sdelay $0x2  }
0xbf: {  	s31 =	sshll.u32 s1, $0xD;
	s1 =	sshrl.u32 s1, $0x2  }
0xc0: {  	s3 =	sand.u32 $0x4000, s31;
	s1 =	sadd.s32 s1, s30  }
0xc1: {  	s0 =	sor.u32 s3, s0;
	s1 =	sshll.u32 s1, $0x11  }
0xc2: {  	s0 =	sor.u32 s1, s0  }
0xc3: {  	s0 =	sadd.s32 $0x8F2B, s0  }
0xc4: {  	[sflag:s0] =	ssyncadd.remote.s32 $0x1  }
0xc5: {  	_ =	sfence.sel $0xFFFF  }
0xc6: {  	[dreg:$0x0] =	wrdreg $0xFFFFFFFF;
	(pc) =	sbr.abs _section_cstart, $3  }
0xc7: {  	[dreg:$0x1] =	wrdreg $0xFFFFFFFF  }
0xc8: {  	_ =	task.clear_ibuf [dreg:s7], $0x2FFFF;
	_ =	strace $0x9FFFFFFF  }
0xc9: {  	(tm) =	ssettm $0x7FFFFFFF  }
tec
execute0_lowered:
.L_overlay_start_1:
0x0: {  	(tag) =	ssettag $0x1  }
0x1: {  	s0 =	srdreg.scid  }
0x2: {  	s9 =	stileid.u32;
	s1 =	rddreg [dreg:$0x0]  }
0x3: {  	s2 =	rddreg [dreg:$0x1];
	s4 =	simm.s32 $0x0;
	s20 =	simm.s32 $0x3000  }
0x4: {  	s21 =	simm.s32 $0x3;
	s22 =	simm.s32 $0x1800;
	s7 =	smul.u32 $0x14000, s9  }
0x5: {  	s31 =	simm.s32 $0xF80;
	s28 =	simm.s32 $0x0;
	s23 =	smul.u32 $0x50000, s9  }
0x6: {  	s0 =	sand.u32 $0x1, s0;
	s3 =	sshll.u32 s9, $0x1;
	s14 =	smul.u32 $0x270, s9  }
0x7: {  	[smem:$0x7FF] =	sst s4;
	s25 =	sor.u32 s0, s3;
	s6 =	smul.u32 $0x140000, s0  }
0x8: {  	s3 =	rddreg [dreg:$0x2];
	s24 =	ssub.s32 $0x2, s0;
	s0 =	smul.u32 $0x138, s0  }
0x9: {  	_ =	strace $0x8000004A;
	s5 =	smul.u32 $0x138, s25;
	s26 =	sshrl.u32 s24, $0x1  }
0xa: {  	p1 =	sne.s32 s25, $0x0;
	s25 =	simm.s32 $0x1;
	s6 =	sadd.s32 s7, s6  }
0xb: {  	s7 =	sshrl.u32 s23, $0x2;
	s18 =	ssub.s32 s24, s26;
	s0 =	sadd.s32 s0, s14  }
0xc: {  	s23 =	simm.s32 $0x80;
	s26 =	simm.s32 $0x2;
	s11 =	sshrl.u32 s5, $0x5  }
0xd: {  	s6 =	sshrl.u32 s6, $0x3;
	s29 =	sadd.s32 $0x138, s5;
	s5 =	sadd.s32 s7, s3  }
0xe: {  	s16 =	sadd.s32 $0x138, s0;
	s0 =	sshrl.u32 s0, $0x3;
	s18 =	smax.u32 s18, $0x1  }
0xf: {  	s8 =	sshll.u32 s11, $0x7;
	s17 =	sadd.s32 s6, s1;
	s12 =	sshrl.u32 s29, $0x5  }
0x10: {  	s30 =	sadd.s32 $0x4000, s5;
	s7 =	sadd.s32 $0x8000, s5;
	s9 =	sadd.s32 $0x10000, s5  }
0x11: {  	s16 =	sshrl.u32 s16, $0x3;
	s0 =	sand.u32 $0xFFC, s0;
	s13 =	sadd.s32 s8, s1  }
0x12: {  	[dreg:$0x4] =	wrdreg s30;
	s8 =	sadd.s32 $0xC000, s5;
	s24 =	ssub.s32 s12, s11  }
.Ltmp0:
0x13: {  	s19 =	sand.u32 $0x1FFC, s16;
	s16 =	sadd.s32 $0x16280, s1;
	(pc) =	sbr.rel .LBB2_1-.Ltmp0, $4  }
0x14: {  	s17 =	sadd.s32 $0x16400, s17;
	s10 =	sadd.s32 $0x2A00, s13;
	s11 =	sadd.s32 $0xC680, s13  }
0x15: {  	s15 =	sshll.u32 s24, $0x3;
	s12 =	sadd.s32 $0x2C00, s13;
	s13 =	sadd.s32 $0xC880, s13  }
0x16: {  	s0 =	ssub.s32 s19, s0;
	p0 =	slt.s32 s24, $0x5;
	s24 =	simm.s32 $0x7000  }
0x17: {  	v0 =	vimm.f32 $0.0e+00;
	s14 =	sadd.s32 $0xFFFFFFDF, s15;
	s15 =	sadd.s32 $0xC600, s1;
	s19 =	sadd.s32 $0xFFFFFFF0, s0  }
.LBB2_8:
0x18: {  	[sflag:s21] =	ssyncset.done $0x0  }
0x19: {  	s0 =	sshra.s32 s0, $0x2;
	[sflag:s21] =	ssyncadd.s32 $0xFFFFC000  }
0x1a: {  	[tilespmem:s24], [sflag:$0x2] =	stream.indirect.gather [hbm4b:s2+s23], $0x80, s0, s23, $0xb8;
	[tilespmem:$0x1F000] =	vst v63  }
.LBB2_9:
0x1b: {  	_ =	swait.ge [sflag:s25], $0x4000  }
0x1c: {  	[sflag:s25] =	ssyncset.done $0x0  }
0x1d: {  	[sflag:s25] =	ssyncadd.s32 $0xFFFFC000  }
0x1e: {  	_ =	swait.ge [sflag:s26], $0x4000  }
0x1f: {  	[sflag:s26] =	ssyncset.done $0x0  }
0x20: {  	s0 =	simm.s32 @!p1 $0x0;
	s1 =	simm.s32 @!p1 $0x3;
	[sflag:s26] =	ssyncadd.s32 $0xFFFFC000  }
0x21: {  	[tilespmem:s0], [sflag:$0x3] =	stream.linear.gather @!p1 [hbm4b:s15+s0], $0x200, $0x38;
	[tilespmem:$0x1F000] =	vst v63  }
0x22: {  	_ =	swait.ge @!p1 [sflag:s1], $0x200  }
0x23: {  	[sflag:s1] =	ssyncset.done @!p1 $0x0  }
0x24: {  	s6 =	simm.s32 @!p1 $0x1800;
	[sflag:s1] =	ssyncadd.s32 @!p1 $0xFFFFFE00  }
0x25: {  	[tilespmem:s6], [sflag:$0x3] =	stream.linear.gather @!p1 [hbm4b:s16+s0], $0x200, $0x38;
	[tilespmem:$0x1F000] =	vst v63  }
0x26: {  	_ =	swait.ge @!p1 [sflag:s1], $0x200  }
0x27: {  	[sflag:s1] =	ssyncset.done @!p1 $0x0  }
0x28: {  	s29 =	simm.s32 @!p1 $0x80;
	s30 =	simm.s32 @!p1 $0x3000;
	[sflag:s1] =	ssyncadd.s32 @!p1 $0xFFFFFE00  }
0x29: {  	[tilespmem:s30], [sflag:$0x1] =	stream.indirect.gather @!p1 [hbm4b:s2+s29], $0x80, s0, s29, $0xb8;
	[tilespmem:$0x1F000] =	vst v63  }
0x2a: {  	s0 =	simm.s32 @!p1 $0x1  }
0x2b: {  	_ =	swait.ge @!p1 [sflag:s0], $0x4000  }
0x2c: {  	[sflag:s0] =	ssyncset.done @!p1 $0x0  }
0x2d: {  	[sflag:s0] =	ssyncadd.s32 @!p1 $0xFFFFC000  }
0x2e: {  	[spmem:s3] =	stream.indirect.scatter.add.f32 @!p1 [tilespmem:s30], [sflag:$0x3], $0x80, s6, s29, $0xb8;
	[tilespmem:$0x1F000] =	vst v63  }
0x2f: {  	_ =	swait.ge @!p1 [sflag:s1], $0x4000  }
0x30: {  	[sflag:s1] =	ssyncset.done @!p1 $0x0  }
0x31: {  	[sflag:s1] =	ssyncadd.s32 @!p1 $0xFFFFC000  }
0x32: {  	[tilespmem:s30], [sflag:$0x1] =	stream.indirect.gather @!p1 [hbm4b:s2+s29], $0x80, s29, s29, $0xb8;
	[tilespmem:$0x1F000] =	vst v63  }
0x33: {  	_ =	swait.ge @!p1 [sflag:s0], $0x4000  }
0x34: {  	[sflag:s0] =	ssyncset.done @!p1 $0x0  }
0x35: {  	s6 =	simm.s32 @!p1 $0x1880;
	[sflag:s0] =	ssyncadd.s32 @!p1 $0xFFFFC000  }
0x36: {  	[spmem:s3] =	stream.indirect.scatter.add.f32 @!p1 [tilespmem:s30], [sflag:$0x3], $0x80, s6, s29, $0xb8;
	[tilespmem:$0x1F000] =	vst v63  }
0x37: {  	_ =	swait.ge @!p1 [sflag:s1], $0x4000  }
0x38: {  	[sflag:s1] =	ssyncset.done @!p1 $0x0  }
0x39: {  	s6 =	simm.s32 @!p1 $0x100;
	[sflag:s1] =	ssyncadd.s32 @!p1 $0xFFFFC000  }
0x3a: {  	[tilespmem:s30], [sflag:$0x1] =	stream.indirect.gather @!p1 [hbm4b:s2+s29], $0x80, s6, s29, $0xb8;
	[tilespmem:$0x1F000] =	vst v63  }
0x3b: {  	_ =	swait.ge @!p1 [sflag:s0], $0x4000  }
0x3c: {  	[sflag:s0] =	ssyncset.done @!p1 $0x0  }
0x3d: {  	s6 =	simm.s32 @!p1 $0x1900;
	[sflag:s0] =	ssyncadd.s32 @!p1 $0xFFFFC000  }
0x3e: {  	[spmem:s3] =	stream.indirect.scatter.add.f32 @!p1 [tilespmem:s30], [sflag:$0x3], $0x80, s6, s29, $0xb8;
	[tilespmem:$0x1F000] =	vst v63  }
0x3f: {  	_ =	swait.ge @!p1 [sflag:s1], $0x4000  }
0x40: {  	[sflag:s1] =	ssyncset.done @!p1 $0x0  }
0x41: {  	s6 =	simm.s32 @!p1 $0x180;
	[sflag:s1] =	ssyncadd.s32 @!p1 $0xFFFFC000  }
0x42: {  	[tilespmem:s30], [sflag:$0x1] =	stream.indirect.gather @!p1 [hbm4b:s2+s29], $0x80, s6, s29, $0xb8;
	[tilespmem:$0x1F000] =	vst v63  }
0x43: {  	_ =	swait.ge @!p1 [sflag:s0], $0x4000  }
0x44: {  	[sflag:s0] =	ssyncset.done @!p1 $0x0  }
0x45: {  	[sflag:s0] =	ssyncadd.s32 @!p1 $0xFFFFC000;
	s0 =	simm.s32 @!p1 $0x1980  }
0x46: {  	[spmem:s3] =	stream.indirect.scatter.add.f32 @!p1 [tilespmem:s30], [sflag:$0x3], $0x80, s0, s29, $0xb8;
	[tilespmem:$0x1F000] =	vst v63  }
0x47: {  	s28 =	sadd.s32 $0x1, s28;
	_ =	swait.ge @!p1 [sflag:s1], $0x4000  }
0x48: {  	p2 =	sne.s32 s28, s18;
	s29 =	stileid.u32;
	[sflag:s1] =	ssyncset.done @!p1 $0x0  }
0x49: {  	s30 =	sshrl.u32 s5, $0x3;
	s0 =	sshll.u32 s29, $0x6;
	[sflag:s1] =	ssyncadd.s32 @!p1 $0xFFFFC000  }
.Ltmp1:
0x4a: {  	s0 =	sor.u32 $0x1C03, s0;
	[bflag:$0x0] =	sbarrier.arrive $0xFFFF;
	(pc) =	sbr.rel @!p2 .LBB2_10-.Ltmp1, $4  }
0x4b: {  	[hbm:s17], [sflag:s0] =	dma.local [spmem:s30], $0x2800  }
0x4c: {  	_ =	swait.ge [sflag:s21], $0x2800  }
0x4d: {  	[sflag:s21] =	ssyncset.done $0x0  }
0x4e: {  	[sflag:s21] =	ssyncadd.s32 $0xFFFFD800  }
.LBB2_1:
0x4f: {  	s0 =	sand.u32 $0xFE00, s4  }
0x50: {  	s29 =	sand.u32 $0x70, s4;
	s0 =	sshrl.u32 s0, $0x2  }
0x51: {  	s1 =	simm.s32 $0x40;
	s0 =	sor.u32 s29, s0;
	s29 =	simm.s32 $0x0  }
.LBB2_2:
0x52: {  	p2 =	sne.s32 s1, $0xFFC0  }
0x53: {  	[tilespmem:s0+$0x3000] =	vst v0;
	s29 =	sadd.s32 $0x10, s29;
	s0 =	smov.u32 s1;
	s1 =	sadd.s32 $0x40, s1  }
.Ltmp2:
0x54: {  	(pc) =	sbr.rel @p2 .LBB2_2-.Ltmp2, $4  }
0x55: {  	_ = 	snop  }
0x56: {  	s0 =	sand.u32 $0xFE00, s0  }
0x57: {  	s30 =	sand.u32 $0x70, s29;
	s0 =	sshrl.u32 s0, $0x2  }
0x58: {  	s0 =	sor.u32 s30, s0  }
0x59: {  	[tilespmem:s0+$0x3000] =	vst v0  }
0x5a: {  	[spmem:s5] =	stream.linear.scatter [tilespmem:s20], [sflag:$0x3], $0x4000, $0x38;
	[tilespmem:$0x1F000] =	vst v63  }
0x5b: {  	_ =	swait.ge [sflag:s21], $0x4000  }
0x5c: {  	[sflag:s21] =	ssyncset.done $0x0  }
0x5d: {  	s30 =	rddreg [dreg:$0x4];
	[sflag:s21] =	ssyncadd.s32 $0xFFFFC000  }
0x5e: {  	[spmem:s30] =	stream.linear.scatter [tilespmem:s20], [sflag:$0x3], $0x4000, $0x38;
	[tilespmem:$0x1F000] =	vst v63  }
0x5f: {  	_ =	swait.ge [sflag:s21], $0x4000  }
0x60: {  	[sflag:s21] =	ssyncset.done $0x0  }
0x61: {  	[sflag:s21] =	ssyncadd.s32 $0xFFFFC000  }
0x62: {  	[spmem:s7] =	stream.linear.scatter [tilespmem:s20], [sflag:$0x3], $0x4000, $0x38;
	[tilespmem:$0x1F000] =	vst v63  }
0x63: {  	_ =	swait.ge [sflag:s21], $0x4000  }
0x64: {  	[sflag:s21] =	ssyncset.done $0x0  }
0x65: {  	[sflag:s21] =	ssyncadd.s32 $0xFFFFC000  }
0x66: {  	[spmem:s8] =	stream.linear.scatter [tilespmem:s20], [sflag:$0x3], $0x4000, $0x38;
	[tilespmem:$0x1F000] =	vst v63  }
0x67: {  	_ =	swait.ge [sflag:s21], $0x4000  }
0x68: {  	[sflag:s21] =	ssyncset.done $0x0  }
0x69: {  	[sflag:s21] =	ssyncadd.s32 $0xFFFFC000  }
0x6a: {  	[spmem:s9] =	stream.linear.scatter [tilespmem:s20], [sflag:$0x3], $0x4000, $0x38;
	[tilespmem:$0x1F000] =	vst v63  }
0x6b: {  	_ =	swait.ge [sflag:s21], $0x4000  }
0x6c: {  	[sflag:s21] =	ssyncset.done $0x0  }
0x6d: {  	[sflag:s21] =	ssyncadd.s32 $0xFFFFC000  }
0x6e: {  	s1 =	simm.s32 $0x0;
	[bflag:$0x0] =	sbarrier.arrive $0xFFFF  }
0x6f: {  	[tilespmem:s1], [sflag:$0x3] =	stream.linear.gather [hbm4b:s10+s1], $0x1800, $0x38;
	[tilespmem:$0x1F000] =	vst v63  }
0x70: {  	_ =	swait.ge [sflag:s21], $0x1800  }
0x71: {  	[sflag:s21] =	ssyncset.done $0x0  }
0x72: {  	[sflag:s21] =	ssyncadd.s32 $0xFFFFE800  }
0x73: {  	[tilespmem:s22], [sflag:$0x3] =	stream.linear.gather [hbm4b:s11+s1], $0x1800, $0x38;
	[tilespmem:$0x1F000] =	vst v63  }
0x74: {  	_ =	swait.ge [sflag:s21], $0x1800  }
0x75: {  	[sflag:s21] =	ssyncset.done $0x0  }
0x76: {  	[sflag:s21] =	ssyncadd.s32 $0xFFFFE800  }
0x77: {  	[tilespmem:s20], [sflag:$0x1] =	stream.indirect.gather [hbm4b:s2+s23], $0x80, s1, s23, $0xb8;
	[tilespmem:$0x1F000] =	vst v63  }
0x78: {  	_ = 	snop  }
0x79: {  	[tilespmem:s24], [sflag:$0x2] =	stream.indirect.gather [hbm4b:s2+s23], $0x80, s23, s23, $0xb8;
	[tilespmem:$0x1F000] =	vst v63  }
0x7a: {  	_ =	swait.ge [sflag:s25], $0x4000  }
0x7b: {  	[sflag:s25] =	ssyncset.done $0x0  }
0x7c: {  	s6 =	simm.s32 $0x1800;
	[sflag:s25] =	ssyncadd.s32 $0xFFFFC000  }
0x7d: {  	[spmem:s3] =	stream.indirect.scatter.add.f32 [tilespmem:s20], [sflag:$0x3], $0x80, s6, s23, $0xb8;
	[tilespmem:$0x1F000] =	vst v63  }
0x7e: {  	_ =	swait.ge [sflag:s21], $0x4000  }
0x7f: {  	[sflag:s21] =	ssyncset.done $0x0  }
0x80: {  	s29 =	simm.s32 $0x100;
	[sflag:s21] =	ssyncadd.s32 $0xFFFFC000  }
0x81: {  	[tilespmem:s20], [sflag:$0x1] =	stream.indirect.gather [hbm4b:s2+s23], $0x80, s29, s23, $0xb8;
	[tilespmem:$0x1F000] =	vst v63  }
0x82: {  	_ =	swait.ge [sflag:s26], $0x4000  }
0x83: {  	[sflag:s26] =	ssyncset.done $0x0  }
0x84: {  	s30 =	simm.s32 $0x1880;
	[sflag:s26] =	ssyncadd.s32 $0xFFFFC000  }
0x85: {  	[spmem:s3] =	stream.indirect.scatter.add.f32 [tilespmem:s24], [sflag:$0x3], $0x80, s30, s23, $0xb8;
	[tilespmem:$0x1F000] =	vst v63  }
0x86: {  	_ =	swait.ge [sflag:s21], $0x4000  }
0x87: {  	[sflag:s21] =	ssyncset.done $0x0  }
0x88: {  	s0 =	simm.s32 $0x180;
	s1 =	simm.s32 $0x400;
	[sflag:s21] =	ssyncadd.s32 $0xFFFFC000  }
.LBB2_4:
0x89: {  	[tilespmem:s24], [sflag:$0x2] =	stream.indirect.gather [hbm4b:s2+s23], $0x80, s0, s23, $0xb8;
	[tilespmem:$0x1F000] =	vst v63  }
0x8a: {  	s0 =	smov.u32 s1  }
0x8b: {  	p2 =	sne.s32 s1, $0x3400;
	s1 =	sadd.s32 $0x400, s1;
	_ =	swait.ge [sflag:s25], $0x4000  }
0x8c: {  	s0 =	sshra.s32 s0, $0x2;
	[sflag:s25] =	ssyncset.done $0x0  }
0x8d: {  	s29 =	sadd.s32 $0x1800, s0;
	[sflag:s25] =	ssyncadd.s32 $0xFFFFC000  }
0x8e: {  	[spmem:s3] =	stream.indirect.scatter.add.f32 [tilespmem:s20], [sflag:$0x3], $0x80, s29, s23, $0xb8;
	[tilespmem:$0x1F000] =	vst v63  }
0x8f: {  	_ =	swait.ge [sflag:s21], $0x4000  }
0x90: {  	[sflag:s21] =	ssyncset.done $0x0  }
0x91: {  	s29 =	sadd.s32 $0x100, s0;
	[sflag:s21] =	ssyncadd.s32 $0xFFFFC000  }
0x92: {  	[tilespmem:s20], [sflag:$0x1] =	stream.indirect.gather [hbm4b:s2+s23], $0x80, s29, s23, $0xb8;
	[tilespmem:$0x1F000] =	vst v63  }
0x93: {  	_ =	swait.ge [sflag:s26], $0x4000  }
0x94: {  	[sflag:s26] =	ssyncset.done $0x0  }
.Ltmp3:
0x95: {  	s29 =	sadd.s32 $0x1880, s0;
	[sflag:s26] =	ssyncadd.s32 $0xFFFFC000;
	(pc) =	sbr.rel @p2 .LBB2_4-.Ltmp3, $4  }
0x96: {  	[spmem:s3] =	stream.indirect.scatter.add.f32 [tilespmem:s24], [sflag:$0x3], $0x80, s29, s23, $0xb8;
	[tilespmem:$0x1F000] =	vst v63  }
0x97: {  	_ =	swait.ge [sflag:s21], $0x4000  }
0x98: {  	[sflag:s21] =	ssyncset.done $0x0  }
0x99: {  	s0 =	sadd.s32 $0x180, s0;
	[sflag:s21] =	ssyncadd.s32 $0xFFFFC000  }
0x9a: {  	[tilespmem:s24], [sflag:$0x2] =	stream.indirect.gather [hbm4b:s2+s23], $0x80, s0, s23, $0xb8;
	[tilespmem:$0x1F000] =	vst v63  }
0x9b: {  	_ =	swait.ge [sflag:s25], $0x4000  }
0x9c: {  	[sflag:s25] =	ssyncset.done $0x0  }
0x9d: {  	s6 =	simm.s32 $0x2600;
	[sflag:s25] =	ssyncadd.s32 $0xFFFFC000  }
0x9e: {  	[spmem:s3] =	stream.indirect.scatter.add.f32 [tilespmem:s20], [sflag:$0x3], $0x80, s6, s23, $0xb8;
	[tilespmem:$0x1F000] =	vst v63  }
0x9f: {  	_ =	swait.ge [sflag:s21], $0x4000  }
0xa0: {  	[sflag:s21] =	ssyncset.done $0x0  }
0xa1: {  	s1 =	simm.s32 $0xF00;
	s30 =	simm.s32 $0x2;
	[sflag:s21] =	ssyncadd.s32 $0xFFFFC000  }
0xa2: {  	[tilespmem:s20], [sflag:$0x1] =	stream.indirect.gather [hbm4b:s2+s23], $0x80, s1, s23, $0xb8;
	[tilespmem:$0x1F000] =	vst v63  }
0xa3: {  	_ =	swait.ge [sflag:s30], $0x4000  }
0xa4: {  	[sflag:s30] =	ssyncset.done $0x0  }
0xa5: {  	s6 =	simm.s32 $0x2680;
	[sflag:s30] =	ssyncadd.s32 $0xFFFFC000  }
0xa6: {  	[spmem:s3] =	stream.indirect.scatter.add.f32 [tilespmem:s24], [sflag:$0x3], $0x80, s6, s23, $0xb8;
	[tilespmem:$0x1F000] =	vst v63  }
0xa7: {  	_ =	swait.ge [sflag:s21], $0x4000  }
0xa8: {  	[sflag:s21] =	ssyncset.done $0x0  }
0xa9: {  	[sflag:s21] =	ssyncadd.s32 $0xFFFFC000  }
0xaa: {  	[tilespmem:s24], [sflag:$0x2] =	stream.indirect.gather [hbm4b:s2+s23], $0x80, s31, s23, $0xb8;
	[tilespmem:$0x1F000] =	vst v63  }
0xab: {  	_ =	swait.ge [sflag:s25], $0x4000  }
0xac: {  	[sflag:s25] =	ssyncset.done $0x0  }
0xad: {  	s1 =	simm.s32 $0x2700;
	[sflag:s25] =	ssyncadd.s32 $0xFFFFC000  }
0xae: {  	[spmem:s3] =	stream.indirect.scatter.add.f32 [tilespmem:s20], [sflag:$0x3], $0x80, s1, s23, $0xb8;
	[tilespmem:$0x1F000] =	vst v63  }
0xaf: {  	_ =	swait.ge [sflag:s21], $0x4000  }
0xb0: {  	[sflag:s21] =	ssyncset.done $0x0  }
0xb1: {  	[sflag:s21] =	ssyncadd.s32 $0xFFFFC000  }
0xb2: {  	[tilespmem:s20], [sflag:$0x1] =	stream.indirect.gather [hbm4b:s2+s23], $0x80, s31, s23, $0xb8;
	[tilespmem:$0x1F000] =	vst v63  }
0xb3: {  	_ =	swait.ge [sflag:s30], $0x4000  }
0xb4: {  	[sflag:s30] =	ssyncset.done $0x0  }
0xb5: {  	s6 =	simm.s32 $0x2780;
	[sflag:s30] =	ssyncadd.s32 $0xFFFFC000  }
0xb6: {  	[spmem:s3] =	stream.indirect.scatter.add.f32 [tilespmem:s24], [sflag:$0x3], $0x80, s6, s23, $0xb8;
	[tilespmem:$0x1F000] =	vst v63  }
0xb7: {  	_ =	swait.ge [sflag:s21], $0x4000  }
0xb8: {  	[sflag:s21] =	ssyncset.done $0x0  }
0xb9: {  	[sflag:s21] =	ssyncadd.s32 $0xFFFFC000  }
0xba: {  	[tilespmem:s24], [sflag:$0x2] =	stream.indirect.gather [hbm4b:s2+s23], $0x80, s31, s23, $0xb8;
	[tilespmem:$0x1F000] =	vst v63  }
0xbb: {  	_ =	swait.ge [sflag:s25], $0x4000  }
0xbc: {  	[sflag:s25] =	ssyncset.done $0x0  }
0xbd: {  	[sflag:s25] =	ssyncadd.s32 $0xFFFFC000  }
0xbe: {  	_ =	swait.ge [sflag:s30], $0x4000  }
0xbf: {  	[sflag:s30] =	ssyncset.done $0x0  }
0xc0: {  	[sflag:s30] =	ssyncadd.s32 $0xFFFFC000  }
0xc1: {  	[tilespmem:s4], [sflag:$0x3] =	stream.linear.gather [hbm4b:s12+s4], $0x1800, $0x38;
	[tilespmem:$0x1F000] =	vst v63  }
0xc2: {  	_ =	swait.ge [sflag:s21], $0x1800  }
0xc3: {  	[sflag:s21] =	ssyncset.done $0x0  }
0xc4: {  	[sflag:s21] =	ssyncadd.s32 $0xFFFFE800  }
0xc5: {  	[tilespmem:s22], [sflag:$0x3] =	stream.linear.gather [hbm4b:s13+s4], $0x1800, $0x38;
	[tilespmem:$0x1F000] =	vst v63  }
0xc6: {  	_ =	swait.ge [sflag:s21], $0x1800  }
.Ltmp4:
0xc7: {  	[sflag:s21] =	ssyncset.done $0x0;
	(pc) =	sbr.rel @p0 .LBB2_9-.Ltmp4, $4  }
0xc8: {  	[sflag:s21] =	ssyncadd.s32 $0xFFFFE800  }
0xc9: {  	[tilespmem:s20], [sflag:$0x1] =	stream.indirect.gather [hbm4b:s2+s23], $0x80, s4, s23, $0xb8;
	[tilespmem:$0x1F000] =	vst v63  }
0xca: {  	s29 =	simm.s32 $0x1880  }
0xcb: {  	[tilespmem:s24], [sflag:$0x2] =	stream.indirect.gather [hbm4b:s2+s23], $0x80, s23, s23, $0xb8;
	[tilespmem:$0x1F000] =	vst v63  }
0xcc: {  	_ =	swait.ge [sflag:s25], $0x4000  }
0xcd: {  	s0 =	sadd.s32 $0xFFFFFF80, s29;
	[sflag:s25] =	ssyncset.done $0x0  }
0xce: {  	p2 =	slt.s32 s30, s14;
	s1 =	smov.u32 s14;
	[sflag:s25] =	ssyncadd.s32 $0xFFFFC000  }
0xcf: {  	[spmem:s3] =	stream.indirect.scatter.add.f32 [tilespmem:s20], [sflag:$0x3], $0x80, s0, s23, $0xb8;
	[tilespmem:$0x1F000] =	vst v63  }
0xd0: {  	s1 =	smov.u32 @p2 s30;
	_ =	swait.ge [sflag:s21], $0x4000  }
0xd1: {  	s6 =	sshll.u32 s1, $0x9;
	[sflag:s21] =	ssyncset.done $0x0  }
0xd2: {  	p3 =	sne.s32 s19, $0x1;
	s0 =	sshra.s32 s6, $0x2;
	[sflag:s21] =	ssyncadd.s32 $0xFFFFC000  }
0xd3: {  	[tilespmem:s20], [sflag:$0x1] =	stream.indirect.gather [hbm4b:s2+s23], $0x80, s0, s23, $0xb8;
	[tilespmem:$0x1F000] =	vst v63  }
.Ltmp5:
0xd4: {  	s0 =	sadd.s32 $0x1, s30;
	_ =	swait.ge [sflag:s26], $0x4000;
	(pc) =	sbr.rel @!p3 .LBB2_8-.Ltmp5, $4  }
0xd5: {  	s6 =	smov.u32 s14;
	p2 =	slt.s32 s0, s14;
	[sflag:s26] =	ssyncset.done $0x0  }
0xd6: {  	s1 =	sadd.s32 $0xFFFFFFFF, s19;
	s6 =	smov.u32 @p2 s0;
	[sflag:s26] =	ssyncadd.s32 $0xFFFFC000  }
0xd7: {  	[spmem:s3] =	stream.indirect.scatter.add.f32 [tilespmem:s24], [sflag:$0x3], $0x80, s29, s23, $0xb8;
	[tilespmem:$0x1F000] =	vst v63  }
0xd8: {  	s30 =	sadd.s32 $0x2, s30;
	s0 =	sshll.u32 s6, $0x9;
	_ =	swait.ge [sflag:s21], $0x4000  }
.LBB2_7:
0xd9: {  	[sflag:s21] =	ssyncset.done $0x0  }
0xda: {  	s0 =	sshra.s32 s0, $0x2;
	s29 =	sadd.s32 $0x100, s29;
	p2 =	sne.s32 s1, $0x1  }
0xdb: {  	s1 =	sadd.s32 $0xFFFFFFFF, s1;
	p3 =	slt.s32 s30, s14;
	[sflag:s21] =	ssyncadd.s32 $0xFFFFC000  }
0xdc: {  	[tilespmem:s24], [sflag:$0x2] =	stream.indirect.gather [hbm4b:s2+s23], $0x80, s0, s23, $0xb8;
	[tilespmem:$0x1F000] =	vst v63  }
0xdd: {  	s6 =	smov.u32 s14;
	s0 =	sadd.s32 $0xFFFFFF80, s29;
	_ =	swait.ge [sflag:s25], $0x4000  }
0xde: {  	s6 =	smov.u32 @p3 s30;
	[sflag:s25] =	ssyncset.done $0x0  }
0xdf: {  	s6 =	sshll.u32 s6, $0x9;
	[sflag:s25] =	ssyncadd.s32 $0xFFFFC000  }
0xe0: {  	[spmem:s3] =	stream.indirect.scatter.add.f32 [tilespmem:s20], [sflag:$0x3], $0x80, s0, s23, $0xb8;
	[tilespmem:$0x1F000] =	vst v63  }
0xe1: {  	s0 =	sshra.s32 s6, $0x2;
	_ =	swait.ge [sflag:s21], $0x4000  }
0xe2: {  	[sflag:s21] =	ssyncset.done $0x0  }
0xe3: {  	[sflag:s21] =	ssyncadd.s32 $0xFFFFC000  }
0xe4: {  	[tilespmem:s20], [sflag:$0x1] =	stream.indirect.gather [hbm4b:s2+s23], $0x80, s0, s23, $0xb8;
	[tilespmem:$0x1F000] =	vst v63  }
.Ltmp6:
0xe5: {  	s0 =	sadd.s32 $0x1, s30;
	_ =	swait.ge [sflag:s26], $0x4000;
	(pc) =	sbr.rel @p2 .LBB2_7-.Ltmp6, $4  }
0xe6: {  	s6 =	smov.u32 s14;
	p3 =	slt.s32 s0, s14;
	[sflag:s26] =	ssyncset.done $0x0  }
0xe7: {  	s6 =	smov.u32 @p3 s0;
	[sflag:s26] =	ssyncadd.s32 $0xFFFFC000  }
0xe8: {  	[spmem:s3] =	stream.indirect.scatter.add.f32 [tilespmem:s24], [sflag:$0x3], $0x80, s29, s23, $0xb8;
	[tilespmem:$0x1F000] =	vst v63  }
0xe9: {  	s30 =	sadd.s32 $0x2, s30;
	s0 =	sshll.u32 s6, $0x9;
	_ =	swait.ge [sflag:s21], $0x4000  }
.Ltmp7:
0xea: {  	_ = 	snop;
	(pc) =	sbr.rel .LBB2_8-.Ltmp7, $1  }
0xeb: {  	_ =	sdelay $0x3  }
.LBB2_10:
0xec: {  	_ =	sfence.sel $0x180000  }
0xed: {  	[bflag:$0x0] =	sbarrier.arrive $0xFFFF  }
0xee: {  	_ =	strace $0x9000004A  }
0xef: {  	s0 =	stileid.u32;
	[bflag:$0x2] =	sbarrier.arrive $0xFFFF  }
0xf0: {  	p0 =	sne.s32 s0, $0x0;
	s0 =	rddreg [dreg:$0x3]  }
0xf1: {  	s0 =	sadd.s32 @!p0 $0x100000, s0  }
0xf2: {  	[sflag:s0] =	ssyncadd.tile.s32 @!p0 $0x1;
	_ =	shalt  }
.Lfunc_end2:
_tile_overlayer_lowered:
.L_overlay_start_2:
0xf3: {  	(tag) =	ssettag $0x2  }
0xf4: {  	s0 =	rddreg [dreg:$0x0];
	s2 =	stileid.u32  }
0xf5: {  	s1 =	rddreg [dreg:$0x1];
	p0 =	sne.s32 s2, $0x0  }
0xf6: {  	s3 =	rddreg [dreg:$0x2];
	[bflag:$0x3] =	sbarrier.arrive $0xFFFF;
	s2 =	simm.s32 @!p0 $0x1C03  }
0xf7: {  	[timem:s3], [sflag:s2] =	dma.local @!p0 [hbm:s0], s1  }
0xf8: {  	s0 =	simm.s32 @!p0 $0x3  }
0xf9: {  	_ =	swait.ge @!p0 [sflag:s0], s1  }
0xfa: {  	s1 =	ssub.s32 @!p0 $0x0, s1;
	[sflag:s0] =	ssyncset.done @!p0 $0x0  }
0xfb: {  	[sflag:s0] =	ssyncadd.s32 @!p0 s1  }
0xfc: {  	[bflag:$0x3] =	sbarrier.arrive $0xFFFF  }
0xfd: {  	_ =	shalt  }

// kernel: kernel.15.cloned.1.call-start
scs
__scs_entry_jumppad:
0x0: {  	(pc) =	sbr.rel $0x88, $3  }
0x1: {  	(tag) =	ssettag $0x0;
	lr =	simm.s32 $0x1  }
0x2: {  	[smem:$0x3F99] =	sst lr;
	_ =	strace $0xD0000000  }
0x3: {  	_ = 	snop  }
0x4: {  	_ = 	snop  }
0x5: {  	_ = 	snop  }
0x6: {  	_ = 	snop  }
0x7: {  	_ = 	snop  }
__scs_overlays_trampoline_lowered:
0x8: {  	[smem:$0x3FA8] =	sst s0  }
0x9: {  	[smem:$0x3FA9] =	sst s1  }
0xa: {  	[smem:$0x3FAA] =	sst s2  }
0xb: {  	[smem:$0x3FAB] =	sst s3  }
0xc: {  	[smem:$0x3FAC] =	sst s4  }
0xd: {  	[smem:$0x3FAD] =	sst s5  }
0xe: {  	[smem:$0x3FAE] =	sst s6  }
0xf: {  	[smem:$0x3FAF] =	sst s7  }
0x10: {  	[smem:$0x3FB0] =	sst s8  }
0x11: {  	[smem:$0x3FB1] =	sst s9;
	s0 =	simm.s32 @!p0 $0x0  }
0x12: {  	s1 =	sld [smem:$0x3F97];
	s0 =	simm.s32 @p0 $0x1  }
0x13: {  	[smem:$0x3FB2] =	sst s0;
	s0 =	simm.s32 @!p1 $0x0  }
0x14: {  	s2 =	sld [smem:$0x3F96];
	s0 =	simm.s32 @p1 $0x1  }
0x15: {  	[smem:$0x3FB3] =	sst s0;
	s0 =	simm.s32 @!p2 $0x0  }
0x16: {  	s3 =	sld [smem:$0x3FDB];
	s0 =	simm.s32 @p2 $0x1  }
0x17: {  	s4 =	simm.s32 $0x1BF5;
	[smem:$0x3FB5] =	sst s0  }
0x18: {  	s0 =	sld [smem:$0x3F98];
	_ =	swait.ge [sflag:s4], $0x0  }
0x19: {  	s7 =	sld [smem:$0x3F99]  }
0x1a: {  	s8 =	sadd.s32 $0xFFFFE003, lr  }
0x1b: {  	s9 =	sadd.s32 $0xFFFFFEF7, lr;
	s5 =	simm.s32 $0xFFFFFFFF;
	p2 =	slt.u32 s8, $0xFFFFF086  }
0x1c: {  	p1 =	slt.u32 s9, $0xF7A;
	s5 =	simm.s32 @!p2 $0x0  }
0x1d: {  	s5 =	simm.s32 @p1 $0x1;
	p0 =	seq.s32 s7, s2  }
0x1e: {  	s7 =	smul.u32 @!p0 $0xF7A, s2;
	p2 =	seq.s32 @!p0 s5, $0x0  }
0x1f: {  	s9 =	smul.u32 $0xF7A, s1;
	s8 =	simm.s32 @!p0 $0x1BF5;
	p2 =	por !p2, p0  }
0x20: {  	[sflag:s8] =	ssyncset.s32 @!p0 $0xFFFFF086;
	s6 =	sadd.s32 @!p0 s3, s7;
	s7 =	simm.s32 @!p0 $0x108  }
0x21: {  	s3 =	sadd.s32 s3, s9;
	s6 =	sadd.s32 @!p0 $0x88, s6;
	s7 =	simm.s32 @p2 $0x1082  }
0x22: {  	[simem:s7], [sflag:s8] =	dma.local @!p0 [hbm:s6], $0xF7A  }
0x23: {  	s9 =	sor.u32 $0xD0000000, s2;
	s6 =	simm.s32 $0x108;
	_ =	swait.ge @!p0 [sflag:s8], $0x0  }
0x24: {  	s3 =	sadd.s32 $0x88, s3;
	s6 =	simm.s32 @!p1 $0x1082;
	[sflag:s4] =	ssyncset.s32 $0xFFFFF086  }
0x25: {  	[simem:s6], [sflag:s4] =	dma.local [hbm:s3], $0xF7A  }
0x26: {  	[smem:$0x3F99] =	sst s1;
	(tag) =	ssettag s2;
	_ =	strace s9  }
0x27: {  	s1 =	sld [smem:$0x3FA9]  }
0x28: {  	s2 =	sld [smem:$0x3FAA]  }
0x29: {  	s4 =	sld [smem:$0x3FAC]  }
0x2a: {  	p0 =	seq.s32 s5, $0x0;
	s5 =	sld [smem:$0x3FAD]  }
0x2b: {  	s6 =	sld [smem:$0x3FAE]  }
0x2c: {  	s7 =	sld [smem:$0x3FAF]  }
0x2d: {  	s3 =	simm.s32 $0x108;
	s8 =	sld [smem:$0x3FB0]  }
0x2e: {  	s3 =	simm.s32 @!p0 $0x1082;
	s9 =	sld [smem:$0x3FB1]  }
0x2f: {  	lr =	sadd.s32 s0, s3;
	s0 =	sld [smem:$0x3FA8]  }
0x30: {  	s3 =	sld [smem:$0x3FAB]  }
0x31: {  	[smem:$0x3FB4] =	sst s10  }
0x32: {  	s10 =	sld [smem:$0x3FB2];
	_ =	sdelay $0x3  }
0x33: {  	p0 =	seq.s32 s10, $0x1;
	s10 =	sld [smem:$0x3FB4];
	_ =	sdelay $0x3  }
0x34: {  	[smem:$0x3FB4] =	sst s10  }
0x35: {  	s10 =	sld [smem:$0x3FB3];
	_ =	sdelay $0x3  }
0x36: {  	p1 =	seq.s32 s10, $0x1;
	s10 =	sld [smem:$0x3FB4];
	_ =	sdelay $0x3  }
0x37: {  	[smem:$0x3FB4] =	sst s10  }
0x38: {  	s10 =	sld [smem:$0x3FB5]  }
0x39: {  	_ = 	snop;
	(pc) =	sbr.ind lr, $3  }
0x3a: {  	_ = 	snop  }
0x3b: {  	_ = 	snop  }
0x3c: {  	p2 =	seq.s32 s10, $0x1;
	s10 =	sld [smem:$0x3FB4]  }
0x3d: {  	_ =	shalt  }
0x3e: {  	_ =	shalt  }
0x3f: {  	_ =	shalt  }
0x40: {  	_ =	shalt  }
0x41: {  	_ =	shalt  }
0x42: {  	_ =	shalt  }
0x43: {  	_ =	shalt  }
0x44: {  	_ =	shalt  }
0x45: {  	_ =	shalt  }
0x46: {  	_ =	shalt  }
0x47: {  	_ =	shalt  }
0x48: {  	_ =	shalt  }
0x49: {  	_ =	shalt  }
0x4a: {  	_ =	shalt  }
0x4b: {  	_ =	shalt  }
0x4c: {  	_ =	shalt  }
0x4d: {  	_ =	shalt  }
0x4e: {  	_ =	shalt  }
0x4f: {  	_ =	shalt  }
0x50: {  	_ =	shalt  }
0x51: {  	_ =	shalt  }
0x52: {  	_ =	shalt  }
0x53: {  	_ =	shalt  }
0x54: {  	_ =	shalt  }
0x55: {  	_ =	shalt  }
0x56: {  	_ =	shalt  }
0x57: {  	_ =	shalt  }
0x58: {  	_ =	shalt  }
0x59: {  	_ =	shalt  }
0x5a: {  	_ =	shalt  }
0x5b: {  	_ =	shalt  }
0x5c: {  	_ =	shalt  }
0x5d: {  	_ =	shalt  }
0x5e: {  	_ =	shalt  }
0x5f: {  	_ =	shalt  }
0x60: {  	_ =	shalt  }
0x61: {  	_ =	shalt  }
0x62: {  	_ =	shalt  }
0x63: {  	_ =	shalt  }
0x64: {  	_ =	shalt  }
0x65: {  	_ =	shalt  }
0x66: {  	_ =	shalt  }
0x67: {  	_ =	shalt  }
0x68: {  	_ =	shalt  }
0x69: {  	_ =	shalt  }
0x6a: {  	_ =	shalt  }
0x6b: {  	_ =	shalt  }
0x6c: {  	_ =	shalt  }
0x6d: {  	_ =	shalt  }
0x6e: {  	_ =	shalt  }
0x6f: {  	_ =	shalt  }
0x70: {  	_ =	shalt  }
0x71: {  	_ =	shalt  }
0x72: {  	_ =	shalt  }
0x73: {  	_ =	shalt  }
0x74: {  	_ =	shalt  }
0x75: {  	_ =	shalt  }
0x76: {  	_ =	shalt  }
0x77: {  	_ =	shalt  }
0x78: {  	_ =	shalt  }
0x79: {  	_ =	shalt  }
0x7a: {  	_ =	shalt  }
0x7b: {  	_ =	shalt  }
0x7c: {  	_ =	shalt  }
0x7d: {  	_ =	shalt  }
0x7e: {  	_ =	shalt  }
0x7f: {  	_ =	shalt  }
0x80: {  	_ =	shalt  }
0x81: {  	_ =	shalt  }
0x82: {  	_ =	shalt  }
0x83: {  	_ =	shalt  }
0x84: {  	_ =	shalt  }
0x85: {  	_ =	shalt  }
0x86: {  	_ =	shalt  }
0x87: {  	_ =	shalt  }
.Lfunc_end0:
.L_simem_size_0:
called_computation.2_lowered:
.L_overlay_start_0:
0x88: {  	s2 =	sld [smem:$0x3FD9]  }
0x89: {  	s3 =	sld [smem:$0x3FFE];
	_ =	sdelay $0x1  }
0x8a: {  	s1 =	srdreg.scid  }
0x8b: {  	s0 =	sand.u32 $0x1, s1  }
0x8c: {  	s14 =	sshll.u32 s0, $0xA;
	s2 =	sadd.s32 s3, s2  }
0x8d: {  	s2 =	sadd.s32 s2, s14  }
0x8e: {  	[smem:$0x3FC0] =	sst s2  }
0x8f: {  	_ = 	snop  }
0x90: {  	s2 =	sld [smem:$0x3FD0];
	_ =	sdelay $0x2  }
0x91: {  	s15 =	simm.s32 $0xA;
	s4 =	simm.s32 $0x10  }
0x92: {  	[smem:s4], [sflag:s15] =	dma.local [hbm:s2], $0x1  }
0x93: {  	_ =	swait.eq [sflag:s15], $0x1  }
0x94: {  	[sflag:s15] =	ssyncset.done $0x0  }
0x95: {  	[sflag:s15] =	ssyncadd.s32 $0xFFFFFFFF  }
0x96: {  	s16 =	sld [smem:$0x11];
	(tm) =	ssettm $0x1  }
0x97: {  	s17 =	sld [smem:$0x3FFB];
	_ =	sdelay $0x3  }
0x98: {  	_ =	strace s17  }
0x99: {  	s3 =	sld [smem:$0x3FFC];
	_ =	sdelay $0x3  }
0x9a: {  	_ =	strace s3  }
0x9b: {  	s3 =	sld [smem:$0x3FFD];
	_ =	sdelay $0x3  }
0x9c: {  	_ =	strace s3  }
0x9d: {  	_ =	strace $0x8FFFFFFF  }
0x9e: {  	s18 =	sld [smem:$0x3FDB];
	_ =	sdelay $0x1  }
0x9f: {  	s19 =	simm.s32 $_scs_section_size  }
0xa0: {  	s5 =	simm.s32 $_size__tile_overlayer_lowered;
	s6 =	simm.s32 $_tile_overlayer_lowered  }
0xa1: {  	s22 =	simm.s32 $0x1BFF;
	s21 =	sshll.u32 s6, $0x1;
	s3 =	sadd.s32 s19, s18  }
0xa2: {  	s7 =	simm.s32 $0x0;
	s20 =	sshll.u32 s5, $0x1;
	s5 =	sadd.s32 s21, s3  }
0xa3: {  	[timem:s7], [sflag:s22] =	dma.local [hbm:s5], s20  }
0xa4: {  	_ =	swait.ge [sflag:s22], s20  }
0xa5: {  	s4 =	ssub.s32 $0x0, s20;
	[sflag:s22] =	ssyncset.done $0x0  }
0xa6: {  	[sflag:s22] =	ssyncadd.s32 s4;
	_ =	sdelay $0x1  }
0xa7: {  	s23 =	simm.s32 $0x1B8B  }
0xa8: {  	_ =	swait.ge [sflag:s23], $0x1  }
0xa9: {  	[sflag:s23] =	ssyncset.done $0x0  }
0xaa: {  	s25 =	simm.s32 $0x1B8E;
	s24 =	sld [smem:$0x3FFE];
	[sflag:s23] =	ssyncadd.s32 $0xFFFFFFFF  }
0xab: {  	s26 =	simm.s32 $execute0_lowered;
	[smem:$0x3FD2] =	sst s25  }
0xac: {  	s5 =	sshll.u32 s26, $0x1;
	_ =	strace $0x8000004C;
	[dreg:$0x1] =	wrdreg $0xFFFFFFFF  }
0xad: {  	s28 =	simm.s32 $_size_execute0_lowered;
	s3 =	sadd.s32 s3, s5;
	[dreg:$0x0] =	wrdreg $0x0  }
0xae: {  	s5 =	sshll.u32 s28, $0x1;
	[dreg:$0x2] =	wrdreg s3  }
0xaf: {  	[dreg:$0x3] =	wrdreg s5  }
0xb0: {  	[dreg:$0x4] =	wrdreg $0xC0  }
0xb1: {  	_ =	task [dreg:s7], $0x5FFFF  }
0xb2: {  	[dreg:$0x1] =	wrdreg $0xFFFFFFFF  }
0xb3: {  	[dreg:$0x0] =	wrdreg $0x60  }
0xb4: {  	[dreg:$0x2] =	wrdreg s24  }
0xb5: {  	[dreg:$0x3] =	wrdreg s16  }
0xb6: {  	[dreg:$0x4] =	wrdreg $0xB0000  }
0xb7: {  	[dreg:$0x5] =	wrdreg $0x9  }
0xb8: {  	_ =	task.clear_ibuf [dreg:s7], $0x6FFFF;
	_ =	strace $0x9000004C  }
0xb9: {  	s29 =	simm.s32 $0x9;
	_ =	strace $0x8000004E  }
0xba: {  	_ =	swait.ge [sflag:s29], $0x1  }
0xbb: {  	[sflag:s29] =	ssyncadd.s32 $0xFFFFFFFF  }
0xbc: {  	_ =	strace $0x9000004E  }
0xbd: {  	_ =	sfence  }
0xbe: {  	s30 =	sld [smem:$0x0];
	_ =	sdelay $0x2  }
0xbf: {  	s31 =	sshll.u32 s1, $0xD;
	s1 =	sshrl.u32 s1, $0x2  }
0xc0: {  	s3 =	sand.u32 $0x4000, s31;
	s1 =	sadd.s32 s1, s30  }
0xc1: {  	s0 =	sor.u32 s3, s0;
	s1 =	sshll.u32 s1, $0x11  }
0xc2: {  	s0 =	sor.u32 s1, s0  }
0xc3: {  	s0 =	sadd.s32 $0x8F2B, s0  }
0xc4: {  	[sflag:s0] =	ssyncadd.remote.s32 $0x1  }
0xc5: {  	_ =	sfence.sel $0xFFFF  }
0xc6: {  	[dreg:$0x0] =	wrdreg $0xFFFFFFFF;
	(pc) =	sbr.abs _section_cstart, $3  }
0xc7: {  	[dreg:$0x1] =	wrdreg $0xFFFFFFFF  }
0xc8: {  	_ =	task.clear_ibuf [dreg:s7], $0x2FFFF;
	_ =	strace $0x9FFFFFFF  }
0xc9: {  	(tm) =	ssettm $0x7FFFFFFF  }
tec
execute0_lowered:
.L_overlay_start_1:
0x0: {  	(tag) =	ssettag $0x1  }
0x1: {  	s0 =	srdreg.scid  }
0x2: {  	s9 =	stileid.u32;
	s1 =	rddreg [dreg:$0x0]  }
0x3: {  	s2 =	rddreg [dreg:$0x1];
	s4 =	simm.s32 $0x0;
	s20 =	simm.s32 $0x3000  }
0x4: {  	s21 =	simm.s32 $0x3;
	s22 =	simm.s32 $0x1800;
	s7 =	smul.u32 $0x14000, s9  }
0x5: {  	s31 =	simm.s32 $0xF80;
	s28 =	simm.s32 $0x0;
	s23 =	smul.u32 $0x50000, s9  }
0x6: {  	s0 =	sand.u32 $0x1, s0;
	s3 =	sshll.u32 s9, $0x1;
	s14 =	smul.u32 $0x270, s9  }
0x7: {  	[smem:$0x7FF] =	sst s4;
	s25 =	sor.u32 s0, s3;
	s6 =	smul.u32 $0x140000, s0  }
0x8: {  	s3 =	rddreg [dreg:$0x2];
	s24 =	ssub.s32 $0x2, s0;
	s0 =	smul.u32 $0x138, s0  }
0x9: {  	_ =	strace $0x8000004D;
	s5 =	smul.u32 $0x138, s25;
	s26 =	sshrl.u32 s24, $0x1  }
0xa: {  	p1 =	sne.s32 s25, $0x0;
	s25 =	simm.s32 $0x1;
	s6 =	sadd.s32 s7, s6  }
0xb: {  	s7 =	sshrl.u32 s23, $0x2;
	s18 =	ssub.s32 s24, s26;
	s0 =	sadd.s32 s0, s14  }
0xc: {  	s23 =	simm.s32 $0x80;
	s26 =	simm.s32 $0x2;
	s11 =	sshrl.u32 s5, $0x5  }
0xd: {  	s6 =	sshrl.u32 s6, $0x3;
	s29 =	sadd.s32 $0x138, s5;
	s5 =	sadd.s32 s7, s3  }
0xe: {  	s16 =	sadd.s32 $0x138, s0;
	s0 =	sshrl.u32 s0, $0x3;
	s18 =	smax.u32 s18, $0x1  }
0xf: {  	s8 =	sshll.u32 s11, $0x7;
	s17 =	sadd.s32 s6, s1;
	s12 =	sshrl.u32 s29, $0x5  }
0x10: {  	s30 =	sadd.s32 $0x4000, s5;
	s7 =	sadd.s32 $0x8000, s5;
	s9 =	sadd.s32 $0x10000, s5  }
0x11: {  	s16 =	sshrl.u32 s16, $0x3;
	s0 =	sand.u32 $0xFFC, s0;
	s13 =	sadd.s32 s8, s1  }
0x12: {  	[dreg:$0x4] =	wrdreg s30;
	s8 =	sadd.s32 $0xC000, s5;
	s24 =	ssub.s32 s12, s11  }
.Ltmp0:
0x13: {  	s19 =	sand.u32 $0x1FFC, s16;
	s16 =	sadd.s32 $0x16280, s1;
	(pc) =	sbr.rel .LBB2_1-.Ltmp0, $4  }
0x14: {  	s17 =	sadd.s32 $0x16400, s17;
	s10 =	sadd.s32 $0x2A00, s13;
	s11 =	sadd.s32 $0xC680, s13  }
0x15: {  	s15 =	sshll.u32 s24, $0x3;
	s12 =	sadd.s32 $0x2C00, s13;
	s13 =	sadd.s32 $0xC880, s13  }
0x16: {  	s0 =	ssub.s32 s19, s0;
	p0 =	slt.s32 s24, $0x5;
	s24 =	simm.s32 $0x7000  }
0x17: {  	v0 =	vimm.f32 $0.0e+00;
	s14 =	sadd.s32 $0xFFFFFFDF, s15;
	s15 =	sadd.s32 $0xC600, s1;
	s19 =	sadd.s32 $0xFFFFFFF0, s0  }
.LBB2_8:
0x18: {  	[sflag:s21] =	ssyncset.done $0x0  }
0x19: {  	s0 =	sshra.s32 s0, $0x2;
	[sflag:s21] =	ssyncadd.s32 $0xFFFFC000  }
0x1a: {  	[tilespmem:s24], [sflag:$0x2] =	stream.indirect.gather [hbm4b:s2+s23], $0x80, s0, s23, $0xb8;
	[tilespmem:$0x1F000] =	vst v63  }
.LBB2_9:
0x1b: {  	_ =	swait.ge [sflag:s25], $0x4000  }
0x1c: {  	[sflag:s25] =	ssyncset.done $0x0  }
0x1d: {  	[sflag:s25] =	ssyncadd.s32 $0xFFFFC000  }
0x1e: {  	_ =	swait.ge [sflag:s26], $0x4000  }
0x1f: {  	[sflag:s26] =	ssyncset.done $0x0  }
0x20: {  	s0 =	simm.s32 @!p1 $0x0;
	s1 =	simm.s32 @!p1 $0x3;
	[sflag:s26] =	ssyncadd.s32 $0xFFFFC000  }
0x21: {  	[tilespmem:s0], [sflag:$0x3] =	stream.linear.gather @!p1 [hbm4b:s15+s0], $0x200, $0x38;
	[tilespmem:$0x1F000] =	vst v63  }
0x22: {  	_ =	swait.ge @!p1 [sflag:s1], $0x200  }
0x23: {  	[sflag:s1] =	ssyncset.done @!p1 $0x0  }
0x24: {  	s6 =	simm.s32 @!p1 $0x1800;
	[sflag:s1] =	ssyncadd.s32 @!p1 $0xFFFFFE00  }
0x25: {  	[tilespmem:s6], [sflag:$0x3] =	stream.linear.gather @!p1 [hbm4b:s16+s0], $0x200, $0x38;
	[tilespmem:$0x1F000] =	vst v63  }
0x26: {  	_ =	swait.ge @!p1 [sflag:s1], $0x200  }
0x27: {  	[sflag:s1] =	ssyncset.done @!p1 $0x0  }
0x28: {  	s29 =	simm.s32 @!p1 $0x80;
	s30 =	simm.s32 @!p1 $0x3000;
	[sflag:s1] =	ssyncadd.s32 @!p1 $0xFFFFFE00  }
0x29: {  	[tilespmem:s30], [sflag:$0x1] =	stream.indirect.gather @!p1 [hbm4b:s2+s29], $0x80, s0, s29, $0xb8;
	[tilespmem:$0x1F000] =	vst v63  }
0x2a: {  	s0 =	simm.s32 @!p1 $0x1  }
0x2b: {  	_ =	swait.ge @!p1 [sflag:s0], $0x4000  }
0x2c: {  	[sflag:s0] =	ssyncset.done @!p1 $0x0  }
0x2d: {  	[sflag:s0] =	ssyncadd.s32 @!p1 $0xFFFFC000  }
0x2e: {  	[spmem:s3] =	stream.indirect.scatter.add.f32 @!p1 [tilespmem:s30], [sflag:$0x3], $0x80, s6, s29, $0xb8;
	[tilespmem:$0x1F000] =	vst v63  }
0x2f: {  	_ =	swait.ge @!p1 [sflag:s1], $0x4000  }
0x30: {  	[sflag:s1] =	ssyncset.done @!p1 $0x0  }
0x31: {  	[sflag:s1] =	ssyncadd.s32 @!p1 $0xFFFFC000  }
0x32: {  	[tilespmem:s30], [sflag:$0x1] =	stream.indirect.gather @!p1 [hbm4b:s2+s29], $0x80, s29, s29, $0xb8;
	[tilespmem:$0x1F000] =	vst v63  }
0x33: {  	_ =	swait.ge @!p1 [sflag:s0], $0x4000  }
0x34: {  	[sflag:s0] =	ssyncset.done @!p1 $0x0  }
0x35: {  	s6 =	simm.s32 @!p1 $0x1880;
	[sflag:s0] =	ssyncadd.s32 @!p1 $0xFFFFC000  }
0x36: {  	[spmem:s3] =	stream.indirect.scatter.add.f32 @!p1 [tilespmem:s30], [sflag:$0x3], $0x80, s6, s29, $0xb8;
	[tilespmem:$0x1F000] =	vst v63  }
0x37: {  	_ =	swait.ge @!p1 [sflag:s1], $0x4000  }
0x38: {  	[sflag:s1] =	ssyncset.done @!p1 $0x0  }
0x39: {  	s6 =	simm.s32 @!p1 $0x100;
	[sflag:s1] =	ssyncadd.s32 @!p1 $0xFFFFC000  }
0x3a: {  	[tilespmem:s30], [sflag:$0x1] =	stream.indirect.gather @!p1 [hbm4b:s2+s29], $0x80, s6, s29, $0xb8;
	[tilespmem:$0x1F000] =	vst v63  }
0x3b: {  	_ =	swait.ge @!p1 [sflag:s0], $0x4000  }
0x3c: {  	[sflag:s0] =	ssyncset.done @!p1 $0x0  }
0x3d: {  	s6 =	simm.s32 @!p1 $0x1900;
	[sflag:s0] =	ssyncadd.s32 @!p1 $0xFFFFC000  }
0x3e: {  	[spmem:s3] =	stream.indirect.scatter.add.f32 @!p1 [tilespmem:s30], [sflag:$0x3], $0x80, s6, s29, $0xb8;
	[tilespmem:$0x1F000] =	vst v63  }
0x3f: {  	_ =	swait.ge @!p1 [sflag:s1], $0x4000  }
0x40: {  	[sflag:s1] =	ssyncset.done @!p1 $0x0  }
0x41: {  	s6 =	simm.s32 @!p1 $0x180;
	[sflag:s1] =	ssyncadd.s32 @!p1 $0xFFFFC000  }
0x42: {  	[tilespmem:s30], [sflag:$0x1] =	stream.indirect.gather @!p1 [hbm4b:s2+s29], $0x80, s6, s29, $0xb8;
	[tilespmem:$0x1F000] =	vst v63  }
0x43: {  	_ =	swait.ge @!p1 [sflag:s0], $0x4000  }
0x44: {  	[sflag:s0] =	ssyncset.done @!p1 $0x0  }
0x45: {  	[sflag:s0] =	ssyncadd.s32 @!p1 $0xFFFFC000;
	s0 =	simm.s32 @!p1 $0x1980  }
0x46: {  	[spmem:s3] =	stream.indirect.scatter.add.f32 @!p1 [tilespmem:s30], [sflag:$0x3], $0x80, s0, s29, $0xb8;
	[tilespmem:$0x1F000] =	vst v63  }
0x47: {  	s28 =	sadd.s32 $0x1, s28;
	_ =	swait.ge @!p1 [sflag:s1], $0x4000  }
0x48: {  	p2 =	sne.s32 s28, s18;
	s29 =	stileid.u32;
	[sflag:s1] =	ssyncset.done @!p1 $0x0  }
0x49: {  	s30 =	sshrl.u32 s5, $0x3;
	s0 =	sshll.u32 s29, $0x6;
	[sflag:s1] =	ssyncadd.s32 @!p1 $0xFFFFC000  }
.Ltmp1:
0x4a: {  	s0 =	sor.u32 $0x1C03, s0;
	[bflag:$0x0] =	sbarrier.arrive $0xFFFF;
	(pc) =	sbr.rel @!p2 .LBB2_10-.Ltmp1, $4  }
0x4b: {  	[hbm:s17], [sflag:s0] =	dma.local [spmem:s30], $0x2800  }
0x4c: {  	_ =	swait.ge [sflag:s21], $0x2800  }
0x4d: {  	[sflag:s21] =	ssyncset.done $0x0  }
0x4e: {  	[sflag:s21] =	ssyncadd.s32 $0xFFFFD800  }
.LBB2_1:
0x4f: {  	s0 =	sand.u32 $0xFE00, s4  }
0x50: {  	s29 =	sand.u32 $0x70, s4;
	s0 =	sshrl.u32 s0, $0x2  }
0x51: {  	s1 =	simm.s32 $0x40;
	s0 =	sor.u32 s29, s0;
	s29 =	simm.s32 $0x0  }
.LBB2_2:
0x52: {  	p2 =	sne.s32 s1, $0xFFC0  }
0x53: {  	[tilespmem:s0+$0x3000] =	vst v0;
	s29 =	sadd.s32 $0x10, s29;
	s0 =	smov.u32 s1;
	s1 =	sadd.s32 $0x40, s1  }
.Ltmp2:
0x54: {  	(pc) =	sbr.rel @p2 .LBB2_2-.Ltmp2, $4  }
0x55: {  	_ = 	snop  }
0x56: {  	s0 =	sand.u32 $0xFE00, s0  }
0x57: {  	s30 =	sand.u32 $0x70, s29;
	s0 =	sshrl.u32 s0, $0x2  }
0x58: {  	s0 =	sor.u32 s30, s0  }
0x59: {  	[tilespmem:s0+$0x3000] =	vst v0  }
0x5a: {  	[spmem:s5] =	stream.linear.scatter [tilespmem:s20], [sflag:$0x3], $0x4000, $0x38;
	[tilespmem:$0x1F000] =	vst v63  }
0x5b: {  	_ =	swait.ge [sflag:s21], $0x4000  }
0x5c: {  	[sflag:s21] =	ssyncset.done $0x0  }
0x5d: {  	s30 =	rddreg [dreg:$0x4];
	[sflag:s21] =	ssyncadd.s32 $0xFFFFC000  }
0x5e: {  	[spmem:s30] =	stream.linear.scatter [tilespmem:s20], [sflag:$0x3], $0x4000, $0x38;
	[tilespmem:$0x1F000] =	vst v63  }
0x5f: {  	_ =	swait.ge [sflag:s21], $0x4000  }
0x60: {  	[sflag:s21] =	ssyncset.done $0x0  }
0x61: {  	[sflag:s21] =	ssyncadd.s32 $0xFFFFC000  }
0x62: {  	[spmem:s7] =	stream.linear.scatter [tilespmem:s20], [sflag:$0x3], $0x4000, $0x38;
	[tilespmem:$0x1F000] =	vst v63  }
0x63: {  	_ =	swait.ge [sflag:s21], $0x4000  }
0x64: {  	[sflag:s21] =	ssyncset.done $0x0  }
0x65: {  	[sflag:s21] =	ssyncadd.s32 $0xFFFFC000  }
0x66: {  	[spmem:s8] =	stream.linear.scatter [tilespmem:s20], [sflag:$0x3], $0x4000, $0x38;
	[tilespmem:$0x1F000] =	vst v63  }
0x67: {  	_ =	swait.ge [sflag:s21], $0x4000  }
0x68: {  	[sflag:s21] =	ssyncset.done $0x0  }
0x69: {  	[sflag:s21] =	ssyncadd.s32 $0xFFFFC000  }
0x6a: {  	[spmem:s9] =	stream.linear.scatter [tilespmem:s20], [sflag:$0x3], $0x4000, $0x38;
	[tilespmem:$0x1F000] =	vst v63  }
0x6b: {  	_ =	swait.ge [sflag:s21], $0x4000  }
0x6c: {  	[sflag:s21] =	ssyncset.done $0x0  }
0x6d: {  	[sflag:s21] =	ssyncadd.s32 $0xFFFFC000  }
0x6e: {  	s1 =	simm.s32 $0x0;
	[bflag:$0x0] =	sbarrier.arrive $0xFFFF  }
0x6f: {  	[tilespmem:s1], [sflag:$0x3] =	stream.linear.gather [hbm4b:s10+s1], $0x1800, $0x38;
	[tilespmem:$0x1F000] =	vst v63  }
0x70: {  	_ =	swait.ge [sflag:s21], $0x1800  }
0x71: {  	[sflag:s21] =	ssyncset.done $0x0  }
0x72: {  	[sflag:s21] =	ssyncadd.s32 $0xFFFFE800  }
0x73: {  	[tilespmem:s22], [sflag:$0x3] =	stream.linear.gather [hbm4b:s11+s1], $0x1800, $0x38;
	[tilespmem:$0x1F000] =	vst v63  }
0x74: {  	_ =	swait.ge [sflag:s21], $0x1800  }
0x75: {  	[sflag:s21] =	ssyncset.done $0x0  }
0x76: {  	[sflag:s21] =	ssyncadd.s32 $0xFFFFE800  }
0x77: {  	[tilespmem:s20], [sflag:$0x1] =	stream.indirect.gather [hbm4b:s2+s23], $0x80, s1, s23, $0xb8;
	[tilespmem:$0x1F000] =	vst v63  }
0x78: {  	_ = 	snop  }
0x79: {  	[tilespmem:s24], [sflag:$0x2] =	stream.indirect.gather [hbm4b:s2+s23], $0x80, s23, s23, $0xb8;
	[tilespmem:$0x1F000] =	vst v63  }
0x7a: {  	_ =	swait.ge [sflag:s25], $0x4000  }
0x7b: {  	[sflag:s25] =	ssyncset.done $0x0  }
0x7c: {  	s6 =	simm.s32 $0x1800;
	[sflag:s25] =	ssyncadd.s32 $0xFFFFC000  }
0x7d: {  	[spmem:s3] =	stream.indirect.scatter.add.f32 [tilespmem:s20], [sflag:$0x3], $0x80, s6, s23, $0xb8;
	[tilespmem:$0x1F000] =	vst v63  }
0x7e: {  	_ =	swait.ge [sflag:s21], $0x4000  }
0x7f: {  	[sflag:s21] =	ssyncset.done $0x0  }
0x80: {  	s29 =	simm.s32 $0x100;
	[sflag:s21] =	ssyncadd.s32 $0xFFFFC000  }
0x81: {  	[tilespmem:s20], [sflag:$0x1] =	stream.indirect.gather [hbm4b:s2+s23], $0x80, s29, s23, $0xb8;
	[tilespmem:$0x1F000] =	vst v63  }
0x82: {  	_ =	swait.ge [sflag:s26], $0x4000  }
0x83: {  	[sflag:s26] =	ssyncset.done $0x0  }
0x84: {  	s30 =	simm.s32 $0x1880;
	[sflag:s26] =	ssyncadd.s32 $0xFFFFC000  }
0x85: {  	[spmem:s3] =	stream.indirect.scatter.add.f32 [tilespmem:s24], [sflag:$0x3], $0x80, s30, s23, $0xb8;
	[tilespmem:$0x1F000] =	vst v63  }
0x86: {  	_ =	swait.ge [sflag:s21], $0x4000  }
0x87: {  	[sflag:s21] =	ssyncset.done $0x0  }
0x88: {  	s0 =	simm.s32 $0x180;
	s1 =	simm.s32 $0x400;
	[sflag:s21] =	ssyncadd.s32 $0xFFFFC000  }
.LBB2_4:
0x89: {  	[tilespmem:s24], [sflag:$0x2] =	stream.indirect.gather [hbm4b:s2+s23], $0x80, s0, s23, $0xb8;
	[tilespmem:$0x1F000] =	vst v63  }
0x8a: {  	s0 =	smov.u32 s1  }
0x8b: {  	p2 =	sne.s32 s1, $0x3400;
	s1 =	sadd.s32 $0x400, s1;
	_ =	swait.ge [sflag:s25], $0x4000  }
0x8c: {  	s0 =	sshra.s32 s0, $0x2;
	[sflag:s25] =	ssyncset.done $0x0  }
0x8d: {  	s29 =	sadd.s32 $0x1800, s0;
	[sflag:s25] =	ssyncadd.s32 $0xFFFFC000  }
0x8e: {  	[spmem:s3] =	stream.indirect.scatter.add.f32 [tilespmem:s20], [sflag:$0x3], $0x80, s29, s23, $0xb8;
	[tilespmem:$0x1F000] =	vst v63  }
0x8f: {  	_ =	swait.ge [sflag:s21], $0x4000  }
0x90: {  	[sflag:s21] =	ssyncset.done $0x0  }
0x91: {  	s29 =	sadd.s32 $0x100, s0;
	[sflag:s21] =	ssyncadd.s32 $0xFFFFC000  }
0x92: {  	[tilespmem:s20], [sflag:$0x1] =	stream.indirect.gather [hbm4b:s2+s23], $0x80, s29, s23, $0xb8;
	[tilespmem:$0x1F000] =	vst v63  }
0x93: {  	_ =	swait.ge [sflag:s26], $0x4000  }
0x94: {  	[sflag:s26] =	ssyncset.done $0x0  }
.Ltmp3:
0x95: {  	s29 =	sadd.s32 $0x1880, s0;
	[sflag:s26] =	ssyncadd.s32 $0xFFFFC000;
	(pc) =	sbr.rel @p2 .LBB2_4-.Ltmp3, $4  }
0x96: {  	[spmem:s3] =	stream.indirect.scatter.add.f32 [tilespmem:s24], [sflag:$0x3], $0x80, s29, s23, $0xb8;
	[tilespmem:$0x1F000] =	vst v63  }
0x97: {  	_ =	swait.ge [sflag:s21], $0x4000  }
0x98: {  	[sflag:s21] =	ssyncset.done $0x0  }
0x99: {  	s0 =	sadd.s32 $0x180, s0;
	[sflag:s21] =	ssyncadd.s32 $0xFFFFC000  }
0x9a: {  	[tilespmem:s24], [sflag:$0x2] =	stream.indirect.gather [hbm4b:s2+s23], $0x80, s0, s23, $0xb8;
	[tilespmem:$0x1F000] =	vst v63  }
0x9b: {  	_ =	swait.ge [sflag:s25], $0x4000  }
0x9c: {  	[sflag:s25] =	ssyncset.done $0x0  }
0x9d: {  	s6 =	simm.s32 $0x2600;
	[sflag:s25] =	ssyncadd.s32 $0xFFFFC000  }
0x9e: {  	[spmem:s3] =	stream.indirect.scatter.add.f32 [tilespmem:s20], [sflag:$0x3], $0x80, s6, s23, $0xb8;
	[tilespmem:$0x1F000] =	vst v63  }
0x9f: {  	_ =	swait.ge [sflag:s21], $0x4000  }
0xa0: {  	[sflag:s21] =	ssyncset.done $0x0  }
0xa1: {  	s1 =	simm.s32 $0xF00;
	s30 =	simm.s32 $0x2;
	[sflag:s21] =	ssyncadd.s32 $0xFFFFC000  }
0xa2: {  	[tilespmem:s20], [sflag:$0x1] =	stream.indirect.gather [hbm4b:s2+s23], $0x80, s1, s23, $0xb8;
	[tilespmem:$0x1F000] =	vst v63  }
0xa3: {  	_ =	swait.ge [sflag:s30], $0x4000  }
0xa4: {  	[sflag:s30] =	ssyncset.done $0x0  }
0xa5: {  	s6 =	simm.s32 $0x2680;
	[sflag:s30] =	ssyncadd.s32 $0xFFFFC000  }
0xa6: {  	[spmem:s3] =	stream.indirect.scatter.add.f32 [tilespmem:s24], [sflag:$0x3], $0x80, s6, s23, $0xb8;
	[tilespmem:$0x1F000] =	vst v63  }
0xa7: {  	_ =	swait.ge [sflag:s21], $0x4000  }
0xa8: {  	[sflag:s21] =	ssyncset.done $0x0  }
0xa9: {  	[sflag:s21] =	ssyncadd.s32 $0xFFFFC000  }
0xaa: {  	[tilespmem:s24], [sflag:$0x2] =	stream.indirect.gather [hbm4b:s2+s23], $0x80, s31, s23, $0xb8;
	[tilespmem:$0x1F000] =	vst v63  }
0xab: {  	_ =	swait.ge [sflag:s25], $0x4000  }
0xac: {  	[sflag:s25] =	ssyncset.done $0x0  }
0xad: {  	s1 =	simm.s32 $0x2700;
	[sflag:s25] =	ssyncadd.s32 $0xFFFFC000  }
0xae: {  	[spmem:s3] =	stream.indirect.scatter.add.f32 [tilespmem:s20], [sflag:$0x3], $0x80, s1, s23, $0xb8;
	[tilespmem:$0x1F000] =	vst v63  }
0xaf: {  	_ =	swait.ge [sflag:s21], $0x4000  }
0xb0: {  	[sflag:s21] =	ssyncset.done $0x0  }
0xb1: {  	[sflag:s21] =	ssyncadd.s32 $0xFFFFC000  }
0xb2: {  	[tilespmem:s20], [sflag:$0x1] =	stream.indirect.gather [hbm4b:s2+s23], $0x80, s31, s23, $0xb8;
	[tilespmem:$0x1F000] =	vst v63  }
0xb3: {  	_ =	swait.ge [sflag:s30], $0x4000  }
0xb4: {  	[sflag:s30] =	ssyncset.done $0x0  }
0xb5: {  	s6 =	simm.s32 $0x2780;
	[sflag:s30] =	ssyncadd.s32 $0xFFFFC000  }
0xb6: {  	[spmem:s3] =	stream.indirect.scatter.add.f32 [tilespmem:s24], [sflag:$0x3], $0x80, s6, s23, $0xb8;
	[tilespmem:$0x1F000] =	vst v63  }
0xb7: {  	_ =	swait.ge [sflag:s21], $0x4000  }
0xb8: {  	[sflag:s21] =	ssyncset.done $0x0  }
0xb9: {  	[sflag:s21] =	ssyncadd.s32 $0xFFFFC000  }
0xba: {  	[tilespmem:s24], [sflag:$0x2] =	stream.indirect.gather [hbm4b:s2+s23], $0x80, s31, s23, $0xb8;
	[tilespmem:$0x1F000] =	vst v63  }
0xbb: {  	_ =	swait.ge [sflag:s25], $0x4000  }
0xbc: {  	[sflag:s25] =	ssyncset.done $0x0  }
0xbd: {  	[sflag:s25] =	ssyncadd.s32 $0xFFFFC000  }
0xbe: {  	_ =	swait.ge [sflag:s30], $0x4000  }
0xbf: {  	[sflag:s30] =	ssyncset.done $0x0  }
0xc0: {  	[sflag:s30] =	ssyncadd.s32 $0xFFFFC000  }
0xc1: {  	[tilespmem:s4], [sflag:$0x3] =	stream.linear.gather [hbm4b:s12+s4], $0x1800, $0x38;
	[tilespmem:$0x1F000] =	vst v63  }
0xc2: {  	_ =	swait.ge [sflag:s21], $0x1800  }
0xc3: {  	[sflag:s21] =	ssyncset.done $0x0  }
0xc4: {  	[sflag:s21] =	ssyncadd.s32 $0xFFFFE800  }
0xc5: {  	[tilespmem:s22], [sflag:$0x3] =	stream.linear.gather [hbm4b:s13+s4], $0x1800, $0x38;
	[tilespmem:$0x1F000] =	vst v63  }
0xc6: {  	_ =	swait.ge [sflag:s21], $0x1800  }
.Ltmp4:
0xc7: {  	[sflag:s21] =	ssyncset.done $0x0;
	(pc) =	sbr.rel @p0 .LBB2_9-.Ltmp4, $4  }
0xc8: {  	[sflag:s21] =	ssyncadd.s32 $0xFFFFE800  }
0xc9: {  	[tilespmem:s20], [sflag:$0x1] =	stream.indirect.gather [hbm4b:s2+s23], $0x80, s4, s23, $0xb8;
	[tilespmem:$0x1F000] =	vst v63  }
0xca: {  	s29 =	simm.s32 $0x1880  }
0xcb: {  	[tilespmem:s24], [sflag:$0x2] =	stream.indirect.gather [hbm4b:s2+s23], $0x80, s23, s23, $0xb8;
	[tilespmem:$0x1F000] =	vst v63  }
0xcc: {  	_ =	swait.ge [sflag:s25], $0x4000  }
0xcd: {  	s0 =	sadd.s32 $0xFFFFFF80, s29;
	[sflag:s25] =	ssyncset.done $0x0  }
0xce: {  	p2 =	slt.s32 s30, s14;
	s1 =	smov.u32 s14;
	[sflag:s25] =	ssyncadd.s32 $0xFFFFC000  }
0xcf: {  	[spmem:s3] =	stream.indirect.scatter.add.f32 [tilespmem:s20], [sflag:$0x3], $0x80, s0, s23, $0xb8;
	[tilespmem:$0x1F000] =	vst v63  }
0xd0: {  	s1 =	smov.u32 @p2 s30;
	_ =	swait.ge [sflag:s21], $0x4000  }
0xd1: {  	s6 =	sshll.u32 s1, $0x9;
	[sflag:s21] =	ssyncset.done $0x0  }
0xd2: {  	p3 =	sne.s32 s19, $0x1;
	s0 =	sshra.s32 s6, $0x2;
	[sflag:s21] =	ssyncadd.s32 $0xFFFFC000  }
0xd3: {  	[tilespmem:s20], [sflag:$0x1] =	stream.indirect.gather [hbm4b:s2+s23], $0x80, s0, s23, $0xb8;
	[tilespmem:$0x1F000] =	vst v63  }
.Ltmp5:
0xd4: {  	s0 =	sadd.s32 $0x1, s30;
	_ =	swait.ge [sflag:s26], $0x4000;
	(pc) =	sbr.rel @!p3 .LBB2_8-.Ltmp5, $4  }
0xd5: {  	s6 =	smov.u32 s14;
	p2 =	slt.s32 s0, s14;
	[sflag:s26] =	ssyncset.done $0x0  }
0xd6: {  	s1 =	sadd.s32 $0xFFFFFFFF, s19;
	s6 =	smov.u32 @p2 s0;
	[sflag:s26] =	ssyncadd.s32 $0xFFFFC000  }
0xd7: {  	[spmem:s3] =	stream.indirect.scatter.add.f32 [tilespmem:s24], [sflag:$0x3], $0x80, s29, s23, $0xb8;
	[tilespmem:$0x1F000] =	vst v63  }
0xd8: {  	s30 =	sadd.s32 $0x2, s30;
	s0 =	sshll.u32 s6, $0x9;
	_ =	swait.ge [sflag:s21], $0x4000  }
.LBB2_7:
0xd9: {  	[sflag:s21] =	ssyncset.done $0x0  }
0xda: {  	s0 =	sshra.s32 s0, $0x2;
	s29 =	sadd.s32 $0x100, s29;
	p2 =	sne.s32 s1, $0x1  }
0xdb: {  	s1 =	sadd.s32 $0xFFFFFFFF, s1;
	p3 =	slt.s32 s30, s14;
	[sflag:s21] =	ssyncadd.s32 $0xFFFFC000  }
0xdc: {  	[tilespmem:s24], [sflag:$0x2] =	stream.indirect.gather [hbm4b:s2+s23], $0x80, s0, s23, $0xb8;
	[tilespmem:$0x1F000] =	vst v63  }
0xdd: {  	s6 =	smov.u32 s14;
	s0 =	sadd.s32 $0xFFFFFF80, s29;
	_ =	swait.ge [sflag:s25], $0x4000  }
0xde: {  	s6 =	smov.u32 @p3 s30;
	[sflag:s25] =	ssyncset.done $0x0  }
0xdf: {  	s6 =	sshll.u32 s6, $0x9;
	[sflag:s25] =	ssyncadd.s32 $0xFFFFC000  }
0xe0: {  	[spmem:s3] =	stream.indirect.scatter.add.f32 [tilespmem:s20], [sflag:$0x3], $0x80, s0, s23, $0xb8;
	[tilespmem:$0x1F000] =	vst v63  }
0xe1: {  	s0 =	sshra.s32 s6, $0x2;
	_ =	swait.ge [sflag:s21], $0x4000  }
0xe2: {  	[sflag:s21] =	ssyncset.done $0x0  }
0xe3: {  	[sflag:s21] =	ssyncadd.s32 $0xFFFFC000  }
0xe4: {  	[tilespmem:s20], [sflag:$0x1] =	stream.indirect.gather [hbm4b:s2+s23], $0x80, s0, s23, $0xb8;
	[tilespmem:$0x1F000] =	vst v63  }
.Ltmp6:
0xe5: {  	s0 =	sadd.s32 $0x1, s30;
	_ =	swait.ge [sflag:s26], $0x4000;
	(pc) =	sbr.rel @p2 .LBB2_7-.Ltmp6, $4  }
0xe6: {  	s6 =	smov.u32 s14;
	p3 =	slt.s32 s0, s14;
	[sflag:s26] =	ssyncset.done $0x0  }
0xe7: {  	s6 =	smov.u32 @p3 s0;
	[sflag:s26] =	ssyncadd.s32 $0xFFFFC000  }
0xe8: {  	[spmem:s3] =	stream.indirect.scatter.add.f32 [tilespmem:s24], [sflag:$0x3], $0x80, s29, s23, $0xb8;
	[tilespmem:$0x1F000] =	vst v63  }
0xe9: {  	s30 =	sadd.s32 $0x2, s30;
	s0 =	sshll.u32 s6, $0x9;
	_ =	swait.ge [sflag:s21], $0x4000  }
.Ltmp7:
0xea: {  	_ = 	snop;
	(pc) =	sbr.rel .LBB2_8-.Ltmp7, $1  }
0xeb: {  	_ =	sdelay $0x3  }
.LBB2_10:
0xec: {  	_ =	sfence.sel $0x180000  }
0xed: {  	[bflag:$0x0] =	sbarrier.arrive $0xFFFF  }
0xee: {  	_ =	strace $0x9000004D  }
0xef: {  	s0 =	stileid.u32;
	[bflag:$0x2] =	sbarrier.arrive $0xFFFF  }
0xf0: {  	p0 =	sne.s32 s0, $0x0;
	s0 =	rddreg [dreg:$0x3]  }
0xf1: {  	s0 =	sadd.s32 @!p0 $0x100000, s0  }
0xf2: {  	[sflag:s0] =	ssyncadd.tile.s32 @!p0 $0x1;
	_ =	shalt  }
.Lfunc_end2:
_tile_overlayer_lowered:
.L_overlay_start_2:
0xf3: {  	(tag) =	ssettag $0x2  }
0xf4: {  	s0 =	rddreg [dreg:$0x0];
	s2 =	stileid.u32  }
0xf5: {  	s1 =	rddreg [dreg:$0x1];
	p0 =	sne.s32 s2, $0x0  }
0xf6: {  	s3 =	rddreg [dreg:$0x2];
	[bflag:$0x3] =	sbarrier.arrive $0xFFFF;
	s2 =	simm.s32 @!p0 $0x1C03  }
0xf7: {  	[timem:s3], [sflag:s2] =	dma.local @!p0 [hbm:s0], s1  }
0xf8: {  	s0 =	simm.s32 @!p0 $0x3  }
0xf9: {  	_ =	swait.ge @!p0 [sflag:s0], s1  }
0xfa: {  	s1 =	ssub.s32 @!p0 $0x0, s1;
	[sflag:s0] =	ssyncset.done @!p0 $0x0  }
0xfb: {  	[sflag:s0] =	ssyncadd.s32 @!p0 s1  }
0xfc: {  	[bflag:$0x3] =	sbarrier.arrive $0xFFFF  }
0xfd: {  	_ =	shalt  }

// kernel: kernel.9.cloned.1.call-start
scs
__scs_entry_jumppad:
0x0: {  	(pc) =	sbr.rel $0x88, $3  }
0x1: {  	(tag) =	ssettag $0x0;
	lr =	simm.s32 $0x1  }
0x2: {  	[smem:$0x3F99] =	sst lr;
	_ =	strace $0xD0000000  }
0x3: {  	_ = 	snop  }
0x4: {  	_ = 	snop  }
0x5: {  	_ = 	snop  }
0x6: {  	_ = 	snop  }
0x7: {  	_ = 	snop  }
__scs_overlays_trampoline_lowered:
0x8: {  	[smem:$0x3FA8] =	sst s0  }
0x9: {  	[smem:$0x3FA9] =	sst s1  }
0xa: {  	[smem:$0x3FAA] =	sst s2  }
0xb: {  	[smem:$0x3FAB] =	sst s3  }
0xc: {  	[smem:$0x3FAC] =	sst s4  }
0xd: {  	[smem:$0x3FAD] =	sst s5  }
0xe: {  	[smem:$0x3FAE] =	sst s6  }
0xf: {  	[smem:$0x3FAF] =	sst s7  }
0x10: {  	[smem:$0x3FB0] =	sst s8  }
0x11: {  	[smem:$0x3FB1] =	sst s9;
	s0 =	simm.s32 @!p0 $0x0  }
0x12: {  	s1 =	sld [smem:$0x3F97];
	s0 =	simm.s32 @p0 $0x1  }
0x13: {  	[smem:$0x3FB2] =	sst s0;
	s0 =	simm.s32 @!p1 $0x0  }
0x14: {  	s2 =	sld [smem:$0x3F96];
	s0 =	simm.s32 @p1 $0x1  }
0x15: {  	[smem:$0x3FB3] =	sst s0;
	s0 =	simm.s32 @!p2 $0x0  }
0x16: {  	s3 =	sld [smem:$0x3FDB];
	s0 =	simm.s32 @p2 $0x1  }
0x17: {  	s4 =	simm.s32 $0x1BF5;
	[smem:$0x3FB5] =	sst s0  }
0x18: {  	s0 =	sld [smem:$0x3F98];
	_ =	swait.ge [sflag:s4], $0x0  }
0x19: {  	s7 =	sld [smem:$0x3F99]  }
0x1a: {  	s8 =	sadd.s32 $0xFFFFE003, lr  }
0x1b: {  	s9 =	sadd.s32 $0xFFFFFEF7, lr;
	s5 =	simm.s32 $0xFFFFFFFF;
	p2 =	slt.u32 s8, $0xFFFFF086  }
0x1c: {  	p1 =	slt.u32 s9, $0xF7A;
	s5 =	simm.s32 @!p2 $0x0  }
0x1d: {  	s5 =	simm.s32 @p1 $0x1;
	p0 =	seq.s32 s7, s2  }
0x1e: {  	s7 =	smul.u32 @!p0 $0xF7A, s2;
	p2 =	seq.s32 @!p0 s5, $0x0  }
0x1f: {  	s9 =	smul.u32 $0xF7A, s1;
	s8 =	simm.s32 @!p0 $0x1BF5;
	p2 =	por !p2, p0  }
0x20: {  	[sflag:s8] =	ssyncset.s32 @!p0 $0xFFFFF086;
	s6 =	sadd.s32 @!p0 s3, s7;
	s7 =	simm.s32 @!p0 $0x108  }
0x21: {  	s3 =	sadd.s32 s3, s9;
	s6 =	sadd.s32 @!p0 $0x88, s6;
	s7 =	simm.s32 @p2 $0x1082  }
0x22: {  	[simem:s7], [sflag:s8] =	dma.local @!p0 [hbm:s6], $0xF7A  }
0x23: {  	s9 =	sor.u32 $0xD0000000, s2;
	s6 =	simm.s32 $0x108;
	_ =	swait.ge @!p0 [sflag:s8], $0x0  }
0x24: {  	s3 =	sadd.s32 $0x88, s3;
	s6 =	simm.s32 @!p1 $0x1082;
	[sflag:s4] =	ssyncset.s32 $0xFFFFF086  }
0x25: {  	[simem:s6], [sflag:s4] =	dma.local [hbm:s3], $0xF7A  }
0x26: {  	[smem:$0x3F99] =	sst s1;
	(tag) =	ssettag s2;
	_ =	strace s9  }
0x27: {  	s1 =	sld [smem:$0x3FA9]  }
0x28: {  	s2 =	sld [smem:$0x3FAA]  }
0x29: {  	s4 =	sld [smem:$0x3FAC]  }
0x2a: {  	p0 =	seq.s32 s5, $0x0;
	s5 =	sld [smem:$0x3FAD]  }
0x2b: {  	s6 =	sld [smem:$0x3FAE]  }
0x2c: {  	s7 =	sld [smem:$0x3FAF]  }
0x2d: {  	s3 =	simm.s32 $0x108;
	s8 =	sld [smem:$0x3FB0]  }
0x2e: {  	s3 =	simm.s32 @!p0 $0x1082;
	s9 =	sld [smem:$0x3FB1]  }
0x2f: {  	lr =	sadd.s32 s0, s3;
	s0 =	sld [smem:$0x3FA8]  }
0x30: {  	s3 =	sld [smem:$0x3FAB]  }
0x31: {  	[smem:$0x3FB4] =	sst s10  }
0x32: {  	s10 =	sld [smem:$0x3FB2];
	_ =	sdelay $0x3  }
0x33: {  	p0 =	seq.s32 s10, $0x1;
	s10 =	sld [smem:$0x3FB4];
	_ =	sdelay $0x3  }
0x34: {  	[smem:$0x3FB4] =	sst s10  }
0x35: {  	s10 =	sld [smem:$0x3FB3];
	_ =	sdelay $0x3  }
0x36: {  	p1 =	seq.s32 s10, $0x1;
	s10 =	sld [smem:$0x3FB4];
	_ =	sdelay $0x3  }
0x37: {  	[smem:$0x3FB4] =	sst s10  }
0x38: {  	s10 =	sld [smem:$0x3FB5]  }
0x39: {  	_ = 	snop;
	(pc) =	sbr.ind lr, $3  }
0x3a: {  	_ = 	snop  }
0x3b: {  	_ = 	snop  }
0x3c: {  	p2 =	seq.s32 s10, $0x1;
	s10 =	sld [smem:$0x3FB4]  }
0x3d: {  	_ =	shalt  }
0x3e: {  	_ =	shalt  }
0x3f: {  	_ =	shalt  }
0x40: {  	_ =	shalt  }
0x41: {  	_ =	shalt  }
0x42: {  	_ =	shalt  }
0x43: {  	_ =	shalt  }
0x44: {  	_ =	shalt  }
0x45: {  	_ =	shalt  }
0x46: {  	_ =	shalt  }
0x47: {  	_ =	shalt  }
0x48: {  	_ =	shalt  }
0x49: {  	_ =	shalt  }
0x4a: {  	_ =	shalt  }
0x4b: {  	_ =	shalt  }
0x4c: {  	_ =	shalt  }
0x4d: {  	_ =	shalt  }
0x4e: {  	_ =	shalt  }
0x4f: {  	_ =	shalt  }
0x50: {  	_ =	shalt  }
0x51: {  	_ =	shalt  }
0x52: {  	_ =	shalt  }
0x53: {  	_ =	shalt  }
0x54: {  	_ =	shalt  }
0x55: {  	_ =	shalt  }
0x56: {  	_ =	shalt  }
0x57: {  	_ =	shalt  }
0x58: {  	_ =	shalt  }
0x59: {  	_ =	shalt  }
0x5a: {  	_ =	shalt  }
0x5b: {  	_ =	shalt  }
0x5c: {  	_ =	shalt  }
0x5d: {  	_ =	shalt  }
0x5e: {  	_ =	shalt  }
0x5f: {  	_ =	shalt  }
0x60: {  	_ =	shalt  }
0x61: {  	_ =	shalt  }
0x62: {  	_ =	shalt  }
0x63: {  	_ =	shalt  }
0x64: {  	_ =	shalt  }
0x65: {  	_ =	shalt  }
0x66: {  	_ =	shalt  }
0x67: {  	_ =	shalt  }
0x68: {  	_ =	shalt  }
0x69: {  	_ =	shalt  }
0x6a: {  	_ =	shalt  }
0x6b: {  	_ =	shalt  }
0x6c: {  	_ =	shalt  }
0x6d: {  	_ =	shalt  }
0x6e: {  	_ =	shalt  }
0x6f: {  	_ =	shalt  }
0x70: {  	_ =	shalt  }
0x71: {  	_ =	shalt  }
0x72: {  	_ =	shalt  }
0x73: {  	_ =	shalt  }
0x74: {  	_ =	shalt  }
0x75: {  	_ =	shalt  }
0x76: {  	_ =	shalt  }
0x77: {  	_ =	shalt  }
0x78: {  	_ =	shalt  }
0x79: {  	_ =	shalt  }
0x7a: {  	_ =	shalt  }
0x7b: {  	_ =	shalt  }
0x7c: {  	_ =	shalt  }
0x7d: {  	_ =	shalt  }
0x7e: {  	_ =	shalt  }
0x7f: {  	_ =	shalt  }
0x80: {  	_ =	shalt  }
0x81: {  	_ =	shalt  }
0x82: {  	_ =	shalt  }
0x83: {  	_ =	shalt  }
0x84: {  	_ =	shalt  }
0x85: {  	_ =	shalt  }
0x86: {  	_ =	shalt  }
0x87: {  	_ =	shalt  }
.Lfunc_end0:
.L_simem_size_0:
called_computation_lowered:
.L_overlay_start_0:
0x88: {  	s2 =	sld [smem:$0x3FD9]  }
0x89: {  	s3 =	sld [smem:$0x3FFE];
	_ =	sdelay $0x1  }
0x8a: {  	s1 =	srdreg.scid  }
0x8b: {  	s0 =	sand.u32 $0x1, s1  }
0x8c: {  	s14 =	sshll.u32 s0, $0xA;
	s2 =	sadd.s32 s3, s2  }
0x8d: {  	s2 =	sadd.s32 s2, s14  }
0x8e: {  	[smem:$0x3FC0] =	sst s2  }
0x8f: {  	_ = 	snop  }
0x90: {  	s2 =	sld [smem:$0x3FD0];
	_ =	sdelay $0x2  }
0x91: {  	s15 =	simm.s32 $0xA;
	s4 =	simm.s32 $0x10  }
0x92: {  	[smem:s4], [sflag:s15] =	dma.local [hbm:s2], $0x1  }
0x93: {  	_ =	swait.eq [sflag:s15], $0x1  }
0x94: {  	[sflag:s15] =	ssyncset.done $0x0  }
0x95: {  	s16 =	sld [smem:$0x10];
	[sflag:s15] =	ssyncadd.s32 $0xFFFFFFFF  }
0x96: {  	s17 =	sld [smem:$0x11];
	(tm) =	ssettm $0x1  }
0x97: {  	s18 =	sld [smem:$0x3FFB];
	_ =	sdelay $0x3  }
0x98: {  	_ =	strace s18  }
0x99: {  	s4 =	sld [smem:$0x3FFC];
	_ =	sdelay $0x3  }
0x9a: {  	_ =	strace s4  }
0x9b: {  	s4 =	sld [smem:$0x3FFD];
	_ =	sdelay $0x3  }
0x9c: {  	_ =	strace s4  }
0x9d: {  	_ =	strace $0x8FFFFFFF  }
0x9e: {  	s19 =	sld [smem:$0x3FDB];
	_ =	sdelay $0x1  }
0x9f: {  	s5 =	simm.s32 $_scs_section_size  }
0xa0: {  	s6 =	simm.s32 $_size__tile_overlayer_lowered;
	s7 =	simm.s32 $_tile_overlayer_lowered  }
0xa1: {  	s22 =	simm.s32 $0x1BFF;
	s21 =	sshll.u32 s7, $0x1;
	s4 =	sadd.s32 s5, s19  }
0xa2: {  	s8 =	simm.s32 $0x0;
	s20 =	sshll.u32 s6, $0x1;
	s6 =	sadd.s32 s21, s4  }
0xa3: {  	[timem:s8], [sflag:s22] =	dma.local [hbm:s6], s20  }
0xa4: {  	_ =	swait.ge [sflag:s22], s20  }
0xa5: {  	s5 =	ssub.s32 $0x0, s20;
	[sflag:s22] =	ssyncset.done $0x0  }
0xa6: {  	[sflag:s22] =	ssyncadd.s32 s5;
	_ =	sdelay $0x1  }
0xa7: {  	s23 =	simm.s32 $0x1B8B  }
0xa8: {  	_ =	swait.ge [sflag:s23], $0x1  }
0xa9: {  	[sflag:s23] =	ssyncset.done $0x0  }
0xaa: {  	s25 =	simm.s32 $0x1B8E;
	s24 =	sld [smem:$0x3FFE];
	[sflag:s23] =	ssyncadd.s32 $0xFFFFFFFF  }
0xab: {  	s26 =	simm.s32 $execute0_lowered;
	[smem:$0x3FD2] =	sst s25  }
0xac: {  	s6 =	sshll.u32 s26, $0x1;
	_ =	strace $0x80000046;
	[dreg:$0x1] =	wrdreg $0xFFFFFFFF  }
0xad: {  	s28 =	simm.s32 $_size_execute0_lowered;
	s4 =	sadd.s32 s4, s6;
	[dreg:$0x0] =	wrdreg $0x0  }
0xae: {  	s6 =	sshll.u32 s28, $0x1;
	[dreg:$0x2] =	wrdreg s4  }
0xaf: {  	[dreg:$0x3] =	wrdreg s6  }
0xb0: {  	[dreg:$0x4] =	wrdreg $0xC0  }
0xb1: {  	_ =	task [dreg:s8], $0x5FFFF  }
0xb2: {  	[dreg:$0x1] =	wrdreg $0xFFFFFFFF  }
0xb3: {  	[dreg:$0x0] =	wrdreg $0x60  }
0xb4: {  	[dreg:$0x2] =	wrdreg s24  }
0xb5: {  	[dreg:$0x3] =	wrdreg s17  }
0xb6: {  	[dreg:$0x4] =	wrdreg s16  }
0xb7: {  	[dreg:$0x5] =	wrdreg $0x30800  }
0xb8: {  	[dreg:$0x6] =	wrdreg $0x32F80  }
0xb9: {  	[dreg:$0x7] =	wrdreg $0x9  }
0xba: {  	_ =	task.clear_ibuf [dreg:s8], $0x8FFFF;
	_ =	strace $0x90000046  }
0xbb: {  	s29 =	simm.s32 $0x9;
	_ =	strace $0x80000048  }
0xbc: {  	_ =	swait.ge [sflag:s29], $0x1  }
0xbd: {  	[sflag:s29] =	ssyncadd.s32 $0xFFFFFFFF  }
0xbe: {  	_ =	strace $0x90000048  }
0xbf: {  	_ =	sfence  }
0xc0: {  	s30 =	sld [smem:$0x0];
	_ =	sdelay $0x2  }
0xc1: {  	s31 =	sshll.u32 s1, $0xD;
	s1 =	sshrl.u32 s1, $0x2  }
0xc2: {  	s3 =	sand.u32 $0x4000, s31;
	s1 =	sadd.s32 s1, s30  }
0xc3: {  	s0 =	sor.u32 s3, s0;
	s1 =	sshll.u32 s1, $0x11  }
0xc4: {  	s0 =	sor.u32 s1, s0  }
0xc5: {  	s0 =	sadd.s32 $0x8F2B, s0  }
0xc6: {  	[sflag:s0] =	ssyncadd.remote.s32 $0x1  }
0xc7: {  	_ =	sfence.sel $0xFFFF  }
0xc8: {  	[dreg:$0x0] =	wrdreg $0xFFFFFFFF;
	(pc) =	sbr.abs _section_cstart, $3  }
0xc9: {  	[dreg:$0x1] =	wrdreg $0xFFFFFFFF  }
0xca: {  	_ =	task.clear_ibuf [dreg:s8], $0x2FFFF;
	_ =	strace $0x9FFFFFFF  }
0xcb: {  	(tm) =	ssettm $0x7FFFFFFF  }
tec
execute0_lowered:
.L_overlay_start_1:
0x0: {  	(tag) =	ssettag $0x1  }
0x1: {  	s1 =	rddreg [dreg:$0x0]  }
0x2: {  	s2 =	srdreg.scid;
	s0 =	rddreg [dreg:$0x1]  }
0x3: {  	s12 =	stileid.u32;
	s13 =	rddreg [dreg:$0x2]  }
0x4: {  	s3 =	rddreg [dreg:$0x4];
	s4 =	simm.s32 $0x0;
	s17 =	simm.s32 $0x9  }
0x5: {  	s18 =	simm.s32 $0x1800;
	s19 =	simm.s32 $0x80;
	s20 =	simm.s32 $0x3000  }
0x6: {  	s21 =	simm.s32 $0x1;
	s22 =	simm.s32 $0x2;
	s28 =	simm.s32 $0x7  }
0x7: {  	s29 =	simm.s32 $0x8;
	s11 =	sand.u32 $0x1, s2;
	s2 =	rddreg [dreg:$0x3]  }
0x8: {  	s24 =	sshll.u32 s12, $0x1;
	[smem:$0x7FF] =	sst s4;
	s10 =	smul.u32 $0x270, s12  }
0x9: {  	p0 =	sne.s32 s12, $0x0;
	p3 =	seq.s32 s12, $0x1;
	s24 =	sor.u32 s11, s24  }
0xa: {  	_ =	strace $0x80000047;
	s25 =	ssub.s32 $0x2, s11;
	s15 =	smul.u32 $0x138, s11  }
0xb: {  	s11 =	sshll.u32 s11, $0x5;
	s16 =	sshrl.u32 @!p0 s3, $0x3;
	s5 =	smul.u32 $0x138, s24  }
0xc: {  	s9 =	sshrl.u32 s25, $0x1;
	s11 =	sadd.s32 s13, s11;
	p2 =	sne.s32 s24, $0x0  }
0xd: {  	s24 =	simm.s32 $0x4;
	s14 =	ssub.s32 s25, s9;
	s15 =	sadd.s32 s15, s10  }
0xe: {  	s9 =	sadd.s32 $0xC600, s1;
	s10 =	sadd.s32 $0x16280, s1;
	[dreg:$0x6] =	wrdreg s11  }
0xf: {  	s11 =	sadd.s32 $0x10, s11;
	s25 =	simm.s32 $0x5;
	s7 =	sshrl.u32 s5, $0x5  }
0x10: {  	s5 =	sadd.s32 $0x138, s5;
	s30 =	sadd.s32 $0x138, s15;
	s15 =	sshrl.u32 s15, $0x4  }
0x11: {  	[dreg:$0x7] =	wrdreg s11;
	s13 =	smax.u32 s14, $0x1;
	s6 =	sshll.u32 s7, $0x7  }
0x12: {  	s26 =	sshrl.u32 s5, $0x5;
	s31 =	sand.u32 $0x7FE, s15;
	s15 =	sshrl.u32 @!p0 s2, $0x3  }
.Ltmp0:
0x13: {  	s8 =	sadd.s32 s6, s1;
	s23 =	ssub.s32 s26, s7;
	(pc) =	sbr.rel .LBB2_1-.Ltmp0, $4  }
0x14: {  	s1 =	sshrl.u32 s30, $0x4;
	s26 =	simm.s32 $0x6;
	s5 =	sadd.s32 $0x2A00, s8  }
0x15: {  	s6 =	sadd.s32 $0xC680, s8;
	s7 =	sadd.s32 $0x2C00, s8;
	s1 =	sand.u32 $0xFFE, s1  }
0x16: {  	s8 =	sadd.s32 $0xC880, s8;
	p1 =	slt.s32 s23, $0x5;
	s1 =	ssub.s32 s1, s31  }
0x17: {  	v0 =	vimm.f32 $1.000000000e+00;
	s23 =	simm.s32 $0x3;
	s14 =	sadd.s32 $0xFFFFFFF8, s1;
	s1 =	simm.s32 $0x0  }
.LBB2_11:
0x18: {  	s11 =	sshrl.u32 s3, $0x3;
	s12 =	rddreg [dreg:$0x7];
	s30 =	simm.s32 $0x40  }
0x19: {  	s31 =	simm.s32 $0x10;
	s4 =	smov.u32 s0;
	s0 =	simm.s32 $0x1C49  }
0x1a: {  	[hbm:s12@s30], [sflag:s0] =	dma.strided [spmem:s11@s31], $0x4F0, s21, $0x10   }
0x1b: {  	s0 =	smov.u32 s4;
	s4 =	simm.s32 $0x0  }
.LBB2_12:
0x1c: {  	_ =	swait.ge [sflag:s17], $0x4F0  }
0x1d: {  	[sflag:s17] =	ssyncset.done $0x0  }
0x1e: {  	[sflag:s17] =	ssyncadd.s32 $0xFFFFFB10  }
.LBB2_13:
0x1f: {  	s1 =	sadd.s32 $0x1, s1  }
0x20: {  	p4 =	sne.s32 s1, s13  }
.Ltmp1:
0x21: {  	_ = 	snop;
	(pc) =	sbr.rel @!p4 .LBB2_14-.Ltmp1, $1  }
0x22: {  	_ =	sdelay $0x3  }
.LBB2_1:
0x23: {  	s12 =	simm.s32 @!p0 $0x1C09;
	s30 =	simm.s32 @!p0 $0x9  }
0x24: {  	[spmem:s15], [sflag:s12] =	dma.local @!p0 [hbm:s0], $0x4F0  }
0x25: {  	_ =	swait.ge @!p0 [sflag:s30], $0x4F0  }
0x26: {  	[sflag:s30] =	ssyncset.done @!p0 $0x0  }
0x27: {  	[sflag:s30] =	ssyncadd.s32 @!p0 $0xFFFFFB10  }
0x28: {  	[spmem:s16], [sflag:s12] =	dma.local @!p0 [hbm:s0], $0x4F0  }
0x29: {  	_ =	swait.ge @!p0 [sflag:s30], $0x4F0  }
0x2a: {  	[sflag:s30] =	ssyncset.done @!p0 $0x0  }
0x2b: {  	[sflag:s30] =	ssyncadd.s32 @!p0 $0xFFFFFB10  }
0x2c: {  	[tilespmem:$0x3000] =	vst v0  }
0x2d: {  	[tilespmem:$0x3010] =	vst v0  }
0x2e: {  	[tilespmem:$0x3020] =	vst v0  }
0x2f: {  	[tilespmem:$0x3030] =	vst v0  }
0x30: {  	[tilespmem:$0x3040] =	vst v0  }
0x31: {  	[tilespmem:$0x3050] =	vst v0  }
0x32: {  	[tilespmem:$0x3060] =	vst v0  }
0x33: {  	[tilespmem:$0x3070] =	vst v0  }
0x34: {  	[bflag:$0x0] =	sbarrier.arrive $0xFFFF  }
0x35: {  	[tilespmem:s4], [sflag:$0x9] =	stream.linear.gather [hbm4b:s5+s4], $0x1800, $0x38;
	[tilespmem:$0x3570] =	vst v63  }
0x36: {  	_ =	swait.ge [sflag:s17], $0x1800  }
0x37: {  	[sflag:s17] =	ssyncset.done $0x0  }
0x38: {  	[sflag:s17] =	ssyncadd.s32 $0xFFFFE800  }
0x39: {  	[tilespmem:s18], [sflag:$0x9] =	stream.linear.gather [hbm4b:s6+s4], $0x1800, $0x38;
	[tilespmem:$0x3570] =	vst v63  }
0x3a: {  	_ =	swait.ge [sflag:s17], $0x1800  }
0x3b: {  	[sflag:s17] =	ssyncset.done $0x0  }
0x3c: {  	s11 =	simm.s32 $0x0;
	[sflag:s17] =	ssyncadd.s32 $0xFFFFE800  }
0x3d: {  	[spmem:s2] =	stream.indirect.scatter.add.f32 [tilespmem:s20], [sflag:$0x1], $0x1, s11, s19, $0xb8;
	[tilespmem:$0x3570] =	vst v63  }
0x3e: {  	s31 =	simm.s32 $0x1800  }
0x3f: {  	[spmem:s3] =	stream.indirect.scatter.add.f32 [tilespmem:s20], [sflag:$0x2], $0x1, s31, s19, $0xb8;
	[tilespmem:$0x3570] =	vst v63  }
0x40: {  	s11 =	simm.s32 $0x80  }
0x41: {  	[spmem:s2] =	stream.indirect.scatter.add.f32 [tilespmem:s20], [sflag:$0x3], $0x1, s11, s19, $0xb8;
	[tilespmem:$0x3570] =	vst v63  }
0x42: {  	s31 =	simm.s32 $0x1880  }
0x43: {  	[spmem:s3] =	stream.indirect.scatter.add.f32 [tilespmem:s20], [sflag:$0x4], $0x1, s31, s19, $0xb8;
	[tilespmem:$0x3570] =	vst v63  }
0x44: {  	s11 =	simm.s32 $0x100  }
0x45: {  	[spmem:s2] =	stream.indirect.scatter.add.f32 [tilespmem:s20], [sflag:$0x5], $0x1, s11, s19, $0xb8;
	[tilespmem:$0x3570] =	vst v63  }
0x46: {  	s31 =	simm.s32 $0x1900  }
0x47: {  	[spmem:s3] =	stream.indirect.scatter.add.f32 [tilespmem:s20], [sflag:$0x6], $0x1, s31, s19, $0xb8;
	[tilespmem:$0x3570] =	vst v63  }
0x48: {  	s11 =	simm.s32 $0x180  }
0x49: {  	[spmem:s2] =	stream.indirect.scatter.add.f32 [tilespmem:s20], [sflag:$0x7], $0x1, s11, s19, $0xb8;
	[tilespmem:$0x3570] =	vst v63  }
0x4a: {  	s31 =	simm.s32 $0x1980  }
0x4b: {  	[spmem:s3] =	stream.indirect.scatter.add.f32 [tilespmem:s20], [sflag:$0x8], $0x1, s31, s19, $0xb8;
	[tilespmem:$0x3570] =	vst v63  }
0x4c: {  	_ =	swait.ge [sflag:s21], $0x80  }
0x4d: {  	[sflag:s21] =	ssyncset.done $0x0  }
0x4e: {  	[sflag:s21] =	ssyncadd.s32 $0xFFFFFF80  }
0x4f: {  	_ =	swait.ge [sflag:s22], $0x80  }
0x50: {  	[sflag:s22] =	ssyncset.done $0x0  }
0x51: {  	[sflag:s22] =	ssyncadd.s32 $0xFFFFFF80  }
0x52: {  	_ =	swait.ge [sflag:s23], $0x80  }
0x53: {  	[sflag:s23] =	ssyncset.done $0x0  }
0x54: {  	[sflag:s23] =	ssyncadd.s32 $0xFFFFFF80  }
0x55: {  	_ =	swait.ge [sflag:s24], $0x80  }
0x56: {  	[sflag:s24] =	ssyncset.done $0x0  }
0x57: {  	[sflag:s24] =	ssyncadd.s32 $0xFFFFFF80  }
0x58: {  	_ =	swait.ge [sflag:s25], $0x80  }
0x59: {  	[sflag:s25] =	ssyncset.done $0x0  }
0x5a: {  	[sflag:s25] =	ssyncadd.s32 $0xFFFFFF80  }
0x5b: {  	_ =	swait.ge [sflag:s26], $0x80  }
0x5c: {  	[sflag:s26] =	ssyncset.done $0x0  }
0x5d: {  	[sflag:s26] =	ssyncadd.s32 $0xFFFFFF80  }
0x5e: {  	_ =	swait.ge [sflag:s28], $0x80  }
0x5f: {  	[sflag:s28] =	ssyncset.done $0x0  }
0x60: {  	[sflag:s28] =	ssyncadd.s32 $0xFFFFFF80  }
0x61: {  	_ =	swait.ge [sflag:s29], $0x80  }
0x62: {  	s12 =	simm.s32 $0x800;
	s30 =	simm.s32 $0x1000;
	[sflag:s29] =	ssyncset.done $0x0  }
.LBB2_2:
0x63: {  	s11 =	sshra.s32 s12, $0x2  }
0x64: {  	[sflag:s29] =	ssyncadd.s32 $0xFFFFFF80;
	s12 =	smov.u32 s30;
	s31 =	sadd.s32 $0x800, s30  }
0x65: {  	[spmem:s2] =	stream.indirect.scatter.add.f32 [tilespmem:s20], [sflag:$0x1], $0x1, s11, s19, $0xb8;
	[tilespmem:$0x3570] =	vst v63  }
0x66: {  	p4 =	sne.s32 s30, $0x3800;
	s30 =	sadd.s32 $0x1800, s11  }
0x67: {  	[spmem:s3] =	stream.indirect.scatter.add.f32 [tilespmem:s20], [sflag:$0x2], $0x1, s30, s19, $0xb8;
	[tilespmem:$0x3570] =	vst v63  }
0x68: {  	s30 =	sadd.s32 $0x80, s11  }
0x69: {  	[spmem:s2] =	stream.indirect.scatter.add.f32 [tilespmem:s20], [sflag:$0x3], $0x1, s30, s19, $0xb8;
	[tilespmem:$0x3570] =	vst v63  }
0x6a: {  	s30 =	sadd.s32 $0x1880, s11  }
0x6b: {  	[spmem:s3] =	stream.indirect.scatter.add.f32 [tilespmem:s20], [sflag:$0x4], $0x1, s30, s19, $0xb8;
	[tilespmem:$0x3570] =	vst v63  }
0x6c: {  	s30 =	sadd.s32 $0x100, s11  }
0x6d: {  	[spmem:s2] =	stream.indirect.scatter.add.f32 [tilespmem:s20], [sflag:$0x5], $0x1, s30, s19, $0xb8;
	[tilespmem:$0x3570] =	vst v63  }
0x6e: {  	s30 =	sadd.s32 $0x1900, s11  }
0x6f: {  	[spmem:s3] =	stream.indirect.scatter.add.f32 [tilespmem:s20], [sflag:$0x6], $0x1, s30, s19, $0xb8;
	[tilespmem:$0x3570] =	vst v63  }
0x70: {  	s30 =	sadd.s32 $0x180, s11  }
0x71: {  	[spmem:s2] =	stream.indirect.scatter.add.f32 [tilespmem:s20], [sflag:$0x7], $0x1, s30, s19, $0xb8;
	[tilespmem:$0x3570] =	vst v63  }
0x72: {  	s11 =	sadd.s32 $0x1980, s11  }
0x73: {  	[spmem:s3] =	stream.indirect.scatter.add.f32 [tilespmem:s20], [sflag:$0x8], $0x1, s11, s19, $0xb8;
	[tilespmem:$0x3570] =	vst v63  }
0x74: {  	_ =	swait.ge [sflag:s21], $0x80  }
0x75: {  	[sflag:s21] =	ssyncset.done $0x0  }
0x76: {  	[sflag:s21] =	ssyncadd.s32 $0xFFFFFF80  }
0x77: {  	_ =	swait.ge [sflag:s22], $0x80  }
0x78: {  	[sflag:s22] =	ssyncset.done $0x0  }
0x79: {  	[sflag:s22] =	ssyncadd.s32 $0xFFFFFF80  }
0x7a: {  	_ =	swait.ge [sflag:s23], $0x80  }
0x7b: {  	[sflag:s23] =	ssyncset.done $0x0  }
0x7c: {  	[sflag:s23] =	ssyncadd.s32 $0xFFFFFF80  }
0x7d: {  	_ =	swait.ge [sflag:s24], $0x80  }
0x7e: {  	[sflag:s24] =	ssyncset.done $0x0  }
0x7f: {  	[sflag:s24] =	ssyncadd.s32 $0xFFFFFF80  }
0x80: {  	_ =	swait.ge [sflag:s25], $0x80  }
0x81: {  	[sflag:s25] =	ssyncset.done $0x0  }
0x82: {  	[sflag:s25] =	ssyncadd.s32 $0xFFFFFF80  }
0x83: {  	_ =	swait.ge [sflag:s26], $0x80  }
0x84: {  	[sflag:s26] =	ssyncset.done $0x0  }
0x85: {  	[sflag:s26] =	ssyncadd.s32 $0xFFFFFF80  }
.Ltmp2:
0x86: {  	_ =	swait.ge [sflag:s28], $0x80;
	(pc) =	sbr.rel @p4 .LBB2_2-.Ltmp2, $4  }
0x87: {  	[sflag:s28] =	ssyncset.done $0x0  }
0x88: {  	[sflag:s28] =	ssyncadd.s32 $0xFFFFFF80  }
0x89: {  	_ =	swait.ge [sflag:s29], $0x80  }
0x8a: {  	s30 =	smov.u32 s31;
	[sflag:s29] =	ssyncset.done $0x0  }
0x8b: {  	s11 =	sshra.s32 s12, $0x2;
	[sflag:s29] =	ssyncadd.s32 $0xFFFFFF80  }
0x8c: {  	[spmem:s2] =	stream.indirect.scatter.add.f32 [tilespmem:s20], [sflag:$0x1], $0x1, s11, s19, $0xb8;
	[tilespmem:$0x3570] =	vst v63  }
0x8d: {  	s12 =	sadd.s32 $0x1800, s11  }
0x8e: {  	[spmem:s3] =	stream.indirect.scatter.add.f32 [tilespmem:s20], [sflag:$0x2], $0x1, s12, s19, $0xb8;
	[tilespmem:$0x3570] =	vst v63  }
0x8f: {  	s31 =	sadd.s32 $0x80, s11  }
0x90: {  	[spmem:s2] =	stream.indirect.scatter.add.f32 [tilespmem:s20], [sflag:$0x3], $0x1, s31, s19, $0xb8;
	[tilespmem:$0x3570] =	vst v63  }
0x91: {  	s31 =	sadd.s32 $0x1880, s11  }
0x92: {  	[spmem:s3] =	stream.indirect.scatter.add.f32 [tilespmem:s20], [sflag:$0x4], $0x1, s31, s19, $0xb8;
	[tilespmem:$0x3570] =	vst v63  }
0x93: {  	s31 =	sadd.s32 $0x100, s11  }
0x94: {  	[spmem:s2] =	stream.indirect.scatter.add.f32 [tilespmem:s20], [sflag:$0x5], $0x1, s31, s19, $0xb8;
	[tilespmem:$0x3570] =	vst v63  }
0x95: {  	s31 =	sadd.s32 $0x1900, s11  }
0x96: {  	[spmem:s3] =	stream.indirect.scatter.add.f32 [tilespmem:s20], [sflag:$0x6], $0x1, s31, s19, $0xb8;
	[tilespmem:$0x3570] =	vst v63  }
0x97: {  	s31 =	sadd.s32 $0x180, s11  }
0x98: {  	[spmem:s2] =	stream.indirect.scatter.add.f32 [tilespmem:s20], [sflag:$0x7], $0x1, s31, s19, $0xb8;
	[tilespmem:$0x3570] =	vst v63  }
0x99: {  	s11 =	sadd.s32 $0x1980, s11  }
0x9a: {  	[spmem:s3] =	stream.indirect.scatter.add.f32 [tilespmem:s20], [sflag:$0x8], $0x1, s11, s19, $0xb8;
	[tilespmem:$0x3570] =	vst v63  }
0x9b: {  	_ =	swait.ge [sflag:s21], $0x80  }
0x9c: {  	[sflag:s21] =	ssyncset.done $0x0  }
0x9d: {  	[sflag:s21] =	ssyncadd.s32 $0xFFFFFF80  }
0x9e: {  	_ =	swait.ge [sflag:s22], $0x80  }
0x9f: {  	[sflag:s22] =	ssyncset.done $0x0  }
0xa0: {  	[sflag:s22] =	ssyncadd.s32 $0xFFFFFF80  }
0xa1: {  	_ =	swait.ge [sflag:s23], $0x80  }
0xa2: {  	[sflag:s23] =	ssyncset.done $0x0  }
0xa3: {  	[sflag:s23] =	ssyncadd.s32 $0xFFFFFF80  }
0xa4: {  	_ =	swait.ge [sflag:s24], $0x80  }
0xa5: {  	[sflag:s24] =	ssyncset.done $0x0  }
0xa6: {  	[sflag:s24] =	ssyncadd.s32 $0xFFFFFF80  }
0xa7: {  	_ =	swait.ge [sflag:s25], $0x80  }
0xa8: {  	[sflag:s25] =	ssyncset.done $0x0  }
0xa9: {  	[sflag:s25] =	ssyncadd.s32 $0xFFFFFF80  }
0xaa: {  	_ =	swait.ge [sflag:s26], $0x80  }
0xab: {  	[sflag:s26] =	ssyncset.done $0x0  }
0xac: {  	[sflag:s26] =	ssyncadd.s32 $0xFFFFFF80  }
0xad: {  	_ =	swait.ge [sflag:s28], $0x80  }
0xae: {  	[sflag:s28] =	ssyncset.done $0x0  }
0xaf: {  	[sflag:s28] =	ssyncadd.s32 $0xFFFFFF80  }
0xb0: {  	_ =	swait.ge [sflag:s29], $0x80  }
0xb1: {  	[sflag:s29] =	ssyncset.done $0x0  }
0xb2: {  	s30 =	simm.s32 $0x0;
	[sflag:s29] =	ssyncadd.s32 $0xFFFFFF80  }
0xb3: {  	[tilespmem:s30], [sflag:$0x9] =	stream.linear.gather [hbm4b:s7+s30], $0x1800, $0x38;
	[tilespmem:$0x3570] =	vst v63  }
0xb4: {  	_ =	swait.ge [sflag:s17], $0x1800  }
0xb5: {  	[sflag:s17] =	ssyncset.done $0x0  }
.Ltmp3:
0xb6: {  	[sflag:s17] =	ssyncadd.s32 $0xFFFFE800;
	(pc) =	sbr.rel @p1 .LBB2_8-.Ltmp3, $4  }
0xb7: {  	[tilespmem:s18], [sflag:$0x9] =	stream.linear.gather [hbm4b:s8+s30], $0x1800, $0x38;
	[tilespmem:$0x3570] =	vst v63  }
0xb8: {  	_ =	swait.ge [sflag:s17], $0x1800  }
0xb9: {  	[sflag:s17] =	ssyncset.done $0x0  }
0xba: {  	[sflag:s17] =	ssyncadd.s32 $0xFFFFE800  }
0xbb: {  	p5 =	sne.s32 s14, $0x1  }
.Ltmp4:
0xbc: {  	_ = 	snop;
	(pc) =	sbr.rel @!p5 .LBB2_7-.Ltmp4, $2  }
0xbd: {  	_ =	sdelay $0x2  }
0xbe: {  	s12 =	sadd.s32 $0xFFFFFFFF, s14;
	p4 =	por $0x0, $0x0  }
0xbf: {  	s11 =	sshra.s32 s30, $0x2  }
0xc0: {  	[spmem:s2] =	stream.indirect.scatter.add.f32 [tilespmem:s20], [sflag:$0x1], $0x1, s11, s19, $0xb8;
	[tilespmem:$0x3570] =	vst v63  }
0xc1: {  	s31 =	sadd.s32 $0x1800, s11  }
0xc2: {  	[spmem:s3] =	stream.indirect.scatter.add.f32 [tilespmem:s20], [sflag:$0x2], $0x1, s31, s19, $0xb8;
	[tilespmem:$0x3570] =	vst v63  }
0xc3: {  	s31 =	sadd.s32 $0x80, s11  }
0xc4: {  	[spmem:s2] =	stream.indirect.scatter.add.f32 [tilespmem:s20], [sflag:$0x3], $0x1, s31, s19, $0xb8;
	[tilespmem:$0x3570] =	vst v63  }
0xc5: {  	s31 =	sadd.s32 $0x1880, s11  }
0xc6: {  	[spmem:s3] =	stream.indirect.scatter.add.f32 [tilespmem:s20], [sflag:$0x4], $0x1, s31, s19, $0xb8;
	[tilespmem:$0x3570] =	vst v63  }
0xc7: {  	s31 =	sadd.s32 $0x100, s11  }
0xc8: {  	[spmem:s2] =	stream.indirect.scatter.add.f32 [tilespmem:s20], [sflag:$0x5], $0x1, s31, s19, $0xb8;
	[tilespmem:$0x3570] =	vst v63  }
0xc9: {  	s31 =	sadd.s32 $0x1900, s11  }
0xca: {  	[spmem:s3] =	stream.indirect.scatter.add.f32 [tilespmem:s20], [sflag:$0x6], $0x1, s31, s19, $0xb8;
	[tilespmem:$0x3570] =	vst v63  }
0xcb: {  	s31 =	sadd.s32 $0x180, s11  }
0xcc: {  	[spmem:s2] =	stream.indirect.scatter.add.f32 [tilespmem:s20], [sflag:$0x7], $0x1, s31, s19, $0xb8;
	[tilespmem:$0x3570] =	vst v63  }
0xcd: {  	s11 =	sadd.s32 $0x1980, s11  }
0xce: {  	[spmem:s3] =	stream.indirect.scatter.add.f32 [tilespmem:s20], [sflag:$0x8], $0x1, s11, s19, $0xb8;
	[tilespmem:$0x3570] =	vst v63  }
0xcf: {  	_ =	swait.ge [sflag:s21], $0x80  }
0xd0: {  	[sflag:s21] =	ssyncset.done $0x0  }
0xd1: {  	[sflag:s21] =	ssyncadd.s32 $0xFFFFFF80  }
0xd2: {  	_ =	swait.ge [sflag:s22], $0x80  }
0xd3: {  	[sflag:s22] =	ssyncset.done $0x0  }
0xd4: {  	[sflag:s22] =	ssyncadd.s32 $0xFFFFFF80  }
0xd5: {  	_ =	swait.ge [sflag:s23], $0x80  }
0xd6: {  	[sflag:s23] =	ssyncset.done $0x0  }
0xd7: {  	[sflag:s23] =	ssyncadd.s32 $0xFFFFFF80  }
0xd8: {  	_ =	swait.ge [sflag:s24], $0x80  }
0xd9: {  	[sflag:s24] =	ssyncset.done $0x0  }
0xda: {  	[sflag:s24] =	ssyncadd.s32 $0xFFFFFF80  }
0xdb: {  	_ =	swait.ge [sflag:s25], $0x80  }
0xdc: {  	[sflag:s25] =	ssyncset.done $0x0  }
0xdd: {  	[sflag:s25] =	ssyncadd.s32 $0xFFFFFF80  }
0xde: {  	_ =	swait.ge [sflag:s26], $0x80  }
0xdf: {  	[sflag:s26] =	ssyncset.done $0x0  }
0xe0: {  	p5 =	sne.s32 s12, $0x1;
	[sflag:s26] =	ssyncadd.s32 $0xFFFFFF80  }
.Ltmp5:
0xe1: {  	_ =	swait.ge [sflag:s28], $0x80;
	(pc) =	sbr.rel @!p5 .LBB2_7-.Ltmp5, $4  }
0xe2: {  	[sflag:s28] =	ssyncset.done $0x0  }
0xe3: {  	[sflag:s28] =	ssyncadd.s32 $0xFFFFFF80  }
0xe4: {  	s12 =	sadd.s32 $0xFFFFFFFF, s12;
	_ =	swait.ge [sflag:s29], $0x80  }
0xe5: {  	s30 =	sadd.s32 $0x800, s30;
	p4 =	por $0x1, $0x1;
	[sflag:s29] =	ssyncset.done $0x0  }
.LBB2_6:
0xe6: {  	p5 =	sne.s32 s12, $0x1;
	s11 =	sshra.s32 s30, $0x2;
	[sflag:s29] =	ssyncadd.s32 $0xFFFFFF80  }
0xe7: {  	[spmem:s2] =	stream.indirect.scatter.add.f32 [tilespmem:s20], [sflag:$0x1], $0x1, s11, s19, $0xb8;
	[tilespmem:$0x3570] =	vst v63  }
0xe8: {  	s12 =	sadd.s32 $0xFFFFFFFF, s12;
	s31 =	sadd.s32 $0x1800, s11  }
0xe9: {  	[spmem:s3] =	stream.indirect.scatter.add.f32 [tilespmem:s20], [sflag:$0x2], $0x1, s31, s19, $0xb8;
	[tilespmem:$0x3570] =	vst v63  }
0xea: {  	s31 =	sadd.s32 $0x80, s11  }
0xeb: {  	[spmem:s2] =	stream.indirect.scatter.add.f32 [tilespmem:s20], [sflag:$0x3], $0x1, s31, s19, $0xb8;
	[tilespmem:$0x3570] =	vst v63  }
0xec: {  	s31 =	sadd.s32 $0x1880, s11  }
0xed: {  	[spmem:s3] =	stream.indirect.scatter.add.f32 [tilespmem:s20], [sflag:$0x4], $0x1, s31, s19, $0xb8;
	[tilespmem:$0x3570] =	vst v63  }
0xee: {  	s31 =	sadd.s32 $0x100, s11  }
0xef: {  	[spmem:s2] =	stream.indirect.scatter.add.f32 [tilespmem:s20], [sflag:$0x5], $0x1, s31, s19, $0xb8;
	[tilespmem:$0x3570] =	vst v63  }
0xf0: {  	s31 =	sadd.s32 $0x1900, s11  }
0xf1: {  	[spmem:s3] =	stream.indirect.scatter.add.f32 [tilespmem:s20], [sflag:$0x6], $0x1, s31, s19, $0xb8;
	[tilespmem:$0x3570] =	vst v63  }
0xf2: {  	s31 =	sadd.s32 $0x180, s11  }
0xf3: {  	[spmem:s2] =	stream.indirect.scatter.add.f32 [tilespmem:s20], [sflag:$0x7], $0x1, s31, s19, $0xb8;
	[tilespmem:$0x3570] =	vst v63  }
0xf4: {  	s11 =	sadd.s32 $0x1980, s11  }
0xf5: {  	[spmem:s3] =	stream.indirect.scatter.add.f32 [tilespmem:s20], [sflag:$0x8], $0x1, s11, s19, $0xb8;
	[tilespmem:$0x3570] =	vst v63  }
0xf6: {  	_ =	swait.ge [sflag:s21], $0x80  }
0xf7: {  	[sflag:s21] =	ssyncset.done $0x0  }
0xf8: {  	[sflag:s21] =	ssyncadd.s32 $0xFFFFFF80  }
0xf9: {  	_ =	swait.ge [sflag:s22], $0x80  }
0xfa: {  	[sflag:s22] =	ssyncset.done $0x0  }
0xfb: {  	[sflag:s22] =	ssyncadd.s32 $0xFFFFFF80  }
0xfc: {  	_ =	swait.ge [sflag:s23], $0x80  }
0xfd: {  	[sflag:s23] =	ssyncset.done $0x0  }
0xfe: {  	[sflag:s23] =	ssyncadd.s32 $0xFFFFFF80  }
0xff: {  	_ =	swait.ge [sflag:s24], $0x80  }
0x100: {  	[sflag:s24] =	ssyncset.done $0x0  }
0x101: {  	[sflag:s24] =	ssyncadd.s32 $0xFFFFFF80  }
0x102: {  	_ =	swait.ge [sflag:s25], $0x80  }
0x103: {  	[sflag:s25] =	ssyncset.done $0x0  }
0x104: {  	[sflag:s25] =	ssyncadd.s32 $0xFFFFFF80  }
0x105: {  	_ =	swait.ge [sflag:s26], $0x80  }
0x106: {  	[sflag:s26] =	ssyncset.done $0x0  }
0x107: {  	[sflag:s26] =	ssyncadd.s32 $0xFFFFFF80  }
.Ltmp6:
0x108: {  	_ =	swait.ge [sflag:s28], $0x80;
	(pc) =	sbr.rel @p5 .LBB2_6-.Ltmp6, $4  }
0x109: {  	[sflag:s28] =	ssyncset.done $0x0  }
0x10a: {  	[sflag:s28] =	ssyncadd.s32 $0xFFFFFF80  }
0x10b: {  	_ =	swait.ge [sflag:s29], $0x80  }
0x10c: {  	s30 =	sadd.s32 $0x800, s30;
	[sflag:s29] =	ssyncset.done $0x0  }
.LBB2_7:
0x10d: {  	s11 =	sshra.s32 s30, $0x2;
	[sflag:s29] =	ssyncadd.s32 @p4 $0xFFFFFF80  }
0x10e: {  	[spmem:s2] =	stream.indirect.scatter.add.f32 [tilespmem:s20], [sflag:$0x1], $0x1, s11, s19, $0xb8;
	[tilespmem:$0x3570] =	vst v63  }
0x10f: {  	s12 =	sadd.s32 $0x1800, s11  }
0x110: {  	[spmem:s3] =	stream.indirect.scatter.add.f32 [tilespmem:s20], [sflag:$0x2], $0x1, s12, s19, $0xb8;
	[tilespmem:$0x3570] =	vst v63  }
0x111: {  	s31 =	sadd.s32 $0x80, s11  }
0x112: {  	[spmem:s2] =	stream.indirect.scatter.add.f32 [tilespmem:s20], [sflag:$0x3], $0x1, s31, s19, $0xb8;
	[tilespmem:$0x3570] =	vst v63  }
0x113: {  	s30 =	sadd.s32 $0x1880, s11  }
0x114: {  	[spmem:s3] =	stream.indirect.scatter.add.f32 [tilespmem:s20], [sflag:$0x4], $0x1, s30, s19, $0xb8;
	[tilespmem:$0x3570] =	vst v63  }
0x115: {  	s31 =	sadd.s32 $0x100, s11  }
0x116: {  	[spmem:s2] =	stream.indirect.scatter.add.f32 [tilespmem:s20], [sflag:$0x5], $0x1, s31, s19, $0xb8;
	[tilespmem:$0x3570] =	vst v63  }
0x117: {  	s30 =	sadd.s32 $0x1900, s11  }
0x118: {  	[spmem:s3] =	stream.indirect.scatter.add.f32 [tilespmem:s20], [sflag:$0x6], $0x1, s30, s19, $0xb8;
	[tilespmem:$0x3570] =	vst v63  }
0x119: {  	s31 =	sadd.s32 $0x180, s11  }
0x11a: {  	[spmem:s2] =	stream.indirect.scatter.add.f32 [tilespmem:s20], [sflag:$0x7], $0x1, s31, s19, $0xb8;
	[tilespmem:$0x3570] =	vst v63  }
0x11b: {  	s11 =	sadd.s32 $0x1980, s11  }
0x11c: {  	[spmem:s3] =	stream.indirect.scatter.add.f32 [tilespmem:s20], [sflag:$0x8], $0x1, s11, s19, $0xb8;
	[tilespmem:$0x3570] =	vst v63  }
0x11d: {  	_ =	swait.ge [sflag:s21], $0x80  }
0x11e: {  	[sflag:s21] =	ssyncset.done $0x0  }
0x11f: {  	[sflag:s21] =	ssyncadd.s32 $0xFFFFFF80  }
0x120: {  	_ =	swait.ge [sflag:s22], $0x80  }
0x121: {  	[sflag:s22] =	ssyncset.done $0x0  }
0x122: {  	[sflag:s22] =	ssyncadd.s32 $0xFFFFFF80  }
0x123: {  	_ =	swait.ge [sflag:s23], $0x80  }
0x124: {  	[sflag:s23] =	ssyncset.done $0x0  }
0x125: {  	[sflag:s23] =	ssyncadd.s32 $0xFFFFFF80  }
0x126: {  	_ =	swait.ge [sflag:s24], $0x80  }
0x127: {  	[sflag:s24] =	ssyncset.done $0x0  }
0x128: {  	[sflag:s24] =	ssyncadd.s32 $0xFFFFFF80  }
0x129: {  	_ =	swait.ge [sflag:s25], $0x80  }
0x12a: {  	[sflag:s25] =	ssyncset.done $0x0  }
0x12b: {  	[sflag:s25] =	ssyncadd.s32 $0xFFFFFF80  }
0x12c: {  	_ =	swait.ge [sflag:s26], $0x80  }
0x12d: {  	[sflag:s26] =	ssyncset.done $0x0  }
0x12e: {  	[sflag:s26] =	ssyncadd.s32 $0xFFFFFF80  }
0x12f: {  	_ =	swait.ge [sflag:s28], $0x80  }
0x130: {  	[sflag:s28] =	ssyncset.done $0x0  }
0x131: {  	[sflag:s28] =	ssyncadd.s32 $0xFFFFFF80  }
0x132: {  	_ =	swait.ge [sflag:s29], $0x80  }
0x133: {  	[sflag:s29] =	ssyncset.done $0x0  }
0x134: {  	[sflag:s29] =	ssyncadd.s32 $0xFFFFFF80  }
.LBB2_8:
0x135: {  	s11 =	simm.s32 @!p2 $0x0;
	s12 =	simm.s32 @!p2 $0x9  }
0x136: {  	[tilespmem:s11], [sflag:$0x9] =	stream.linear.gather @!p2 [hbm4b:s9+s11], $0x200, $0x38;
	[tilespmem:$0x3570] =	vst v63  }
0x137: {  	_ =	swait.ge @!p2 [sflag:s12], $0x200  }
0x138: {  	[sflag:s12] =	ssyncset.done @!p2 $0x0  }
0x139: {  	s30 =	simm.s32 @!p2 $0x1800;
	[sflag:s12] =	ssyncadd.s32 @!p2 $0xFFFFFE00  }
0x13a: {  	[tilespmem:s30], [sflag:$0x9] =	stream.linear.gather @!p2 [hbm4b:s10+s11], $0x200, $0x38;
	[tilespmem:$0x3570] =	vst v63  }
0x13b: {  	_ =	swait.ge @!p2 [sflag:s12], $0x200  }
0x13c: {  	[sflag:s12] =	ssyncset.done @!p2 $0x0  }
0x13d: {  	s31 =	simm.s32 @!p2 $0x3000;
	[sflag:s12] =	ssyncadd.s32 @!p2 $0xFFFFFE00;
	s12 =	simm.s32 @!p2 $0x80  }
0x13e: {  	[spmem:s2] =	stream.indirect.scatter.add.f32 @!p2 [tilespmem:s31], [sflag:$0x1], $0x1, s11, s12, $0xb8;
	[tilespmem:$0x3570] =	vst v63  }
0x13f: {  	_ = 	snop  }
0x140: {  	[spmem:s3] =	stream.indirect.scatter.add.f32 @!p2 [tilespmem:s31], [sflag:$0x2], $0x1, s30, s12, $0xb8;
	[tilespmem:$0x3570] =	vst v63  }
0x141: {  	_ = 	snop  }
0x142: {  	[spmem:s2] =	stream.indirect.scatter.add.f32 @!p2 [tilespmem:s31], [sflag:$0x3], $0x1, s12, s12, $0xb8;
	[tilespmem:$0x3570] =	vst v63  }
0x143: {  	s11 =	simm.s32 @!p2 $0x1880  }
0x144: {  	[spmem:s3] =	stream.indirect.scatter.add.f32 @!p2 [tilespmem:s31], [sflag:$0x4], $0x1, s11, s12, $0xb8;
	[tilespmem:$0x3570] =	vst v63  }
0x145: {  	s11 =	simm.s32 @!p2 $0x100  }
0x146: {  	[spmem:s2] =	stream.indirect.scatter.add.f32 @!p2 [tilespmem:s31], [sflag:$0x5], $0x1, s11, s12, $0xb8;
	[tilespmem:$0x3570] =	vst v63  }
0x147: {  	s11 =	simm.s32 @!p2 $0x1900  }
0x148: {  	[spmem:s3] =	stream.indirect.scatter.add.f32 @!p2 [tilespmem:s31], [sflag:$0x6], $0x1, s11, s12, $0xb8;
	[tilespmem:$0x3570] =	vst v63  }
0x149: {  	s11 =	simm.s32 @!p2 $0x180  }
0x14a: {  	[spmem:s2] =	stream.indirect.scatter.add.f32 @!p2 [tilespmem:s31], [sflag:$0x7], $0x1, s11, s12, $0xb8;
	[tilespmem:$0x3570] =	vst v63  }
0x14b: {  	s11 =	simm.s32 @!p2 $0x1980  }
0x14c: {  	[spmem:s3] =	stream.indirect.scatter.add.f32 @!p2 [tilespmem:s31], [sflag:$0x8], $0x1, s11, s12, $0xb8;
	[tilespmem:$0x3570] =	vst v63  }
0x14d: {  	s11 =	simm.s32 @!p2 $0x1  }
0x14e: {  	_ =	swait.ge @!p2 [sflag:s11], $0x80  }
0x14f: {  	[sflag:s11] =	ssyncset.done @!p2 $0x0  }
0x150: {  	[sflag:s11] =	ssyncadd.s32 @!p2 $0xFFFFFF80;
	s11 =	simm.s32 @!p2 $0x2  }
0x151: {  	_ =	swait.ge @!p2 [sflag:s11], $0x80  }
0x152: {  	[sflag:s11] =	ssyncset.done @!p2 $0x0  }
0x153: {  	[sflag:s11] =	ssyncadd.s32 @!p2 $0xFFFFFF80;
	s11 =	simm.s32 @!p2 $0x3  }
0x154: {  	_ =	swait.ge @!p2 [sflag:s11], $0x80  }
0x155: {  	[sflag:s11] =	ssyncset.done @!p2 $0x0  }
0x156: {  	[sflag:s11] =	ssyncadd.s32 @!p2 $0xFFFFFF80;
	s11 =	simm.s32 @!p2 $0x4  }
0x157: {  	_ =	swait.ge @!p2 [sflag:s11], $0x80  }
0x158: {  	[sflag:s11] =	ssyncset.done @!p2 $0x0  }
0x159: {  	[sflag:s11] =	ssyncadd.s32 @!p2 $0xFFFFFF80;
	s11 =	simm.s32 @!p2 $0x5  }
0x15a: {  	_ =	swait.ge @!p2 [sflag:s11], $0x80  }
0x15b: {  	[sflag:s11] =	ssyncset.done @!p2 $0x0  }
0x15c: {  	[sflag:s11] =	ssyncadd.s32 @!p2 $0xFFFFFF80;
	s11 =	simm.s32 @!p2 $0x6  }
0x15d: {  	_ =	swait.ge @!p2 [sflag:s11], $0x80  }
0x15e: {  	[sflag:s11] =	ssyncset.done @!p2 $0x0  }
0x15f: {  	[sflag:s11] =	ssyncadd.s32 @!p2 $0xFFFFFF80;
	s11 =	simm.s32 @!p2 $0x7  }
0x160: {  	_ =	swait.ge @!p2 [sflag:s11], $0x80  }
0x161: {  	[sflag:s11] =	ssyncset.done @!p2 $0x0  }
0x162: {  	[sflag:s11] =	ssyncadd.s32 @!p2 $0xFFFFFF80;
	s11 =	simm.s32 @!p2 $0x8  }
.Ltmp7:
0x163: {  	_ =	swait.ge @!p2 [sflag:s11], $0x80;
	(pc) =	sbr.rel @p3 .LBB2_11-.Ltmp7, $3  }
0x164: {  	[sflag:s11] =	ssyncset.done @!p2 $0x0  }
0x165: {  	[sflag:s11] =	ssyncadd.s32 @!p2 $0xFFFFFF80  }
0x166: {  	[bflag:$0x0] =	sbarrier.arrive $0xFFFF;
	_ =	sdelay $0x1  }
.Ltmp8:
0x167: {  	(pc) =	sbr.rel @p0 .LBB2_13-.Ltmp8, $1  }
0x168: {  	_ =	sdelay $0x3  }
0x169: {  	s11 =	sshrl.u32 s2, $0x3;
	s12 =	rddreg [dreg:$0x6];
	s30 =	simm.s32 $0x40  }
0x16a: {  	s31 =	simm.s32 $0x10;
	s18 =	smov.u32 s10;
	s10 =	smov.u32 s9  }
0x16b: {  	s9 =	smov.u32 s8;
	s8 =	smov.u32 s7;
	s7 =	smov.u32 s6  }
.Ltmp9:
0x16c: {  	s6 =	smov.u32 s5;
	s5 =	simm.s32 $0x1C09;
	(pc) =	sbr.rel .LBB2_12-.Ltmp9, $4  }
0x16d: {  	[hbm:s12@s30], [sflag:s5] =	dma.strided [spmem:s11@s31], $0x4F0, s21, $0x10   }
0x16e: {  	s5 =	smov.u32 s6  }
0x16f: {  	s6 =	smov.u32 s7;
	s7 =	smov.u32 s8;
	s8 =	smov.u32 s9  }
0x170: {  	s9 =	smov.u32 s10;
	s10 =	smov.u32 s18;
	s18 =	simm.s32 $0x1800  }
.LBB2_14:
0x171: {  	_ =	sfence.sel $0x180000  }
0x172: {  	[bflag:$0x0] =	sbarrier.arrive $0xFFFF  }
0x173: {  	_ =	strace $0x90000047  }
0x174: {  	[bflag:$0x2] =	sbarrier.arrive $0xFFFF  }
0x175: {  	s0 =	rddreg [dreg:$0x5]  }
0x176: {  	s0 =	sadd.s32 @!p0 $0x100000, s0  }
0x177: {  	[sflag:s0] =	ssyncadd.tile.s32 @!p0 $0x1;
	_ =	shalt  }
.Lfunc_end2:
_tile_overlayer_lowered:
.L_overlay_start_2:
0x178: {  	(tag) =	ssettag $0x2  }
0x179: {  	s0 =	rddreg [dreg:$0x0];
	s2 =	stileid.u32  }
0x17a: {  	s1 =	rddreg [dreg:$0x1];
	p0 =	sne.s32 s2, $0x0  }
0x17b: {  	s3 =	rddreg [dreg:$0x2];
	[bflag:$0x3] =	sbarrier.arrive $0xFFFF;
	s2 =	simm.s32 @!p0 $0x1C09  }
0x17c: {  	[timem:s3], [sflag:s2] =	dma.local @!p0 [hbm:s0], s1  }
0x17d: {  	s0 =	simm.s32 @!p0 $0x9  }
0x17e: {  	_ =	swait.ge @!p0 [sflag:s0], s1  }
0x17f: {  	s1 =	ssub.s32 @!p0 $0x0, s1;
	[sflag:s0] =	ssyncset.done @!p0 $0x0  }
0x180: {  	[sflag:s0] =	ssyncadd.s32 @!p0 s1  }
0x181: {  	[bflag:$0x3] =	sbarrier.arrive $0xFFFF  }
0x182: {  	_ =	shalt  }

</sc_bundles>
